<compile_context>
chip_gen: v7x
topology: tpu7x:2x2x1
jax: 0.10.2.dev20260603
libtpu: 0.0.44.dev20260713+nightly
codegen_flags: <defaults>
</compile_context>

<pallas_src>
import functools

import jax
import jax.numpy as jnp
from jax import lax
from jax.experimental import pallas as pl
from jax.experimental.pallas import tpu as pltpu
from jax.experimental.pallas import tpu_sc as plsc

N, C, D, H, W = 2, 1, 128, 128, 128
P = D * H * W
NP = N * P
HW = H * W
NW = 32
PER_TILE = NP // NW
K = 2048
NCH = PER_TILE // K
NPLANES = N * D
TPT = NPLANES // NW

_CPARAMS = pltpu.CompilerParams(
    needs_layout_passes=False, use_tc_tiling_on_sc=False)


def _tc_coords(flw5, grd5):

    def body(f_ref, g_ref, fr_ref, b_ref):
        n = pl.program_id(0)
        s = f_ref[0, 0] + g_ref[0, 0]
        t = (s + 1.0) * 0.5 * 127.0
        t = jnp.clip(t, 0.0, 127.0)
        ti = t.astype(jnp.int32)
        fr_ref[0, 0] = t - ti.astype(jnp.float32)
        b_ref[0, 0] = (ti[0] + (ti[1] << 7) + (ti[2] << 14)) + n * P

    blk5 = pl.BlockSpec((1, 1, 3, H, W), lambda n, z: (n, z, 0, 0, 0))
    blk4 = pl.BlockSpec((1, 1, H, W), lambda n, z: (n, z, 0, 0))
    return pl.pallas_call(
        body,
        grid=(N, D),
        in_specs=[blk5, blk5],
        out_specs=[blk5, blk4],
        out_shape=[
            jax.ShapeDtypeStruct((N, D, 3, H, W), jnp.float32),
            jax.ShapeDtypeStruct((N, D, H, W), jnp.int32),
        ],
    )(flw5, grd5)


def _sc_build(img):
    mesh = plsc.VectorSubcoreMesh(core_axis_name="c", subcore_axis_name="s")

    @functools.partial(
        pl.kernel,
        out_type=jax.ShapeDtypeStruct((NP, 8), jnp.float32),
        mesh=mesh,
        compiler_params=_CPARAMS,
        scratch_types=[
            pltpu.VMEM((2, 2, HW), jnp.float32),
            pltpu.VMEM((2, 2048, 8), jnp.float32),
            pltpu.SemaphoreType.DMA,
            pltpu.SemaphoreType.DMA,
        ],
    )
    def build(img_h, tab_h, pbuf, obuf, psem, osem):
        wid = lax.axis_index("s") * 2 + lax.axis_index("c")
        lane = lax.iota(jnp.int32, 16)
        cv0 = lane * 0

        def plane_copies(t, slot):
            q = wid * TPT + t
            zoff = pl.multiple_of(q * HW, HW)
            z = q & (D - 1)
            zp_off = pl.multiple_of(
                jnp.where(z == D - 1, zoff, zoff + HW), HW)
            yield (img_h.at[pl.ds(zoff, HW)], pbuf.at[slot, 0])
            yield (img_h.at[pl.ds(zp_off, HW)], pbuf.at[slot, 1])

        for s, d in plane_copies(0, 0):
            pltpu.async_copy(s, d, psem)

        @pl.loop(0, TPT)
        def _task(t):
            q = wid * TPT + t
            slot = t & 1

            @pl.when(t + 1 < TPT)
            def _():
                for s, d in plane_copies(t + 1, 1 - (t & 1)):
                    pltpu.async_copy(s, d, psem)

            for s, d in plane_copies(t, slot):
                pltpu.make_async_copy(s, d, psem).wait()
            pbuf0 = pbuf.at[slot, 0]
            pbuf1 = pbuf.at[slot, 1]

            @pl.loop(0, 8)
            def _ychunk(yc):
                buf = yc & 1
                dst = pl.multiple_of(q * HW + yc * 2048, 2048)

                @pl.when(yc >= 2)
                def _():
                    pltpu.make_async_copy(
                        obuf.at[buf], tab_h.at[pl.ds(dst, 2048)],
                        osem).wait()

                @pl.loop(0, 16)
                def _line(l):
                    y = yc * 16 + l
                    ro0 = y * W
                    ro1 = jnp.minimum(y + 1, H - 1) * W
                    ob = obuf.at[buf]

                    @pl.loop(0, 8, unroll=2)
                    def _xg(xg):
                        xo = xg * 16
                        xe = xo + lane
                        xc = jnp.minimum(xe + 1, W - 1)
                        c = 0
                        for pb in (pbuf0, pbuf1):
                            for ro in (ro0, ro1):
                                ve = pb[pl.ds(pl.multiple_of(ro + xo, 16),
                                              16)]
                                vo = plsc.load_gather(pb, [ro + xc])
                                pt = l * W + xe
                                plsc.store_scatter(ob, [pt, cv0 + c], ve)
                                plsc.store_scatter(ob, [pt, cv0 + c + 1], vo)
                                c += 2

                pltpu.async_copy(obuf.at[buf],
                                 tab_h.at[pl.ds(dst, 2048)], osem)

            @pl.loop(0, 2)
            def _tail(i):
                pltpu.make_async_copy(
                    obuf.at[i], tab_h.at[pl.ds(0, 2048)],
                    osem).wait()

    return build(img)


def _sc_warp(tab, base, frac):
    mesh = plsc.VectorSubcoreMesh(core_axis_name="c", subcore_axis_name="s")

    @functools.partial(
        pl.kernel,
        out_type=jax.ShapeDtypeStruct((NP,), jnp.float32),
        mesh=mesh,
        compiler_params=_CPARAMS,
        scratch_types=[
            pltpu.VMEM((4, 3 * K), jnp.float32),
            pltpu.VMEM((4, K), jnp.int32),
            pltpu.VMEM((4, K, 8), jnp.float32),
            pltpu.VMEM((4, K), jnp.float32),
            pltpu.SemaphoreType.DMA,
            pltpu.SemaphoreType.DMA,
            pltpu.SemaphoreType.DMA,
        ],
    )
    def warp(tab_h, base_h, frac_h, out_h, frbuf, idxbuf, vbuf, outbuf,
             isem, gsem, osem):
        wid = lax.axis_index("s") * 2 + lax.axis_index("c")
        lane = lax.iota(jnp.int32, 16)
        cvecs = [lane * 0 + c for c in range(8)]

        def in_copies(ch, slot):
            p0 = pl.multiple_of(wid * PER_TILE + ch * K, K)
            nz = p0 // HW
            yo = p0 - nz * HW
            yield (base_h.at[pl.ds(p0, K)], idxbuf.at[slot])
            for c in range(3):
                src = pl.multiple_of((nz * 3 + c) * HW + yo, K)
                yield (frac_h.at[pl.ds(src, K)],
                       frbuf.at[slot, pl.ds(c * K, K)])

        def fire_in(ch, slot):
            for s, d in in_copies(ch, slot):
                pltpu.async_copy(s, d, isem)

        def wait_in(ch, slot):
            for s, d in in_copies(ch, slot):
                pltpu.make_async_copy(s, d, isem).wait()

        def gather_copies(slot):
            yield (tab_h.at[idxbuf.at[slot]], vbuf.at[slot])

        def blend(ch, slot):
            @pl.loop(0, K // 16, unroll=4)
            def _acc(j):
                o = pl.multiple_of(j * 16, 16)
                wx = frbuf[slot, pl.ds(0 * K + o, 16)]
                wy = frbuf[slot, pl.ds(1 * K + o, 16)]
                wz = frbuf[slot, pl.ds(2 * K + o, 16)]
                ux = 1.0 - wx
                uy = 1.0 - wy
                uz = 1.0 - wz
                rows = o + lane
                vb = vbuf.at[slot]
                v = [plsc.load_gather(vb, [rows, cvecs[c]])
                     for c in range(8)]
                m0 = v[0] * ux + v[1] * wx
                m1 = v[2] * ux + v[3] * wx
                m2 = v[4] * ux + v[5] * wx
                m3 = v[6] * ux + v[7] * wx
                acc = (m0 * uy + m1 * wy) * uz + (m2 * uy + m3 * wy) * wz
                outbuf[slot, pl.ds(o, 16)] = acc

        def out_copy(ch, slot):
            p0 = pl.multiple_of(wid * PER_TILE + ch * K, K)
            return (outbuf.at[slot], out_h.at[pl.ds(p0, K)])

        fire_in(0, 0)

        @pl.loop(0, NCH)
        def _chunk(ch):
            slot = ch & 3

            wait_in(ch, slot)
            for s, d in gather_copies(slot):
                pltpu.async_copy(s, d, gsem)

            @pl.when(ch + 1 < NCH)
            def _():
                fire_in(ch + 1, (ch + 1) & 3)

            @pl.when(ch >= 2)
            def _():
                bslot = (ch - 2) & 3
                for s, d in gather_copies(bslot):
                    pltpu.make_async_copy(s, d, gsem).wait()

                @pl.when(ch >= 6)
                def _():
                    s, d = out_copy(ch - 6, (ch - 6) & 3)
                    pltpu.make_async_copy(s, d, osem).wait()

                blend(ch - 2, bslot)
                s, d = out_copy(ch - 2, bslot)
                pltpu.async_copy(s, d, osem)

        for tail in (NCH - 2, NCH - 1):
            tslot = tail & 3
            for s, d in gather_copies(tslot):
                pltpu.make_async_copy(s, d, gsem).wait()
            s, d = out_copy(tail - 4, (tail - 4) & 3)
            pltpu.make_async_copy(s, d, osem).wait()
            blend(tail, tslot)
            s, d = out_copy(tail, tslot)
            pltpu.async_copy(s, d, osem)
        for tail in (NCH - 4, NCH - 3, NCH - 2, NCH - 1):
            s, d = out_copy(tail, tail & 3)
            pltpu.make_async_copy(s, d, osem).wait()

    return warp(tab, base, frac)


def kernel(input_image, flow, grid):
    assert input_image.shape == (N, C, D, H, W)
    ft5 = flow.transpose(0, 1, 4, 2, 3)
    gt5 = grid.transpose(0, 1, 4, 2, 3)
    frac, base = _tc_coords(ft5, gt5)
    tab = _sc_build(input_image.reshape(-1))
    out = _sc_warp(tab, base.reshape(-1), frac.reshape(-1))
    return out.reshape(input_image.shape)

# --- scband reference (transcript-rebuilt; emitter-appended) ---
"""Pipeline reference for scband-adaptive-spatial-transformer-46617575031165 (READ-ONLY COPY).

The authoritative reference and input builder live on the scoring server;
editing this copy changes nothing except your own understanding.
"""

import jax, jax.numpy as jnp
import numpy as np


def grid_sample_3d(img, grid):
    # img: (N, C, D, H, W); grid: (N, D, H, W, 3) with last dim (x, y, z) in [-1, 1]
    # bilinear (trilinear), align_corners=True, padding_mode='border'
    N, C, D, H, W = img.shape
    x = (grid[..., 0] + 1.0) * 0.5 * (W - 1)
    y = (grid[..., 1] + 1.0) * 0.5 * (H - 1)
    z = (grid[..., 2] + 1.0) * 0.5 * (D - 1)
    # border padding: clamp continuous coords into valid range
    x = jnp.clip(x, 0.0, float(W - 1))
    y = jnp.clip(y, 0.0, float(H - 1))
    z = jnp.clip(z, 0.0, float(D - 1))
    x0f = jnp.floor(x)
    y0f = jnp.floor(y)
    z0f = jnp.floor(z)
    x0 = jnp.clip(x0f.astype(jnp.int32), 0, W - 1)
    x1 = jnp.clip(x0 + 1, 0, W - 1)
    y0 = jnp.clip(y0f.astype(jnp.int32), 0, H - 1)
    y1 = jnp.clip(y0 + 1, 0, H - 1)
    z0 = jnp.clip(z0f.astype(jnp.int32), 0, D - 1)
    z1 = jnp.clip(z0 + 1, 0, D - 1)
    wx = x - x0f
    wy = y - y0f
    wz = z - z0f

    def gather_one(im, zi, yi, xi):
        # im: (C, D, H, W); zi/yi/xi: (D, H, W) int -> (C, D, H, W)
        return im[:, zi, yi, xi]

    gather = jax.vmap(gather_one)

    out = jnp.zeros((N, C, D, H, W), dtype=img.dtype)
    for zi, wz_ in ((z0, 1.0 - wz), (z1, wz)):
        for yi, wy_ in ((y0, 1.0 - wy), (y1, wy)):
            for xi, wx_ in ((x0, 1.0 - wx), (x1, wx)):
                v = gather(img, zi, yi, xi)  # (N, C, D, H, W)
                w = (wz_ * wy_ * wx_)[:, None]  # (N, 1, D, H, W)
                out = out + v * w
    return out


def setup_inputs(seed: int = 0) -> dict:
    key = jax.random.key(seed)
    k1, k2, k3 = jax.random.split(key, 3)
    N, C, D, H, W = 2, 1, 128, 128, 128
    input_image = jax.random.normal(k1, (N, C, D, H, W), dtype=jnp.float32)
    flow = jax.random.normal(k2, (N, D, H, W, 3), dtype=jnp.float32)
    grid = jax.random.uniform(k3, (N, D, H, W, 3), dtype=jnp.float32)
    return {"input_image": input_image, "flow": flow, "grid": grid}


def reference(input_image, flow, grid):
    new_grid = grid + flow
    # batch sizes match (both N=2), so the broadcast-fixup branch in the
    # original torch module is a no-op here.
    warped = grid_sample_3d(input_image, new_grid)
    return warped

if __name__ == "__main__":
    import jax
    _d = setup_inputs()
    print(jax.jit(kernel)(*tuple(_d.values())))

</pallas_src>

<mosaic_0001>
#map = affine_map<(d0, d1) -> (0)>
#map1 = affine_map<(d0, d1) -> (0, 0)>
module attributes {stable_mosaic.version = 14 : i64} {
  func.func @build(%arg0: i32, %arg1: i32, %arg2: memref<4194304xf32, #tpu.memory_space<hbm>>, %arg3: memref<4194304x8xf32, #tpu.memory_space<hbm>>, %arg4: memref<2x2x16384xf32, #tpu.memory_space<vmem>>, %arg5: memref<2x2048x8xf32, #tpu.memory_space<vmem>>, %arg6: memref<!tpu.dma_semaphore, #tpu.memory_space<semaphore_mem>>, %arg7: memref<!tpu.dma_semaphore, #tpu.memory_space<semaphore_mem>>) attributes {dimension_semantics = [#tpu.dimension_semantics<core_parallel>, #tpu.dimension_semantics<subcore_parallel>], iteration_bounds = array<i64: 2, 16>, scalar_prefetch = 0 : i64, scratch_operands = 4 : i64, tpu.core_type = #tpu.core_type<sc_vector_subcore>, window_params = [{transform_indices = #map}, {transform_indices = #map1}]} {
    %mul3A = arith.constant 2 : i32
    %mul3A_0 = arith.muli %arg1, %mul3A : i32
    %add3A = arith.addi %mul3A_0, %arg0 : i32
    %iota3A = tpu.iota {dimensions = array<i32: 0>} : vector<16xi32>
    %mul3A_1 = arith.constant 0 : i32
    %mul3A_2 = vector.broadcast %mul3A_1 : i32 to vector<16xi32>
    %mul3A_3 = arith.muli %iota3A, %mul3A_2 : vector<16xi32>
    %mul3A_4 = arith.constant 8 : i32
    %mul3A_5 = arith.muli %add3A, %mul3A_4 : i32
    %add3A_6 = arith.constant 0 : i32
    %add3A_7 = arith.addi %mul3A_5, %add3A_6 : i32
    %mul3A_8 = arith.constant 16384 : i32
    %mul3A_9 = arith.muli %add3A_7, %mul3A_8 : i32
    %multiple_of3A = tpu.assume_multiple %mul3A_9, 16384 : i32
    %and3A = arith.constant 127 : i32
    %and3A_10 = arith.andi %add3A_7, %and3A : i32
    %eq3A = arith.constant 127 : i32
    %eq3A_11 = arith.cmpi eq, %and3A_10, %eq3A : i32
    %add3A_12 = arith.constant 16384 : i32
    %add3A_13 = arith.addi %multiple_of3A, %add3A_12 : i32
    %select_n3A = arith.select %eq3A_11, %multiple_of3A, %add3A_13 : i32
    %multiple_of3A_14 = tpu.assume_multiple %select_n3A, 16384 : i32
    %dma_start3A = arith.constant 0 : i32
    %dma_start3A_15 = arith.constant 0 : i32
    %dma_start3A_16 = arith.constant 0 : i32
    %dma_start3A_17 = tpu.memref_slice %arg4[%dma_start3A, %dma_start3A_15, %dma_start3A_16] : memref<2x2x16384xf32, #tpu.memory_space<vmem>> -> memref<1x1x16384xf32, #tpu.memory_space<vmem>>
    %dma_start3A_18 = tpu.memref_squeeze %dma_start3A_17 : memref<1x1x16384xf32, #tpu.memory_space<vmem>> -> memref<16384xf32, #tpu.memory_space<vmem>>
    %dma_start3A_19 = tpu.memref_slice %arg2[%multiple_of3A] : memref<4194304xf32, #tpu.memory_space<hbm>> -> memref<16384xf32, #tpu.memory_space<hbm>>
    %dma_start3A_20 = arith.constant 0 : i32
    %dma_start3A_21 = tpu.memref_slice %arg4[%dma_start3A, %dma_start3A_15, %dma_start3A_20] : memref<2x2x16384xf32, #tpu.memory_space<vmem>> -> memref<1x1x16384xf32, #tpu.memory_space<vmem>>
    %dma_start3A_22 = tpu.memref_squeeze %dma_start3A_21 : memref<1x1x16384xf32, #tpu.memory_space<vmem>> -> memref<16384xf32, #tpu.memory_space<vmem>>
    %dma_start3A_23 = tpu.memref_slice %arg2[%multiple_of3A] : memref<4194304xf32, #tpu.memory_space<hbm>> -> memref<16384xf32, #tpu.memory_space<hbm>>
    tpu.enqueue_dma source(%dma_start3A_23 : memref<16384xf32, #tpu.memory_space<hbm>>) target(%dma_start3A_22 : memref<16384xf32, #tpu.memory_space<vmem>>) target_semaphore(%arg6 : memref<!tpu.dma_semaphore, #tpu.memory_space<semaphore_mem>>)
    %dma_start3A_24 = arith.constant 0 : i32
    %dma_start3A_25 = arith.constant 1 : i32
    %dma_start3A_26 = arith.constant 0 : i32
    %dma_start3A_27 = tpu.memref_slice %arg4[%dma_start3A_24, %dma_start3A_25, %dma_start3A_26] : memref<2x2x16384xf32, #tpu.memory_space<vmem>> -> memref<1x1x16384xf32, #tpu.memory_space<vmem>>
    %dma_start3A_28 = tpu.memref_squeeze %dma_start3A_27 : memref<1x1x16384xf32, #tpu.memory_space<vmem>> -> memref<16384xf32, #tpu.memory_space<vmem>>
    %dma_start3A_29 = tpu.memref_slice %arg2[%multiple_of3A_14] : memref<4194304xf32, #tpu.memory_space<hbm>> -> memref<16384xf32, #tpu.memory_space<hbm>>
    %dma_start3A_30 = arith.constant 0 : i32
    %dma_start3A_31 = tpu.memref_slice %arg4[%dma_start3A_24, %dma_start3A_25, %dma_start3A_30] : memref<2x2x16384xf32, #tpu.memory_space<vmem>> -> memref<1x1x16384xf32, #tpu.memory_space<vmem>>
    %dma_start3A_32 = tpu.memref_squeeze %dma_start3A_31 : memref<1x1x16384xf32, #tpu.memory_space<vmem>> -> memref<16384xf32, #tpu.memory_space<vmem>>
    %dma_start3A_33 = tpu.memref_slice %arg2[%multiple_of3A_14] : memref<4194304xf32, #tpu.memory_space<hbm>> -> memref<16384xf32, #tpu.memory_space<hbm>>
    tpu.enqueue_dma source(%dma_start3A_33 : memref<16384xf32, #tpu.memory_space<hbm>>) target(%dma_start3A_32 : memref<16384xf32, #tpu.memory_space<vmem>>) target_semaphore(%arg6 : memref<!tpu.dma_semaphore, #tpu.memory_space<semaphore_mem>>)
    %scan3A = arith.constant 0 : i32
    %scan3A_34 = arith.constant 8 : i32
    %scan3A_35 = arith.addi %scan3A, %scan3A_34 : i32
    %scan3A_36 = arith.constant 1 : i32
    scf.for %scan3A_38 = %scan3A to %scan3A_35 step %scan3A_36  : i32 {
      %mul3A_39 = arith.constant 1 : i32
      %mul3A_40 = arith.muli %scan3A_38, %mul3A_39 : i32
      %add3A_41 = arith.constant 0 : i32
      %add3A_42 = arith.addi %add3A_41, %mul3A_40 : i32
      %mul3A_43 = arith.constant 8 : i32
      %mul3A_44 = arith.muli %add3A, %mul3A_43 : i32
      %add3A_45 = arith.addi %mul3A_44, %add3A_42 : i32
      %and3A_46 = arith.constant 1 : i32
      %and3A_47 = arith.andi %add3A_42, %and3A_46 : i32
      %add3A_48 = arith.constant 1 : i32
      %add3A_49 = arith.addi %add3A_42, %add3A_48 : i32
      %lt3A = arith.constant 8 : i32
      %lt3A_50 = arith.cmpi slt, %add3A_49, %lt3A : i32
      %convert_element_type3A = arith.extui %lt3A_50 : i1 to i32
      %cond3A = arith.constant 0 : i32
      %cond3A_51 = arith.cmpi ne, %convert_element_type3A, %cond3A : i32
      scf.if %cond3A_51 {
        %add3A_95 = arith.constant 1 : i32
        %add3A_96 = arith.addi %add3A_42, %add3A_95 : i32
        %and3A_97 = arith.constant 1 : i32
        %and3A_98 = arith.andi %add3A_42, %and3A_97 : i32
        %sub3A = arith.constant 1 : i32
        %sub3A_99 = arith.subi %sub3A, %and3A_98 : i32
        %mul3A_100 = arith.constant 8 : i32
        %mul3A_101 = arith.muli %add3A, %mul3A_100 : i32
        %add3A_102 = arith.addi %mul3A_101, %add3A_96 : i32
        %mul3A_103 = arith.constant 16384 : i32
        %mul3A_104 = arith.muli %add3A_102, %mul3A_103 : i32
        %multiple_of3A_105 = tpu.assume_multiple %mul3A_104, 16384 : i32
        %and3A_106 = arith.constant 127 : i32
        %and3A_107 = arith.andi %add3A_102, %and3A_106 : i32
        %eq3A_108 = arith.constant 127 : i32
        %eq3A_109 = arith.cmpi eq, %and3A_107, %eq3A_108 : i32
        %add3A_110 = arith.constant 16384 : i32
        %add3A_111 = arith.addi %multiple_of3A_105, %add3A_110 : i32
        %select_n3A_112 = arith.select %eq3A_109, %multiple_of3A_105, %add3A_111 : i32
        %multiple_of3A_113 = tpu.assume_multiple %select_n3A_112, 16384 : i32
        %dma_start3A_114 = arith.constant 0 : i32
        %dma_start3A_115 = arith.constant 0 : i32
        %dma_start3A_116 = tpu.memref_slice %arg4[%sub3A_99, %dma_start3A_114, %dma_start3A_115] : memref<2x2x16384xf32, #tpu.memory_space<vmem>> -> memref<1x1x16384xf32, #tpu.memory_space<vmem>>
        %dma_start3A_117 = tpu.memref_squeeze %dma_start3A_116 : memref<1x1x16384xf32, #tpu.memory_space<vmem>> -> memref<16384xf32, #tpu.memory_space<vmem>>
        %dma_start3A_118 = tpu.memref_slice %arg2[%multiple_of3A_105] : memref<4194304xf32, #tpu.memory_space<hbm>> -> memref<16384xf32, #tpu.memory_space<hbm>>
        %dma_start3A_119 = arith.constant 0 : i32
        %dma_start3A_120 = tpu.memref_slice %arg4[%sub3A_99, %dma_start3A_114, %dma_start3A_119] : memref<2x2x16384xf32, #tpu.memory_space<vmem>> -> memref<1x1x16384xf32, #tpu.memory_space<vmem>>
        %dma_start3A_121 = tpu.memref_squeeze %dma_start3A_120 : memref<1x1x16384xf32, #tpu.memory_space<vmem>> -> memref<16384xf32, #tpu.memory_space<vmem>>
        %dma_start3A_122 = tpu.memref_slice %arg2[%multiple_of3A_105] : memref<4194304xf32, #tpu.memory_space<hbm>> -> memref<16384xf32, #tpu.memory_space<hbm>>
        tpu.enqueue_dma source(%dma_start3A_122 : memref<16384xf32, #tpu.memory_space<hbm>>) target(%dma_start3A_121 : memref<16384xf32, #tpu.memory_space<vmem>>) target_semaphore(%arg6 : memref<!tpu.dma_semaphore, #tpu.memory_space<semaphore_mem>>)
        %dma_start3A_123 = arith.constant 1 : i32
        %dma_start3A_124 = arith.constant 0 : i32
        %dma_start3A_125 = tpu.memref_slice %arg4[%sub3A_99, %dma_start3A_123, %dma_start3A_124] : memref<2x2x16384xf32, #tpu.memory_space<vmem>> -> memref<1x1x16384xf32, #tpu.memory_space<vmem>>
        %dma_start3A_126 = tpu.memref_squeeze %dma_start3A_125 : memref<1x1x16384xf32, #tpu.memory_space<vmem>> -> memref<16384xf32, #tpu.memory_space<vmem>>
        %dma_start3A_127 = tpu.memref_slice %arg2[%multiple_of3A_113] : memref<4194304xf32, #tpu.memory_space<hbm>> -> memref<16384xf32, #tpu.memory_space<hbm>>
        %dma_start3A_128 = arith.constant 0 : i32
        %dma_start3A_129 = tpu.memref_slice %arg4[%sub3A_99, %dma_start3A_123, %dma_start3A_128] : memref<2x2x16384xf32, #tpu.memory_space<vmem>> -> memref<1x1x16384xf32, #tpu.memory_space<vmem>>
        %dma_start3A_130 = tpu.memref_squeeze %dma_start3A_129 : memref<1x1x16384xf32, #tpu.memory_space<vmem>> -> memref<16384xf32, #tpu.memory_space<vmem>>
        %dma_start3A_131 = tpu.memref_slice %arg2[%multiple_of3A_113] : memref<4194304xf32, #tpu.memory_space<hbm>> -> memref<16384xf32, #tpu.memory_space<hbm>>
        tpu.enqueue_dma source(%dma_start3A_131 : memref<16384xf32, #tpu.memory_space<hbm>>) target(%dma_start3A_130 : memref<16384xf32, #tpu.memory_space<vmem>>) target_semaphore(%arg6 : memref<!tpu.dma_semaphore, #tpu.memory_space<semaphore_mem>>)
      } else {
      }
      %mul3A_52 = arith.constant 8 : i32
      %mul3A_53 = arith.muli %add3A, %mul3A_52 : i32
      %add3A_54 = arith.addi %mul3A_53, %add3A_42 : i32
      %mul3A_55 = arith.constant 16384 : i32
      %mul3A_56 = arith.muli %add3A_54, %mul3A_55 : i32
      %multiple_of3A_57 = tpu.assume_multiple %mul3A_56, 16384 : i32
      %and3A_58 = arith.constant 127 : i32
      %and3A_59 = arith.andi %add3A_54, %and3A_58 : i32
      %eq3A_60 = arith.constant 127 : i32
      %eq3A_61 = arith.cmpi eq, %and3A_59, %eq3A_60 : i32
      %add3A_62 = arith.constant 16384 : i32
      %add3A_63 = arith.addi %multiple_of3A_57, %add3A_62 : i32
      %select_n3A_64 = arith.select %eq3A_61, %multiple_of3A_57, %add3A_63 : i32
      %multiple_of3A_65 = tpu.assume_multiple %select_n3A_64, 16384 : i32
      %dma_wait3A = arith.constant 0 : i32
      %dma_wait3A_66 = arith.constant 0 : i32
      %dma_wait3A_67 = tpu.memref_slice %arg4[%and3A_47, %dma_wait3A, %dma_wait3A_66] : memref<2x2x16384xf32, #tpu.memory_space<vmem>> -> memref<1x1x16384xf32, #tpu.memory_space<vmem>>
      %dma_wait3A_68 = tpu.memref_squeeze %dma_wait3A_67 : memref<1x1x16384xf32, #tpu.memory_space<vmem>> -> memref<16384xf32, #tpu.memory_space<vmem>>
      %dma_wait3A_69 = tpu.memref_slice %arg2[%multiple_of3A_57] : memref<4194304xf32, #tpu.memory_space<hbm>> -> memref<16384xf32, #tpu.memory_space<hbm>>
      %dma_wait3A_70 = arith.constant 0 : i32
      %dma_wait3A_71 = tpu.memref_slice %arg4[%and3A_47, %dma_wait3A, %dma_wait3A_70] : memref<2x2x16384xf32, #tpu.memory_space<vmem>> -> memref<1x1x16384xf32, #tpu.memory_space<vmem>>
      %dma_wait3A_72 = tpu.memref_squeeze %dma_wait3A_71 : memref<1x1x16384xf32, #tpu.memory_space<vmem>> -> memref<16384xf32, #tpu.memory_space<vmem>>
      %dma_wait3A_73 = tpu.memref_slice %arg2[%multiple_of3A_57] : memref<4194304xf32, #tpu.memory_space<hbm>> -> memref<16384xf32, #tpu.memory_space<hbm>>
      tpu.wait_dma2 semaphore(%arg6 : memref<!tpu.dma_semaphore, #tpu.memory_space<semaphore_mem>>) src(%dma_wait3A_73 : memref<16384xf32, #tpu.memory_space<hbm>>) dst(%dma_wait3A_72 : memref<16384xf32, #tpu.memory_space<vmem>>)
      %dma_wait3A_74 = arith.constant 1 : i32
      %dma_wait3A_75 = arith.constant 0 : i32
      %dma_wait3A_76 = tpu.memref_slice %arg4[%and3A_47, %dma_wait3A_74, %dma_wait3A_75] : memref<2x2x16384xf32, #tpu.memory_space<vmem>> -> memref<1x1x16384xf32, #tpu.memory_space<vmem>>
      %dma_wait3A_77 = tpu.memref_squeeze %dma_wait3A_76 : memref<1x1x16384xf32, #tpu.memory_space<vmem>> -> memref<16384xf32, #tpu.memory_space<vmem>>
      %dma_wait3A_78 = tpu.memref_slice %arg2[%multiple_of3A_65] : memref<4194304xf32, #tpu.memory_space<hbm>> -> memref<16384xf32, #tpu.memory_space<hbm>>
      %dma_wait3A_79 = arith.constant 0 : i32
      %dma_wait3A_80 = tpu.memref_slice %arg4[%and3A_47, %dma_wait3A_74, %dma_wait3A_79] : memref<2x2x16384xf32, #tpu.memory_space<vmem>> -> memref<1x1x16384xf32, #tpu.memory_space<vmem>>
      %dma_wait3A_81 = tpu.memref_squeeze %dma_wait3A_80 : memref<1x1x16384xf32, #tpu.memory_space<vmem>> -> memref<16384xf32, #tpu.memory_space<vmem>>
      %dma_wait3A_82 = tpu.memref_slice %arg2[%multiple_of3A_65] : memref<4194304xf32, #tpu.memory_space<hbm>> -> memref<16384xf32, #tpu.memory_space<hbm>>
      tpu.wait_dma2 semaphore(%arg6 : memref<!tpu.dma_semaphore, #tpu.memory_space<semaphore_mem>>) src(%dma_wait3A_82 : memref<16384xf32, #tpu.memory_space<hbm>>) dst(%dma_wait3A_81 : memref<16384xf32, #tpu.memory_space<vmem>>)
      %scan3A_83 = arith.constant 0 : i32
      %scan3A_84 = arith.constant 1 : i32
      %scan3A_85 = arith.constant 0 : i32
      %scan3A_86 = arith.constant 8 : i32
      %scan3A_87 = arith.addi %scan3A_85, %scan3A_86 : i32
      %scan3A_88 = arith.constant 1 : i32
      scf.for %scan3A_95 = %scan3A_85 to %scan3A_87 step %scan3A_88  : i32 {
        %mul3A_96 = arith.constant 1 : i32
        %mul3A_97 = arith.muli %scan3A_95, %mul3A_96 : i32
        %add3A_98 = arith.constant 0 : i32
        %add3A_99 = arith.addi %add3A_98, %mul3A_97 : i32
        %and3A_100 = arith.constant 1 : i32
        %and3A_101 = arith.andi %add3A_99, %and3A_100 : i32
        %mul3A_102 = arith.constant 16384 : i32
        %mul3A_103 = arith.muli %add3A_45, %mul3A_102 : i32
        %mul3A_104 = arith.constant 2048 : i32
        %mul3A_105 = arith.muli %add3A_99, %mul3A_104 : i32
        %add3A_106 = arith.addi %mul3A_103, %mul3A_105 : i32
        %multiple_of3A_107 = tpu.assume_multiple %add3A_106, 2048 : i32
        %ge3A = arith.constant 2 : i32
        %ge3A_108 = arith.cmpi sge, %add3A_99, %ge3A : i32
        %convert_element_type3A_109 = arith.extui %ge3A_108 : i1 to i32
        %cond3A_110 = arith.constant 0 : i32
        %cond3A_111 = arith.cmpi ne, %convert_element_type3A_109, %cond3A_110 : i32
        scf.if %cond3A_111 {
          %dma_wait3A_129 = arith.constant 0 : i32
          %dma_wait3A_130 = arith.constant 0 : i32
          %dma_wait3A_131 = tpu.memref_slice %arg5[%and3A_101, %dma_wait3A_129, %dma_wait3A_130] : memref<2x2048x8xf32, #tpu.memory_space<vmem>> -> memref<1x2048x8xf32, #tpu.memory_space<vmem>>
          %dma_wait3A_132 = tpu.memref_squeeze %dma_wait3A_131 : memref<1x2048x8xf32, #tpu.memory_space<vmem>> -> memref<2048x8xf32, #tpu.memory_space<vmem>>
          %dma_wait3A_133 = arith.constant 0 : i32
          %dma_wait3A_134 = tpu.memref_slice %arg3[%multiple_of3A_107, %dma_wait3A_133] : memref<4194304x8xf32, #tpu.memory_space<hbm>> -> memref<2048x8xf32, #tpu.memory_space<hbm>>
          %dma_wait3A_135 = arith.constant 0 : i32
          %dma_wait3A_136 = tpu.memref_slice %arg3[%multiple_of3A_107, %dma_wait3A_135] : memref<4194304x8xf32, #tpu.memory_space<hbm>> -> memref<2048x8xf32, #tpu.memory_space<hbm>>
          %dma_wait3A_137 = arith.constant 0 : i32
          %dma_wait3A_138 = arith.constant 0 : i32
          %dma_wait3A_139 = tpu.memref_slice %arg5[%and3A_101, %dma_wait3A_137, %dma_wait3A_138] : memref<2x2048x8xf32, #tpu.memory_space<vmem>> -> memref<1x2048x8xf32, #tpu.memory_space<vmem>>
          %dma_wait3A_140 = tpu.memref_squeeze %dma_wait3A_139 : memref<1x2048x8xf32, #tpu.memory_space<vmem>> -> memref<2048x8xf32, #tpu.memory_space<vmem>>
          tpu.wait_dma2 semaphore(%arg7 : memref<!tpu.dma_semaphore, #tpu.memory_space<semaphore_mem>>) src(%dma_wait3A_140 : memref<2048x8xf32, #tpu.memory_space<vmem>>) dst(%dma_wait3A_136 : memref<2048x8xf32, #tpu.memory_space<hbm>>)
        } else {
        }
        %scan3A_112 = arith.constant 0 : i32
        %scan3A_113 = arith.constant 16 : i32
        %scan3A_114 = arith.addi %scan3A_112, %scan3A_113 : i32
        %scan3A_115 = arith.constant 1 : i32
        scf.for %scan3A_129 = %scan3A_112 to %scan3A_114 step %scan3A_115  : i32 {
          %mul3A_130 = arith.constant 1 : i32
          %mul3A_131 = arith.muli %scan3A_129, %mul3A_130 : i32
          %add3A_132 = arith.constant 0 : i32
          %add3A_133 = arith.addi %add3A_132, %mul3A_131 : i32
          %mul3A_134 = arith.constant 16 : i32
          %mul3A_135 = arith.muli %add3A_99, %mul3A_134 : i32
          %add3A_136 = arith.addi %mul3A_135, %add3A_133 : i32
          %mul3A_137 = arith.constant 128 : i32
          %mul3A_138 = arith.muli %add3A_136, %mul3A_137 : i32
          %add3A_139 = arith.constant 1 : i32
          %add3A_140 = arith.addi %add3A_136, %add3A_139 : i32
          %min3A = arith.constant 127 : i32
          %min3A_141 = arith.minsi %add3A_140, %min3A : i32
          %mul3A_142 = arith.constant 128 : i32
          %mul3A_143 = arith.muli %min3A_141, %mul3A_142 : i32
          %scan3A_144 = arith.constant 0 : i32
          %scan3A_145 = arith.constant 8 : i32
          %scan3A_146 = arith.addi %scan3A_144, %scan3A_145 : i32
          %scan3A_147 = arith.constant 2 : i32
          scf.for %scan3A_149 = %scan3A_144 to %scan3A_146 step %scan3A_147  : i32 {
            %mul3A_150 = arith.constant 1 : i32
            %mul3A_151 = arith.muli %scan3A_149, %mul3A_150 : i32
            %add3A_152 = arith.constant 0 : i32
            %add3A_153 = arith.addi %add3A_152, %mul3A_151 : i32
            %mul3A_154 = arith.constant 16 : i32
            %mul3A_155 = arith.muli %add3A_153, %mul3A_154 : i32
            %add3A_156 = vector.broadcast %mul3A_155 : i32 to vector<16xi32>
            %add3A_157 = arith.addi %add3A_156, %iota3A : vector<16xi32>
            %add3A_158 = arith.constant 1 : i32
            %add3A_159 = vector.broadcast %add3A_158 : i32 to vector<16xi32>
            %add3A_160 = arith.addi %add3A_157, %add3A_159 : vector<16xi32>
            %min3A_161 = arith.constant 127 : i32
            %min3A_162 = vector.broadcast %min3A_161 : i32 to vector<16xi32>
            %min3A_163 = arith.minsi %add3A_160, %min3A_162 : vector<16xi32>
            %add3A_164 = arith.addi %mul3A_138, %mul3A_155 : i32
            %multiple_of3A_165 = tpu.assume_multiple %add3A_164, 16 : i32
            %get3A = arith.constant 0 : i32
            %get3A_166 = tpu.memref_slice %arg4[%and3A_47, %scan3A_83, %get3A] : memref<2x2x16384xf32, #tpu.memory_space<vmem>> -> memref<1x1x16384xf32, #tpu.memory_space<vmem>>
            %get3A_167 = tpu.memref_squeeze %get3A_166 : memref<1x1x16384xf32, #tpu.memory_space<vmem>> -> memref<16384xf32, #tpu.memory_space<vmem>>
            %get3A_168 = arith.index_cast %multiple_of3A_165 : i32 to index
            %get3A_169 = tpu.vector_load %get3A_167[%get3A_168] {strides = array<i32>} : memref<16384xf32, #tpu.memory_space<vmem>>, vector<16xf32>,
            %add3A_170 = vector.broadcast %mul3A_138 : i32 to vector<16xi32>
            %add3A_171 = arith.addi %add3A_170, %min3A_163 : vector<16xi32>
            %gather3A = arith.constant 0 : i32
            %gather3A_172 = tpu.memref_slice %arg4[%and3A_47, %scan3A_83, %gather3A] : memref<2x2x16384xf32, #tpu.memory_space<vmem>> -> memref<1x1x16384xf32, #tpu.memory_space<vmem>>
            %gather3A_173 = tpu.memref_squeeze %gather3A_172 : memref<1x1x16384xf32, #tpu.memory_space<vmem>> -> memref<16384xf32, #tpu.memory_space<vmem>>
            %gather3A_174 = tpu.vector_load_idx %gather3A_173[%add3A_171] : memref<16384xf32, #tpu.memory_space<vmem>>[vector<16xi32>], vector<16xf32>,
            %mul3A_175 = arith.constant 128 : i32
            %mul3A_176 = arith.muli %add3A_133, %mul3A_175 : i32
            %add3A_177 = vector.broadcast %mul3A_176 : i32 to vector<16xi32>
            %add3A_178 = arith.addi %add3A_177, %add3A_157 : vector<16xi32>
            %add3A_179 = arith.constant 0 : i32
            %add3A_180 = vector.broadcast %add3A_179 : i32 to vector<16xi32>
            %add3A_181 = arith.addi %mul3A_3, %add3A_180 : vector<16xi32>
            %scatter3A = arith.constant 0 : i32
            %scatter3A_182 = arith.constant 0 : i32
            %scatter3A_183 = tpu.memref_slice %arg5[%and3A_101, %scatter3A, %scatter3A_182] : memref<2x2048x8xf32, #tpu.memory_space<vmem>> -> memref<1x2048x8xf32, #tpu.memory_space<vmem>>
            %scatter3A_184 = tpu.memref_squeeze %scatter3A_183 : memref<1x2048x8xf32, #tpu.memory_space<vmem>> -> memref<2048x8xf32, #tpu.memory_space<vmem>>
            tpu.vector_store_idx %scatter3A_184[%add3A_178, %add3A_181], %get3A_169 : memref<2048x8xf32, #tpu.memory_space<vmem>>[vector<16xi32>, vector<16xi32>], vector<16xf32>,
            %add3A_185 = arith.constant 0 : i32
            %add3A_186 = vector.broadcast %add3A_185 : i32 to vector<16xi32>
            %add3A_187 = arith.addi %mul3A_3, %add3A_186 : vector<16xi32>
            %add3A_188 = arith.constant 1 : i32
            %add3A_189 = vector.broadcast %add3A_188 : i32 to vector<16xi32>
            %add3A_190 = arith.addi %add3A_187, %add3A_189 : vector<16xi32>
            %scatter3A_191 = arith.constant 0 : i32
            %scatter3A_192 = arith.constant 0 : i32
            %scatter3A_193 = tpu.memref_slice %arg5[%and3A_101, %scatter3A_191, %scatter3A_192] : memref<2x2048x8xf32, #tpu.memory_space<vmem>> -> memref<1x2048x8xf32, #tpu.memory_space<vmem>>
            %scatter3A_194 = tpu.memref_squeeze %scatter3A_193 : memref<1x2048x8xf32, #tpu.memory_space<vmem>> -> memref<2048x8xf32, #tpu.memory_space<vmem>>
            tpu.vector_store_idx %scatter3A_194[%add3A_178, %add3A_190], %gather3A_174 : memref<2048x8xf32, #tpu.memory_space<vmem>>[vector<16xi32>, vector<16xi32>], vector<16xf32>,
            %add3A_195 = arith.addi %mul3A_143, %mul3A_155 : i32
            %multiple_of3A_196 = tpu.assume_multiple %add3A_195, 16 : i32
            %get3A_197 = arith.constant 0 : i32
            %get3A_198 = tpu.memref_slice %arg4[%and3A_47, %scan3A_83, %get3A_197] : memref<2x2x16384xf32, #tpu.memory_space<vmem>> -> memref<1x1x16384xf32, #tpu.memory_space<vmem>>
            %get3A_199 = tpu.memref_squeeze %get3A_198 : memref<1x1x16384xf32, #tpu.memory_space<vmem>> -> memref<16384xf32, #tpu.memory_space<vmem>>
            %get3A_200 = arith.index_cast %multiple_of3A_196 : i32 to index
            %get3A_201 = tpu.vector_load %get3A_199[%get3A_200] {strides = array<i32>} : memref<16384xf32, #tpu.memory_space<vmem>>, vector<16xf32>,
            %add3A_202 = vector.broadcast %mul3A_143 : i32 to vector<16xi32>
            %add3A_203 = arith.addi %add3A_202, %min3A_163 : vector<16xi32>
            %gather3A_204 = arith.constant 0 : i32
            %gather3A_205 = tpu.memref_slice %arg4[%and3A_47, %scan3A_83, %gather3A_204] : memref<2x2x16384xf32, #tpu.memory_space<vmem>> -> memref<1x1x16384xf32, #tpu.memory_space<vmem>>
            %gather3A_206 = tpu.memref_squeeze %gather3A_205 : memref<1x1x16384xf32, #tpu.memory_space<vmem>> -> memref<16384xf32, #tpu.memory_space<vmem>>
            %gather3A_207 = tpu.vector_load_idx %gather3A_206[%add3A_203] : memref<16384xf32, #tpu.memory_space<vmem>>[vector<16xi32>], vector<16xf32>,
            %mul3A_208 = arith.constant 128 : i32
            %mul3A_209 = arith.muli %add3A_133, %mul3A_208 : i32
            %add3A_210 = vector.broadcast %mul3A_209 : i32 to vector<16xi32>
            %add3A_211 = arith.addi %add3A_210, %add3A_157 : vector<16xi32>
            %add3A_212 = arith.constant 2 : i32
            %add3A_213 = vector.broadcast %add3A_212 : i32 to vector<16xi32>
            %add3A_214 = arith.addi %mul3A_3, %add3A_213 : vector<16xi32>
            %scatter3A_215 = arith.constant 0 : i32
            %scatter3A_216 = arith.constant 0 : i32
            %scatter3A_217 = tpu.memref_slice %arg5[%and3A_101, %scatter3A_215, %scatter3A_216] : memref<2x2048x8xf32, #tpu.memory_space<vmem>> -> memref<1x2048x8xf32, #tpu.memory_space<vmem>>
            %scatter3A_218 = tpu.memref_squeeze %scatter3A_217 : memref<1x2048x8xf32, #tpu.memory_space<vmem>> -> memref<2048x8xf32, #tpu.memory_space<vmem>>
            tpu.vector_store_idx %scatter3A_218[%add3A_211, %add3A_214], %get3A_201 : memref<2048x8xf32, #tpu.memory_space<vmem>>[vector<16xi32>, vector<16xi32>], vector<16xf32>,
            %add3A_219 = arith.constant 2 : i32
            %add3A_220 = vector.broadcast %add3A_219 : i32 to vector<16xi32>
            %add3A_221 = arith.addi %mul3A_3, %add3A_220 : vector<16xi32>
            %add3A_222 = arith.constant 1 : i32
            %add3A_223 = vector.broadcast %add3A_222 : i32 to vector<16xi32>
            %add3A_224 = arith.addi %add3A_221, %add3A_223 : vector<16xi32>
            %scatter3A_225 = arith.constant 0 : i32
            %scatter3A_226 = arith.constant 0 : i32
            %scatter3A_227 = tpu.memref_slice %arg5[%and3A_101, %scatter3A_225, %scatter3A_226] : memref<2x2048x8xf32, #tpu.memory_space<vmem>> -> memref<1x2048x8xf32, #tpu.memory_space<vmem>>
            %scatter3A_228 = tpu.memref_squeeze %scatter3A_227 : memref<1x2048x8xf32, #tpu.memory_space<vmem>> -> memref<2048x8xf32, #tpu.memory_space<vmem>>
            tpu.vector_store_idx %scatter3A_228[%add3A_211, %add3A_224], %gather3A_207 : memref<2048x8xf32, #tpu.memory_space<vmem>>[vector<16xi32>, vector<16xi32>], vector<16xf32>,
            %add3A_229 = arith.addi %mul3A_138, %mul3A_155 : i32
            %multiple_of3A_230 = tpu.assume_multiple %add3A_229, 16 : i32
            %get3A_231 = arith.constant 0 : i32
            %get3A_232 = tpu.memref_slice %arg4[%and3A_47, %scan3A_84, %get3A_231] : memref<2x2x16384xf32, #tpu.memory_space<vmem>> -> memref<1x1x16384xf32, #tpu.memory_space<vmem>>
            %get3A_233 = tpu.memref_squeeze %get3A_232 : memref<1x1x16384xf32, #tpu.memory_space<vmem>> -> memref<16384xf32, #tpu.memory_space<vmem>>
            %get3A_234 = arith.index_cast %multiple_of3A_230 : i32 to index
            %get3A_235 = tpu.vector_load %get3A_233[%get3A_234] {strides = array<i32>} : memref<16384xf32, #tpu.memory_space<vmem>>, vector<16xf32>,
            %add3A_236 = vector.broadcast %mul3A_138 : i32 to vector<16xi32>
            %add3A_237 = arith.addi %add3A_236, %min3A_163 : vector<16xi32>
            %gather3A_238 = arith.constant 0 : i32
            %gather3A_239 = tpu.memref_slice %arg4[%and3A_47, %scan3A_84, %gather3A_238] : memref<2x2x16384xf32, #tpu.memory_space<vmem>> -> memref<1x1x16384xf32, #tpu.memory_space<vmem>>
            %gather3A_240 = tpu.memref_squeeze %gather3A_239 : memref<1x1x16384xf32, #tpu.memory_space<vmem>> -> memref<16384xf32, #tpu.memory_space<vmem>>
            %gather3A_241 = tpu.vector_load_idx %gather3A_240[%add3A_237] : memref<16384xf32, #tpu.memory_space<vmem>>[vector<16xi32>], vector<16xf32>,
            %mul3A_242 = arith.constant 128 : i32
            %mul3A_243 = arith.muli %add3A_133, %mul3A_242 : i32
            %add3A_244 = vector.broadcast %mul3A_243 : i32 to vector<16xi32>
            %add3A_245 = arith.addi %add3A_244, %add3A_157 : vector<16xi32>
            %add3A_246 = arith.constant 4 : i32
            %add3A_247 = vector.broadcast %add3A_246 : i32 to vector<16xi32>
            %add3A_248 = arith.addi %mul3A_3, %add3A_247 : vector<16xi32>
            %scatter3A_249 = arith.constant 0 : i32
            %scatter3A_250 = arith.constant 0 : i32
            %scatter3A_251 = tpu.memref_slice %arg5[%and3A_101, %scatter3A_249, %scatter3A_250] : memref<2x2048x8xf32, #tpu.memory_space<vmem>> -> memref<1x2048x8xf32, #tpu.memory_space<vmem>>
            %scatter3A_252 = tpu.memref_squeeze %scatter3A_251 : memref<1x2048x8xf32, #tpu.memory_space<vmem>> -> memref<2048x8xf32, #tpu.memory_space<vmem>>
            tpu.vector_store_idx %scatter3A_252[%add3A_245, %add3A_248], %get3A_235 : memref<2048x8xf32, #tpu.memory_space<vmem>>[vector<16xi32>, vector<16xi32>], vector<16xf32>,
            %add3A_253 = arith.constant 4 : i32
            %add3A_254 = vector.broadcast %add3A_253 : i32 to vector<16xi32>
            %add3A_255 = arith.addi %mul3A_3, %add3A_254 : vector<16xi32>
            %add3A_256 = arith.constant 1 : i32
            %add3A_257 = vector.broadcast %add3A_256 : i32 to vector<16xi32>
            %add3A_258 = arith.addi %add3A_255, %add3A_257 : vector<16xi32>
            %scatter3A_259 = arith.constant 0 : i32
            %scatter3A_260 = arith.constant 0 : i32
            %scatter3A_261 = tpu.memref_slice %arg5[%and3A_101, %scatter3A_259, %scatter3A_260] : memref<2x2048x8xf32, #tpu.memory_space<vmem>> -> memref<1x2048x8xf32, #tpu.memory_space<vmem>>
            %scatter3A_262 = tpu.memref_squeeze %scatter3A_261 : memref<1x2048x8xf32, #tpu.memory_space<vmem>> -> memref<2048x8xf32, #tpu.memory_space<vmem>>
            tpu.vector_store_idx %scatter3A_262[%add3A_245, %add3A_258], %gather3A_241 : memref<2048x8xf32, #tpu.memory_space<vmem>>[vector<16xi32>, vector<16xi32>], vector<16xf32>,
            %add3A_263 = arith.addi %mul3A_143, %mul3A_155 : i32
            %multiple_of3A_264 = tpu.assume_multiple %add3A_263, 16 : i32
            %get3A_265 = arith.constant 0 : i32
            %get3A_266 = tpu.memref_slice %arg4[%and3A_47, %scan3A_84, %get3A_265] : memref<2x2x16384xf32, #tpu.memory_space<vmem>> -> memref<1x1x16384xf32, #tpu.memory_space<vmem>>
            %get3A_267 = tpu.memref_squeeze %get3A_266 : memref<1x1x16384xf32, #tpu.memory_space<vmem>> -> memref<16384xf32, #tpu.memory_space<vmem>>
            %get3A_268 = arith.index_cast %multiple_of3A_264 : i32 to index
            %get3A_269 = tpu.vector_load %get3A_267[%get3A_268] {strides = array<i32>} : memref<16384xf32, #tpu.memory_space<vmem>>, vector<16xf32>,
            %add3A_270 = vector.broadcast %mul3A_143 : i32 to vector<16xi32>
            %add3A_271 = arith.addi %add3A_270, %min3A_163 : vector<16xi32>
            %gather3A_272 = arith.constant 0 : i32
            %gather3A_273 = tpu.memref_slice %arg4[%and3A_47, %scan3A_84, %gather3A_272] : memref<2x2x16384xf32, #tpu.memory_space<vmem>> -> memref<1x1x16384xf32, #tpu.memory_space<vmem>>
            %gather3A_274 = tpu.memref_squeeze %gather3A_273 : memref<1x1x16384xf32, #tpu.memory_space<vmem>> -> memref<16384xf32, #tpu.memory_space<vmem>>
            %gather3A_275 = tpu.vector_load_idx %gather3A_274[%add3A_271] : memref<16384xf32, #tpu.memory_space<vmem>>[vector<16xi32>], vector<16xf32>,
            %mul3A_276 = arith.constant 128 : i32
            %mul3A_277 = arith.muli %add3A_133, %mul3A_276 : i32
            %add3A_278 = vector.broadcast %mul3A_277 : i32 to vector<16xi32>
            %add3A_279 = arith.addi %add3A_278, %add3A_157 : vector<16xi32>
            %add3A_280 = arith.constant 6 : i32
            %add3A_281 = vector.broadcast %add3A_280 : i32 to vector<16xi32>
            %add3A_282 = arith.addi %mul3A_3, %add3A_281 : vector<16xi32>
            %scatter3A_283 = arith.constant 0 : i32
            %scatter3A_284 = arith.constant 0 : i32
            %scatter3A_285 = tpu.memref_slice %arg5[%and3A_101, %scatter3A_283, %scatter3A_284] : memref<2x2048x8xf32, #tpu.memory_space<vmem>> -> memref<1x2048x8xf32, #tpu.memory_space<vmem>>
            %scatter3A_286 = tpu.memref_squeeze %scatter3A_285 : memref<1x2048x8xf32, #tpu.memory_space<vmem>> -> memref<2048x8xf32, #tpu.memory_space<vmem>>
            tpu.vector_store_idx %scatter3A_286[%add3A_279, %add3A_282], %get3A_269 : memref<2048x8xf32, #tpu.memory_space<vmem>>[vector<16xi32>, vector<16xi32>], vector<16xf32>,
            %add3A_287 = arith.constant 6 : i32
            %add3A_288 = vector.broadcast %add3A_287 : i32 to vector<16xi32>
            %add3A_289 = arith.addi %mul3A_3, %add3A_288 : vector<16xi32>
            %add3A_290 = arith.constant 1 : i32
            %add3A_291 = vector.broadcast %add3A_290 : i32 to vector<16xi32>
            %add3A_292 = arith.addi %add3A_289, %add3A_291 : vector<16xi32>
            %scatter3A_293 = arith.constant 0 : i32
            %scatter3A_294 = arith.constant 0 : i32
            %scatter3A_295 = tpu.memref_slice %arg5[%and3A_101, %scatter3A_293, %scatter3A_294] : memref<2x2048x8xf32, #tpu.memory_space<vmem>> -> memref<1x2048x8xf32, #tpu.memory_space<vmem>>
            %scatter3A_296 = tpu.memref_squeeze %scatter3A_295 : memref<1x2048x8xf32, #tpu.memory_space<vmem>> -> memref<2048x8xf32, #tpu.memory_space<vmem>>
            tpu.vector_store_idx %scatter3A_296[%add3A_279, %add3A_292], %gather3A_275 : memref<2048x8xf32, #tpu.memory_space<vmem>>[vector<16xi32>, vector<16xi32>], vector<16xf32>,
            %scan3A_297 = arith.constant 1 : i32
            %scan3A_298 = arith.addi %scan3A_149, %scan3A_297 : i32
            %mul3A_299 = arith.constant 1 : i32
            %mul3A_300 = arith.muli %scan3A_298, %mul3A_299 : i32
            %add3A_301 = arith.constant 0 : i32
            %add3A_302 = arith.addi %add3A_301, %mul3A_300 : i32
            %mul3A_303 = arith.constant 16 : i32
            %mul3A_304 = arith.muli %add3A_302, %mul3A_303 : i32
            %add3A_305 = vector.broadcast %mul3A_304 : i32 to vector<16xi32>
            %add3A_306 = arith.addi %add3A_305, %iota3A : vector<16xi32>
            %add3A_307 = arith.constant 1 : i32
            %add3A_308 = vector.broadcast %add3A_307 : i32 to vector<16xi32>
            %add3A_309 = arith.addi %add3A_306, %add3A_308 : vector<16xi32>
            %min3A_310 = arith.constant 127 : i32
            %min3A_311 = vector.broadcast %min3A_310 : i32 to vector<16xi32>
            %min3A_312 = arith.minsi %add3A_309, %min3A_311 : vector<16xi32>
            %add3A_313 = arith.addi %mul3A_138, %mul3A_304 : i32
            %multiple_of3A_314 = tpu.assume_multiple %add3A_313, 16 : i32
            %get3A_315 = arith.constant 0 : i32
            %get3A_316 = tpu.memref_slice %arg4[%and3A_47, %scan3A_83, %get3A_315] : memref<2x2x16384xf32, #tpu.memory_space<vmem>> -> memref<1x1x16384xf32, #tpu.memory_space<vmem>>
            %get3A_317 = tpu.memref_squeeze %get3A_316 : memref<1x1x16384xf32, #tpu.memory_space<vmem>> -> memref<16384xf32, #tpu.memory_space<vmem>>
            %get3A_318 = arith.index_cast %multiple_of3A_314 : i32 to index
            %get3A_319 = tpu.vector_load %get3A_317[%get3A_318] {strides = array<i32>} : memref<16384xf32, #tpu.memory_space<vmem>>, vector<16xf32>,
            %add3A_320 = vector.broadcast %mul3A_138 : i32 to vector<16xi32>
            %add3A_321 = arith.addi %add3A_320, %min3A_312 : vector<16xi32>
            %gather3A_322 = arith.constant 0 : i32
            %gather3A_323 = tpu.memref_slice %arg4[%and3A_47, %scan3A_83, %gather3A_322] : memref<2x2x16384xf32, #tpu.memory_space<vmem>> -> memref<1x1x16384xf32, #tpu.memory_space<vmem>>
            %gather3A_324 = tpu.memref_squeeze %gather3A_323 : memref<1x1x16384xf32, #tpu.memory_space<vmem>> -> memref<16384xf32, #tpu.memory_space<vmem>>
            %gather3A_325 = tpu.vector_load_idx %gather3A_324[%add3A_321] : memref<16384xf32, #tpu.memory_space<vmem>>[vector<16xi32>], vector<16xf32>,
            %mul3A_326 = arith.constant 128 : i32
            %mul3A_327 = arith.muli %add3A_133, %mul3A_326 : i32
            %add3A_328 = vector.broadcast %mul3A_327 : i32 to vector<16xi32>
            %add3A_329 = arith.addi %add3A_328, %add3A_306 : vector<16xi32>
            %add3A_330 = arith.constant 0 : i32
            %add3A_331 = vector.broadcast %add3A_330 : i32 to vector<16xi32>
            %add3A_332 = arith.addi %mul3A_3, %add3A_331 : vector<16xi32>
            %scatter3A_333 = arith.constant 0 : i32
            %scatter3A_334 = arith.constant 0 : i32
            %scatter3A_335 = tpu.memref_slice %arg5[%and3A_101, %scatter3A_333, %scatter3A_334] : memref<2x2048x8xf32, #tpu.memory_space<vmem>> -> memref<1x2048x8xf32, #tpu.memory_space<vmem>>
            %scatter3A_336 = tpu.memref_squeeze %scatter3A_335 : memref<1x2048x8xf32, #tpu.memory_space<vmem>> -> memref<2048x8xf32, #tpu.memory_space<vmem>>
            tpu.vector_store_idx %scatter3A_336[%add3A_329, %add3A_332], %get3A_319 : memref<2048x8xf32, #tpu.memory_space<vmem>>[vector<16xi32>, vector<16xi32>], vector<16xf32>,
            %add3A_337 = arith.constant 0 : i32
            %add3A_338 = vector.broadcast %add3A_337 : i32 to vector<16xi32>
            %add3A_339 = arith.addi %mul3A_3, %add3A_338 : vector<16xi32>
            %add3A_340 = arith.constant 1 : i32
            %add3A_341 = vector.broadcast %add3A_340 : i32 to vector<16xi32>
            %add3A_342 = arith.addi %add3A_339, %add3A_341 : vector<16xi32>
            %scatter3A_343 = arith.constant 0 : i32
            %scatter3A_344 = arith.constant 0 : i32
            %scatter3A_345 = tpu.memref_slice %arg5[%and3A_101, %scatter3A_343, %scatter3A_344] : memref<2x2048x8xf32, #tpu.memory_space<vmem>> -> memref<1x2048x8xf32, #tpu.memory_space<vmem>>
            %scatter3A_346 = tpu.memref_squeeze %scatter3A_345 : memref<1x2048x8xf32, #tpu.memory_space<vmem>> -> memref<2048x8xf32, #tpu.memory_space<vmem>>
            tpu.vector_store_idx %scatter3A_346[%add3A_329, %add3A_342], %gather3A_325 : memref<2048x8xf32, #tpu.memory_space<vmem>>[vector<16xi32>, vector<16xi32>], vector<16xf32>,
            %add3A_347 = arith.addi %mul3A_143, %mul3A_304 : i32
            %multiple_of3A_348 = tpu.assume_multiple %add3A_347, 16 : i32
            %get3A_349 = arith.constant 0 : i32
            %get3A_350 = tpu.memref_slice %arg4[%and3A_47, %scan3A_83, %get3A_349] : memref<2x2x16384xf32, #tpu.memory_space<vmem>> -> memref<1x1x16384xf32, #tpu.memory_space<vmem>>
            %get3A_351 = tpu.memref_squeeze %get3A_350 : memref<1x1x16384xf32, #tpu.memory_space<vmem>> -> memref<16384xf32, #tpu.memory_space<vmem>>
            %get3A_352 = arith.index_cast %multiple_of3A_348 : i32 to index
            %get3A_353 = tpu.vector_load %get3A_351[%get3A_352] {strides = array<i32>} : memref<16384xf32, #tpu.memory_space<vmem>>, vector<16xf32>,
            %add3A_354 = vector.broadcast %mul3A_143 : i32 to vector<16xi32>
            %add3A_355 = arith.addi %add3A_354, %min3A_312 : vector<16xi32>
            %gather3A_356 = arith.constant 0 : i32
            %gather3A_357 = tpu.memref_slice %arg4[%and3A_47, %scan3A_83, %gather3A_356] : memref<2x2x16384xf32, #tpu.memory_space<vmem>> -> memref<1x1x16384xf32, #tpu.memory_space<vmem>>
            %gather3A_358 = tpu.memref_squeeze %gather3A_357 : memref<1x1x16384xf32, #tpu.memory_space<vmem>> -> memref<16384xf32, #tpu.memory_space<vmem>>
            %gather3A_359 = tpu.vector_load_idx %gather3A_358[%add3A_355] : memref<16384xf32, #tpu.memory_space<vmem>>[vector<16xi32>], vector<16xf32>,
            %mul3A_360 = arith.constant 128 : i32
            %mul3A_361 = arith.muli %add3A_133, %mul3A_360 : i32
            %add3A_362 = vector.broadcast %mul3A_361 : i32 to vector<16xi32>
            %add3A_363 = arith.addi %add3A_362, %add3A_306 : vector<16xi32>
            %add3A_364 = arith.constant 2 : i32
            %add3A_365 = vector.broadcast %add3A_364 : i32 to vector<16xi32>
            %add3A_366 = arith.addi %mul3A_3, %add3A_365 : vector<16xi32>
            %scatter3A_367 = arith.constant 0 : i32
            %scatter3A_368 = arith.constant 0 : i32
            %scatter3A_369 = tpu.memref_slice %arg5[%and3A_101, %scatter3A_367, %scatter3A_368] : memref<2x2048x8xf32, #tpu.memory_space<vmem>> -> memref<1x2048x8xf32, #tpu.memory_space<vmem>>
            %scatter3A_370 = tpu.memref_squeeze %scatter3A_369 : memref<1x2048x8xf32, #tpu.memory_space<vmem>> -> memref<2048x8xf32, #tpu.memory_space<vmem>>
            tpu.vector_store_idx %scatter3A_370[%add3A_363, %add3A_366], %get3A_353 : memref<2048x8xf32, #tpu.memory_space<vmem>>[vector<16xi32>, vector<16xi32>], vector<16xf32>,
            %add3A_371 = arith.constant 2 : i32
            %add3A_372 = vector.broadcast %add3A_371 : i32 to vector<16xi32>
            %add3A_373 = arith.addi %mul3A_3, %add3A_372 : vector<16xi32>
            %add3A_374 = arith.constant 1 : i32
            %add3A_375 = vector.broadcast %add3A_374 : i32 to vector<16xi32>
            %add3A_376 = arith.addi %add3A_373, %add3A_375 : vector<16xi32>
            %scatter3A_377 = arith.constant 0 : i32
            %scatter3A_378 = arith.constant 0 : i32
            %scatter3A_379 = tpu.memref_slice %arg5[%and3A_101, %scatter3A_377, %scatter3A_378] : memref<2x2048x8xf32, #tpu.memory_space<vmem>> -> memref<1x2048x8xf32, #tpu.memory_space<vmem>>
            %scatter3A_380 = tpu.memref_squeeze %scatter3A_379 : memref<1x2048x8xf32, #tpu.memory_space<vmem>> -> memref<2048x8xf32, #tpu.memory_space<vmem>>
            tpu.vector_store_idx %scatter3A_380[%add3A_363, %add3A_376], %gather3A_359 : memref<2048x8xf32, #tpu.memory_space<vmem>>[vector<16xi32>, vector<16xi32>], vector<16xf32>,
            %add3A_381 = arith.addi %mul3A_138, %mul3A_304 : i32
            %multiple_of3A_382 = tpu.assume_multiple %add3A_381, 16 : i32
            %get3A_383 = arith.constant 0 : i32
            %get3A_384 = tpu.memref_slice %arg4[%and3A_47, %scan3A_84, %get3A_383] : memref<2x2x16384xf32, #tpu.memory_space<vmem>> -> memref<1x1x16384xf32, #tpu.memory_space<vmem>>
            %get3A_385 = tpu.memref_squeeze %get3A_384 : memref<1x1x16384xf32, #tpu.memory_space<vmem>> -> memref<16384xf32, #tpu.memory_space<vmem>>
            %get3A_386 = arith.index_cast %multiple_of3A_382 : i32 to index
            %get3A_387 = tpu.vector_load %get3A_385[%get3A_386] {strides = array<i32>} : memref<16384xf32, #tpu.memory_space<vmem>>, vector<16xf32>,
            %add3A_388 = vector.broadcast %mul3A_138 : i32 to vector<16xi32>
            %add3A_389 = arith.addi %add3A_388, %min3A_312 : vector<16xi32>
            %gather3A_390 = arith.constant 0 : i32
            %gather3A_391 = tpu.memref_slice %arg4[%and3A_47, %scan3A_84, %gather3A_390] : memref<2x2x16384xf32, #tpu.memory_space<vmem>> -> memref<1x1x16384xf32, #tpu.memory_space<vmem>>
            %gather3A_392 = tpu.memref_squeeze %gather3A_391 : memref<1x1x16384xf32, #tpu.memory_space<vmem>> -> memref<16384xf32, #tpu.memory_space<vmem>>
            %gather3A_393 = tpu.vector_load_idx %gather3A_392[%add3A_389] : memref<16384xf32, #tpu.memory_space<vmem>>[vector<16xi32>], vector<16xf32>,
            %mul3A_394 = arith.constant 128 : i32
            %mul3A_395 = arith.muli %add3A_133, %mul3A_394 : i32
            %add3A_396 = vector.broadcast %mul3A_395 : i32 to vector<16xi32>
            %add3A_397 = arith.addi %add3A_396, %add3A_306 : vector<16xi32>
            %add3A_398 = arith.constant 4 : i32
            %add3A_399 = vector.broadcast %add3A_398 : i32 to vector<16xi32>
            %add3A_400 = arith.addi %mul3A_3, %add3A_399 : vector<16xi32>
            %scatter3A_401 = arith.constant 0 : i32
            %scatter3A_402 = arith.constant 0 : i32
            %scatter3A_403 = tpu.memref_slice %arg5[%and3A_101, %scatter3A_401, %scatter3A_402] : memref<2x2048x8xf32, #tpu.memory_space<vmem>> -> memref<1x2048x8xf32, #tpu.memory_space<vmem>>
            %scatter3A_404 = tpu.memref_squeeze %scatter3A_403 : memref<1x2048x8xf32, #tpu.memory_space<vmem>> -> memref<2048x8xf32, #tpu.memory_space<vmem>>
            tpu.vector_store_idx %scatter3A_404[%add3A_397, %add3A_400], %get3A_387 : memref<2048x8xf32, #tpu.memory_space<vmem>>[vector<16xi32>, vector<16xi32>], vector<16xf32>,
            %add3A_405 = arith.constant 4 : i32
            %add3A_406 = vector.broadcast %add3A_405 : i32 to vector<16xi32>
            %add3A_407 = arith.addi %mul3A_3, %add3A_406 : vector<16xi32>
            %add3A_408 = arith.constant 1 : i32
            %add3A_409 = vector.broadcast %add3A_408 : i32 to vector<16xi32>
            %add3A_410 = arith.addi %add3A_407, %add3A_409 : vector<16xi32>
            %scatter3A_411 = arith.constant 0 : i32
            %scatter3A_412 = arith.constant 0 : i32
            %scatter3A_413 = tpu.memref_slice %arg5[%and3A_101, %scatter3A_411, %scatter3A_412] : memref<2x2048x8xf32, #tpu.memory_space<vmem>> -> memref<1x2048x8xf32, #tpu.memory_space<vmem>>
            %scatter3A_414 = tpu.memref_squeeze %scatter3A_413 : memref<1x2048x8xf32, #tpu.memory_space<vmem>> -> memref<2048x8xf32, #tpu.memory_space<vmem>>
            tpu.vector_store_idx %scatter3A_414[%add3A_397, %add3A_410], %gather3A_393 : memref<2048x8xf32, #tpu.memory_space<vmem>>[vector<16xi32>, vector<16xi32>], vector<16xf32>,
            %add3A_415 = arith.addi %mul3A_143, %mul3A_304 : i32
            %multiple_of3A_416 = tpu.assume_multiple %add3A_415, 16 : i32
            %get3A_417 = arith.constant 0 : i32
            %get3A_418 = tpu.memref_slice %arg4[%and3A_47, %scan3A_84, %get3A_417] : memref<2x2x16384xf32, #tpu.memory_space<vmem>> -> memref<1x1x16384xf32, #tpu.memory_space<vmem>>
            %get3A_419 = tpu.memref_squeeze %get3A_418 : memref<1x1x16384xf32, #tpu.memory_space<vmem>> -> memref<16384xf32, #tpu.memory_space<vmem>>
            %get3A_420 = arith.index_cast %multiple_of3A_416 : i32 to index
            %get3A_421 = tpu.vector_load %get3A_419[%get3A_420] {strides = array<i32>} : memref<16384xf32, #tpu.memory_space<vmem>>, vector<16xf32>,
            %add3A_422 = vector.broadcast %mul3A_143 : i32 to vector<16xi32>
            %add3A_423 = arith.addi %add3A_422, %min3A_312 : vector<16xi32>
            %gather3A_424 = arith.constant 0 : i32
            %gather3A_425 = tpu.memref_slice %arg4[%and3A_47, %scan3A_84, %gather3A_424] : memref<2x2x16384xf32, #tpu.memory_space<vmem>> -> memref<1x1x16384xf32, #tpu.memory_space<vmem>>
            %gather3A_426 = tpu.memref_squeeze %gather3A_425 : memref<1x1x16384xf32, #tpu.memory_space<vmem>> -> memref<16384xf32, #tpu.memory_space<vmem>>
            %gather3A_427 = tpu.vector_load_idx %gather3A_426[%add3A_423] : memref<16384xf32, #tpu.memory_space<vmem>>[vector<16xi32>], vector<16xf32>,
            %mul3A_428 = arith.constant 128 : i32
            %mul3A_429 = arith.muli %add3A_133, %mul3A_428 : i32
            %add3A_430 = vector.broadcast %mul3A_429 : i32 to vector<16xi32>
            %add3A_431 = arith.addi %add3A_430, %add3A_306 : vector<16xi32>
            %add3A_432 = arith.constant 6 : i32
            %add3A_433 = vector.broadcast %add3A_432 : i32 to vector<16xi32>
            %add3A_434 = arith.addi %mul3A_3, %add3A_433 : vector<16xi32>
            %scatter3A_435 = arith.constant 0 : i32
            %scatter3A_436 = arith.constant 0 : i32
            %scatter3A_437 = tpu.memref_slice %arg5[%and3A_101, %scatter3A_435, %scatter3A_436] : memref<2x2048x8xf32, #tpu.memory_space<vmem>> -> memref<1x2048x8xf32, #tpu.memory_space<vmem>>
            %scatter3A_438 = tpu.memref_squeeze %scatter3A_437 : memref<1x2048x8xf32, #tpu.memory_space<vmem>> -> memref<2048x8xf32, #tpu.memory_space<vmem>>
            tpu.vector_store_idx %scatter3A_438[%add3A_431, %add3A_434], %get3A_421 : memref<2048x8xf32, #tpu.memory_space<vmem>>[vector<16xi32>, vector<16xi32>], vector<16xf32>,
            %add3A_439 = arith.constant 6 : i32
            %add3A_440 = vector.broadcast %add3A_439 : i32 to vector<16xi32>
            %add3A_441 = arith.addi %mul3A_3, %add3A_440 : vector<16xi32>
            %add3A_442 = arith.constant 1 : i32
            %add3A_443 = vector.broadcast %add3A_442 : i32 to vector<16xi32>
            %add3A_444 = arith.addi %add3A_441, %add3A_443 : vector<16xi32>
            %scatter3A_445 = arith.constant 0 : i32
            %scatter3A_446 = arith.constant 0 : i32
            %scatter3A_447 = tpu.memref_slice %arg5[%and3A_101, %scatter3A_445, %scatter3A_446] : memref<2x2048x8xf32, #tpu.memory_space<vmem>> -> memref<1x2048x8xf32, #tpu.memory_space<vmem>>
            %scatter3A_448 = tpu.memref_squeeze %scatter3A_447 : memref<1x2048x8xf32, #tpu.memory_space<vmem>> -> memref<2048x8xf32, #tpu.memory_space<vmem>>
            tpu.vector_store_idx %scatter3A_448[%add3A_431, %add3A_444], %gather3A_427 : memref<2048x8xf32, #tpu.memory_space<vmem>>[vector<16xi32>, vector<16xi32>], vector<16xf32>,
          }
          %scan3A_148 = arith.constant 8 : i32
        }
        %scan3A_116 = arith.constant 16 : i32
        %dma_start3A_117 = arith.constant 0 : i32
        %dma_start3A_118 = arith.constant 0 : i32
        %dma_start3A_119 = tpu.memref_slice %arg5[%and3A_101, %dma_start3A_117, %dma_start3A_118] : memref<2x2048x8xf32, #tpu.memory_space<vmem>> -> memref<1x2048x8xf32, #tpu.memory_space<vmem>>
        %dma_start3A_120 = tpu.memref_squeeze %dma_start3A_119 : memref<1x2048x8xf32, #tpu.memory_space<vmem>> -> memref<2048x8xf32, #tpu.memory_space<vmem>>
        %dma_start3A_121 = arith.constant 0 : i32
        %dma_start3A_122 = tpu.memref_slice %arg3[%multiple_of3A_107, %dma_start3A_121] : memref<4194304x8xf32, #tpu.memory_space<hbm>> -> memref<2048x8xf32, #tpu.memory_space<hbm>>
        %dma_start3A_123 = arith.constant 0 : i32
        %dma_start3A_124 = tpu.memref_slice %arg3[%multiple_of3A_107, %dma_start3A_123] : memref<4194304x8xf32, #tpu.memory_space<hbm>> -> memref<2048x8xf32, #tpu.memory_space<hbm>>
        %dma_start3A_125 = arith.constant 0 : i32
        %dma_start3A_126 = arith.constant 0 : i32
        %dma_start3A_127 = tpu.memref_slice %arg5[%and3A_101, %dma_start3A_125, %dma_start3A_126] : memref<2x2048x8xf32, #tpu.memory_space<vmem>> -> memref<1x2048x8xf32, #tpu.memory_space<vmem>>
        %dma_start3A_128 = tpu.memref_squeeze %dma_start3A_127 : memref<1x2048x8xf32, #tpu.memory_space<vmem>> -> memref<2048x8xf32, #tpu.memory_space<vmem>>
        tpu.enqueue_dma source(%dma_start3A_128 : memref<2048x8xf32, #tpu.memory_space<vmem>>) target(%dma_start3A_124 : memref<2048x8xf32, #tpu.memory_space<hbm>>) target_semaphore(%arg7 : memref<!tpu.dma_semaphore, #tpu.memory_space<semaphore_mem>>)
      }
      %scan3A_89 = arith.constant 8 : i32
      %scan3A_90 = arith.constant 0 : i32
      %scan3A_91 = arith.constant 2 : i32
      %scan3A_92 = arith.addi %scan3A_90, %scan3A_91 : i32
      %scan3A_93 = arith.constant 1 : i32
      scf.for %scan3A_95 = %scan3A_90 to %scan3A_92 step %scan3A_93  : i32 {
        %mul3A_96 = arith.constant 1 : i32
        %mul3A_97 = arith.muli %scan3A_95, %mul3A_96 : i32
        %add3A_98 = arith.constant 0 : i32
        %add3A_99 = arith.addi %add3A_98, %mul3A_97 : i32
        %dma_wait3A_100 = arith.constant 0 : i32
        %dma_wait3A_101 = arith.constant 0 : i32
        %dma_wait3A_102 = tpu.memref_slice %arg5[%add3A_99, %dma_wait3A_100, %dma_wait3A_101] : memref<2x2048x8xf32, #tpu.memory_space<vmem>> -> memref<1x2048x8xf32, #tpu.memory_space<vmem>>
        %dma_wait3A_103 = tpu.memref_squeeze %dma_wait3A_102 : memref<1x2048x8xf32, #tpu.memory_space<vmem>> -> memref<2048x8xf32, #tpu.memory_space<vmem>>
        %dma_wait3A_104 = arith.constant 0 : i32
        %dma_wait3A_105 = arith.constant 0 : i32
        %dma_wait3A_106 = tpu.memref_slice %arg3[%dma_wait3A_104, %dma_wait3A_105] : memref<4194304x8xf32, #tpu.memory_space<hbm>> -> memref<2048x8xf32, #tpu.memory_space<hbm>>
        %dma_wait3A_107 = arith.constant 0 : i32
        %dma_wait3A_108 = arith.constant 0 : i32
        %dma_wait3A_109 = tpu.memref_slice %arg3[%dma_wait3A_107, %dma_wait3A_108] : memref<4194304x8xf32, #tpu.memory_space<hbm>> -> memref<2048x8xf32, #tpu.memory_space<hbm>>
        %dma_wait3A_110 = arith.constant 0 : i32
        %dma_wait3A_111 = arith.constant 0 : i32
        %dma_wait3A_112 = tpu.memref_slice %arg5[%add3A_99, %dma_wait3A_110, %dma_wait3A_111] : memref<2x2048x8xf32, #tpu.memory_space<vmem>> -> memref<1x2048x8xf32, #tpu.memory_space<vmem>>
        %dma_wait3A_113 = tpu.memref_squeeze %dma_wait3A_112 : memref<1x2048x8xf32, #tpu.memory_space<vmem>> -> memref<2048x8xf32, #tpu.memory_space<vmem>>
        tpu.wait_dma2 semaphore(%arg7 : memref<!tpu.dma_semaphore, #tpu.memory_space<semaphore_mem>>) src(%dma_wait3A_113 : memref<2048x8xf32, #tpu.memory_space<vmem>>) dst(%dma_wait3A_109 : memref<2048x8xf32, #tpu.memory_space<hbm>>)
      }
      %scan3A_94 = arith.constant 2 : i32
    }
    %scan3A_37 = arith.constant 8 : i32
    return
  }
}

#map = affine_map<(d0, d1) -> (0, 0)>
#map1 = affine_map<(d0, d1) -> (0)>
module attributes {stable_mosaic.version = 14 : i64} {
  func.func @warp(%arg0: i32, %arg1: i32, %arg2: memref<4194304x8xf32, #tpu.memory_space<hbm>>, %arg3: memref<4194304xi32, #tpu.memory_space<hbm>>, %arg4: memref<12582912xf32, #tpu.memory_space<hbm>>, %arg5: memref<4194304xf32, #tpu.memory_space<hbm>>, %arg6: memref<4x6144xf32, #tpu.memory_space<vmem>>, %arg7: memref<4x2048xi32, #tpu.memory_space<vmem>>, %arg8: memref<4x2048x8xf32, #tpu.memory_space<vmem>>, %arg9: memref<4x2048xf32, #tpu.memory_space<vmem>>, %arg10: memref<!tpu.dma_semaphore, #tpu.memory_space<semaphore_mem>>, %arg11: memref<!tpu.dma_semaphore, #tpu.memory_space<semaphore_mem>>, %arg12: memref<!tpu.dma_semaphore, #tpu.memory_space<semaphore_mem>>) attributes {dimension_semantics = [#tpu.dimension_semantics<core_parallel>, #tpu.dimension_semantics<subcore_parallel>], iteration_bounds = array<i64: 2, 16>, scalar_prefetch = 0 : i64, scratch_operands = 7 : i64, tpu.core_type = #tpu.core_type<sc_vector_subcore>, window_params = [{transform_indices = #map}, {transform_indices = #map1}, {transform_indices = #map1}, {transform_indices = #map1}]} {
    %mul3A = arith.constant 2 : i32
    %mul3A_0 = arith.muli %arg1, %mul3A : i32
    %add3A = arith.addi %mul3A_0, %arg0 : i32
    %iota3A = tpu.iota {dimensions = array<i32: 0>} : vector<16xi32>
    %mul3A_1 = arith.constant 0 : i32
    %mul3A_2 = vector.broadcast %mul3A_1 : i32 to vector<16xi32>
    %mul3A_3 = arith.muli %iota3A, %mul3A_2 : vector<16xi32>
    %add3A_4 = arith.constant 0 : i32
    %add3A_5 = vector.broadcast %add3A_4 : i32 to vector<16xi32>
    %add3A_6 = arith.addi %mul3A_3, %add3A_5 : vector<16xi32>
    %mul3A_7 = arith.constant 0 : i32
    %mul3A_8 = vector.broadcast %mul3A_7 : i32 to vector<16xi32>
    %mul3A_9 = arith.muli %iota3A, %mul3A_8 : vector<16xi32>
    %add3A_10 = arith.constant 1 : i32
    %add3A_11 = vector.broadcast %add3A_10 : i32 to vector<16xi32>
    %add3A_12 = arith.addi %mul3A_9, %add3A_11 : vector<16xi32>
    %mul3A_13 = arith.constant 0 : i32
    %mul3A_14 = vector.broadcast %mul3A_13 : i32 to vector<16xi32>
    %mul3A_15 = arith.muli %iota3A, %mul3A_14 : vector<16xi32>
    %add3A_16 = arith.constant 2 : i32
    %add3A_17 = vector.broadcast %add3A_16 : i32 to vector<16xi32>
    %add3A_18 = arith.addi %mul3A_15, %add3A_17 : vector<16xi32>
    %mul3A_19 = arith.constant 0 : i32
    %mul3A_20 = vector.broadcast %mul3A_19 : i32 to vector<16xi32>
    %mul3A_21 = arith.muli %iota3A, %mul3A_20 : vector<16xi32>
    %add3A_22 = arith.constant 3 : i32
    %add3A_23 = vector.broadcast %add3A_22 : i32 to vector<16xi32>
    %add3A_24 = arith.addi %mul3A_21, %add3A_23 : vector<16xi32>
    %mul3A_25 = arith.constant 0 : i32
    %mul3A_26 = vector.broadcast %mul3A_25 : i32 to vector<16xi32>
    %mul3A_27 = arith.muli %iota3A, %mul3A_26 : vector<16xi32>
    %add3A_28 = arith.constant 4 : i32
    %add3A_29 = vector.broadcast %add3A_28 : i32 to vector<16xi32>
    %add3A_30 = arith.addi %mul3A_27, %add3A_29 : vector<16xi32>
    %mul3A_31 = arith.constant 0 : i32
    %mul3A_32 = vector.broadcast %mul3A_31 : i32 to vector<16xi32>
    %mul3A_33 = arith.muli %iota3A, %mul3A_32 : vector<16xi32>
    %add3A_34 = arith.constant 5 : i32
    %add3A_35 = vector.broadcast %add3A_34 : i32 to vector<16xi32>
    %add3A_36 = arith.addi %mul3A_33, %add3A_35 : vector<16xi32>
    %mul3A_37 = arith.constant 0 : i32
    %mul3A_38 = vector.broadcast %mul3A_37 : i32 to vector<16xi32>
    %mul3A_39 = arith.muli %iota3A, %mul3A_38 : vector<16xi32>
    %add3A_40 = arith.constant 6 : i32
    %add3A_41 = vector.broadcast %add3A_40 : i32 to vector<16xi32>
    %add3A_42 = arith.addi %mul3A_39, %add3A_41 : vector<16xi32>
    %mul3A_43 = arith.constant 0 : i32
    %mul3A_44 = vector.broadcast %mul3A_43 : i32 to vector<16xi32>
    %mul3A_45 = arith.muli %iota3A, %mul3A_44 : vector<16xi32>
    %add3A_46 = arith.constant 7 : i32
    %add3A_47 = vector.broadcast %add3A_46 : i32 to vector<16xi32>
    %add3A_48 = arith.addi %mul3A_45, %add3A_47 : vector<16xi32>
    %mul3A_49 = arith.constant 131072 : i32
    %mul3A_50 = arith.muli %add3A, %mul3A_49 : i32
    %add3A_51 = arith.constant 0 : i32
    %add3A_52 = arith.addi %mul3A_50, %add3A_51 : i32
    %multiple_of3A = tpu.assume_multiple %add3A_52, 2048 : i32
    %jit3A = arith.constant 16384 : i32
    %div3A = arith.divsi %multiple_of3A, %jit3A : i32
    %sign3A = arith.constant 0 : i32
    %sign3A_53 = arith.cmpi sgt, %multiple_of3A, %sign3A : i32
    %sign3A_54 = arith.extui %sign3A_53 : i1 to i32
    %sign3A_55 = arith.constant 0 : i32
    %sign3A_56 = arith.cmpi slt, %multiple_of3A, %sign3A_55 : i32
    %sign3A_57 = arith.extui %sign3A_56 : i1 to i32
    %sign3A_58 = arith.subi %sign3A_54, %sign3A_57 : i32
    %sign3A_59 = arith.constant 0 : i32
    %sign3A_60 = arith.cmpi sgt, %jit3A, %sign3A_59 : i32
    %sign3A_61 = arith.extui %sign3A_60 : i1 to i32
    %sign3A_62 = arith.constant 0 : i32
    %sign3A_63 = arith.cmpi slt, %jit3A, %sign3A_62 : i32
    %sign3A_64 = arith.extui %sign3A_63 : i1 to i32
    %sign3A_65 = arith.subi %sign3A_61, %sign3A_64 : i32
    %ne3A = arith.cmpi ne, %sign3A_58, %sign3A_65 : i32
    %rem3A = arith.remsi %multiple_of3A, %jit3A : i32
    %ne3A_66 = arith.constant 0 : i32
    %ne3A_67 = arith.cmpi ne, %rem3A, %ne3A_66 : i32
    %and3A = arith.andi %ne3A, %ne3A_67 : i1
    %sub3A = arith.constant 1 : i32
    %sub3A_68 = arith.subi %div3A, %sub3A : i32
    %select_n3A = arith.select %and3A, %sub3A_68, %div3A : i32
    %mul3A_69 = arith.constant 16384 : i32
    %mul3A_70 = arith.muli %select_n3A, %mul3A_69 : i32
    %sub3A_71 = arith.subi %multiple_of3A, %mul3A_70 : i32
    %dma_start3A = arith.constant 0 : i32
    %dma_start3A_72 = arith.constant 0 : i32
    %dma_start3A_73 = tpu.memref_slice %arg7[%dma_start3A, %dma_start3A_72] : memref<4x2048xi32, #tpu.memory_space<vmem>> -> memref<1x2048xi32, #tpu.memory_space<vmem>>
    %dma_start3A_74 = tpu.memref_squeeze %dma_start3A_73 : memref<1x2048xi32, #tpu.memory_space<vmem>> -> memref<2048xi32, #tpu.memory_space<vmem>>
    %dma_start3A_75 = tpu.memref_slice %arg3[%multiple_of3A] : memref<4194304xi32, #tpu.memory_space<hbm>> -> memref<2048xi32, #tpu.memory_space<hbm>>
    %dma_start3A_76 = arith.constant 0 : i32
    %dma_start3A_77 = tpu.memref_slice %arg7[%dma_start3A, %dma_start3A_76] : memref<4x2048xi32, #tpu.memory_space<vmem>> -> memref<1x2048xi32, #tpu.memory_space<vmem>>
    %dma_start3A_78 = tpu.memref_squeeze %dma_start3A_77 : memref<1x2048xi32, #tpu.memory_space<vmem>> -> memref<2048xi32, #tpu.memory_space<vmem>>
    %dma_start3A_79 = tpu.memref_slice %arg3[%multiple_of3A] : memref<4194304xi32, #tpu.memory_space<hbm>> -> memref<2048xi32, #tpu.memory_space<hbm>>
    tpu.enqueue_dma source(%dma_start3A_79 : memref<2048xi32, #tpu.memory_space<hbm>>) target(%dma_start3A_78 : memref<2048xi32, #tpu.memory_space<vmem>>) target_semaphore(%arg10 : memref<!tpu.dma_semaphore, #tpu.memory_space<semaphore_mem>>)
    %mul3A_80 = arith.constant 3 : i32
    %mul3A_81 = arith.muli %select_n3A, %mul3A_80 : i32
    %add3A_82 = arith.constant 0 : i32
    %add3A_83 = arith.addi %mul3A_81, %add3A_82 : i32
    %mul3A_84 = arith.constant 16384 : i32
    %mul3A_85 = arith.muli %add3A_83, %mul3A_84 : i32
    %add3A_86 = arith.addi %mul3A_85, %sub3A_71 : i32
    %multiple_of3A_87 = tpu.assume_multiple %add3A_86, 2048 : i32
    %dma_start3A_88 = arith.constant 0 : i32
    %dma_start3A_89 = arith.constant 0 : i32
    %dma_start3A_90 = tpu.memref_slice %arg6[%dma_start3A_88, %dma_start3A_89] : memref<4x6144xf32, #tpu.memory_space<vmem>> -> memref<1x2048xf32, #tpu.memory_space<vmem>>
    %dma_start3A_91 = tpu.memref_squeeze %dma_start3A_90 : memref<1x2048xf32, #tpu.memory_space<vmem>> -> memref<2048xf32, #tpu.memory_space<vmem>>
    %dma_start3A_92 = tpu.memref_slice %arg4[%multiple_of3A_87] : memref<12582912xf32, #tpu.memory_space<hbm>> -> memref<2048xf32, #tpu.memory_space<hbm>>
    %dma_start3A_93 = arith.constant 0 : i32
    %dma_start3A_94 = tpu.memref_slice %arg6[%dma_start3A_88, %dma_start3A_93] : memref<4x6144xf32, #tpu.memory_space<vmem>> -> memref<1x2048xf32, #tpu.memory_space<vmem>>
    %dma_start3A_95 = tpu.memref_squeeze %dma_start3A_94 : memref<1x2048xf32, #tpu.memory_space<vmem>> -> memref<2048xf32, #tpu.memory_space<vmem>>
    %dma_start3A_96 = tpu.memref_slice %arg4[%multiple_of3A_87] : memref<12582912xf32, #tpu.memory_space<hbm>> -> memref<2048xf32, #tpu.memory_space<hbm>>
    tpu.enqueue_dma source(%dma_start3A_96 : memref<2048xf32, #tpu.memory_space<hbm>>) target(%dma_start3A_95 : memref<2048xf32, #tpu.memory_space<vmem>>) target_semaphore(%arg10 : memref<!tpu.dma_semaphore, #tpu.memory_space<semaphore_mem>>)
    %mul3A_97 = arith.constant 3 : i32
    %mul3A_98 = arith.muli %select_n3A, %mul3A_97 : i32
    %add3A_99 = arith.constant 1 : i32
    %add3A_100 = arith.addi %mul3A_98, %add3A_99 : i32
    %mul3A_101 = arith.constant 16384 : i32
    %mul3A_102 = arith.muli %add3A_100, %mul3A_101 : i32
    %add3A_103 = arith.addi %mul3A_102, %sub3A_71 : i32
    %multiple_of3A_104 = tpu.assume_multiple %add3A_103, 2048 : i32
    %dma_start3A_105 = arith.constant 0 : i32
    %dma_start3A_106 = arith.constant 2048 : i32
    %dma_start3A_107 = tpu.memref_slice %arg6[%dma_start3A_105, %dma_start3A_106] : memref<4x6144xf32, #tpu.memory_space<vmem>> -> memref<1x2048xf32, #tpu.memory_space<vmem>>
    %dma_start3A_108 = tpu.memref_squeeze %dma_start3A_107 : memref<1x2048xf32, #tpu.memory_space<vmem>> -> memref<2048xf32, #tpu.memory_space<vmem>>
    %dma_start3A_109 = tpu.memref_slice %arg4[%multiple_of3A_104] : memref<12582912xf32, #tpu.memory_space<hbm>> -> memref<2048xf32, #tpu.memory_space<hbm>>
    %dma_start3A_110 = arith.constant 2048 : i32
    %dma_start3A_111 = tpu.memref_slice %arg6[%dma_start3A_105, %dma_start3A_110] : memref<4x6144xf32, #tpu.memory_space<vmem>> -> memref<1x2048xf32, #tpu.memory_space<vmem>>
    %dma_start3A_112 = tpu.memref_squeeze %dma_start3A_111 : memref<1x2048xf32, #tpu.memory_space<vmem>> -> memref<2048xf32, #tpu.memory_space<vmem>>
    %dma_start3A_113 = tpu.memref_slice %arg4[%multiple_of3A_104] : memref<12582912xf32, #tpu.memory_space<hbm>> -> memref<2048xf32, #tpu.memory_space<hbm>>
    tpu.enqueue_dma source(%dma_start3A_113 : memref<2048xf32, #tpu.memory_space<hbm>>) target(%dma_start3A_112 : memref<2048xf32, #tpu.memory_space<vmem>>) target_semaphore(%arg10 : memref<!tpu.dma_semaphore, #tpu.memory_space<semaphore_mem>>)
    %mul3A_114 = arith.constant 3 : i32
    %mul3A_115 = arith.muli %select_n3A, %mul3A_114 : i32
    %add3A_116 = arith.constant 2 : i32
    %add3A_117 = arith.addi %mul3A_115, %add3A_116 : i32
    %mul3A_118 = arith.constant 16384 : i32
    %mul3A_119 = arith.muli %add3A_117, %mul3A_118 : i32
    %add3A_120 = arith.addi %mul3A_119, %sub3A_71 : i32
    %multiple_of3A_121 = tpu.assume_multiple %add3A_120, 2048 : i32
    %dma_start3A_122 = arith.constant 0 : i32
    %dma_start3A_123 = arith.constant 4096 : i32
    %dma_start3A_124 = tpu.memref_slice %arg6[%dma_start3A_122, %dma_start3A_123] : memref<4x6144xf32, #tpu.memory_space<vmem>> -> memref<1x2048xf32, #tpu.memory_space<vmem>>
    %dma_start3A_125 = tpu.memref_squeeze %dma_start3A_124 : memref<1x2048xf32, #tpu.memory_space<vmem>> -> memref<2048xf32, #tpu.memory_space<vmem>>
    %dma_start3A_126 = tpu.memref_slice %arg4[%multiple_of3A_121] : memref<12582912xf32, #tpu.memory_space<hbm>> -> memref<2048xf32, #tpu.memory_space<hbm>>
    %dma_start3A_127 = arith.constant 4096 : i32
    %dma_start3A_128 = tpu.memref_slice %arg6[%dma_start3A_122, %dma_start3A_127] : memref<4x6144xf32, #tpu.memory_space<vmem>> -> memref<1x2048xf32, #tpu.memory_space<vmem>>
    %dma_start3A_129 = tpu.memref_squeeze %dma_start3A_128 : memref<1x2048xf32, #tpu.memory_space<vmem>> -> memref<2048xf32, #tpu.memory_space<vmem>>
    %dma_start3A_130 = tpu.memref_slice %arg4[%multiple_of3A_121] : memref<12582912xf32, #tpu.memory_space<hbm>> -> memref<2048xf32, #tpu.memory_space<hbm>>
    tpu.enqueue_dma source(%dma_start3A_130 : memref<2048xf32, #tpu.memory_space<hbm>>) target(%dma_start3A_129 : memref<2048xf32, #tpu.memory_space<vmem>>) target_semaphore(%arg10 : memref<!tpu.dma_semaphore, #tpu.memory_space<semaphore_mem>>)
    %scan3A = arith.constant 0 : i32
    %scan3A_131 = arith.constant 64 : i32
    %scan3A_132 = arith.addi %scan3A, %scan3A_131 : i32
    %scan3A_133 = arith.constant 1 : i32
    scf.for %scan3A_280 = %scan3A to %scan3A_132 step %scan3A_133  : i32 {
      %mul3A_281 = arith.constant 1 : i32
      %mul3A_282 = arith.muli %scan3A_280, %mul3A_281 : i32
      %add3A_283 = arith.constant 0 : i32
      %add3A_284 = arith.addi %add3A_283, %mul3A_282 : i32
      %and3A_285 = arith.constant 3 : i32
      %and3A_286 = arith.andi %add3A_284, %and3A_285 : i32
      %mul3A_287 = arith.constant 131072 : i32
      %mul3A_288 = arith.muli %add3A, %mul3A_287 : i32
      %mul3A_289 = arith.constant 2048 : i32
      %mul3A_290 = arith.muli %add3A_284, %mul3A_289 : i32
      %add3A_291 = arith.addi %mul3A_288, %mul3A_290 : i32
      %multiple_of3A_292 = tpu.assume_multiple %add3A_291, 2048 : i32
      %jit3A_293 = arith.constant 16384 : i32
      %div3A_294 = arith.divsi %multiple_of3A_292, %jit3A_293 : i32
      %sign3A_295 = arith.constant 0 : i32
      %sign3A_296 = arith.cmpi sgt, %multiple_of3A_292, %sign3A_295 : i32
      %sign3A_297 = arith.extui %sign3A_296 : i1 to i32
      %sign3A_298 = arith.constant 0 : i32
      %sign3A_299 = arith.cmpi slt, %multiple_of3A_292, %sign3A_298 : i32
      %sign3A_300 = arith.extui %sign3A_299 : i1 to i32
      %sign3A_301 = arith.subi %sign3A_297, %sign3A_300 : i32
      %sign3A_302 = arith.constant 0 : i32
      %sign3A_303 = arith.cmpi sgt, %jit3A_293, %sign3A_302 : i32
      %sign3A_304 = arith.extui %sign3A_303 : i1 to i32
      %sign3A_305 = arith.constant 0 : i32
      %sign3A_306 = arith.cmpi slt, %jit3A_293, %sign3A_305 : i32
      %sign3A_307 = arith.extui %sign3A_306 : i1 to i32
      %sign3A_308 = arith.subi %sign3A_304, %sign3A_307 : i32
      %ne3A_309 = arith.cmpi ne, %sign3A_301, %sign3A_308 : i32
      %rem3A_310 = arith.remsi %multiple_of3A_292, %jit3A_293 : i32
      %ne3A_311 = arith.constant 0 : i32
      %ne3A_312 = arith.cmpi ne, %rem3A_310, %ne3A_311 : i32
      %and3A_313 = arith.andi %ne3A_309, %ne3A_312 : i1
      %sub3A_314 = arith.constant 1 : i32
      %sub3A_315 = arith.subi %div3A_294, %sub3A_314 : i32
      %select_n3A_316 = arith.select %and3A_313, %sub3A_315, %div3A_294 : i32
      %mul3A_317 = arith.constant 16384 : i32
      %mul3A_318 = arith.muli %select_n3A_316, %mul3A_317 : i32
      %sub3A_319 = arith.subi %multiple_of3A_292, %mul3A_318 : i32
      %dma_wait3A_320 = arith.constant 0 : i32
      %dma_wait3A_321 = tpu.memref_slice %arg7[%and3A_286, %dma_wait3A_320] : memref<4x2048xi32, #tpu.memory_space<vmem>> -> memref<1x2048xi32, #tpu.memory_space<vmem>>
      %dma_wait3A_322 = tpu.memref_squeeze %dma_wait3A_321 : memref<1x2048xi32, #tpu.memory_space<vmem>> -> memref<2048xi32, #tpu.memory_space<vmem>>
      %dma_wait3A_323 = tpu.memref_slice %arg3[%multiple_of3A_292] : memref<4194304xi32, #tpu.memory_space<hbm>> -> memref<2048xi32, #tpu.memory_space<hbm>>
      %dma_wait3A_324 = arith.constant 0 : i32
      %dma_wait3A_325 = tpu.memref_slice %arg7[%and3A_286, %dma_wait3A_324] : memref<4x2048xi32, #tpu.memory_space<vmem>> -> memref<1x2048xi32, #tpu.memory_space<vmem>>
      %dma_wait3A_326 = tpu.memref_squeeze %dma_wait3A_325 : memref<1x2048xi32, #tpu.memory_space<vmem>> -> memref<2048xi32, #tpu.memory_space<vmem>>
      %dma_wait3A_327 = tpu.memref_slice %arg3[%multiple_of3A_292] : memref<4194304xi32, #tpu.memory_space<hbm>> -> memref<2048xi32, #tpu.memory_space<hbm>>
      tpu.wait_dma2 semaphore(%arg10 : memref<!tpu.dma_semaphore, #tpu.memory_space<semaphore_mem>>) src(%dma_wait3A_327 : memref<2048xi32, #tpu.memory_space<hbm>>) dst(%dma_wait3A_326 : memref<2048xi32, #tpu.memory_space<vmem>>)
      %mul3A_328 = arith.constant 3 : i32
      %mul3A_329 = arith.muli %select_n3A_316, %mul3A_328 : i32
      %add3A_330 = arith.constant 0 : i32
      %add3A_331 = arith.addi %mul3A_329, %add3A_330 : i32
      %mul3A_332 = arith.constant 16384 : i32
      %mul3A_333 = arith.muli %add3A_331, %mul3A_332 : i32
      %add3A_334 = arith.addi %mul3A_333, %sub3A_319 : i32
      %multiple_of3A_335 = tpu.assume_multiple %add3A_334, 2048 : i32
      %dma_wait3A_336 = arith.constant 0 : i32
      %dma_wait3A_337 = tpu.memref_slice %arg6[%and3A_286, %dma_wait3A_336] : memref<4x6144xf32, #tpu.memory_space<vmem>> -> memref<1x2048xf32, #tpu.memory_space<vmem>>
      %dma_wait3A_338 = tpu.memref_squeeze %dma_wait3A_337 : memref<1x2048xf32, #tpu.memory_space<vmem>> -> memref<2048xf32, #tpu.memory_space<vmem>>
      %dma_wait3A_339 = tpu.memref_slice %arg4[%multiple_of3A_335] : memref<12582912xf32, #tpu.memory_space<hbm>> -> memref<2048xf32, #tpu.memory_space<hbm>>
      %dma_wait3A_340 = arith.constant 0 : i32
      %dma_wait3A_341 = tpu.memref_slice %arg6[%and3A_286, %dma_wait3A_340] : memref<4x6144xf32, #tpu.memory_space<vmem>> -> memref<1x2048xf32, #tpu.memory_space<vmem>>
      %dma_wait3A_342 = tpu.memref_squeeze %dma_wait3A_341 : memref<1x2048xf32, #tpu.memory_space<vmem>> -> memref<2048xf32, #tpu.memory_space<vmem>>
      %dma_wait3A_343 = tpu.memref_slice %arg4[%multiple_of3A_335] : memref<12582912xf32, #tpu.memory_space<hbm>> -> memref<2048xf32, #tpu.memory_space<hbm>>
      tpu.wait_dma2 semaphore(%arg10 : memref<!tpu.dma_semaphore, #tpu.memory_space<semaphore_mem>>) src(%dma_wait3A_343 : memref<2048xf32, #tpu.memory_space<hbm>>) dst(%dma_wait3A_342 : memref<2048xf32, #tpu.memory_space<vmem>>)
      %mul3A_344 = arith.constant 3 : i32
      %mul3A_345 = arith.muli %select_n3A_316, %mul3A_344 : i32
      %add3A_346 = arith.constant 1 : i32
      %add3A_347 = arith.addi %mul3A_345, %add3A_346 : i32
      %mul3A_348 = arith.constant 16384 : i32
      %mul3A_349 = arith.muli %add3A_347, %mul3A_348 : i32
      %add3A_350 = arith.addi %mul3A_349, %sub3A_319 : i32
      %multiple_of3A_351 = tpu.assume_multiple %add3A_350, 2048 : i32
      %dma_wait3A_352 = arith.constant 2048 : i32
      %dma_wait3A_353 = tpu.memref_slice %arg6[%and3A_286, %dma_wait3A_352] : memref<4x6144xf32, #tpu.memory_space<vmem>> -> memref<1x2048xf32, #tpu.memory_space<vmem>>
      %dma_wait3A_354 = tpu.memref_squeeze %dma_wait3A_353 : memref<1x2048xf32, #tpu.memory_space<vmem>> -> memref<2048xf32, #tpu.memory_space<vmem>>
      %dma_wait3A_355 = tpu.memref_slice %arg4[%multiple_of3A_351] : memref<12582912xf32, #tpu.memory_space<hbm>> -> memref<2048xf32, #tpu.memory_space<hbm>>
      %dma_wait3A_356 = arith.constant 2048 : i32
      %dma_wait3A_357 = tpu.memref_slice %arg6[%and3A_286, %dma_wait3A_356] : memref<4x6144xf32, #tpu.memory_space<vmem>> -> memref<1x2048xf32, #tpu.memory_space<vmem>>
      %dma_wait3A_358 = tpu.memref_squeeze %dma_wait3A_357 : memref<1x2048xf32, #tpu.memory_space<vmem>> -> memref<2048xf32, #tpu.memory_space<vmem>>
      %dma_wait3A_359 = tpu.memref_slice %arg4[%multiple_of3A_351] : memref<12582912xf32, #tpu.memory_space<hbm>> -> memref<2048xf32, #tpu.memory_space<hbm>>
      tpu.wait_dma2 semaphore(%arg10 : memref<!tpu.dma_semaphore, #tpu.memory_space<semaphore_mem>>) src(%dma_wait3A_359 : memref<2048xf32, #tpu.memory_space<hbm>>) dst(%dma_wait3A_358 : memref<2048xf32, #tpu.memory_space<vmem>>)
      %mul3A_360 = arith.constant 3 : i32
      %mul3A_361 = arith.muli %select_n3A_316, %mul3A_360 : i32
      %add3A_362 = arith.constant 2 : i32
      %add3A_363 = arith.addi %mul3A_361, %add3A_362 : i32
      %mul3A_364 = arith.constant 16384 : i32
      %mul3A_365 = arith.muli %add3A_363, %mul3A_364 : i32
      %add3A_366 = arith.addi %mul3A_365, %sub3A_319 : i32
      %multiple_of3A_367 = tpu.assume_multiple %add3A_366, 2048 : i32
      %dma_wait3A_368 = arith.constant 4096 : i32
      %dma_wait3A_369 = tpu.memref_slice %arg6[%and3A_286, %dma_wait3A_368] : memref<4x6144xf32, #tpu.memory_space<vmem>> -> memref<1x2048xf32, #tpu.memory_space<vmem>>
      %dma_wait3A_370 = tpu.memref_squeeze %dma_wait3A_369 : memref<1x2048xf32, #tpu.memory_space<vmem>> -> memref<2048xf32, #tpu.memory_space<vmem>>
      %dma_wait3A_371 = tpu.memref_slice %arg4[%multiple_of3A_367] : memref<12582912xf32, #tpu.memory_space<hbm>> -> memref<2048xf32, #tpu.memory_space<hbm>>
      %dma_wait3A_372 = arith.constant 4096 : i32
      %dma_wait3A_373 = tpu.memref_slice %arg6[%and3A_286, %dma_wait3A_372] : memref<4x6144xf32, #tpu.memory_space<vmem>> -> memref<1x2048xf32, #tpu.memory_space<vmem>>
      %dma_wait3A_374 = tpu.memref_squeeze %dma_wait3A_373 : memref<1x2048xf32, #tpu.memory_space<vmem>> -> memref<2048xf32, #tpu.memory_space<vmem>>
      %dma_wait3A_375 = tpu.memref_slice %arg4[%multiple_of3A_367] : memref<12582912xf32, #tpu.memory_space<hbm>> -> memref<2048xf32, #tpu.memory_space<hbm>>
      tpu.wait_dma2 semaphore(%arg10 : memref<!tpu.dma_semaphore, #tpu.memory_space<semaphore_mem>>) src(%dma_wait3A_375 : memref<2048xf32, #tpu.memory_space<hbm>>) dst(%dma_wait3A_374 : memref<2048xf32, #tpu.memory_space<vmem>>)
      %dma_start3A_376 = arith.constant 0 : i32
      %dma_start3A_377 = arith.constant 0 : i32
      %dma_start3A_378 = tpu.memref_slice %arg8[%and3A_286, %dma_start3A_376, %dma_start3A_377] : memref<4x2048x8xf32, #tpu.memory_space<vmem>> -> memref<1x2048x8xf32, #tpu.memory_space<vmem>>
      %dma_start3A_379 = tpu.memref_squeeze %dma_start3A_378 : memref<1x2048x8xf32, #tpu.memory_space<vmem>> -> memref<2048x8xf32, #tpu.memory_space<vmem>>
      %dma_start3A_380 = arith.constant 0 : i32
      %dma_start3A_381 = tpu.memref_slice %arg7[%and3A_286, %dma_start3A_380] : memref<4x2048xi32, #tpu.memory_space<vmem>> -> memref<1x2048xi32, #tpu.memory_space<vmem>>
      %dma_start3A_382 = tpu.memref_squeeze %dma_start3A_381 : memref<1x2048xi32, #tpu.memory_space<vmem>> -> memref<2048xi32, #tpu.memory_space<vmem>>
      %dma_start3A_383 = arith.constant 0 : i32
      %dma_start3A_384 = arith.constant 0 : i32
      %dma_start3A_385 = tpu.memref_slice %arg2[%dma_start3A_383, %dma_start3A_384] : memref<4194304x8xf32, #tpu.memory_space<hbm>> -> memref<4194304x8xf32, #tpu.memory_space<hbm>>
      tpu.enqueue_indirect_dma source(%dma_start3A_385 : memref<4194304x8xf32, #tpu.memory_space<hbm>>) target(%dma_start3A_379 : memref<2048x8xf32, #tpu.memory_space<vmem>>) offsets(%dma_start3A_382 : memref<2048xi32, #tpu.memory_space<vmem>>) semaphore(%arg11 : memref<!tpu.dma_semaphore, #tpu.memory_space<semaphore_mem>>)
      %add3A_386 = arith.constant 1 : i32
      %add3A_387 = arith.addi %add3A_284, %add3A_386 : i32
      %lt3A = arith.constant 64 : i32
      %lt3A_388 = arith.cmpi slt, %add3A_387, %lt3A : i32
      %convert_element_type3A = arith.extui %lt3A_388 : i1 to i32
      %cond3A = arith.constant 0 : i32
      %cond3A_389 = arith.cmpi ne, %convert_element_type3A, %cond3A : i32
      scf.if %cond3A_389 {
        %add3A_394 = arith.constant 1 : i32
        %add3A_395 = arith.addi %add3A_284, %add3A_394 : i32
        %add3A_396 = arith.constant 1 : i32
        %add3A_397 = arith.addi %add3A_284, %add3A_396 : i32
        %and3A_398 = arith.constant 3 : i32
        %and3A_399 = arith.andi %add3A_397, %and3A_398 : i32
        %mul3A_400 = arith.constant 131072 : i32
        %mul3A_401 = arith.muli %add3A, %mul3A_400 : i32
        %mul3A_402 = arith.constant 2048 : i32
        %mul3A_403 = arith.muli %add3A_395, %mul3A_402 : i32
        %add3A_404 = arith.addi %mul3A_401, %mul3A_403 : i32
        %multiple_of3A_405 = tpu.assume_multiple %add3A_404, 2048 : i32
        %jit3A_406 = arith.constant 16384 : i32
        %div3A_407 = arith.divsi %multiple_of3A_405, %jit3A_406 : i32
        %sign3A_408 = arith.constant 0 : i32
        %sign3A_409 = arith.cmpi sgt, %multiple_of3A_405, %sign3A_408 : i32
        %sign3A_410 = arith.extui %sign3A_409 : i1 to i32
        %sign3A_411 = arith.constant 0 : i32
        %sign3A_412 = arith.cmpi slt, %multiple_of3A_405, %sign3A_411 : i32
        %sign3A_413 = arith.extui %sign3A_412 : i1 to i32
        %sign3A_414 = arith.subi %sign3A_410, %sign3A_413 : i32
        %sign3A_415 = arith.constant 0 : i32
        %sign3A_416 = arith.cmpi sgt, %jit3A_406, %sign3A_415 : i32
        %sign3A_417 = arith.extui %sign3A_416 : i1 to i32
        %sign3A_418 = arith.constant 0 : i32
        %sign3A_419 = arith.cmpi slt, %jit3A_406, %sign3A_418 : i32
        %sign3A_420 = arith.extui %sign3A_419 : i1 to i32
        %sign3A_421 = arith.subi %sign3A_417, %sign3A_420 : i32
        %ne3A_422 = arith.cmpi ne, %sign3A_414, %sign3A_421 : i32
        %rem3A_423 = arith.remsi %multiple_of3A_405, %jit3A_406 : i32
        %ne3A_424 = arith.constant 0 : i32
        %ne3A_425 = arith.cmpi ne, %rem3A_423, %ne3A_424 : i32
        %and3A_426 = arith.andi %ne3A_422, %ne3A_425 : i1
        %sub3A_427 = arith.constant 1 : i32
        %sub3A_428 = arith.subi %div3A_407, %sub3A_427 : i32
        %select_n3A_429 = arith.select %and3A_426, %sub3A_428, %div3A_407 : i32
        %mul3A_430 = arith.constant 16384 : i32
        %mul3A_431 = arith.muli %select_n3A_429, %mul3A_430 : i32
        %sub3A_432 = arith.subi %multiple_of3A_405, %mul3A_431 : i32
        %dma_start3A_433 = arith.constant 0 : i32
        %dma_start3A_434 = tpu.memref_slice %arg7[%and3A_399, %dma_start3A_433] : memref<4x2048xi32, #tpu.memory_space<vmem>> -> memref<1x2048xi32, #tpu.memory_space<vmem>>
        %dma_start3A_435 = tpu.memref_squeeze %dma_start3A_434 : memref<1x2048xi32, #tpu.memory_space<vmem>> -> memref<2048xi32, #tpu.memory_space<vmem>>
        %dma_start3A_436 = tpu.memref_slice %arg3[%multiple_of3A_405] : memref<4194304xi32, #tpu.memory_space<hbm>> -> memref<2048xi32, #tpu.memory_space<hbm>>
        %dma_start3A_437 = arith.constant 0 : i32
        %dma_start3A_438 = tpu.memref_slice %arg7[%and3A_399, %dma_start3A_437] : memref<4x2048xi32, #tpu.memory_space<vmem>> -> memref<1x2048xi32, #tpu.memory_space<vmem>>
        %dma_start3A_439 = tpu.memref_squeeze %dma_start3A_438 : memref<1x2048xi32, #tpu.memory_space<vmem>> -> memref<2048xi32, #tpu.memory_space<vmem>>
        %dma_start3A_440 = tpu.memref_slice %arg3[%multiple_of3A_405] : memref<4194304xi32, #tpu.memory_space<hbm>> -> memref<2048xi32, #tpu.memory_space<hbm>>
        tpu.enqueue_dma source(%dma_start3A_440 : memref<2048xi32, #tpu.memory_space<hbm>>) target(%dma_start3A_439 : memref<2048xi32, #tpu.memory_space<vmem>>) target_semaphore(%arg10 : memref<!tpu.dma_semaphore, #tpu.memory_space<semaphore_mem>>)
        %mul3A_441 = arith.constant 3 : i32
        %mul3A_442 = arith.muli %select_n3A_429, %mul3A_441 : i32
        %add3A_443 = arith.constant 0 : i32
        %add3A_444 = arith.addi %mul3A_442, %add3A_443 : i32
        %mul3A_445 = arith.constant 16384 : i32
        %mul3A_446 = arith.muli %add3A_444, %mul3A_445 : i32
        %add3A_447 = arith.addi %mul3A_446, %sub3A_432 : i32
        %multiple_of3A_448 = tpu.assume_multiple %add3A_447, 2048 : i32
        %dma_start3A_449 = arith.constant 0 : i32
        %dma_start3A_450 = tpu.memref_slice %arg6[%and3A_399, %dma_start3A_449] : memref<4x6144xf32, #tpu.memory_space<vmem>> -> memref<1x2048xf32, #tpu.memory_space<vmem>>
        %dma_start3A_451 = tpu.memref_squeeze %dma_start3A_450 : memref<1x2048xf32, #tpu.memory_space<vmem>> -> memref<2048xf32, #tpu.memory_space<vmem>>
        %dma_start3A_452 = tpu.memref_slice %arg4[%multiple_of3A_448] : memref<12582912xf32, #tpu.memory_space<hbm>> -> memref<2048xf32, #tpu.memory_space<hbm>>
        %dma_start3A_453 = arith.constant 0 : i32
        %dma_start3A_454 = tpu.memref_slice %arg6[%and3A_399, %dma_start3A_453] : memref<4x6144xf32, #tpu.memory_space<vmem>> -> memref<1x2048xf32, #tpu.memory_space<vmem>>
        %dma_start3A_455 = tpu.memref_squeeze %dma_start3A_454 : memref<1x2048xf32, #tpu.memory_space<vmem>> -> memref<2048xf32, #tpu.memory_space<vmem>>
        %dma_start3A_456 = tpu.memref_slice %arg4[%multiple_of3A_448] : memref<12582912xf32, #tpu.memory_space<hbm>> -> memref<2048xf32, #tpu.memory_space<hbm>>
        tpu.enqueue_dma source(%dma_start3A_456 : memref<2048xf32, #tpu.memory_space<hbm>>) target(%dma_start3A_455 : memref<2048xf32, #tpu.memory_space<vmem>>) target_semaphore(%arg10 : memref<!tpu.dma_semaphore, #tpu.memory_space<semaphore_mem>>)
        %mul3A_457 = arith.constant 3 : i32
        %mul3A_458 = arith.muli %select_n3A_429, %mul3A_457 : i32
        %add3A_459 = arith.constant 1 : i32
        %add3A_460 = arith.addi %mul3A_458, %add3A_459 : i32
        %mul3A_461 = arith.constant 16384 : i32
        %mul3A_462 = arith.muli %add3A_460, %mul3A_461 : i32
        %add3A_463 = arith.addi %mul3A_462, %sub3A_432 : i32
        %multiple_of3A_464 = tpu.assume_multiple %add3A_463, 2048 : i32
        %dma_start3A_465 = arith.constant 2048 : i32
        %dma_start3A_466 = tpu.memref_slice %arg6[%and3A_399, %dma_start3A_465] : memref<4x6144xf32, #tpu.memory_space<vmem>> -> memref<1x2048xf32, #tpu.memory_space<vmem>>
        %dma_start3A_467 = tpu.memref_squeeze %dma_start3A_466 : memref<1x2048xf32, #tpu.memory_space<vmem>> -> memref<2048xf32, #tpu.memory_space<vmem>>
        %dma_start3A_468 = tpu.memref_slice %arg4[%multiple_of3A_464] : memref<12582912xf32, #tpu.memory_space<hbm>> -> memref<2048xf32, #tpu.memory_space<hbm>>
        %dma_start3A_469 = arith.constant 2048 : i32
        %dma_start3A_470 = tpu.memref_slice %arg6[%and3A_399, %dma_start3A_469] : memref<4x6144xf32, #tpu.memory_space<vmem>> -> memref<1x2048xf32, #tpu.memory_space<vmem>>
        %dma_start3A_471 = tpu.memref_squeeze %dma_start3A_470 : memref<1x2048xf32, #tpu.memory_space<vmem>> -> memref<2048xf32, #tpu.memory_space<vmem>>
        %dma_start3A_472 = tpu.memref_slice %arg4[%multiple_of3A_464] : memref<12582912xf32, #tpu.memory_space<hbm>> -> memref<2048xf32, #tpu.memory_space<hbm>>
        tpu.enqueue_dma source(%dma_start3A_472 : memref<2048xf32, #tpu.memory_space<hbm>>) target(%dma_start3A_471 : memref<2048xf32, #tpu.memory_space<vmem>>) target_semaphore(%arg10 : memref<!tpu.dma_semaphore, #tpu.memory_space<semaphore_mem>>)
        %mul3A_473 = arith.constant 3 : i32
        %mul3A_474 = arith.muli %select_n3A_429, %mul3A_473 : i32
        %add3A_475 = arith.constant 2 : i32
        %add3A_476 = arith.addi %mul3A_474, %add3A_475 : i32
        %mul3A_477 = arith.constant 16384 : i32
        %mul3A_478 = arith.muli %add3A_476, %mul3A_477 : i32
        %add3A_479 = arith.addi %mul3A_478, %sub3A_432 : i32
        %multiple_of3A_480 = tpu.assume_multiple %add3A_479, 2048 : i32
        %dma_start3A_481 = arith.constant 4096 : i32
        %dma_start3A_482 = tpu.memref_slice %arg6[%and3A_399, %dma_start3A_481] : memref<4x6144xf32, #tpu.memory_space<vmem>> -> memref<1x2048xf32, #tpu.memory_space<vmem>>
        %dma_start3A_483 = tpu.memref_squeeze %dma_start3A_482 : memref<1x2048xf32, #tpu.memory_space<vmem>> -> memref<2048xf32, #tpu.memory_space<vmem>>
        %dma_start3A_484 = tpu.memref_slice %arg4[%multiple_of3A_480] : memref<12582912xf32, #tpu.memory_space<hbm>> -> memref<2048xf32, #tpu.memory_space<hbm>>
        %dma_start3A_485 = arith.constant 4096 : i32
        %dma_start3A_486 = tpu.memref_slice %arg6[%and3A_399, %dma_start3A_485] : memref<4x6144xf32, #tpu.memory_space<vmem>> -> memref<1x2048xf32, #tpu.memory_space<vmem>>
        %dma_start3A_487 = tpu.memref_squeeze %dma_start3A_486 : memref<1x2048xf32, #tpu.memory_space<vmem>> -> memref<2048xf32, #tpu.memory_space<vmem>>
        %dma_start3A_488 = tpu.memref_slice %arg4[%multiple_of3A_480] : memref<12582912xf32, #tpu.memory_space<hbm>> -> memref<2048xf32, #tpu.memory_space<hbm>>
        tpu.enqueue_dma source(%dma_start3A_488 : memref<2048xf32, #tpu.memory_space<hbm>>) target(%dma_start3A_487 : memref<2048xf32, #tpu.memory_space<vmem>>) target_semaphore(%arg10 : memref<!tpu.dma_semaphore, #tpu.memory_space<semaphore_mem>>)
      } else {
      }
      %ge3A = arith.constant 2 : i32
      %ge3A_390 = arith.cmpi sge, %add3A_284, %ge3A : i32
      %convert_element_type3A_391 = arith.extui %ge3A_390 : i1 to i32
      %cond3A_392 = arith.constant 0 : i32
      %cond3A_393 = arith.cmpi ne, %convert_element_type3A_391, %cond3A_392 : i32
      scf.if %cond3A_393 {
        %sub3A_394 = arith.constant 2 : i32
        %sub3A_395 = arith.subi %add3A_284, %sub3A_394 : i32
        %and3A_396 = arith.constant 3 : i32
        %and3A_397 = arith.andi %sub3A_395, %and3A_396 : i32
        %dma_wait3A_398 = arith.constant 0 : i32
        %dma_wait3A_399 = arith.constant 0 : i32
        %dma_wait3A_400 = tpu.memref_slice %arg8[%and3A_397, %dma_wait3A_398, %dma_wait3A_399] : memref<4x2048x8xf32, #tpu.memory_space<vmem>> -> memref<1x2048x8xf32, #tpu.memory_space<vmem>>
        %dma_wait3A_401 = tpu.memref_squeeze %dma_wait3A_400 : memref<1x2048x8xf32, #tpu.memory_space<vmem>> -> memref<2048x8xf32, #tpu.memory_space<vmem>>
        %dma_wait3A_402 = arith.constant 0 : i32
        %dma_wait3A_403 = tpu.memref_slice %arg7[%and3A_397, %dma_wait3A_402] : memref<4x2048xi32, #tpu.memory_space<vmem>> -> memref<1x2048xi32, #tpu.memory_space<vmem>>
        %dma_wait3A_404 = tpu.memref_squeeze %dma_wait3A_403 : memref<1x2048xi32, #tpu.memory_space<vmem>> -> memref<2048xi32, #tpu.memory_space<vmem>>
        %dma_wait3A_405 = arith.constant 0 : i32
        %dma_wait3A_406 = arith.constant 0 : i32
        %dma_wait3A_407 = tpu.memref_slice %arg2[%dma_wait3A_405, %dma_wait3A_406] : memref<4194304x8xf32, #tpu.memory_space<hbm>> -> memref<4194304x8xf32, #tpu.memory_space<hbm>>
        tpu.wait_indirect_dma semaphore(%arg11 : memref<!tpu.dma_semaphore, #tpu.memory_space<semaphore_mem>>) src(%dma_wait3A_407 : memref<4194304x8xf32, #tpu.memory_space<hbm>>) dst(%dma_wait3A_401 : memref<2048x8xf32, #tpu.memory_space<vmem>>)
        %ge3A_408 = arith.constant 6 : i32
        %ge3A_409 = arith.cmpi sge, %add3A_284, %ge3A_408 : i32
        %convert_element_type3A_410 = arith.extui %ge3A_409 : i1 to i32
        %cond3A_411 = arith.constant 0 : i32
        %cond3A_412 = arith.cmpi ne, %convert_element_type3A_410, %cond3A_411 : i32
        scf.if %cond3A_412 {
          %sub3A_436 = arith.constant 6 : i32
          %sub3A_437 = arith.subi %add3A_284, %sub3A_436 : i32
          %sub3A_438 = arith.constant 6 : i32
          %sub3A_439 = arith.subi %add3A_284, %sub3A_438 : i32
          %and3A_440 = arith.constant 3 : i32
          %and3A_441 = arith.andi %sub3A_439, %and3A_440 : i32
          %mul3A_442 = arith.constant 131072 : i32
          %mul3A_443 = arith.muli %add3A, %mul3A_442 : i32
          %mul3A_444 = arith.constant 2048 : i32
          %mul3A_445 = arith.muli %sub3A_437, %mul3A_444 : i32
          %add3A_446 = arith.addi %mul3A_443, %mul3A_445 : i32
          %multiple_of3A_447 = tpu.assume_multiple %add3A_446, 2048 : i32
          %dma_wait3A_448 = arith.constant 0 : i32
          %dma_wait3A_449 = tpu.memref_slice %arg9[%and3A_441, %dma_wait3A_448] : memref<4x2048xf32, #tpu.memory_space<vmem>> -> memref<1x2048xf32, #tpu.memory_space<vmem>>
          %dma_wait3A_450 = tpu.memref_squeeze %dma_wait3A_449 : memref<1x2048xf32, #tpu.memory_space<vmem>> -> memref<2048xf32, #tpu.memory_space<vmem>>
          %dma_wait3A_451 = tpu.memref_slice %arg5[%multiple_of3A_447] : memref<4194304xf32, #tpu.memory_space<hbm>> -> memref<2048xf32, #tpu.memory_space<hbm>>
          %dma_wait3A_452 = tpu.memref_slice %arg5[%multiple_of3A_447] : memref<4194304xf32, #tpu.memory_space<hbm>> -> memref<2048xf32, #tpu.memory_space<hbm>>
          %dma_wait3A_453 = arith.constant 0 : i32
          %dma_wait3A_454 = tpu.memref_slice %arg9[%and3A_441, %dma_wait3A_453] : memref<4x2048xf32, #tpu.memory_space<vmem>> -> memref<1x2048xf32, #tpu.memory_space<vmem>>
          %dma_wait3A_455 = tpu.memref_squeeze %dma_wait3A_454 : memref<1x2048xf32, #tpu.memory_space<vmem>> -> memref<2048xf32, #tpu.memory_space<vmem>>
          tpu.wait_dma2 semaphore(%arg12 : memref<!tpu.dma_semaphore, #tpu.memory_space<semaphore_mem>>) src(%dma_wait3A_455 : memref<2048xf32, #tpu.memory_space<vmem>>) dst(%dma_wait3A_452 : memref<2048xf32, #tpu.memory_space<hbm>>)
        } else {
        }
        %sub3A_413 = arith.constant 2 : i32
        %sub3A_414 = arith.subi %add3A_284, %sub3A_413 : i32
        %scan3A_415 = arith.constant 0 : i32
        %scan3A_416 = arith.constant 128 : i32
        %scan3A_417 = arith.addi %scan3A_415, %scan3A_416 : i32
        %scan3A_418 = arith.constant 4 : i32
        scf.for %scan3A_436 = %scan3A_415 to %scan3A_417 step %scan3A_418  : i32 {
          %mul3A_437 = arith.constant 1 : i32
          %mul3A_438 = arith.muli %scan3A_436, %mul3A_437 : i32
          %add3A_439 = arith.constant 0 : i32
          %add3A_440 = arith.addi %add3A_439, %mul3A_438 : i32
          %mul3A_441 = arith.constant 16 : i32
          %mul3A_442 = arith.muli %add3A_440, %mul3A_441 : i32
          %multiple_of3A_443 = tpu.assume_multiple %mul3A_442, 16 : i32
          %add3A_444 = arith.constant 0 : i32
          %add3A_445 = arith.addi %add3A_444, %multiple_of3A_443 : i32
          %get3A = arith.index_cast %and3A_397 : i32 to index
          %get3A_446 = arith.index_cast %add3A_445 : i32 to index
          %get3A_447 = tpu.vector_load %arg6[%get3A, %get3A_446] {strides = array<i32>} : memref<4x6144xf32, #tpu.memory_space<vmem>>, vector<16xf32>,
          %add3A_448 = arith.constant 2048 : i32
          %add3A_449 = arith.addi %add3A_448, %multiple_of3A_443 : i32
          %get3A_450 = arith.index_cast %and3A_397 : i32 to index
          %get3A_451 = arith.index_cast %add3A_449 : i32 to index
          %get3A_452 = tpu.vector_load %arg6[%get3A_450, %get3A_451] {strides = array<i32>} : memref<4x6144xf32, #tpu.memory_space<vmem>>, vector<16xf32>,
          %add3A_453 = arith.constant 4096 : i32
          %add3A_454 = arith.addi %add3A_453, %multiple_of3A_443 : i32
          %get3A_455 = arith.index_cast %and3A_397 : i32 to index
          %get3A_456 = arith.index_cast %add3A_454 : i32 to index
          %get3A_457 = tpu.vector_load %arg6[%get3A_455, %get3A_456] {strides = array<i32>} : memref<4x6144xf32, #tpu.memory_space<vmem>>, vector<16xf32>,
          %sub3A_458 = arith.constant 1.000000e+00 : f32
          %sub3A_459 = vector.broadcast %sub3A_458 : f32 to vector<16xf32>
          %sub3A_460 = arith.subf %sub3A_459, %get3A_447 : vector<16xf32>
          %sub3A_461 = arith.constant 1.000000e+00 : f32
          %sub3A_462 = vector.broadcast %sub3A_461 : f32 to vector<16xf32>
          %sub3A_463 = arith.subf %sub3A_462, %get3A_452 : vector<16xf32>
          %sub3A_464 = arith.constant 1.000000e+00 : f32
          %sub3A_465 = vector.broadcast %sub3A_464 : f32 to vector<16xf32>
          %sub3A_466 = arith.subf %sub3A_465, %get3A_457 : vector<16xf32>
          %add3A_467 = vector.broadcast %multiple_of3A_443 : i32 to vector<16xi32>
          %add3A_468 = arith.addi %add3A_467, %iota3A : vector<16xi32>
          %gather3A = arith.constant 0 : i32
          %gather3A_469 = arith.constant 0 : i32
          %gather3A_470 = tpu.memref_slice %arg8[%and3A_397, %gather3A, %gather3A_469] : memref<4x2048x8xf32, #tpu.memory_space<vmem>> -> memref<1x2048x8xf32, #tpu.memory_space<vmem>>
          %gather3A_471 = tpu.memref_squeeze %gather3A_470 : memref<1x2048x8xf32, #tpu.memory_space<vmem>> -> memref<2048x8xf32, #tpu.memory_space<vmem>>
          %gather3A_472 = tpu.vector_load_idx %gather3A_471[%add3A_468, %add3A_6] : memref<2048x8xf32, #tpu.memory_space<vmem>>[vector<16xi32>, vector<16xi32>], vector<16xf32>,
          %gather3A_473 = arith.constant 0 : i32
          %gather3A_474 = arith.constant 0 : i32
          %gather3A_475 = tpu.memref_slice %arg8[%and3A_397, %gather3A_473, %gather3A_474] : memref<4x2048x8xf32, #tpu.memory_space<vmem>> -> memref<1x2048x8xf32, #tpu.memory_space<vmem>>
          %gather3A_476 = tpu.memref_squeeze %gather3A_475 : memref<1x2048x8xf32, #tpu.memory_space<vmem>> -> memref<2048x8xf32, #tpu.memory_space<vmem>>
          %gather3A_477 = tpu.vector_load_idx %gather3A_476[%add3A_468, %add3A_12] : memref<2048x8xf32, #tpu.memory_space<vmem>>[vector<16xi32>, vector<16xi32>], vector<16xf32>,
          %gather3A_478 = arith.constant 0 : i32
          %gather3A_479 = arith.constant 0 : i32
          %gather3A_480 = tpu.memref_slice %arg8[%and3A_397, %gather3A_478, %gather3A_479] : memref<4x2048x8xf32, #tpu.memory_space<vmem>> -> memref<1x2048x8xf32, #tpu.memory_space<vmem>>
          %gather3A_481 = tpu.memref_squeeze %gather3A_480 : memref<1x2048x8xf32, #tpu.memory_space<vmem>> -> memref<2048x8xf32, #tpu.memory_space<vmem>>
          %gather3A_482 = tpu.vector_load_idx %gather3A_481[%add3A_468, %add3A_18] : memref<2048x8xf32, #tpu.memory_space<vmem>>[vector<16xi32>, vector<16xi32>], vector<16xf32>,
          %gather3A_483 = arith.constant 0 : i32
          %gather3A_484 = arith.constant 0 : i32
          %gather3A_485 = tpu.memref_slice %arg8[%and3A_397, %gather3A_483, %gather3A_484] : memref<4x2048x8xf32, #tpu.memory_space<vmem>> -> memref<1x2048x8xf32, #tpu.memory_space<vmem>>
          %gather3A_486 = tpu.memref_squeeze %gather3A_485 : memref<1x2048x8xf32, #tpu.memory_space<vmem>> -> memref<2048x8xf32, #tpu.memory_space<vmem>>
          %gather3A_487 = tpu.vector_load_idx %gather3A_486[%add3A_468, %add3A_24] : memref<2048x8xf32, #tpu.memory_space<vmem>>[vector<16xi32>, vector<16xi32>], vector<16xf32>,
          %gather3A_488 = arith.constant 0 : i32
          %gather3A_489 = arith.constant 0 : i32
          %gather3A_490 = tpu.memref_slice %arg8[%and3A_397, %gather3A_488, %gather3A_489] : memref<4x2048x8xf32, #tpu.memory_space<vmem>> -> memref<1x2048x8xf32, #tpu.memory_space<vmem>>
          %gather3A_491 = tpu.memref_squeeze %gather3A_490 : memref<1x2048x8xf32, #tpu.memory_space<vmem>> -> memref<2048x8xf32, #tpu.memory_space<vmem>>
          %gather3A_492 = tpu.vector_load_idx %gather3A_491[%add3A_468, %add3A_30] : memref<2048x8xf32, #tpu.memory_space<vmem>>[vector<16xi32>, vector<16xi32>], vector<16xf32>,
          %gather3A_493 = arith.constant 0 : i32
          %gather3A_494 = arith.constant 0 : i32
          %gather3A_495 = tpu.memref_slice %arg8[%and3A_397, %gather3A_493, %gather3A_494] : memref<4x2048x8xf32, #tpu.memory_space<vmem>> -> memref<1x2048x8xf32, #tpu.memory_space<vmem>>
          %gather3A_496 = tpu.memref_squeeze %gather3A_495 : memref<1x2048x8xf32, #tpu.memory_space<vmem>> -> memref<2048x8xf32, #tpu.memory_space<vmem>>
          %gather3A_497 = tpu.vector_load_idx %gather3A_496[%add3A_468, %add3A_36] : memref<2048x8xf32, #tpu.memory_space<vmem>>[vector<16xi32>, vector<16xi32>], vector<16xf32>,
          %gather3A_498 = arith.constant 0 : i32
          %gather3A_499 = arith.constant 0 : i32
          %gather3A_500 = tpu.memref_slice %arg8[%and3A_397, %gather3A_498, %gather3A_499] : memref<4x2048x8xf32, #tpu.memory_space<vmem>> -> memref<1x2048x8xf32, #tpu.memory_space<vmem>>
          %gather3A_501 = tpu.memref_squeeze %gather3A_500 : memref<1x2048x8xf32, #tpu.memory_space<vmem>> -> memref<2048x8xf32, #tpu.memory_space<vmem>>
          %gather3A_502 = tpu.vector_load_idx %gather3A_501[%add3A_468, %add3A_42] : memref<2048x8xf32, #tpu.memory_space<vmem>>[vector<16xi32>, vector<16xi32>], vector<16xf32>,
          %gather3A_503 = arith.constant 0 : i32
          %gather3A_504 = arith.constant 0 : i32
          %gather3A_505 = tpu.memref_slice %arg8[%and3A_397, %gather3A_503, %gather3A_504] : memref<4x2048x8xf32, #tpu.memory_space<vmem>> -> memref<1x2048x8xf32, #tpu.memory_space<vmem>>
          %gather3A_506 = tpu.memref_squeeze %gather3A_505 : memref<1x2048x8xf32, #tpu.memory_space<vmem>> -> memref<2048x8xf32, #tpu.memory_space<vmem>>
          %gather3A_507 = tpu.vector_load_idx %gather3A_506[%add3A_468, %add3A_48] : memref<2048x8xf32, #tpu.memory_space<vmem>>[vector<16xi32>, vector<16xi32>], vector<16xf32>,
          %mul3A_508 = arith.mulf %gather3A_472, %sub3A_460 : vector<16xf32>
          %mul3A_509 = arith.mulf %gather3A_477, %get3A_447 : vector<16xf32>
          %add3A_510 = arith.addf %mul3A_508, %mul3A_509 : vector<16xf32>
          %mul3A_511 = arith.mulf %gather3A_482, %sub3A_460 : vector<16xf32>
          %mul3A_512 = arith.mulf %gather3A_487, %get3A_447 : vector<16xf32>
          %add3A_513 = arith.addf %mul3A_511, %mul3A_512 : vector<16xf32>
          %mul3A_514 = arith.mulf %gather3A_492, %sub3A_460 : vector<16xf32>
          %mul3A_515 = arith.mulf %gather3A_497, %get3A_447 : vector<16xf32>
          %add3A_516 = arith.addf %mul3A_514, %mul3A_515 : vector<16xf32>
          %mul3A_517 = arith.mulf %gather3A_502, %sub3A_460 : vector<16xf32>
          %mul3A_518 = arith.mulf %gather3A_507, %get3A_447 : vector<16xf32>
          %add3A_519 = arith.addf %mul3A_517, %mul3A_518 : vector<16xf32>
          %mul3A_520 = arith.mulf %add3A_510, %sub3A_463 : vector<16xf32>
          %mul3A_521 = arith.mulf %add3A_513, %get3A_452 : vector<16xf32>
          %add3A_522 = arith.addf %mul3A_520, %mul3A_521 : vector<16xf32>
          %mul3A_523 = arith.mulf %add3A_522, %sub3A_466 : vector<16xf32>
          %mul3A_524 = arith.mulf %add3A_516, %sub3A_463 : vector<16xf32>
          %mul3A_525 = arith.mulf %add3A_519, %get3A_452 : vector<16xf32>
          %add3A_526 = arith.addf %mul3A_524, %mul3A_525 : vector<16xf32>
          %mul3A_527 = arith.mulf %add3A_526, %get3A_457 : vector<16xf32>
          %add3A_528 = arith.addf %mul3A_523, %mul3A_527 : vector<16xf32>
          %swap3A = arith.index_cast %and3A_397 : i32 to index
          %swap3A_529 = arith.index_cast %multiple_of3A_443 : i32 to index
          %swap3A_530 = tpu.vector_load %arg9[%swap3A, %swap3A_529] {strides = array<i32>} : memref<4x2048xf32, #tpu.memory_space<vmem>>, vector<16xf32>,
          tpu.vector_store %arg9[%swap3A, %swap3A_529], %add3A_528 {strides = array<i32>} : memref<4x2048xf32, #tpu.memory_space<vmem>>, vector<16xf32>,
          %scan3A_531 = arith.constant 1 : i32
          %scan3A_532 = arith.addi %scan3A_436, %scan3A_531 : i32
          %mul3A_533 = arith.constant 1 : i32
          %mul3A_534 = arith.muli %scan3A_532, %mul3A_533 : i32
          %add3A_535 = arith.constant 0 : i32
          %add3A_536 = arith.addi %add3A_535, %mul3A_534 : i32
          %mul3A_537 = arith.constant 16 : i32
          %mul3A_538 = arith.muli %add3A_536, %mul3A_537 : i32
          %multiple_of3A_539 = tpu.assume_multiple %mul3A_538, 16 : i32
          %add3A_540 = arith.constant 0 : i32
          %add3A_541 = arith.addi %add3A_540, %multiple_of3A_539 : i32
          %get3A_542 = arith.index_cast %and3A_397 : i32 to index
          %get3A_543 = arith.index_cast %add3A_541 : i32 to index
          %get3A_544 = tpu.vector_load %arg6[%get3A_542, %get3A_543] {strides = array<i32>} : memref<4x6144xf32, #tpu.memory_space<vmem>>, vector<16xf32>,
          %add3A_545 = arith.constant 2048 : i32
          %add3A_546 = arith.addi %add3A_545, %multiple_of3A_539 : i32
          %get3A_547 = arith.index_cast %and3A_397 : i32 to index
          %get3A_548 = arith.index_cast %add3A_546 : i32 to index
          %get3A_549 = tpu.vector_load %arg6[%get3A_547, %get3A_548] {strides = array<i32>} : memref<4x6144xf32, #tpu.memory_space<vmem>>, vector<16xf32>,
          %add3A_550 = arith.constant 4096 : i32
          %add3A_551 = arith.addi %add3A_550, %multiple_of3A_539 : i32
          %get3A_552 = arith.index_cast %and3A_397 : i32 to index
          %get3A_553 = arith.index_cast %add3A_551 : i32 to index
          %get3A_554 = tpu.vector_load %arg6[%get3A_552, %get3A_553] {strides = array<i32>} : memref<4x6144xf32, #tpu.memory_space<vmem>>, vector<16xf32>,
          %sub3A_555 = arith.constant 1.000000e+00 : f32
          %sub3A_556 = vector.broadcast %sub3A_555 : f32 to vector<16xf32>
          %sub3A_557 = arith.subf %sub3A_556, %get3A_544 : vector<16xf32>
          %sub3A_558 = arith.constant 1.000000e+00 : f32
          %sub3A_559 = vector.broadcast %sub3A_558 : f32 to vector<16xf32>
          %sub3A_560 = arith.subf %sub3A_559, %get3A_549 : vector<16xf32>
          %sub3A_561 = arith.constant 1.000000e+00 : f32
          %sub3A_562 = vector.broadcast %sub3A_561 : f32 to vector<16xf32>
          %sub3A_563 = arith.subf %sub3A_562, %get3A_554 : vector<16xf32>
          %add3A_564 = vector.broadcast %multiple_of3A_539 : i32 to vector<16xi32>
          %add3A_565 = arith.addi %add3A_564, %iota3A : vector<16xi32>
          %gather3A_566 = arith.constant 0 : i32
          %gather3A_567 = arith.constant 0 : i32
          %gather3A_568 = tpu.memref_slice %arg8[%and3A_397, %gather3A_566, %gather3A_567] : memref<4x2048x8xf32, #tpu.memory_space<vmem>> -> memref<1x2048x8xf32, #tpu.memory_space<vmem>>
          %gather3A_569 = tpu.memref_squeeze %gather3A_568 : memref<1x2048x8xf32, #tpu.memory_space<vmem>> -> memref<2048x8xf32, #tpu.memory_space<vmem>>
          %gather3A_570 = tpu.vector_load_idx %gather3A_569[%add3A_565, %add3A_6] : memref<2048x8xf32, #tpu.memory_space<vmem>>[vector<16xi32>, vector<16xi32>], vector<16xf32>,
          %gather3A_571 = arith.constant 0 : i32
          %gather3A_572 = arith.constant 0 : i32
          %gather3A_573 = tpu.memref_slice %arg8[%and3A_397, %gather3A_571, %gather3A_572] : memref<4x2048x8xf32, #tpu.memory_space<vmem>> -> memref<1x2048x8xf32, #tpu.memory_space<vmem>>
          %gather3A_574 = tpu.memref_squeeze %gather3A_573 : memref<1x2048x8xf32, #tpu.memory_space<vmem>> -> memref<2048x8xf32, #tpu.memory_space<vmem>>
          %gather3A_575 = tpu.vector_load_idx %gather3A_574[%add3A_565, %add3A_12] : memref<2048x8xf32, #tpu.memory_space<vmem>>[vector<16xi32>, vector<16xi32>], vector<16xf32>,
          %gather3A_576 = arith.constant 0 : i32
          %gather3A_577 = arith.constant 0 : i32
          %gather3A_578 = tpu.memref_slice %arg8[%and3A_397, %gather3A_576, %gather3A_577] : memref<4x2048x8xf32, #tpu.memory_space<vmem>> -> memref<1x2048x8xf32, #tpu.memory_space<vmem>>
          %gather3A_579 = tpu.memref_squeeze %gather3A_578 : memref<1x2048x8xf32, #tpu.memory_space<vmem>> -> memref<2048x8xf32, #tpu.memory_space<vmem>>
          %gather3A_580 = tpu.vector_load_idx %gather3A_579[%add3A_565, %add3A_18] : memref<2048x8xf32, #tpu.memory_space<vmem>>[vector<16xi32>, vector<16xi32>], vector<16xf32>,
          %gather3A_581 = arith.constant 0 : i32
          %gather3A_582 = arith.constant 0 : i32
          %gather3A_583 = tpu.memref_slice %arg8[%and3A_397, %gather3A_581, %gather3A_582] : memref<4x2048x8xf32, #tpu.memory_space<vmem>> -> memref<1x2048x8xf32, #tpu.memory_space<vmem>>
          %gather3A_584 = tpu.memref_squeeze %gather3A_583 : memref<1x2048x8xf32, #tpu.memory_space<vmem>> -> memref<2048x8xf32, #tpu.memory_space<vmem>>
          %gather3A_585 = tpu.vector_load_idx %gather3A_584[%add3A_565, %add3A_24] : memref<2048x8xf32, #tpu.memory_space<vmem>>[vector<16xi32>, vector<16xi32>], vector<16xf32>,
          %gather3A_586 = arith.constant 0 : i32
          %gather3A_587 = arith.constant 0 : i32
          %gather3A_588 = tpu.memref_slice %arg8[%and3A_397, %gather3A_586, %gather3A_587] : memref<4x2048x8xf32, #tpu.memory_space<vmem>> -> memref<1x2048x8xf32, #tpu.memory_space<vmem>>
          %gather3A_589 = tpu.memref_squeeze %gather3A_588 : memref<1x2048x8xf32, #tpu.memory_space<vmem>> -> memref<2048x8xf32, #tpu.memory_space<vmem>>
          %gather3A_590 = tpu.vector_load_idx %gather3A_589[%add3A_565, %add3A_30] : memref<2048x8xf32, #tpu.memory_space<vmem>>[vector<16xi32>, vector<16xi32>], vector<16xf32>,
          %gather3A_591 = arith.constant 0 : i32
          %gather3A_592 = arith.constant 0 : i32
          %gather3A_593 = tpu.memref_slice %arg8[%and3A_397, %gather3A_591, %gather3A_592] : memref<4x2048x8xf32, #tpu.memory_space<vmem>> -> memref<1x2048x8xf32, #tpu.memory_space<vmem>>
          %gather3A_594 = tpu.memref_squeeze %gather3A_593 : memref<1x2048x8xf32, #tpu.memory_space<vmem>> -> memref<2048x8xf32, #tpu.memory_space<vmem>>
          %gather3A_595 = tpu.vector_load_idx %gather3A_594[%add3A_565, %add3A_36] : memref<2048x8xf32, #tpu.memory_space<vmem>>[vector<16xi32>, vector<16xi32>], vector<16xf32>,
          %gather3A_596 = arith.constant 0 : i32
          %gather3A_597 = arith.constant 0 : i32
          %gather3A_598 = tpu.memref_slice %arg8[%and3A_397, %gather3A_596, %gather3A_597] : memref<4x2048x8xf32, #tpu.memory_space<vmem>> -> memref<1x2048x8xf32, #tpu.memory_space<vmem>>
          %gather3A_599 = tpu.memref_squeeze %gather3A_598 : memref<1x2048x8xf32, #tpu.memory_space<vmem>> -> memref<2048x8xf32, #tpu.memory_space<vmem>>
          %gather3A_600 = tpu.vector_load_idx %gather3A_599[%add3A_565, %add3A_42] : memref<2048x8xf32, #tpu.memory_space<vmem>>[vector<16xi32>, vector<16xi32>], vector<16xf32>,
          %gather3A_601 = arith.constant 0 : i32
          %gather3A_602 = arith.constant 0 : i32
          %gather3A_603 = tpu.memref_slice %arg8[%and3A_397, %gather3A_601, %gather3A_602] : memref<4x2048x8xf32, #tpu.memory_space<vmem>> -> memref<1x2048x8xf32, #tpu.memory_space<vmem>>
          %gather3A_604 = tpu.memref_squeeze %gather3A_603 : memref<1x2048x8xf32, #tpu.memory_space<vmem>> -> memref<2048x8xf32, #tpu.memory_space<vmem>>
          %gather3A_605 = tpu.vector_load_idx %gather3A_604[%add3A_565, %add3A_48] : memref<2048x8xf32, #tpu.memory_space<vmem>>[vector<16xi32>, vector<16xi32>], vector<16xf32>,
          %mul3A_606 = arith.mulf %gather3A_570, %sub3A_557 : vector<16xf32>
          %mul3A_607 = arith.mulf %gather3A_575, %get3A_544 : vector<16xf32>
          %add3A_608 = arith.addf %mul3A_606, %mul3A_607 : vector<16xf32>
          %mul3A_609 = arith.mulf %gather3A_580, %sub3A_557 : vector<16xf32>
          %mul3A_610 = arith.mulf %gather3A_585, %get3A_544 : vector<16xf32>
          %add3A_611 = arith.addf %mul3A_609, %mul3A_610 : vector<16xf32>
          %mul3A_612 = arith.mulf %gather3A_590, %sub3A_557 : vector<16xf32>
          %mul3A_613 = arith.mulf %gather3A_595, %get3A_544 : vector<16xf32>
          %add3A_614 = arith.addf %mul3A_612, %mul3A_613 : vector<16xf32>
          %mul3A_615 = arith.mulf %gather3A_600, %sub3A_557 : vector<16xf32>
          %mul3A_616 = arith.mulf %gather3A_605, %get3A_544 : vector<16xf32>
          %add3A_617 = arith.addf %mul3A_615, %mul3A_616 : vector<16xf32>
          %mul3A_618 = arith.mulf %add3A_608, %sub3A_560 : vector<16xf32>
          %mul3A_619 = arith.mulf %add3A_611, %get3A_549 : vector<16xf32>
          %add3A_620 = arith.addf %mul3A_618, %mul3A_619 : vector<16xf32>
          %mul3A_621 = arith.mulf %add3A_620, %sub3A_563 : vector<16xf32>
          %mul3A_622 = arith.mulf %add3A_614, %sub3A_560 : vector<16xf32>
          %mul3A_623 = arith.mulf %add3A_617, %get3A_549 : vector<16xf32>
          %add3A_624 = arith.addf %mul3A_622, %mul3A_623 : vector<16xf32>
          %mul3A_625 = arith.mulf %add3A_624, %get3A_554 : vector<16xf32>
          %add3A_626 = arith.addf %mul3A_621, %mul3A_625 : vector<16xf32>
          %swap3A_627 = arith.index_cast %and3A_397 : i32 to index
          %swap3A_628 = arith.index_cast %multiple_of3A_539 : i32 to index
          %swap3A_629 = tpu.vector_load %arg9[%swap3A_627, %swap3A_628] {strides = array<i32>} : memref<4x2048xf32, #tpu.memory_space<vmem>>, vector<16xf32>,
          tpu.vector_store %arg9[%swap3A_627, %swap3A_628], %add3A_626 {strides = array<i32>} : memref<4x2048xf32, #tpu.memory_space<vmem>>, vector<16xf32>,
          %scan3A_630 = arith.constant 2 : i32
          %scan3A_631 = arith.addi %scan3A_436, %scan3A_630 : i32
          %mul3A_632 = arith.constant 1 : i32
          %mul3A_633 = arith.muli %scan3A_631, %mul3A_632 : i32
          %add3A_634 = arith.constant 0 : i32
          %add3A_635 = arith.addi %add3A_634, %mul3A_633 : i32
          %mul3A_636 = arith.constant 16 : i32
          %mul3A_637 = arith.muli %add3A_635, %mul3A_636 : i32
          %multiple_of3A_638 = tpu.assume_multiple %mul3A_637, 16 : i32
          %add3A_639 = arith.constant 0 : i32
          %add3A_640 = arith.addi %add3A_639, %multiple_of3A_638 : i32
          %get3A_641 = arith.index_cast %and3A_397 : i32 to index
          %get3A_642 = arith.index_cast %add3A_640 : i32 to index
          %get3A_643 = tpu.vector_load %arg6[%get3A_641, %get3A_642] {strides = array<i32>} : memref<4x6144xf32, #tpu.memory_space<vmem>>, vector<16xf32>,
          %add3A_644 = arith.constant 2048 : i32
          %add3A_645 = arith.addi %add3A_644, %multiple_of3A_638 : i32
          %get3A_646 = arith.index_cast %and3A_397 : i32 to index
          %get3A_647 = arith.index_cast %add3A_645 : i32 to index
          %get3A_648 = tpu.vector_load %arg6[%get3A_646, %get3A_647] {strides = array<i32>} : memref<4x6144xf32, #tpu.memory_space<vmem>>, vector<16xf32>,
          %add3A_649 = arith.constant 4096 : i32
          %add3A_650 = arith.addi %add3A_649, %multiple_of3A_638 : i32
          %get3A_651 = arith.index_cast %and3A_397 : i32 to index
          %get3A_652 = arith.index_cast %add3A_650 : i32 to index
          %get3A_653 = tpu.vector_load %arg6[%get3A_651, %get3A_652] {strides = array<i32>} : memref<4x6144xf32, #tpu.memory_space<vmem>>, vector<16xf32>,
          %sub3A_654 = arith.constant 1.000000e+00 : f32
          %sub3A_655 = vector.broadcast %sub3A_654 : f32 to vector<16xf32>
          %sub3A_656 = arith.subf %sub3A_655, %get3A_643 : vector<16xf32>
          %sub3A_657 = arith.constant 1.000000e+00 : f32
          %sub3A_658 = vector.broadcast %sub3A_657 : f32 to vector<16xf32>
          %sub3A_659 = arith.subf %sub3A_658, %get3A_648 : vector<16xf32>
          %sub3A_660 = arith.constant 1.000000e+00 : f32
          %sub3A_661 = vector.broadcast %sub3A_660 : f32 to vector<16xf32>
          %sub3A_662 = arith.subf %sub3A_661, %get3A_653 : vector<16xf32>
          %add3A_663 = vector.broadcast %multiple_of3A_638 : i32 to vector<16xi32>
          %add3A_664 = arith.addi %add3A_663, %iota3A : vector<16xi32>
          %gather3A_665 = arith.constant 0 : i32
          %gather3A_666 = arith.constant 0 : i32
          %gather3A_667 = tpu.memref_slice %arg8[%and3A_397, %gather3A_665, %gather3A_666] : memref<4x2048x8xf32, #tpu.memory_space<vmem>> -> memref<1x2048x8xf32, #tpu.memory_space<vmem>>
          %gather3A_668 = tpu.memref_squeeze %gather3A_667 : memref<1x2048x8xf32, #tpu.memory_space<vmem>> -> memref<2048x8xf32, #tpu.memory_space<vmem>>
          %gather3A_669 = tpu.vector_load_idx %gather3A_668[%add3A_664, %add3A_6] : memref<2048x8xf32, #tpu.memory_space<vmem>>[vector<16xi32>, vector<16xi32>], vector<16xf32>,
          %gather3A_670 = arith.constant 0 : i32
          %gather3A_671 = arith.constant 0 : i32
          %gather3A_672 = tpu.memref_slice %arg8[%and3A_397, %gather3A_670, %gather3A_671] : memref<4x2048x8xf32, #tpu.memory_space<vmem>> -> memref<1x2048x8xf32, #tpu.memory_space<vmem>>
          %gather3A_673 = tpu.memref_squeeze %gather3A_672 : memref<1x2048x8xf32, #tpu.memory_space<vmem>> -> memref<2048x8xf32, #tpu.memory_space<vmem>>
          %gather3A_674 = tpu.vector_load_idx %gather3A_673[%add3A_664, %add3A_12] : memref<2048x8xf32, #tpu.memory_space<vmem>>[vector<16xi32>, vector<16xi32>], vector<16xf32>,
          %gather3A_675 = arith.constant 0 : i32
          %gather3A_676 = arith.constant 0 : i32
          %gather3A_677 = tpu.memref_slice %arg8[%and3A_397, %gather3A_675, %gather3A_676] : memref<4x2048x8xf32, #tpu.memory_space<vmem>> -> memref<1x2048x8xf32, #tpu.memory_space<vmem>>
          %gather3A_678 = tpu.memref_squeeze %gather3A_677 : memref<1x2048x8xf32, #tpu.memory_space<vmem>> -> memref<2048x8xf32, #tpu.memory_space<vmem>>
          %gather3A_679 = tpu.vector_load_idx %gather3A_678[%add3A_664, %add3A_18] : memref<2048x8xf32, #tpu.memory_space<vmem>>[vector<16xi32>, vector<16xi32>], vector<16xf32>,
          %gather3A_680 = arith.constant 0 : i32
          %gather3A_681 = arith.constant 0 : i32
          %gather3A_682 = tpu.memref_slice %arg8[%and3A_397, %gather3A_680, %gather3A_681] : memref<4x2048x8xf32, #tpu.memory_space<vmem>> -> memref<1x2048x8xf32, #tpu.memory_space<vmem>>
          %gather3A_683 = tpu.memref_squeeze %gather3A_682 : memref<1x2048x8xf32, #tpu.memory_space<vmem>> -> memref<2048x8xf32, #tpu.memory_space<vmem>>
          %gather3A_684 = tpu.vector_load_idx %gather3A_683[%add3A_664, %add3A_24] : memref<2048x8xf32, #tpu.memory_space<vmem>>[vector<16xi32>, vector<16xi32>], vector<16xf32>,
          %gather3A_685 = arith.constant 0 : i32
          %gather3A_686 = arith.constant 0 : i32
          %gather3A_687 = tpu.memref_slice %arg8[%and3A_397, %gather3A_685, %gather3A_686] : memref<4x2048x8xf32, #tpu.memory_space<vmem>> -> memref<1x2048x8xf32, #tpu.memory_space<vmem>>
          %gather3A_688 = tpu.memref_squeeze %gather3A_687 : memref<1x2048x8xf32, #tpu.memory_space<vmem>> -> memref<2048x8xf32, #tpu.memory_space<vmem>>
          %gather3A_689 = tpu.vector_load_idx %gather3A_688[%add3A_664, %add3A_30] : memref<2048x8xf32, #tpu.memory_space<vmem>>[vector<16xi32>, vector<16xi32>], vector<16xf32>,
          %gather3A_690 = arith.constant 0 : i32
          %gather3A_691 = arith.constant 0 : i32
          %gather3A_692 = tpu.memref_slice %arg8[%and3A_397, %gather3A_690, %gather3A_691] : memref<4x2048x8xf32, #tpu.memory_space<vmem>> -> memref<1x2048x8xf32, #tpu.memory_space<vmem>>
          %gather3A_693 = tpu.memref_squeeze %gather3A_692 : memref<1x2048x8xf32, #tpu.memory_space<vmem>> -> memref<2048x8xf32, #tpu.memory_space<vmem>>
          %gather3A_694 = tpu.vector_load_idx %gather3A_693[%add3A_664, %add3A_36] : memref<2048x8xf32, #tpu.memory_space<vmem>>[vector<16xi32>, vector<16xi32>], vector<16xf32>,
          %gather3A_695 = arith.constant 0 : i32
          %gather3A_696 = arith.constant 0 : i32
          %gather3A_697 = tpu.memref_slice %arg8[%and3A_397, %gather3A_695, %gather3A_696] : memref<4x2048x8xf32, #tpu.memory_space<vmem>> -> memref<1x2048x8xf32, #tpu.memory_space<vmem>>
          %gather3A_698 = tpu.memref_squeeze %gather3A_697 : memref<1x2048x8xf32, #tpu.memory_space<vmem>> -> memref<2048x8xf32, #tpu.memory_space<vmem>>
          %gather3A_699 = tpu.vector_load_idx %gather3A_698[%add3A_664, %add3A_42] : memref<2048x8xf32, #tpu.memory_space<vmem>>[vector<16xi32>, vector<16xi32>], vector<16xf32>,
          %gather3A_700 = arith.constant 0 : i32
          %gather3A_701 = arith.constant 0 : i32
          %gather3A_702 = tpu.memref_slice %arg8[%and3A_397, %gather3A_700, %gather3A_701] : memref<4x2048x8xf32, #tpu.memory_space<vmem>> -> memref<1x2048x8xf32, #tpu.memory_space<vmem>>
          %gather3A_703 = tpu.memref_squeeze %gather3A_702 : memref<1x2048x8xf32, #tpu.memory_space<vmem>> -> memref<2048x8xf32, #tpu.memory_space<vmem>>
          %gather3A_704 = tpu.vector_load_idx %gather3A_703[%add3A_664, %add3A_48] : memref<2048x8xf32, #tpu.memory_space<vmem>>[vector<16xi32>, vector<16xi32>], vector<16xf32>,
          %mul3A_705 = arith.mulf %gather3A_669, %sub3A_656 : vector<16xf32>
          %mul3A_706 = arith.mulf %gather3A_674, %get3A_643 : vector<16xf32>
          %add3A_707 = arith.addf %mul3A_705, %mul3A_706 : vector<16xf32>
          %mul3A_708 = arith.mulf %gather3A_679, %sub3A_656 : vector<16xf32>
          %mul3A_709 = arith.mulf %gather3A_684, %get3A_643 : vector<16xf32>
          %add3A_710 = arith.addf %mul3A_708, %mul3A_709 : vector<16xf32>
          %mul3A_711 = arith.mulf %gather3A_689, %sub3A_656 : vector<16xf32>
          %mul3A_712 = arith.mulf %gather3A_694, %get3A_643 : vector<16xf32>
          %add3A_713 = arith.addf %mul3A_711, %mul3A_712 : vector<16xf32>
          %mul3A_714 = arith.mulf %gather3A_699, %sub3A_656 : vector<16xf32>
          %mul3A_715 = arith.mulf %gather3A_704, %get3A_643 : vector<16xf32>
          %add3A_716 = arith.addf %mul3A_714, %mul3A_715 : vector<16xf32>
          %mul3A_717 = arith.mulf %add3A_707, %sub3A_659 : vector<16xf32>
          %mul3A_718 = arith.mulf %add3A_710, %get3A_648 : vector<16xf32>
          %add3A_719 = arith.addf %mul3A_717, %mul3A_718 : vector<16xf32>
          %mul3A_720 = arith.mulf %add3A_719, %sub3A_662 : vector<16xf32>
          %mul3A_721 = arith.mulf %add3A_713, %sub3A_659 : vector<16xf32>
          %mul3A_722 = arith.mulf %add3A_716, %get3A_648 : vector<16xf32>
          %add3A_723 = arith.addf %mul3A_721, %mul3A_722 : vector<16xf32>
          %mul3A_724 = arith.mulf %add3A_723, %get3A_653 : vector<16xf32>
          %add3A_725 = arith.addf %mul3A_720, %mul3A_724 : vector<16xf32>
          %swap3A_726 = arith.index_cast %and3A_397 : i32 to index
          %swap3A_727 = arith.index_cast %multiple_of3A_638 : i32 to index
          %swap3A_728 = tpu.vector_load %arg9[%swap3A_726, %swap3A_727] {strides = array<i32>} : memref<4x2048xf32, #tpu.memory_space<vmem>>, vector<16xf32>,
          tpu.vector_store %arg9[%swap3A_726, %swap3A_727], %add3A_725 {strides = array<i32>} : memref<4x2048xf32, #tpu.memory_space<vmem>>, vector<16xf32>,
          %scan3A_729 = arith.constant 3 : i32
          %scan3A_730 = arith.addi %scan3A_436, %scan3A_729 : i32
          %mul3A_731 = arith.constant 1 : i32
          %mul3A_732 = arith.muli %scan3A_730, %mul3A_731 : i32
          %add3A_733 = arith.constant 0 : i32
          %add3A_734 = arith.addi %add3A_733, %mul3A_732 : i32
          %mul3A_735 = arith.constant 16 : i32
          %mul3A_736 = arith.muli %add3A_734, %mul3A_735 : i32
          %multiple_of3A_737 = tpu.assume_multiple %mul3A_736, 16 : i32
          %add3A_738 = arith.constant 0 : i32
          %add3A_739 = arith.addi %add3A_738, %multiple_of3A_737 : i32
          %get3A_740 = arith.index_cast %and3A_397 : i32 to index
          %get3A_741 = arith.index_cast %add3A_739 : i32 to index
          %get3A_742 = tpu.vector_load %arg6[%get3A_740, %get3A_741] {strides = array<i32>} : memref<4x6144xf32, #tpu.memory_space<vmem>>, vector<16xf32>,
          %add3A_743 = arith.constant 2048 : i32
          %add3A_744 = arith.addi %add3A_743, %multiple_of3A_737 : i32
          %get3A_745 = arith.index_cast %and3A_397 : i32 to index
          %get3A_746 = arith.index_cast %add3A_744 : i32 to index
          %get3A_747 = tpu.vector_load %arg6[%get3A_745, %get3A_746] {strides = array<i32>} : memref<4x6144xf32, #tpu.memory_space<vmem>>, vector<16xf32>,
          %add3A_748 = arith.constant 4096 : i32
          %add3A_749 = arith.addi %add3A_748, %multiple_of3A_737 : i32
          %get3A_750 = arith.index_cast %and3A_397 : i32 to index
          %get3A_751 = arith.index_cast %add3A_749 : i32 to index
          %get3A_752 = tpu.vector_load %arg6[%get3A_750, %get3A_751] {strides = array<i32>} : memref<4x6144xf32, #tpu.memory_space<vmem>>, vector<16xf32>,
          %sub3A_753 = arith.constant 1.000000e+00 : f32
          %sub3A_754 = vector.broadcast %sub3A_753 : f32 to vector<16xf32>
          %sub3A_755 = arith.subf %sub3A_754, %get3A_742 : vector<16xf32>
          %sub3A_756 = arith.constant 1.000000e+00 : f32
          %sub3A_757 = vector.broadcast %sub3A_756 : f32 to vector<16xf32>
          %sub3A_758 = arith.subf %sub3A_757, %get3A_747 : vector<16xf32>
          %sub3A_759 = arith.constant 1.000000e+00 : f32
          %sub3A_760 = vector.broadcast %sub3A_759 : f32 to vector<16xf32>
          %sub3A_761 = arith.subf %sub3A_760, %get3A_752 : vector<16xf32>
          %add3A_762 = vector.broadcast %multiple_of3A_737 : i32 to vector<16xi32>
          %add3A_763 = arith.addi %add3A_762, %iota3A : vector<16xi32>
          %gather3A_764 = arith.constant 0 : i32
          %gather3A_765 = arith.constant 0 : i32
          %gather3A_766 = tpu.memref_slice %arg8[%and3A_397, %gather3A_764, %gather3A_765] : memref<4x2048x8xf32, #tpu.memory_space<vmem>> -> memref<1x2048x8xf32, #tpu.memory_space<vmem>>
          %gather3A_767 = tpu.memref_squeeze %gather3A_766 : memref<1x2048x8xf32, #tpu.memory_space<vmem>> -> memref<2048x8xf32, #tpu.memory_space<vmem>>
          %gather3A_768 = tpu.vector_load_idx %gather3A_767[%add3A_763, %add3A_6] : memref<2048x8xf32, #tpu.memory_space<vmem>>[vector<16xi32>, vector<16xi32>], vector<16xf32>,
          %gather3A_769 = arith.constant 0 : i32
          %gather3A_770 = arith.constant 0 : i32
          %gather3A_771 = tpu.memref_slice %arg8[%and3A_397, %gather3A_769, %gather3A_770] : memref<4x2048x8xf32, #tpu.memory_space<vmem>> -> memref<1x2048x8xf32, #tpu.memory_space<vmem>>
          %gather3A_772 = tpu.memref_squeeze %gather3A_771 : memref<1x2048x8xf32, #tpu.memory_space<vmem>> -> memref<2048x8xf32, #tpu.memory_space<vmem>>
          %gather3A_773 = tpu.vector_load_idx %gather3A_772[%add3A_763, %add3A_12] : memref<2048x8xf32, #tpu.memory_space<vmem>>[vector<16xi32>, vector<16xi32>], vector<16xf32>,
          %gather3A_774 = arith.constant 0 : i32
          %gather3A_775 = arith.constant 0 : i32
          %gather3A_776 = tpu.memref_slice %arg8[%and3A_397, %gather3A_774, %gather3A_775] : memref<4x2048x8xf32, #tpu.memory_space<vmem>> -> memref<1x2048x8xf32, #tpu.memory_space<vmem>>
          %gather3A_777 = tpu.memref_squeeze %gather3A_776 : memref<1x2048x8xf32, #tpu.memory_space<vmem>> -> memref<2048x8xf32, #tpu.memory_space<vmem>>
          %gather3A_778 = tpu.vector_load_idx %gather3A_777[%add3A_763, %add3A_18] : memref<2048x8xf32, #tpu.memory_space<vmem>>[vector<16xi32>, vector<16xi32>], vector<16xf32>,
          %gather3A_779 = arith.constant 0 : i32
          %gather3A_780 = arith.constant 0 : i32
          %gather3A_781 = tpu.memref_slice %arg8[%and3A_397, %gather3A_779, %gather3A_780] : memref<4x2048x8xf32, #tpu.memory_space<vmem>> -> memref<1x2048x8xf32, #tpu.memory_space<vmem>>
          %gather3A_782 = tpu.memref_squeeze %gather3A_781 : memref<1x2048x8xf32, #tpu.memory_space<vmem>> -> memref<2048x8xf32, #tpu.memory_space<vmem>>
          %gather3A_783 = tpu.vector_load_idx %gather3A_782[%add3A_763, %add3A_24] : memref<2048x8xf32, #tpu.memory_space<vmem>>[vector<16xi32>, vector<16xi32>], vector<16xf32>,
          %gather3A_784 = arith.constant 0 : i32
          %gather3A_785 = arith.constant 0 : i32
          %gather3A_786 = tpu.memref_slice %arg8[%and3A_397, %gather3A_784, %gather3A_785] : memref<4x2048x8xf32, #tpu.memory_space<vmem>> -> memref<1x2048x8xf32, #tpu.memory_space<vmem>>
          %gather3A_787 = tpu.memref_squeeze %gather3A_786 : memref<1x2048x8xf32, #tpu.memory_space<vmem>> -> memref<2048x8xf32, #tpu.memory_space<vmem>>
          %gather3A_788 = tpu.vector_load_idx %gather3A_787[%add3A_763, %add3A_30] : memref<2048x8xf32, #tpu.memory_space<vmem>>[vector<16xi32>, vector<16xi32>], vector<16xf32>,
          %gather3A_789 = arith.constant 0 : i32
          %gather3A_790 = arith.constant 0 : i32
          %gather3A_791 = tpu.memref_slice %arg8[%and3A_397, %gather3A_789, %gather3A_790] : memref<4x2048x8xf32, #tpu.memory_space<vmem>> -> memref<1x2048x8xf32, #tpu.memory_space<vmem>>
          %gather3A_792 = tpu.memref_squeeze %gather3A_791 : memref<1x2048x8xf32, #tpu.memory_space<vmem>> -> memref<2048x8xf32, #tpu.memory_space<vmem>>
          %gather3A_793 = tpu.vector_load_idx %gather3A_792[%add3A_763, %add3A_36] : memref<2048x8xf32, #tpu.memory_space<vmem>>[vector<16xi32>, vector<16xi32>], vector<16xf32>,
          %gather3A_794 = arith.constant 0 : i32
          %gather3A_795 = arith.constant 0 : i32
          %gather3A_796 = tpu.memref_slice %arg8[%and3A_397, %gather3A_794, %gather3A_795] : memref<4x2048x8xf32, #tpu.memory_space<vmem>> -> memref<1x2048x8xf32, #tpu.memory_space<vmem>>
          %gather3A_797 = tpu.memref_squeeze %gather3A_796 : memref<1x2048x8xf32, #tpu.memory_space<vmem>> -> memref<2048x8xf32, #tpu.memory_space<vmem>>
          %gather3A_798 = tpu.vector_load_idx %gather3A_797[%add3A_763, %add3A_42] : memref<2048x8xf32, #tpu.memory_space<vmem>>[vector<16xi32>, vector<16xi32>], vector<16xf32>,
          %gather3A_799 = arith.constant 0 : i32
          %gather3A_800 = arith.constant 0 : i32
          %gather3A_801 = tpu.memref_slice %arg8[%and3A_397, %gather3A_799, %gather3A_800] : memref<4x2048x8xf32, #tpu.memory_space<vmem>> -> memref<1x2048x8xf32, #tpu.memory_space<vmem>>
          %gather3A_802 = tpu.memref_squeeze %gather3A_801 : memref<1x2048x8xf32, #tpu.memory_space<vmem>> -> memref<2048x8xf32, #tpu.memory_space<vmem>>
          %gather3A_803 = tpu.vector_load_idx %gather3A_802[%add3A_763, %add3A_48] : memref<2048x8xf32, #tpu.memory_space<vmem>>[vector<16xi32>, vector<16xi32>], vector<16xf32>,
          %mul3A_804 = arith.mulf %gather3A_768, %sub3A_755 : vector<16xf32>
          %mul3A_805 = arith.mulf %gather3A_773, %get3A_742 : vector<16xf32>
          %add3A_806 = arith.addf %mul3A_804, %mul3A_805 : vector<16xf32>
          %mul3A_807 = arith.mulf %gather3A_778, %sub3A_755 : vector<16xf32>
          %mul3A_808 = arith.mulf %gather3A_783, %get3A_742 : vector<16xf32>
          %add3A_809 = arith.addf %mul3A_807, %mul3A_808 : vector<16xf32>
          %mul3A_810 = arith.mulf %gather3A_788, %sub3A_755 : vector<16xf32>
          %mul3A_811 = arith.mulf %gather3A_793, %get3A_742 : vector<16xf32>
          %add3A_812 = arith.addf %mul3A_810, %mul3A_811 : vector<16xf32>
          %mul3A_813 = arith.mulf %gather3A_798, %sub3A_755 : vector<16xf32>
          %mul3A_814 = arith.mulf %gather3A_803, %get3A_742 : vector<16xf32>
          %add3A_815 = arith.addf %mul3A_813, %mul3A_814 : vector<16xf32>
          %mul3A_816 = arith.mulf %add3A_806, %sub3A_758 : vector<16xf32>
          %mul3A_817 = arith.mulf %add3A_809, %get3A_747 : vector<16xf32>
          %add3A_818 = arith.addf %mul3A_816, %mul3A_817 : vector<16xf32>
          %mul3A_819 = arith.mulf %add3A_818, %sub3A_761 : vector<16xf32>
          %mul3A_820 = arith.mulf %add3A_812, %sub3A_758 : vector<16xf32>
          %mul3A_821 = arith.mulf %add3A_815, %get3A_747 : vector<16xf32>
          %add3A_822 = arith.addf %mul3A_820, %mul3A_821 : vector<16xf32>
          %mul3A_823 = arith.mulf %add3A_822, %get3A_752 : vector<16xf32>
          %add3A_824 = arith.addf %mul3A_819, %mul3A_823 : vector<16xf32>
          %swap3A_825 = arith.index_cast %and3A_397 : i32 to index
          %swap3A_826 = arith.index_cast %multiple_of3A_737 : i32 to index
          %swap3A_827 = tpu.vector_load %arg9[%swap3A_825, %swap3A_826] {strides = array<i32>} : memref<4x2048xf32, #tpu.memory_space<vmem>>, vector<16xf32>,
          tpu.vector_store %arg9[%swap3A_825, %swap3A_826], %add3A_824 {strides = array<i32>} : memref<4x2048xf32, #tpu.memory_space<vmem>>, vector<16xf32>,
        }
        %scan3A_419 = arith.constant 128 : i32
        %sub3A_420 = arith.constant 2 : i32
        %sub3A_421 = arith.subi %add3A_284, %sub3A_420 : i32
        %mul3A_422 = arith.constant 131072 : i32
        %mul3A_423 = arith.muli %add3A, %mul3A_422 : i32
        %mul3A_424 = arith.constant 2048 : i32
        %mul3A_425 = arith.muli %sub3A_421, %mul3A_424 : i32
        %add3A_426 = arith.addi %mul3A_423, %mul3A_425 : i32
        %multiple_of3A_427 = tpu.assume_multiple %add3A_426, 2048 : i32
        %dma_start3A_428 = arith.constant 0 : i32
        %dma_start3A_429 = tpu.memref_slice %arg9[%and3A_397, %dma_start3A_428] : memref<4x2048xf32, #tpu.memory_space<vmem>> -> memref<1x2048xf32, #tpu.memory_space<vmem>>
        %dma_start3A_430 = tpu.memref_squeeze %dma_start3A_429 : memref<1x2048xf32, #tpu.memory_space<vmem>> -> memref<2048xf32, #tpu.memory_space<vmem>>
        %dma_start3A_431 = tpu.memref_slice %arg5[%multiple_of3A_427] : memref<4194304xf32, #tpu.memory_space<hbm>> -> memref<2048xf32, #tpu.memory_space<hbm>>
        %dma_start3A_432 = tpu.memref_slice %arg5[%multiple_of3A_427] : memref<4194304xf32, #tpu.memory_space<hbm>> -> memref<2048xf32, #tpu.memory_space<hbm>>
        %dma_start3A_433 = arith.constant 0 : i32
        %dma_start3A_434 = tpu.memref_slice %arg9[%and3A_397, %dma_start3A_433] : memref<4x2048xf32, #tpu.memory_space<vmem>> -> memref<1x2048xf32, #tpu.memory_space<vmem>>
        %dma_start3A_435 = tpu.memref_squeeze %dma_start3A_434 : memref<1x2048xf32, #tpu.memory_space<vmem>> -> memref<2048xf32, #tpu.memory_space<vmem>>
        tpu.enqueue_dma source(%dma_start3A_435 : memref<2048xf32, #tpu.memory_space<vmem>>) target(%dma_start3A_432 : memref<2048xf32, #tpu.memory_space<hbm>>) target_semaphore(%arg12 : memref<!tpu.dma_semaphore, #tpu.memory_space<semaphore_mem>>)
      } else {
      }
    }
    %scan3A_134 = arith.constant 64 : i32
    %dma_wait3A = arith.constant 2 : i32
    %dma_wait3A_135 = arith.constant 2 : i32
    %dma_wait3A_136 = arith.constant 0 : i32
    %dma_wait3A_137 = arith.constant 0 : i32
    %dma_wait3A_138 = tpu.memref_slice %arg8[%dma_wait3A_135, %dma_wait3A_136, %dma_wait3A_137] : memref<4x2048x8xf32, #tpu.memory_space<vmem>> -> memref<1x2048x8xf32, #tpu.memory_space<vmem>>
    %dma_wait3A_139 = tpu.memref_squeeze %dma_wait3A_138 : memref<1x2048x8xf32, #tpu.memory_space<vmem>> -> memref<2048x8xf32, #tpu.memory_space<vmem>>
    %dma_wait3A_140 = arith.constant 0 : i32
    %dma_wait3A_141 = tpu.memref_slice %arg7[%dma_wait3A, %dma_wait3A_140] : memref<4x2048xi32, #tpu.memory_space<vmem>> -> memref<1x2048xi32, #tpu.memory_space<vmem>>
    %dma_wait3A_142 = tpu.memref_squeeze %dma_wait3A_141 : memref<1x2048xi32, #tpu.memory_space<vmem>> -> memref<2048xi32, #tpu.memory_space<vmem>>
    %dma_wait3A_143 = arith.constant 0 : i32
    %dma_wait3A_144 = arith.constant 0 : i32
    %dma_wait3A_145 = tpu.memref_slice %arg2[%dma_wait3A_143, %dma_wait3A_144] : memref<4194304x8xf32, #tpu.memory_space<hbm>> -> memref<4194304x8xf32, #tpu.memory_space<hbm>>
    tpu.wait_indirect_dma semaphore(%arg11 : memref<!tpu.dma_semaphore, #tpu.memory_space<semaphore_mem>>) src(%dma_wait3A_145 : memref<4194304x8xf32, #tpu.memory_space<hbm>>) dst(%dma_wait3A_139 : memref<2048x8xf32, #tpu.memory_space<vmem>>)
    %mul3A_146 = arith.constant 131072 : i32
    %mul3A_147 = arith.muli %add3A, %mul3A_146 : i32
    %add3A_148 = arith.constant 118784 : i32
    %add3A_149 = arith.addi %mul3A_147, %add3A_148 : i32
    %multiple_of3A_150 = tpu.assume_multiple %add3A_149, 2048 : i32
    %dma_wait3A_151 = arith.constant 2 : i32
    %dma_wait3A_152 = arith.constant 0 : i32
    %dma_wait3A_153 = tpu.memref_slice %arg9[%dma_wait3A_151, %dma_wait3A_152] : memref<4x2048xf32, #tpu.memory_space<vmem>> -> memref<1x2048xf32, #tpu.memory_space<vmem>>
    %dma_wait3A_154 = tpu.memref_squeeze %dma_wait3A_153 : memref<1x2048xf32, #tpu.memory_space<vmem>> -> memref<2048xf32, #tpu.memory_space<vmem>>
    %dma_wait3A_155 = tpu.memref_slice %arg5[%multiple_of3A_150] : memref<4194304xf32, #tpu.memory_space<hbm>> -> memref<2048xf32, #tpu.memory_space<hbm>>
    %dma_wait3A_156 = tpu.memref_slice %arg5[%multiple_of3A_150] : memref<4194304xf32, #tpu.memory_space<hbm>> -> memref<2048xf32, #tpu.memory_space<hbm>>
    %dma_wait3A_157 = arith.constant 0 : i32
    %dma_wait3A_158 = tpu.memref_slice %arg9[%dma_wait3A_151, %dma_wait3A_157] : memref<4x2048xf32, #tpu.memory_space<vmem>> -> memref<1x2048xf32, #tpu.memory_space<vmem>>
    %dma_wait3A_159 = tpu.memref_squeeze %dma_wait3A_158 : memref<1x2048xf32, #tpu.memory_space<vmem>> -> memref<2048xf32, #tpu.memory_space<vmem>>
    tpu.wait_dma2 semaphore(%arg12 : memref<!tpu.dma_semaphore, #tpu.memory_space<semaphore_mem>>) src(%dma_wait3A_159 : memref<2048xf32, #tpu.memory_space<vmem>>) dst(%dma_wait3A_156 : memref<2048xf32, #tpu.memory_space<hbm>>)
    %scan3A_160 = arith.constant 0 : i32
    %scan3A_161 = arith.constant 128 : i32
    %scan3A_162 = arith.addi %scan3A_160, %scan3A_161 : i32
    %scan3A_163 = arith.constant 4 : i32
    scf.for %scan3A_280 = %scan3A_160 to %scan3A_162 step %scan3A_163  : i32 {
      %mul3A_281 = arith.constant 1 : i32
      %mul3A_282 = arith.muli %scan3A_280, %mul3A_281 : i32
      %add3A_283 = arith.constant 0 : i32
      %add3A_284 = arith.addi %add3A_283, %mul3A_282 : i32
      %mul3A_285 = arith.constant 16 : i32
      %mul3A_286 = arith.muli %add3A_284, %mul3A_285 : i32
      %multiple_of3A_287 = tpu.assume_multiple %mul3A_286, 16 : i32
      %add3A_288 = arith.constant 0 : i32
      %add3A_289 = arith.addi %add3A_288, %multiple_of3A_287 : i32
      %get3A = arith.constant 2 : i32
      %get3A_290 = arith.index_cast %get3A : i32 to index
      %get3A_291 = arith.index_cast %add3A_289 : i32 to index
      %get3A_292 = tpu.vector_load %arg6[%get3A_290, %get3A_291] {strides = array<i32>} : memref<4x6144xf32, #tpu.memory_space<vmem>>, vector<16xf32>,
      %add3A_293 = arith.constant 2048 : i32
      %add3A_294 = arith.addi %add3A_293, %multiple_of3A_287 : i32
      %get3A_295 = arith.constant 2 : i32
      %get3A_296 = arith.index_cast %get3A_295 : i32 to index
      %get3A_297 = arith.index_cast %add3A_294 : i32 to index
      %get3A_298 = tpu.vector_load %arg6[%get3A_296, %get3A_297] {strides = array<i32>} : memref<4x6144xf32, #tpu.memory_space<vmem>>, vector<16xf32>,
      %add3A_299 = arith.constant 4096 : i32
      %add3A_300 = arith.addi %add3A_299, %multiple_of3A_287 : i32
      %get3A_301 = arith.constant 2 : i32
      %get3A_302 = arith.index_cast %get3A_301 : i32 to index
      %get3A_303 = arith.index_cast %add3A_300 : i32 to index
      %get3A_304 = tpu.vector_load %arg6[%get3A_302, %get3A_303] {strides = array<i32>} : memref<4x6144xf32, #tpu.memory_space<vmem>>, vector<16xf32>,
      %sub3A_305 = arith.constant 1.000000e+00 : f32
      %sub3A_306 = vector.broadcast %sub3A_305 : f32 to vector<16xf32>
      %sub3A_307 = arith.subf %sub3A_306, %get3A_292 : vector<16xf32>
      %sub3A_308 = arith.constant 1.000000e+00 : f32
      %sub3A_309 = vector.broadcast %sub3A_308 : f32 to vector<16xf32>
      %sub3A_310 = arith.subf %sub3A_309, %get3A_298 : vector<16xf32>
      %sub3A_311 = arith.constant 1.000000e+00 : f32
      %sub3A_312 = vector.broadcast %sub3A_311 : f32 to vector<16xf32>
      %sub3A_313 = arith.subf %sub3A_312, %get3A_304 : vector<16xf32>
      %add3A_314 = vector.broadcast %multiple_of3A_287 : i32 to vector<16xi32>
      %add3A_315 = arith.addi %add3A_314, %iota3A : vector<16xi32>
      %gather3A = arith.constant 2 : i32
      %gather3A_316 = arith.constant 0 : i32
      %gather3A_317 = arith.constant 0 : i32
      %gather3A_318 = tpu.memref_slice %arg8[%gather3A, %gather3A_316, %gather3A_317] : memref<4x2048x8xf32, #tpu.memory_space<vmem>> -> memref<1x2048x8xf32, #tpu.memory_space<vmem>>
      %gather3A_319 = tpu.memref_squeeze %gather3A_318 : memref<1x2048x8xf32, #tpu.memory_space<vmem>> -> memref<2048x8xf32, #tpu.memory_space<vmem>>
      %gather3A_320 = tpu.vector_load_idx %gather3A_319[%add3A_315, %add3A_6] : memref<2048x8xf32, #tpu.memory_space<vmem>>[vector<16xi32>, vector<16xi32>], vector<16xf32>,
      %gather3A_321 = arith.constant 2 : i32
      %gather3A_322 = arith.constant 0 : i32
      %gather3A_323 = arith.constant 0 : i32
      %gather3A_324 = tpu.memref_slice %arg8[%gather3A_321, %gather3A_322, %gather3A_323] : memref<4x2048x8xf32, #tpu.memory_space<vmem>> -> memref<1x2048x8xf32, #tpu.memory_space<vmem>>
      %gather3A_325 = tpu.memref_squeeze %gather3A_324 : memref<1x2048x8xf32, #tpu.memory_space<vmem>> -> memref<2048x8xf32, #tpu.memory_space<vmem>>
      %gather3A_326 = tpu.vector_load_idx %gather3A_325[%add3A_315, %add3A_12] : memref<2048x8xf32, #tpu.memory_space<vmem>>[vector<16xi32>, vector<16xi32>], vector<16xf32>,
      %gather3A_327 = arith.constant 2 : i32
      %gather3A_328 = arith.constant 0 : i32
      %gather3A_329 = arith.constant 0 : i32
      %gather3A_330 = tpu.memref_slice %arg8[%gather3A_327, %gather3A_328, %gather3A_329] : memref<4x2048x8xf32, #tpu.memory_space<vmem>> -> memref<1x2048x8xf32, #tpu.memory_space<vmem>>
      %gather3A_331 = tpu.memref_squeeze %gather3A_330 : memref<1x2048x8xf32, #tpu.memory_space<vmem>> -> memref<2048x8xf32, #tpu.memory_space<vmem>>
      %gather3A_332 = tpu.vector_load_idx %gather3A_331[%add3A_315, %add3A_18] : memref<2048x8xf32, #tpu.memory_space<vmem>>[vector<16xi32>, vector<16xi32>], vector<16xf32>,
      %gather3A_333 = arith.constant 2 : i32
      %gather3A_334 = arith.constant 0 : i32
      %gather3A_335 = arith.constant 0 : i32
      %gather3A_336 = tpu.memref_slice %arg8[%gather3A_333, %gather3A_334, %gather3A_335] : memref<4x2048x8xf32, #tpu.memory_space<vmem>> -> memref<1x2048x8xf32, #tpu.memory_space<vmem>>
      %gather3A_337 = tpu.memref_squeeze %gather3A_336 : memref<1x2048x8xf32, #tpu.memory_space<vmem>> -> memref<2048x8xf32, #tpu.memory_space<vmem>>
      %gather3A_338 = tpu.vector_load_idx %gather3A_337[%add3A_315, %add3A_24] : memref<2048x8xf32, #tpu.memory_space<vmem>>[vector<16xi32>, vector<16xi32>], vector<16xf32>,
      %gather3A_339 = arith.constant 2 : i32
      %gather3A_340 = arith.constant 0 : i32
      %gather3A_341 = arith.constant 0 : i32
      %gather3A_342 = tpu.memref_slice %arg8[%gather3A_339, %gather3A_340, %gather3A_341] : memref<4x2048x8xf32, #tpu.memory_space<vmem>> -> memref<1x2048x8xf32, #tpu.memory_space<vmem>>
      %gather3A_343 = tpu.memref_squeeze %gather3A_342 : memref<1x2048x8xf32, #tpu.memory_space<vmem>> -> memref<2048x8xf32, #tpu.memory_space<vmem>>
      %gather3A_344 = tpu.vector_load_idx %gather3A_343[%add3A_315, %add3A_30] : memref<2048x8xf32, #tpu.memory_space<vmem>>[vector<16xi32>, vector<16xi32>], vector<16xf32>,
      %gather3A_345 = arith.constant 2 : i32
      %gather3A_346 = arith.constant 0 : i32
      %gather3A_347 = arith.constant 0 : i32
      %gather3A_348 = tpu.memref_slice %arg8[%gather3A_345, %gather3A_346, %gather3A_347] : memref<4x2048x8xf32, #tpu.memory_space<vmem>> -> memref<1x2048x8xf32, #tpu.memory_space<vmem>>
      %gather3A_349 = tpu.memref_squeeze %gather3A_348 : memref<1x2048x8xf32, #tpu.memory_space<vmem>> -> memref<2048x8xf32, #tpu.memory_space<vmem>>
      %gather3A_350 = tpu.vector_load_idx %gather3A_349[%add3A_315, %add3A_36] : memref<2048x8xf32, #tpu.memory_space<vmem>>[vector<16xi32>, vector<16xi32>], vector<16xf32>,
      %gather3A_351 = arith.constant 2 : i32
      %gather3A_352 = arith.constant 0 : i32
      %gather3A_353 = arith.constant 0 : i32
      %gather3A_354 = tpu.memref_slice %arg8[%gather3A_351, %gather3A_352, %gather3A_353] : memref<4x2048x8xf32, #tpu.memory_space<vmem>> -> memref<1x2048x8xf32, #tpu.memory_space<vmem>>
      %gather3A_355 = tpu.memref_squeeze %gather3A_354 : memref<1x2048x8xf32, #tpu.memory_space<vmem>> -> memref<2048x8xf32, #tpu.memory_space<vmem>>
      %gather3A_356 = tpu.vector_load_idx %gather3A_355[%add3A_315, %add3A_42] : memref<2048x8xf32, #tpu.memory_space<vmem>>[vector<16xi32>, vector<16xi32>], vector<16xf32>,
      %gather3A_357 = arith.constant 2 : i32
      %gather3A_358 = arith.constant 0 : i32
      %gather3A_359 = arith.constant 0 : i32
      %gather3A_360 = tpu.memref_slice %arg8[%gather3A_357, %gather3A_358, %gather3A_359] : memref<4x2048x8xf32, #tpu.memory_space<vmem>> -> memref<1x2048x8xf32, #tpu.memory_space<vmem>>
      %gather3A_361 = tpu.memref_squeeze %gather3A_360 : memref<1x2048x8xf32, #tpu.memory_space<vmem>> -> memref<2048x8xf32, #tpu.memory_space<vmem>>
      %gather3A_362 = tpu.vector_load_idx %gather3A_361[%add3A_315, %add3A_48] : memref<2048x8xf32, #tpu.memory_space<vmem>>[vector<16xi32>, vector<16xi32>], vector<16xf32>,
      %mul3A_363 = arith.mulf %gather3A_320, %sub3A_307 : vector<16xf32>
      %mul3A_364 = arith.mulf %gather3A_326, %get3A_292 : vector<16xf32>
      %add3A_365 = arith.addf %mul3A_363, %mul3A_364 : vector<16xf32>
      %mul3A_366 = arith.mulf %gather3A_332, %sub3A_307 : vector<16xf32>
      %mul3A_367 = arith.mulf %gather3A_338, %get3A_292 : vector<16xf32>
      %add3A_368 = arith.addf %mul3A_366, %mul3A_367 : vector<16xf32>
      %mul3A_369 = arith.mulf %gather3A_344, %sub3A_307 : vector<16xf32>
      %mul3A_370 = arith.mulf %gather3A_350, %get3A_292 : vector<16xf32>
      %add3A_371 = arith.addf %mul3A_369, %mul3A_370 : vector<16xf32>
      %mul3A_372 = arith.mulf %gather3A_356, %sub3A_307 : vector<16xf32>
      %mul3A_373 = arith.mulf %gather3A_362, %get3A_292 : vector<16xf32>
      %add3A_374 = arith.addf %mul3A_372, %mul3A_373 : vector<16xf32>
      %mul3A_375 = arith.mulf %add3A_365, %sub3A_310 : vector<16xf32>
      %mul3A_376 = arith.mulf %add3A_368, %get3A_298 : vector<16xf32>
      %add3A_377 = arith.addf %mul3A_375, %mul3A_376 : vector<16xf32>
      %mul3A_378 = arith.mulf %add3A_377, %sub3A_313 : vector<16xf32>
      %mul3A_379 = arith.mulf %add3A_371, %sub3A_310 : vector<16xf32>
      %mul3A_380 = arith.mulf %add3A_374, %get3A_298 : vector<16xf32>
      %add3A_381 = arith.addf %mul3A_379, %mul3A_380 : vector<16xf32>
      %mul3A_382 = arith.mulf %add3A_381, %get3A_304 : vector<16xf32>
      %add3A_383 = arith.addf %mul3A_378, %mul3A_382 : vector<16xf32>
      %swap3A = arith.constant 2 : i32
      %swap3A_384 = arith.index_cast %swap3A : i32 to index
      %swap3A_385 = arith.index_cast %multiple_of3A_287 : i32 to index
      %swap3A_386 = tpu.vector_load %arg9[%swap3A_384, %swap3A_385] {strides = array<i32>} : memref<4x2048xf32, #tpu.memory_space<vmem>>, vector<16xf32>,
      tpu.vector_store %arg9[%swap3A_384, %swap3A_385], %add3A_383 {strides = array<i32>} : memref<4x2048xf32, #tpu.memory_space<vmem>>, vector<16xf32>,
      %scan3A_387 = arith.constant 1 : i32
      %scan3A_388 = arith.addi %scan3A_280, %scan3A_387 : i32
      %mul3A_389 = arith.constant 1 : i32
      %mul3A_390 = arith.muli %scan3A_388, %mul3A_389 : i32
      %add3A_391 = arith.constant 0 : i32
      %add3A_392 = arith.addi %add3A_391, %mul3A_390 : i32
      %mul3A_393 = arith.constant 16 : i32
      %mul3A_394 = arith.muli %add3A_392, %mul3A_393 : i32
      %multiple_of3A_395 = tpu.assume_multiple %mul3A_394, 16 : i32
      %add3A_396 = arith.constant 0 : i32
      %add3A_397 = arith.addi %add3A_396, %multiple_of3A_395 : i32
      %get3A_398 = arith.constant 2 : i32
      %get3A_399 = arith.index_cast %get3A_398 : i32 to index
      %get3A_400 = arith.index_cast %add3A_397 : i32 to index
      %get3A_401 = tpu.vector_load %arg6[%get3A_399, %get3A_400] {strides = array<i32>} : memref<4x6144xf32, #tpu.memory_space<vmem>>, vector<16xf32>,
      %add3A_402 = arith.constant 2048 : i32
      %add3A_403 = arith.addi %add3A_402, %multiple_of3A_395 : i32
      %get3A_404 = arith.constant 2 : i32
      %get3A_405 = arith.index_cast %get3A_404 : i32 to index
      %get3A_406 = arith.index_cast %add3A_403 : i32 to index
      %get3A_407 = tpu.vector_load %arg6[%get3A_405, %get3A_406] {strides = array<i32>} : memref<4x6144xf32, #tpu.memory_space<vmem>>, vector<16xf32>,
      %add3A_408 = arith.constant 4096 : i32
      %add3A_409 = arith.addi %add3A_408, %multiple_of3A_395 : i32
      %get3A_410 = arith.constant 2 : i32
      %get3A_411 = arith.index_cast %get3A_410 : i32 to index
      %get3A_412 = arith.index_cast %add3A_409 : i32 to index
      %get3A_413 = tpu.vector_load %arg6[%get3A_411, %get3A_412] {strides = array<i32>} : memref<4x6144xf32, #tpu.memory_space<vmem>>, vector<16xf32>,
      %sub3A_414 = arith.constant 1.000000e+00 : f32
      %sub3A_415 = vector.broadcast %sub3A_414 : f32 to vector<16xf32>
      %sub3A_416 = arith.subf %sub3A_415, %get3A_401 : vector<16xf32>
      %sub3A_417 = arith.constant 1.000000e+00 : f32
      %sub3A_418 = vector.broadcast %sub3A_417 : f32 to vector<16xf32>
      %sub3A_419 = arith.subf %sub3A_418, %get3A_407 : vector<16xf32>
      %sub3A_420 = arith.constant 1.000000e+00 : f32
      %sub3A_421 = vector.broadcast %sub3A_420 : f32 to vector<16xf32>
      %sub3A_422 = arith.subf %sub3A_421, %get3A_413 : vector<16xf32>
      %add3A_423 = vector.broadcast %multiple_of3A_395 : i32 to vector<16xi32>
      %add3A_424 = arith.addi %add3A_423, %iota3A : vector<16xi32>
      %gather3A_425 = arith.constant 2 : i32
      %gather3A_426 = arith.constant 0 : i32
      %gather3A_427 = arith.constant 0 : i32
      %gather3A_428 = tpu.memref_slice %arg8[%gather3A_425, %gather3A_426, %gather3A_427] : memref<4x2048x8xf32, #tpu.memory_space<vmem>> -> memref<1x2048x8xf32, #tpu.memory_space<vmem>>
      %gather3A_429 = tpu.memref_squeeze %gather3A_428 : memref<1x2048x8xf32, #tpu.memory_space<vmem>> -> memref<2048x8xf32, #tpu.memory_space<vmem>>
      %gather3A_430 = tpu.vector_load_idx %gather3A_429[%add3A_424, %add3A_6] : memref<2048x8xf32, #tpu.memory_space<vmem>>[vector<16xi32>, vector<16xi32>], vector<16xf32>,
      %gather3A_431 = arith.constant 2 : i32
      %gather3A_432 = arith.constant 0 : i32
      %gather3A_433 = arith.constant 0 : i32
      %gather3A_434 = tpu.memref_slice %arg8[%gather3A_431, %gather3A_432, %gather3A_433] : memref<4x2048x8xf32, #tpu.memory_space<vmem>> -> memref<1x2048x8xf32, #tpu.memory_space<vmem>>
      %gather3A_435 = tpu.memref_squeeze %gather3A_434 : memref<1x2048x8xf32, #tpu.memory_space<vmem>> -> memref<2048x8xf32, #tpu.memory_space<vmem>>
      %gather3A_436 = tpu.vector_load_idx %gather3A_435[%add3A_424, %add3A_12] : memref<2048x8xf32, #tpu.memory_space<vmem>>[vector<16xi32>, vector<16xi32>], vector<16xf32>,
      %gather3A_437 = arith.constant 2 : i32
      %gather3A_438 = arith.constant 0 : i32
      %gather3A_439 = arith.constant 0 : i32
      %gather3A_440 = tpu.memref_slice %arg8[%gather3A_437, %gather3A_438, %gather3A_439] : memref<4x2048x8xf32, #tpu.memory_space<vmem>> -> memref<1x2048x8xf32, #tpu.memory_space<vmem>>
      %gather3A_441 = tpu.memref_squeeze %gather3A_440 : memref<1x2048x8xf32, #tpu.memory_space<vmem>> -> memref<2048x8xf32, #tpu.memory_space<vmem>>
      %gather3A_442 = tpu.vector_load_idx %gather3A_441[%add3A_424, %add3A_18] : memref<2048x8xf32, #tpu.memory_space<vmem>>[vector<16xi32>, vector<16xi32>], vector<16xf32>,
      %gather3A_443 = arith.constant 2 : i32
      %gather3A_444 = arith.constant 0 : i32
      %gather3A_445 = arith.constant 0 : i32
      %gather3A_446 = tpu.memref_slice %arg8[%gather3A_443, %gather3A_444, %gather3A_445] : memref<4x2048x8xf32, #tpu.memory_space<vmem>> -> memref<1x2048x8xf32, #tpu.memory_space<vmem>>
      %gather3A_447 = tpu.memref_squeeze %gather3A_446 : memref<1x2048x8xf32, #tpu.memory_space<vmem>> -> memref<2048x8xf32, #tpu.memory_space<vmem>>
      %gather3A_448 = tpu.vector_load_idx %gather3A_447[%add3A_424, %add3A_24] : memref<2048x8xf32, #tpu.memory_space<vmem>>[vector<16xi32>, vector<16xi32>], vector<16xf32>,
      %gather3A_449 = arith.constant 2 : i32
      %gather3A_450 = arith.constant 0 : i32
      %gather3A_451 = arith.constant 0 : i32
      %gather3A_452 = tpu.memref_slice %arg8[%gather3A_449, %gather3A_450, %gather3A_451] : memref<4x2048x8xf32, #tpu.memory_space<vmem>> -> memref<1x2048x8xf32, #tpu.memory_space<vmem>>
      %gather3A_453 = tpu.memref_squeeze %gather3A_452 : memref<1x2048x8xf32, #tpu.memory_space<vmem>> -> memref<2048x8xf32, #tpu.memory_space<vmem>>
      %gather3A_454 = tpu.vector_load_idx %gather3A_453[%add3A_424, %add3A_30] : memref<2048x8xf32, #tpu.memory_space<vmem>>[vector<16xi32>, vector<16xi32>], vector<16xf32>,
      %gather3A_455 = arith.constant 2 : i32
      %gather3A_456 = arith.constant 0 : i32
      %gather3A_457 = arith.constant 0 : i32
      %gather3A_458 = tpu.memref_slice %arg8[%gather3A_455, %gather3A_456, %gather3A_457] : memref<4x2048x8xf32, #tpu.memory_space<vmem>> -> memref<1x2048x8xf32, #tpu.memory_space<vmem>>
      %gather3A_459 = tpu.memref_squeeze %gather3A_458 : memref<1x2048x8xf32, #tpu.memory_space<vmem>> -> memref<2048x8xf32, #tpu.memory_space<vmem>>
      %gather3A_460 = tpu.vector_load_idx %gather3A_459[%add3A_424, %add3A_36] : memref<2048x8xf32, #tpu.memory_space<vmem>>[vector<16xi32>, vector<16xi32>], vector<16xf32>,
      %gather3A_461 = arith.constant 2 : i32
      %gather3A_462 = arith.constant 0 : i32
      %gather3A_463 = arith.constant 0 : i32
      %gather3A_464 = tpu.memref_slice %arg8[%gather3A_461, %gather3A_462, %gather3A_463] : memref<4x2048x8xf32, #tpu.memory_space<vmem>> -> memref<1x2048x8xf32, #tpu.memory_space<vmem>>
      %gather3A_465 = tpu.memref_squeeze %gather3A_464 : memref<1x2048x8xf32, #tpu.memory_space<vmem>> -> memref<2048x8xf32, #tpu.memory_space<vmem>>
      %gather3A_466 = tpu.vector_load_idx %gather3A_465[%add3A_424, %add3A_42] : memref<2048x8xf32, #tpu.memory_space<vmem>>[vector<16xi32>, vector<16xi32>], vector<16xf32>,
      %gather3A_467 = arith.constant 2 : i32
      %gather3A_468 = arith.constant 0 : i32
      %gather3A_469 = arith.constant 0 : i32
      %gather3A_470 = tpu.memref_slice %arg8[%gather3A_467, %gather3A_468, %gather3A_469] : memref<4x2048x8xf32, #tpu.memory_space<vmem>> -> memref<1x2048x8xf32, #tpu.memory_space<vmem>>
      %gather3A_471 = tpu.memref_squeeze %gather3A_470 : memref<1x2048x8xf32, #tpu.memory_space<vmem>> -> memref<2048x8xf32, #tpu.memory_space<vmem>>
      %gather3A_472 = tpu.vector_load_idx %gather3A_471[%add3A_424, %add3A_48] : memref<2048x8xf32, #tpu.memory_space<vmem>>[vector<16xi32>, vector<16xi32>], vector<16xf32>,
      %mul3A_473 = arith.mulf %gather3A_430, %sub3A_416 : vector<16xf32>
      %mul3A_474 = arith.mulf %gather3A_436, %get3A_401 : vector<16xf32>
      %add3A_475 = arith.addf %mul3A_473, %mul3A_474 : vector<16xf32>
      %mul3A_476 = arith.mulf %gather3A_442, %sub3A_416 : vector<16xf32>
      %mul3A_477 = arith.mulf %gather3A_448, %get3A_401 : vector<16xf32>
      %add3A_478 = arith.addf %mul3A_476, %mul3A_477 : vector<16xf32>
      %mul3A_479 = arith.mulf %gather3A_454, %sub3A_416 : vector<16xf32>
      %mul3A_480 = arith.mulf %gather3A_460, %get3A_401 : vector<16xf32>
      %add3A_481 = arith.addf %mul3A_479, %mul3A_480 : vector<16xf32>
      %mul3A_482 = arith.mulf %gather3A_466, %sub3A_416 : vector<16xf32>
      %mul3A_483 = arith.mulf %gather3A_472, %get3A_401 : vector<16xf32>
      %add3A_484 = arith.addf %mul3A_482, %mul3A_483 : vector<16xf32>
      %mul3A_485 = arith.mulf %add3A_475, %sub3A_419 : vector<16xf32>
      %mul3A_486 = arith.mulf %add3A_478, %get3A_407 : vector<16xf32>
      %add3A_487 = arith.addf %mul3A_485, %mul3A_486 : vector<16xf32>
      %mul3A_488 = arith.mulf %add3A_487, %sub3A_422 : vector<16xf32>
      %mul3A_489 = arith.mulf %add3A_481, %sub3A_419 : vector<16xf32>
      %mul3A_490 = arith.mulf %add3A_484, %get3A_407 : vector<16xf32>
      %add3A_491 = arith.addf %mul3A_489, %mul3A_490 : vector<16xf32>
      %mul3A_492 = arith.mulf %add3A_491, %get3A_413 : vector<16xf32>
      %add3A_493 = arith.addf %mul3A_488, %mul3A_492 : vector<16xf32>
      %swap3A_494 = arith.constant 2 : i32
      %swap3A_495 = arith.index_cast %swap3A_494 : i32 to index
      %swap3A_496 = arith.index_cast %multiple_of3A_395 : i32 to index
      %swap3A_497 = tpu.vector_load %arg9[%swap3A_495, %swap3A_496] {strides = array<i32>} : memref<4x2048xf32, #tpu.memory_space<vmem>>, vector<16xf32>,
      tpu.vector_store %arg9[%swap3A_495, %swap3A_496], %add3A_493 {strides = array<i32>} : memref<4x2048xf32, #tpu.memory_space<vmem>>, vector<16xf32>,
      %scan3A_498 = arith.constant 2 : i32
      %scan3A_499 = arith.addi %scan3A_280, %scan3A_498 : i32
      %mul3A_500 = arith.constant 1 : i32
      %mul3A_501 = arith.muli %scan3A_499, %mul3A_500 : i32
      %add3A_502 = arith.constant 0 : i32
      %add3A_503 = arith.addi %add3A_502, %mul3A_501 : i32
      %mul3A_504 = arith.constant 16 : i32
      %mul3A_505 = arith.muli %add3A_503, %mul3A_504 : i32
      %multiple_of3A_506 = tpu.assume_multiple %mul3A_505, 16 : i32
      %add3A_507 = arith.constant 0 : i32
      %add3A_508 = arith.addi %add3A_507, %multiple_of3A_506 : i32
      %get3A_509 = arith.constant 2 : i32
      %get3A_510 = arith.index_cast %get3A_509 : i32 to index
      %get3A_511 = arith.index_cast %add3A_508 : i32 to index
      %get3A_512 = tpu.vector_load %arg6[%get3A_510, %get3A_511] {strides = array<i32>} : memref<4x6144xf32, #tpu.memory_space<vmem>>, vector<16xf32>,
      %add3A_513 = arith.constant 2048 : i32
      %add3A_514 = arith.addi %add3A_513, %multiple_of3A_506 : i32
      %get3A_515 = arith.constant 2 : i32
      %get3A_516 = arith.index_cast %get3A_515 : i32 to index
      %get3A_517 = arith.index_cast %add3A_514 : i32 to index
      %get3A_518 = tpu.vector_load %arg6[%get3A_516, %get3A_517] {strides = array<i32>} : memref<4x6144xf32, #tpu.memory_space<vmem>>, vector<16xf32>,
      %add3A_519 = arith.constant 4096 : i32
      %add3A_520 = arith.addi %add3A_519, %multiple_of3A_506 : i32
      %get3A_521 = arith.constant 2 : i32
      %get3A_522 = arith.index_cast %get3A_521 : i32 to index
      %get3A_523 = arith.index_cast %add3A_520 : i32 to index
      %get3A_524 = tpu.vector_load %arg6[%get3A_522, %get3A_523] {strides = array<i32>} : memref<4x6144xf32, #tpu.memory_space<vmem>>, vector<16xf32>,
      %sub3A_525 = arith.constant 1.000000e+00 : f32
      %sub3A_526 = vector.broadcast %sub3A_525 : f32 to vector<16xf32>
      %sub3A_527 = arith.subf %sub3A_526, %get3A_512 : vector<16xf32>
      %sub3A_528 = arith.constant 1.000000e+00 : f32
      %sub3A_529 = vector.broadcast %sub3A_528 : f32 to vector<16xf32>
      %sub3A_530 = arith.subf %sub3A_529, %get3A_518 : vector<16xf32>
      %sub3A_531 = arith.constant 1.000000e+00 : f32
      %sub3A_532 = vector.broadcast %sub3A_531 : f32 to vector<16xf32>
      %sub3A_533 = arith.subf %sub3A_532, %get3A_524 : vector<16xf32>
      %add3A_534 = vector.broadcast %multiple_of3A_506 : i32 to vector<16xi32>
      %add3A_535 = arith.addi %add3A_534, %iota3A : vector<16xi32>
      %gather3A_536 = arith.constant 2 : i32
      %gather3A_537 = arith.constant 0 : i32
      %gather3A_538 = arith.constant 0 : i32
      %gather3A_539 = tpu.memref_slice %arg8[%gather3A_536, %gather3A_537, %gather3A_538] : memref<4x2048x8xf32, #tpu.memory_space<vmem>> -> memref<1x2048x8xf32, #tpu.memory_space<vmem>>
      %gather3A_540 = tpu.memref_squeeze %gather3A_539 : memref<1x2048x8xf32, #tpu.memory_space<vmem>> -> memref<2048x8xf32, #tpu.memory_space<vmem>>
      %gather3A_541 = tpu.vector_load_idx %gather3A_540[%add3A_535, %add3A_6] : memref<2048x8xf32, #tpu.memory_space<vmem>>[vector<16xi32>, vector<16xi32>], vector<16xf32>,
      %gather3A_542 = arith.constant 2 : i32
      %gather3A_543 = arith.constant 0 : i32
      %gather3A_544 = arith.constant 0 : i32
      %gather3A_545 = tpu.memref_slice %arg8[%gather3A_542, %gather3A_543, %gather3A_544] : memref<4x2048x8xf32, #tpu.memory_space<vmem>> -> memref<1x2048x8xf32, #tpu.memory_space<vmem>>
      %gather3A_546 = tpu.memref_squeeze %gather3A_545 : memref<1x2048x8xf32, #tpu.memory_space<vmem>> -> memref<2048x8xf32, #tpu.memory_space<vmem>>
      %gather3A_547 = tpu.vector_load_idx %gather3A_546[%add3A_535, %add3A_12] : memref<2048x8xf32, #tpu.memory_space<vmem>>[vector<16xi32>, vector<16xi32>], vector<16xf32>,
      %gather3A_548 = arith.constant 2 : i32
      %gather3A_549 = arith.constant 0 : i32
      %gather3A_550 = arith.constant 0 : i32
      %gather3A_551 = tpu.memref_slice %arg8[%gather3A_548, %gather3A_549, %gather3A_550] : memref<4x2048x8xf32, #tpu.memory_space<vmem>> -> memref<1x2048x8xf32, #tpu.memory_space<vmem>>
      %gather3A_552 = tpu.memref_squeeze %gather3A_551 : memref<1x2048x8xf32, #tpu.memory_space<vmem>> -> memref<2048x8xf32, #tpu.memory_space<vmem>>
      %gather3A_553 = tpu.vector_load_idx %gather3A_552[%add3A_535, %add3A_18] : memref<2048x8xf32, #tpu.memory_space<vmem>>[vector<16xi32>, vector<16xi32>], vector<16xf32>,
      %gather3A_554 = arith.constant 2 : i32
      %gather3A_555 = arith.constant 0 : i32
      %gather3A_556 = arith.constant 0 : i32
      %gather3A_557 = tpu.memref_slice %arg8[%gather3A_554, %gather3A_555, %gather3A_556] : memref<4x2048x8xf32, #tpu.memory_space<vmem>> -> memref<1x2048x8xf32, #tpu.memory_space<vmem>>
      %gather3A_558 = tpu.memref_squeeze %gather3A_557 : memref<1x2048x8xf32, #tpu.memory_space<vmem>> -> memref<2048x8xf32, #tpu.memory_space<vmem>>
      %gather3A_559 = tpu.vector_load_idx %gather3A_558[%add3A_535, %add3A_24] : memref<2048x8xf32, #tpu.memory_space<vmem>>[vector<16xi32>, vector<16xi32>], vector<16xf32>,
      %gather3A_560 = arith.constant 2 : i32
      %gather3A_561 = arith.constant 0 : i32
      %gather3A_562 = arith.constant 0 : i32
      %gather3A_563 = tpu.memref_slice %arg8[%gather3A_560, %gather3A_561, %gather3A_562] : memref<4x2048x8xf32, #tpu.memory_space<vmem>> -> memref<1x2048x8xf32, #tpu.memory_space<vmem>>
      %gather3A_564 = tpu.memref_squeeze %gather3A_563 : memref<1x2048x8xf32, #tpu.memory_space<vmem>> -> memref<2048x8xf32, #tpu.memory_space<vmem>>
      %gather3A_565 = tpu.vector_load_idx %gather3A_564[%add3A_535, %add3A_30] : memref<2048x8xf32, #tpu.memory_space<vmem>>[vector<16xi32>, vector<16xi32>], vector<16xf32>,
      %gather3A_566 = arith.constant 2 : i32
      %gather3A_567 = arith.constant 0 : i32
      %gather3A_568 = arith.constant 0 : i32
      %gather3A_569 = tpu.memref_slice %arg8[%gather3A_566, %gather3A_567, %gather3A_568] : memref<4x2048x8xf32, #tpu.memory_space<vmem>> -> memref<1x2048x8xf32, #tpu.memory_space<vmem>>
      %gather3A_570 = tpu.memref_squeeze %gather3A_569 : memref<1x2048x8xf32, #tpu.memory_space<vmem>> -> memref<2048x8xf32, #tpu.memory_space<vmem>>
      %gather3A_571 = tpu.vector_load_idx %gather3A_570[%add3A_535, %add3A_36] : memref<2048x8xf32, #tpu.memory_space<vmem>>[vector<16xi32>, vector<16xi32>], vector<16xf32>,
      %gather3A_572 = arith.constant 2 : i32
      %gather3A_573 = arith.constant 0 : i32
      %gather3A_574 = arith.constant 0 : i32
      %gather3A_575 = tpu.memref_slice %arg8[%gather3A_572, %gather3A_573, %gather3A_574] : memref<4x2048x8xf32, #tpu.memory_space<vmem>> -> memref<1x2048x8xf32, #tpu.memory_space<vmem>>
      %gather3A_576 = tpu.memref_squeeze %gather3A_575 : memref<1x2048x8xf32, #tpu.memory_space<vmem>> -> memref<2048x8xf32, #tpu.memory_space<vmem>>
      %gather3A_577 = tpu.vector_load_idx %gather3A_576[%add3A_535, %add3A_42] : memref<2048x8xf32, #tpu.memory_space<vmem>>[vector<16xi32>, vector<16xi32>], vector<16xf32>,
      %gather3A_578 = arith.constant 2 : i32
      %gather3A_579 = arith.constant 0 : i32
      %gather3A_580 = arith.constant 0 : i32
      %gather3A_581 = tpu.memref_slice %arg8[%gather3A_578, %gather3A_579, %gather3A_580] : memref<4x2048x8xf32, #tpu.memory_space<vmem>> -> memref<1x2048x8xf32, #tpu.memory_space<vmem>>
      %gather3A_582 = tpu.memref_squeeze %gather3A_581 : memref<1x2048x8xf32, #tpu.memory_space<vmem>> -> memref<2048x8xf32, #tpu.memory_space<vmem>>
      %gather3A_583 = tpu.vector_load_idx %gather3A_582[%add3A_535, %add3A_48] : memref<2048x8xf32, #tpu.memory_space<vmem>>[vector<16xi32>, vector<16xi32>], vector<16xf32>,
      %mul3A_584 = arith.mulf %gather3A_541, %sub3A_527 : vector<16xf32>
      %mul3A_585 = arith.mulf %gather3A_547, %get3A_512 : vector<16xf32>
      %add3A_586 = arith.addf %mul3A_584, %mul3A_585 : vector<16xf32>
      %mul3A_587 = arith.mulf %gather3A_553, %sub3A_527 : vector<16xf32>
      %mul3A_588 = arith.mulf %gather3A_559, %get3A_512 : vector<16xf32>
      %add3A_589 = arith.addf %mul3A_587, %mul3A_588 : vector<16xf32>
      %mul3A_590 = arith.mulf %gather3A_565, %sub3A_527 : vector<16xf32>
      %mul3A_591 = arith.mulf %gather3A_571, %get3A_512 : vector<16xf32>
      %add3A_592 = arith.addf %mul3A_590, %mul3A_591 : vector<16xf32>
      %mul3A_593 = arith.mulf %gather3A_577, %sub3A_527 : vector<16xf32>
      %mul3A_594 = arith.mulf %gather3A_583, %get3A_512 : vector<16xf32>
      %add3A_595 = arith.addf %mul3A_593, %mul3A_594 : vector<16xf32>
      %mul3A_596 = arith.mulf %add3A_586, %sub3A_530 : vector<16xf32>
      %mul3A_597 = arith.mulf %add3A_589, %get3A_518 : vector<16xf32>
      %add3A_598 = arith.addf %mul3A_596, %mul3A_597 : vector<16xf32>
      %mul3A_599 = arith.mulf %add3A_598, %sub3A_533 : vector<16xf32>
      %mul3A_600 = arith.mulf %add3A_592, %sub3A_530 : vector<16xf32>
      %mul3A_601 = arith.mulf %add3A_595, %get3A_518 : vector<16xf32>
      %add3A_602 = arith.addf %mul3A_600, %mul3A_601 : vector<16xf32>
      %mul3A_603 = arith.mulf %add3A_602, %get3A_524 : vector<16xf32>
      %add3A_604 = arith.addf %mul3A_599, %mul3A_603 : vector<16xf32>
      %swap3A_605 = arith.constant 2 : i32
      %swap3A_606 = arith.index_cast %swap3A_605 : i32 to index
      %swap3A_607 = arith.index_cast %multiple_of3A_506 : i32 to index
      %swap3A_608 = tpu.vector_load %arg9[%swap3A_606, %swap3A_607] {strides = array<i32>} : memref<4x2048xf32, #tpu.memory_space<vmem>>, vector<16xf32>,
      tpu.vector_store %arg9[%swap3A_606, %swap3A_607], %add3A_604 {strides = array<i32>} : memref<4x2048xf32, #tpu.memory_space<vmem>>, vector<16xf32>,
      %scan3A_609 = arith.constant 3 : i32
      %scan3A_610 = arith.addi %scan3A_280, %scan3A_609 : i32
      %mul3A_611 = arith.constant 1 : i32
      %mul3A_612 = arith.muli %scan3A_610, %mul3A_611 : i32
      %add3A_613 = arith.constant 0 : i32
      %add3A_614 = arith.addi %add3A_613, %mul3A_612 : i32
      %mul3A_615 = arith.constant 16 : i32
      %mul3A_616 = arith.muli %add3A_614, %mul3A_615 : i32
      %multiple_of3A_617 = tpu.assume_multiple %mul3A_616, 16 : i32
      %add3A_618 = arith.constant 0 : i32
      %add3A_619 = arith.addi %add3A_618, %multiple_of3A_617 : i32
      %get3A_620 = arith.constant 2 : i32
      %get3A_621 = arith.index_cast %get3A_620 : i32 to index
      %get3A_622 = arith.index_cast %add3A_619 : i32 to index
      %get3A_623 = tpu.vector_load %arg6[%get3A_621, %get3A_622] {strides = array<i32>} : memref<4x6144xf32, #tpu.memory_space<vmem>>, vector<16xf32>,
      %add3A_624 = arith.constant 2048 : i32
      %add3A_625 = arith.addi %add3A_624, %multiple_of3A_617 : i32
      %get3A_626 = arith.constant 2 : i32
      %get3A_627 = arith.index_cast %get3A_626 : i32 to index
      %get3A_628 = arith.index_cast %add3A_625 : i32 to index
      %get3A_629 = tpu.vector_load %arg6[%get3A_627, %get3A_628] {strides = array<i32>} : memref<4x6144xf32, #tpu.memory_space<vmem>>, vector<16xf32>,
      %add3A_630 = arith.constant 4096 : i32
      %add3A_631 = arith.addi %add3A_630, %multiple_of3A_617 : i32
      %get3A_632 = arith.constant 2 : i32
      %get3A_633 = arith.index_cast %get3A_632 : i32 to index
      %get3A_634 = arith.index_cast %add3A_631 : i32 to index
      %get3A_635 = tpu.vector_load %arg6[%get3A_633, %get3A_634] {strides = array<i32>} : memref<4x6144xf32, #tpu.memory_space<vmem>>, vector<16xf32>,
      %sub3A_636 = arith.constant 1.000000e+00 : f32
      %sub3A_637 = vector.broadcast %sub3A_636 : f32 to vector<16xf32>
      %sub3A_638 = arith.subf %sub3A_637, %get3A_623 : vector<16xf32>
      %sub3A_639 = arith.constant 1.000000e+00 : f32
      %sub3A_640 = vector.broadcast %sub3A_639 : f32 to vector<16xf32>
      %sub3A_641 = arith.subf %sub3A_640, %get3A_629 : vector<16xf32>
      %sub3A_642 = arith.constant 1.000000e+00 : f32
      %sub3A_643 = vector.broadcast %sub3A_642 : f32 to vector<16xf32>
      %sub3A_644 = arith.subf %sub3A_643, %get3A_635 : vector<16xf32>
      %add3A_645 = vector.broadcast %multiple_of3A_617 : i32 to vector<16xi32>
      %add3A_646 = arith.addi %add3A_645, %iota3A : vector<16xi32>
      %gather3A_647 = arith.constant 2 : i32
      %gather3A_648 = arith.constant 0 : i32
      %gather3A_649 = arith.constant 0 : i32
      %gather3A_650 = tpu.memref_slice %arg8[%gather3A_647, %gather3A_648, %gather3A_649] : memref<4x2048x8xf32, #tpu.memory_space<vmem>> -> memref<1x2048x8xf32, #tpu.memory_space<vmem>>
      %gather3A_651 = tpu.memref_squeeze %gather3A_650 : memref<1x2048x8xf32, #tpu.memory_space<vmem>> -> memref<2048x8xf32, #tpu.memory_space<vmem>>
      %gather3A_652 = tpu.vector_load_idx %gather3A_651[%add3A_646, %add3A_6] : memref<2048x8xf32, #tpu.memory_space<vmem>>[vector<16xi32>, vector<16xi32>], vector<16xf32>,
      %gather3A_653 = arith.constant 2 : i32
      %gather3A_654 = arith.constant 0 : i32
      %gather3A_655 = arith.constant 0 : i32
      %gather3A_656 = tpu.memref_slice %arg8[%gather3A_653, %gather3A_654, %gather3A_655] : memref<4x2048x8xf32, #tpu.memory_space<vmem>> -> memref<1x2048x8xf32, #tpu.memory_space<vmem>>
      %gather3A_657 = tpu.memref_squeeze %gather3A_656 : memref<1x2048x8xf32, #tpu.memory_space<vmem>> -> memref<2048x8xf32, #tpu.memory_space<vmem>>
      %gather3A_658 = tpu.vector_load_idx %gather3A_657[%add3A_646, %add3A_12] : memref<2048x8xf32, #tpu.memory_space<vmem>>[vector<16xi32>, vector<16xi32>], vector<16xf32>,
      %gather3A_659 = arith.constant 2 : i32
      %gather3A_660 = arith.constant 0 : i32
      %gather3A_661 = arith.constant 0 : i32
      %gather3A_662 = tpu.memref_slice %arg8[%gather3A_659, %gather3A_660, %gather3A_661] : memref<4x2048x8xf32, #tpu.memory_space<vmem>> -> memref<1x2048x8xf32, #tpu.memory_space<vmem>>
      %gather3A_663 = tpu.memref_squeeze %gather3A_662 : memref<1x2048x8xf32, #tpu.memory_space<vmem>> -> memref<2048x8xf32, #tpu.memory_space<vmem>>
      %gather3A_664 = tpu.vector_load_idx %gather3A_663[%add3A_646, %add3A_18] : memref<2048x8xf32, #tpu.memory_space<vmem>>[vector<16xi32>, vector<16xi32>], vector<16xf32>,
      %gather3A_665 = arith.constant 2 : i32
      %gather3A_666 = arith.constant 0 : i32
      %gather3A_667 = arith.constant 0 : i32
      %gather3A_668 = tpu.memref_slice %arg8[%gather3A_665, %gather3A_666, %gather3A_667] : memref<4x2048x8xf32, #tpu.memory_space<vmem>> -> memref<1x2048x8xf32, #tpu.memory_space<vmem>>
      %gather3A_669 = tpu.memref_squeeze %gather3A_668 : memref<1x2048x8xf32, #tpu.memory_space<vmem>> -> memref<2048x8xf32, #tpu.memory_space<vmem>>
      %gather3A_670 = tpu.vector_load_idx %gather3A_669[%add3A_646, %add3A_24] : memref<2048x8xf32, #tpu.memory_space<vmem>>[vector<16xi32>, vector<16xi32>], vector<16xf32>,
      %gather3A_671 = arith.constant 2 : i32
      %gather3A_672 = arith.constant 0 : i32
      %gather3A_673 = arith.constant 0 : i32
      %gather3A_674 = tpu.memref_slice %arg8[%gather3A_671, %gather3A_672, %gather3A_673] : memref<4x2048x8xf32, #tpu.memory_space<vmem>> -> memref<1x2048x8xf32, #tpu.memory_space<vmem>>
      %gather3A_675 = tpu.memref_squeeze %gather3A_674 : memref<1x2048x8xf32, #tpu.memory_space<vmem>> -> memref<2048x8xf32, #tpu.memory_space<vmem>>
      %gather3A_676 = tpu.vector_load_idx %gather3A_675[%add3A_646, %add3A_30] : memref<2048x8xf32, #tpu.memory_space<vmem>>[vector<16xi32>, vector<16xi32>], vector<16xf32>,
      %gather3A_677 = arith.constant 2 : i32
      %gather3A_678 = arith.constant 0 : i32
      %gather3A_679 = arith.constant 0 : i32
      %gather3A_680 = tpu.memref_slice %arg8[%gather3A_677, %gather3A_678, %gather3A_679] : memref<4x2048x8xf32, #tpu.memory_space<vmem>> -> memref<1x2048x8xf32, #tpu.memory_space<vmem>>
      %gather3A_681 = tpu.memref_squeeze %gather3A_680 : memref<1x2048x8xf32, #tpu.memory_space<vmem>> -> memref<2048x8xf32, #tpu.memory_space<vmem>>
      %gather3A_682 = tpu.vector_load_idx %gather3A_681[%add3A_646, %add3A_36] : memref<2048x8xf32, #tpu.memory_space<vmem>>[vector<16xi32>, vector<16xi32>], vector<16xf32>,
      %gather3A_683 = arith.constant 2 : i32
      %gather3A_684 = arith.constant 0 : i32
      %gather3A_685 = arith.constant 0 : i32
      %gather3A_686 = tpu.memref_slice %arg8[%gather3A_683, %gather3A_684, %gather3A_685] : memref<4x2048x8xf32, #tpu.memory_space<vmem>> -> memref<1x2048x8xf32, #tpu.memory_space<vmem>>
      %gather3A_687 = tpu.memref_squeeze %gather3A_686 : memref<1x2048x8xf32, #tpu.memory_space<vmem>> -> memref<2048x8xf32, #tpu.memory_space<vmem>>
      %gather3A_688 = tpu.vector_load_idx %gather3A_687[%add3A_646, %add3A_42] : memref<2048x8xf32, #tpu.memory_space<vmem>>[vector<16xi32>, vector<16xi32>], vector<16xf32>,
      %gather3A_689 = arith.constant 2 : i32
      %gather3A_690 = arith.constant 0 : i32
      %gather3A_691 = arith.constant 0 : i32
      %gather3A_692 = tpu.memref_slice %arg8[%gather3A_689, %gather3A_690, %gather3A_691] : memref<4x2048x8xf32, #tpu.memory_space<vmem>> -> memref<1x2048x8xf32, #tpu.memory_space<vmem>>
      %gather3A_693 = tpu.memref_squeeze %gather3A_692 : memref<1x2048x8xf32, #tpu.memory_space<vmem>> -> memref<2048x8xf32, #tpu.memory_space<vmem>>
      %gather3A_694 = tpu.vector_load_idx %gather3A_693[%add3A_646, %add3A_48] : memref<2048x8xf32, #tpu.memory_space<vmem>>[vector<16xi32>, vector<16xi32>], vector<16xf32>,
      %mul3A_695 = arith.mulf %gather3A_652, %sub3A_638 : vector<16xf32>
      %mul3A_696 = arith.mulf %gather3A_658, %get3A_623 : vector<16xf32>
      %add3A_697 = arith.addf %mul3A_695, %mul3A_696 : vector<16xf32>
      %mul3A_698 = arith.mulf %gather3A_664, %sub3A_638 : vector<16xf32>
      %mul3A_699 = arith.mulf %gather3A_670, %get3A_623 : vector<16xf32>
      %add3A_700 = arith.addf %mul3A_698, %mul3A_699 : vector<16xf32>
      %mul3A_701 = arith.mulf %gather3A_676, %sub3A_638 : vector<16xf32>
      %mul3A_702 = arith.mulf %gather3A_682, %get3A_623 : vector<16xf32>
      %add3A_703 = arith.addf %mul3A_701, %mul3A_702 : vector<16xf32>
      %mul3A_704 = arith.mulf %gather3A_688, %sub3A_638 : vector<16xf32>
      %mul3A_705 = arith.mulf %gather3A_694, %get3A_623 : vector<16xf32>
      %add3A_706 = arith.addf %mul3A_704, %mul3A_705 : vector<16xf32>
      %mul3A_707 = arith.mulf %add3A_697, %sub3A_641 : vector<16xf32>
      %mul3A_708 = arith.mulf %add3A_700, %get3A_629 : vector<16xf32>
      %add3A_709 = arith.addf %mul3A_707, %mul3A_708 : vector<16xf32>
      %mul3A_710 = arith.mulf %add3A_709, %sub3A_644 : vector<16xf32>
      %mul3A_711 = arith.mulf %add3A_703, %sub3A_641 : vector<16xf32>
      %mul3A_712 = arith.mulf %add3A_706, %get3A_629 : vector<16xf32>
      %add3A_713 = arith.addf %mul3A_711, %mul3A_712 : vector<16xf32>
      %mul3A_714 = arith.mulf %add3A_713, %get3A_635 : vector<16xf32>
      %add3A_715 = arith.addf %mul3A_710, %mul3A_714 : vector<16xf32>
      %swap3A_716 = arith.constant 2 : i32
      %swap3A_717 = arith.index_cast %swap3A_716 : i32 to index
      %swap3A_718 = arith.index_cast %multiple_of3A_617 : i32 to index
      %swap3A_719 = tpu.vector_load %arg9[%swap3A_717, %swap3A_718] {strides = array<i32>} : memref<4x2048xf32, #tpu.memory_space<vmem>>, vector<16xf32>,
      tpu.vector_store %arg9[%swap3A_717, %swap3A_718], %add3A_715 {strides = array<i32>} : memref<4x2048xf32, #tpu.memory_space<vmem>>, vector<16xf32>,
    }
    %scan3A_164 = arith.constant 128 : i32
    %mul3A_165 = arith.constant 131072 : i32
    %mul3A_166 = arith.muli %add3A, %mul3A_165 : i32
    %add3A_167 = arith.constant 126976 : i32
    %add3A_168 = arith.addi %mul3A_166, %add3A_167 : i32
    %multiple_of3A_169 = tpu.assume_multiple %add3A_168, 2048 : i32
    %dma_start3A_170 = arith.constant 2 : i32
    %dma_start3A_171 = arith.constant 0 : i32
    %dma_start3A_172 = tpu.memref_slice %arg9[%dma_start3A_170, %dma_start3A_171] : memref<4x2048xf32, #tpu.memory_space<vmem>> -> memref<1x2048xf32, #tpu.memory_space<vmem>>
    %dma_start3A_173 = tpu.memref_squeeze %dma_start3A_172 : memref<1x2048xf32, #tpu.memory_space<vmem>> -> memref<2048xf32, #tpu.memory_space<vmem>>
    %dma_start3A_174 = tpu.memref_slice %arg5[%multiple_of3A_169] : memref<4194304xf32, #tpu.memory_space<hbm>> -> memref<2048xf32, #tpu.memory_space<hbm>>
    %dma_start3A_175 = tpu.memref_slice %arg5[%multiple_of3A_169] : memref<4194304xf32, #tpu.memory_space<hbm>> -> memref<2048xf32, #tpu.memory_space<hbm>>
    %dma_start3A_176 = arith.constant 0 : i32
    %dma_start3A_177 = tpu.memref_slice %arg9[%dma_start3A_170, %dma_start3A_176] : memref<4x2048xf32, #tpu.memory_space<vmem>> -> memref<1x2048xf32, #tpu.memory_space<vmem>>
    %dma_start3A_178 = tpu.memref_squeeze %dma_start3A_177 : memref<1x2048xf32, #tpu.memory_space<vmem>> -> memref<2048xf32, #tpu.memory_space<vmem>>
    tpu.enqueue_dma source(%dma_start3A_178 : memref<2048xf32, #tpu.memory_space<vmem>>) target(%dma_start3A_175 : memref<2048xf32, #tpu.memory_space<hbm>>) target_semaphore(%arg12 : memref<!tpu.dma_semaphore, #tpu.memory_space<semaphore_mem>>)
    %dma_wait3A_179 = arith.constant 3 : i32
    %dma_wait3A_180 = arith.constant 3 : i32
    %dma_wait3A_181 = arith.constant 0 : i32
    %dma_wait3A_182 = arith.constant 0 : i32
    %dma_wait3A_183 = tpu.memref_slice %arg8[%dma_wait3A_180, %dma_wait3A_181, %dma_wait3A_182] : memref<4x2048x8xf32, #tpu.memory_space<vmem>> -> memref<1x2048x8xf32, #tpu.memory_space<vmem>>
    %dma_wait3A_184 = tpu.memref_squeeze %dma_wait3A_183 : memref<1x2048x8xf32, #tpu.memory_space<vmem>> -> memref<2048x8xf32, #tpu.memory_space<vmem>>
    %dma_wait3A_185 = arith.constant 0 : i32
    %dma_wait3A_186 = tpu.memref_slice %arg7[%dma_wait3A_179, %dma_wait3A_185] : memref<4x2048xi32, #tpu.memory_space<vmem>> -> memref<1x2048xi32, #tpu.memory_space<vmem>>
    %dma_wait3A_187 = tpu.memref_squeeze %dma_wait3A_186 : memref<1x2048xi32, #tpu.memory_space<vmem>> -> memref<2048xi32, #tpu.memory_space<vmem>>
    %dma_wait3A_188 = arith.constant 0 : i32
    %dma_wait3A_189 = arith.constant 0 : i32
    %dma_wait3A_190 = tpu.memref_slice %arg2[%dma_wait3A_188, %dma_wait3A_189] : memref<4194304x8xf32, #tpu.memory_space<hbm>> -> memref<4194304x8xf32, #tpu.memory_space<hbm>>
    tpu.wait_indirect_dma semaphore(%arg11 : memref<!tpu.dma_semaphore, #tpu.memory_space<semaphore_mem>>) src(%dma_wait3A_190 : memref<4194304x8xf32, #tpu.memory_space<hbm>>) dst(%dma_wait3A_184 : memref<2048x8xf32, #tpu.memory_space<vmem>>)
    %mul3A_191 = arith.constant 131072 : i32
    %mul3A_192 = arith.muli %add3A, %mul3A_191 : i32
    %add3A_193 = arith.constant 120832 : i32
    %add3A_194 = arith.addi %mul3A_192, %add3A_193 : i32
    %multiple_of3A_195 = tpu.assume_multiple %add3A_194, 2048 : i32
    %dma_wait3A_196 = arith.constant 3 : i32
    %dma_wait3A_197 = arith.constant 0 : i32
    %dma_wait3A_198 = tpu.memref_slice %arg9[%dma_wait3A_196, %dma_wait3A_197] : memref<4x2048xf32, #tpu.memory_space<vmem>> -> memref<1x2048xf32, #tpu.memory_space<vmem>>
    %dma_wait3A_199 = tpu.memref_squeeze %dma_wait3A_198 : memref<1x2048xf32, #tpu.memory_space<vmem>> -> memref<2048xf32, #tpu.memory_space<vmem>>
    %dma_wait3A_200 = tpu.memref_slice %arg5[%multiple_of3A_195] : memref<4194304xf32, #tpu.memory_space<hbm>> -> memref<2048xf32, #tpu.memory_space<hbm>>
    %dma_wait3A_201 = tpu.memref_slice %arg5[%multiple_of3A_195] : memref<4194304xf32, #tpu.memory_space<hbm>> -> memref<2048xf32, #tpu.memory_space<hbm>>
    %dma_wait3A_202 = arith.constant 0 : i32
    %dma_wait3A_203 = tpu.memref_slice %arg9[%dma_wait3A_196, %dma_wait3A_202] : memref<4x2048xf32, #tpu.memory_space<vmem>> -> memref<1x2048xf32, #tpu.memory_space<vmem>>
    %dma_wait3A_204 = tpu.memref_squeeze %dma_wait3A_203 : memref<1x2048xf32, #tpu.memory_space<vmem>> -> memref<2048xf32, #tpu.memory_space<vmem>>
    tpu.wait_dma2 semaphore(%arg12 : memref<!tpu.dma_semaphore, #tpu.memory_space<semaphore_mem>>) src(%dma_wait3A_204 : memref<2048xf32, #tpu.memory_space<vmem>>) dst(%dma_wait3A_201 : memref<2048xf32, #tpu.memory_space<hbm>>)
    %scan3A_205 = arith.constant 0 : i32
    %scan3A_206 = arith.constant 128 : i32
    %scan3A_207 = arith.addi %scan3A_205, %scan3A_206 : i32
    %scan3A_208 = arith.constant 4 : i32
    scf.for %scan3A_280 = %scan3A_205 to %scan3A_207 step %scan3A_208  : i32 {
      %mul3A_281 = arith.constant 1 : i32
      %mul3A_282 = arith.muli %scan3A_280, %mul3A_281 : i32
      %add3A_283 = arith.constant 0 : i32
      %add3A_284 = arith.addi %add3A_283, %mul3A_282 : i32
      %mul3A_285 = arith.constant 16 : i32
      %mul3A_286 = arith.muli %add3A_284, %mul3A_285 : i32
      %multiple_of3A_287 = tpu.assume_multiple %mul3A_286, 16 : i32
      %add3A_288 = arith.constant 0 : i32
      %add3A_289 = arith.addi %add3A_288, %multiple_of3A_287 : i32
      %get3A = arith.constant 3 : i32
      %get3A_290 = arith.index_cast %get3A : i32 to index
      %get3A_291 = arith.index_cast %add3A_289 : i32 to index
      %get3A_292 = tpu.vector_load %arg6[%get3A_290, %get3A_291] {strides = array<i32>} : memref<4x6144xf32, #tpu.memory_space<vmem>>, vector<16xf32>,
      %add3A_293 = arith.constant 2048 : i32
      %add3A_294 = arith.addi %add3A_293, %multiple_of3A_287 : i32
      %get3A_295 = arith.constant 3 : i32
      %get3A_296 = arith.index_cast %get3A_295 : i32 to index
      %get3A_297 = arith.index_cast %add3A_294 : i32 to index
      %get3A_298 = tpu.vector_load %arg6[%get3A_296, %get3A_297] {strides = array<i32>} : memref<4x6144xf32, #tpu.memory_space<vmem>>, vector<16xf32>,
      %add3A_299 = arith.constant 4096 : i32
      %add3A_300 = arith.addi %add3A_299, %multiple_of3A_287 : i32
      %get3A_301 = arith.constant 3 : i32
      %get3A_302 = arith.index_cast %get3A_301 : i32 to index
      %get3A_303 = arith.index_cast %add3A_300 : i32 to index
      %get3A_304 = tpu.vector_load %arg6[%get3A_302, %get3A_303] {strides = array<i32>} : memref<4x6144xf32, #tpu.memory_space<vmem>>, vector<16xf32>,
      %sub3A_305 = arith.constant 1.000000e+00 : f32
      %sub3A_306 = vector.broadcast %sub3A_305 : f32 to vector<16xf32>
      %sub3A_307 = arith.subf %sub3A_306, %get3A_292 : vector<16xf32>
      %sub3A_308 = arith.constant 1.000000e+00 : f32
      %sub3A_309 = vector.broadcast %sub3A_308 : f32 to vector<16xf32>
      %sub3A_310 = arith.subf %sub3A_309, %get3A_298 : vector<16xf32>
      %sub3A_311 = arith.constant 1.000000e+00 : f32
      %sub3A_312 = vector.broadcast %sub3A_311 : f32 to vector<16xf32>
      %sub3A_313 = arith.subf %sub3A_312, %get3A_304 : vector<16xf32>
      %add3A_314 = vector.broadcast %multiple_of3A_287 : i32 to vector<16xi32>
      %add3A_315 = arith.addi %add3A_314, %iota3A : vector<16xi32>
      %gather3A = arith.constant 3 : i32
      %gather3A_316 = arith.constant 0 : i32
      %gather3A_317 = arith.constant 0 : i32
      %gather3A_318 = tpu.memref_slice %arg8[%gather3A, %gather3A_316, %gather3A_317] : memref<4x2048x8xf32, #tpu.memory_space<vmem>> -> memref<1x2048x8xf32, #tpu.memory_space<vmem>>
      %gather3A_319 = tpu.memref_squeeze %gather3A_318 : memref<1x2048x8xf32, #tpu.memory_space<vmem>> -> memref<2048x8xf32, #tpu.memory_space<vmem>>
      %gather3A_320 = tpu.vector_load_idx %gather3A_319[%add3A_315, %add3A_6] : memref<2048x8xf32, #tpu.memory_space<vmem>>[vector<16xi32>, vector<16xi32>], vector<16xf32>,
      %gather3A_321 = arith.constant 3 : i32
      %gather3A_322 = arith.constant 0 : i32
      %gather3A_323 = arith.constant 0 : i32
      %gather3A_324 = tpu.memref_slice %arg8[%gather3A_321, %gather3A_322, %gather3A_323] : memref<4x2048x8xf32, #tpu.memory_space<vmem>> -> memref<1x2048x8xf32, #tpu.memory_space<vmem>>
      %gather3A_325 = tpu.memref_squeeze %gather3A_324 : memref<1x2048x8xf32, #tpu.memory_space<vmem>> -> memref<2048x8xf32, #tpu.memory_space<vmem>>
      %gather3A_326 = tpu.vector_load_idx %gather3A_325[%add3A_315, %add3A_12] : memref<2048x8xf32, #tpu.memory_space<vmem>>[vector<16xi32>, vector<16xi32>], vector<16xf32>,
      %gather3A_327 = arith.constant 3 : i32
      %gather3A_328 = arith.constant 0 : i32
      %gather3A_329 = arith.constant 0 : i32
      %gather3A_330 = tpu.memref_slice %arg8[%gather3A_327, %gather3A_328, %gather3A_329] : memref<4x2048x8xf32, #tpu.memory_space<vmem>> -> memref<1x2048x8xf32, #tpu.memory_space<vmem>>
      %gather3A_331 = tpu.memref_squeeze %gather3A_330 : memref<1x2048x8xf32, #tpu.memory_space<vmem>> -> memref<2048x8xf32, #tpu.memory_space<vmem>>
      %gather3A_332 = tpu.vector_load_idx %gather3A_331[%add3A_315, %add3A_18] : memref<2048x8xf32, #tpu.memory_space<vmem>>[vector<16xi32>, vector<16xi32>], vector<16xf32>,
      %gather3A_333 = arith.constant 3 : i32
      %gather3A_334 = arith.constant 0 : i32
      %gather3A_335 = arith.constant 0 : i32
      %gather3A_336 = tpu.memref_slice %arg8[%gather3A_333, %gather3A_334, %gather3A_335] : memref<4x2048x8xf32, #tpu.memory_space<vmem>> -> memref<1x2048x8xf32, #tpu.memory_space<vmem>>
      %gather3A_337 = tpu.memref_squeeze %gather3A_336 : memref<1x2048x8xf32, #tpu.memory_space<vmem>> -> memref<2048x8xf32, #tpu.memory_space<vmem>>
      %gather3A_338 = tpu.vector_load_idx %gather3A_337[%add3A_315, %add3A_24] : memref<2048x8xf32, #tpu.memory_space<vmem>>[vector<16xi32>, vector<16xi32>], vector<16xf32>,
      %gather3A_339 = arith.constant 3 : i32
      %gather3A_340 = arith.constant 0 : i32
      %gather3A_341 = arith.constant 0 : i32
      %gather3A_342 = tpu.memref_slice %arg8[%gather3A_339, %gather3A_340, %gather3A_341] : memref<4x2048x8xf32, #tpu.memory_space<vmem>> -> memref<1x2048x8xf32, #tpu.memory_space<vmem>>
      %gather3A_343 = tpu.memref_squeeze %gather3A_342 : memref<1x2048x8xf32, #tpu.memory_space<vmem>> -> memref<2048x8xf32, #tpu.memory_space<vmem>>
      %gather3A_344 = tpu.vector_load_idx %gather3A_343[%add3A_315, %add3A_30] : memref<2048x8xf32, #tpu.memory_space<vmem>>[vector<16xi32>, vector<16xi32>], vector<16xf32>,
      %gather3A_345 = arith.constant 3 : i32
      %gather3A_346 = arith.constant 0 : i32
      %gather3A_347 = arith.constant 0 : i32
      %gather3A_348 = tpu.memref_slice %arg8[%gather3A_345, %gather3A_346, %gather3A_347] : memref<4x2048x8xf32, #tpu.memory_space<vmem>> -> memref<1x2048x8xf32, #tpu.memory_space<vmem>>
      %gather3A_349 = tpu.memref_squeeze %gather3A_348 : memref<1x2048x8xf32, #tpu.memory_space<vmem>> -> memref<2048x8xf32, #tpu.memory_space<vmem>>
      %gather3A_350 = tpu.vector_load_idx %gather3A_349[%add3A_315, %add3A_36] : memref<2048x8xf32, #tpu.memory_space<vmem>>[vector<16xi32>, vector<16xi32>], vector<16xf32>,
      %gather3A_351 = arith.constant 3 : i32
      %gather3A_352 = arith.constant 0 : i32
      %gather3A_353 = arith.constant 0 : i32
      %gather3A_354 = tpu.memref_slice %arg8[%gather3A_351, %gather3A_352, %gather3A_353] : memref<4x2048x8xf32, #tpu.memory_space<vmem>> -> memref<1x2048x8xf32, #tpu.memory_space<vmem>>
      %gather3A_355 = tpu.memref_squeeze %gather3A_354 : memref<1x2048x8xf32, #tpu.memory_space<vmem>> -> memref<2048x8xf32, #tpu.memory_space<vmem>>
      %gather3A_356 = tpu.vector_load_idx %gather3A_355[%add3A_315, %add3A_42] : memref<2048x8xf32, #tpu.memory_space<vmem>>[vector<16xi32>, vector<16xi32>], vector<16xf32>,
      %gather3A_357 = arith.constant 3 : i32
      %gather3A_358 = arith.constant 0 : i32
      %gather3A_359 = arith.constant 0 : i32
      %gather3A_360 = tpu.memref_slice %arg8[%gather3A_357, %gather3A_358, %gather3A_359] : memref<4x2048x8xf32, #tpu.memory_space<vmem>> -> memref<1x2048x8xf32, #tpu.memory_space<vmem>>
      %gather3A_361 = tpu.memref_squeeze %gather3A_360 : memref<1x2048x8xf32, #tpu.memory_space<vmem>> -> memref<2048x8xf32, #tpu.memory_space<vmem>>
      %gather3A_362 = tpu.vector_load_idx %gather3A_361[%add3A_315, %add3A_48] : memref<2048x8xf32, #tpu.memory_space<vmem>>[vector<16xi32>, vector<16xi32>], vector<16xf32>,
      %mul3A_363 = arith.mulf %gather3A_320, %sub3A_307 : vector<16xf32>
      %mul3A_364 = arith.mulf %gather3A_326, %get3A_292 : vector<16xf32>
      %add3A_365 = arith.addf %mul3A_363, %mul3A_364 : vector<16xf32>
      %mul3A_366 = arith.mulf %gather3A_332, %sub3A_307 : vector<16xf32>
      %mul3A_367 = arith.mulf %gather3A_338, %get3A_292 : vector<16xf32>
      %add3A_368 = arith.addf %mul3A_366, %mul3A_367 : vector<16xf32>
      %mul3A_369 = arith.mulf %gather3A_344, %sub3A_307 : vector<16xf32>
      %mul3A_370 = arith.mulf %gather3A_350, %get3A_292 : vector<16xf32>
      %add3A_371 = arith.addf %mul3A_369, %mul3A_370 : vector<16xf32>
      %mul3A_372 = arith.mulf %gather3A_356, %sub3A_307 : vector<16xf32>
      %mul3A_373 = arith.mulf %gather3A_362, %get3A_292 : vector<16xf32>
      %add3A_374 = arith.addf %mul3A_372, %mul3A_373 : vector<16xf32>
      %mul3A_375 = arith.mulf %add3A_365, %sub3A_310 : vector<16xf32>
      %mul3A_376 = arith.mulf %add3A_368, %get3A_298 : vector<16xf32>
      %add3A_377 = arith.addf %mul3A_375, %mul3A_376 : vector<16xf32>
      %mul3A_378 = arith.mulf %add3A_377, %sub3A_313 : vector<16xf32>
      %mul3A_379 = arith.mulf %add3A_371, %sub3A_310 : vector<16xf32>
      %mul3A_380 = arith.mulf %add3A_374, %get3A_298 : vector<16xf32>
      %add3A_381 = arith.addf %mul3A_379, %mul3A_380 : vector<16xf32>
      %mul3A_382 = arith.mulf %add3A_381, %get3A_304 : vector<16xf32>
      %add3A_383 = arith.addf %mul3A_378, %mul3A_382 : vector<16xf32>
      %swap3A = arith.constant 3 : i32
      %swap3A_384 = arith.index_cast %swap3A : i32 to index
      %swap3A_385 = arith.index_cast %multiple_of3A_287 : i32 to index
      %swap3A_386 = tpu.vector_load %arg9[%swap3A_384, %swap3A_385] {strides = array<i32>} : memref<4x2048xf32, #tpu.memory_space<vmem>>, vector<16xf32>,
      tpu.vector_store %arg9[%swap3A_384, %swap3A_385], %add3A_383 {strides = array<i32>} : memref<4x2048xf32, #tpu.memory_space<vmem>>, vector<16xf32>,
      %scan3A_387 = arith.constant 1 : i32
      %scan3A_388 = arith.addi %scan3A_280, %scan3A_387 : i32
      %mul3A_389 = arith.constant 1 : i32
      %mul3A_390 = arith.muli %scan3A_388, %mul3A_389 : i32
      %add3A_391 = arith.constant 0 : i32
      %add3A_392 = arith.addi %add3A_391, %mul3A_390 : i32
      %mul3A_393 = arith.constant 16 : i32
      %mul3A_394 = arith.muli %add3A_392, %mul3A_393 : i32
      %multiple_of3A_395 = tpu.assume_multiple %mul3A_394, 16 : i32
      %add3A_396 = arith.constant 0 : i32
      %add3A_397 = arith.addi %add3A_396, %multiple_of3A_395 : i32
      %get3A_398 = arith.constant 3 : i32
      %get3A_399 = arith.index_cast %get3A_398 : i32 to index
      %get3A_400 = arith.index_cast %add3A_397 : i32 to index
      %get3A_401 = tpu.vector_load %arg6[%get3A_399, %get3A_400] {strides = array<i32>} : memref<4x6144xf32, #tpu.memory_space<vmem>>, vector<16xf32>,
      %add3A_402 = arith.constant 2048 : i32
      %add3A_403 = arith.addi %add3A_402, %multiple_of3A_395 : i32
      %get3A_404 = arith.constant 3 : i32
      %get3A_405 = arith.index_cast %get3A_404 : i32 to index
      %get3A_406 = arith.index_cast %add3A_403 : i32 to index
      %get3A_407 = tpu.vector_load %arg6[%get3A_405, %get3A_406] {strides = array<i32>} : memref<4x6144xf32, #tpu.memory_space<vmem>>, vector<16xf32>,
      %add3A_408 = arith.constant 4096 : i32
      %add3A_409 = arith.addi %add3A_408, %multiple_of3A_395 : i32
      %get3A_410 = arith.constant 3 : i32
      %get3A_411 = arith.index_cast %get3A_410 : i32 to index
      %get3A_412 = arith.index_cast %add3A_409 : i32 to index
      %get3A_413 = tpu.vector_load %arg6[%get3A_411, %get3A_412] {strides = array<i32>} : memref<4x6144xf32, #tpu.memory_space<vmem>>, vector<16xf32>,
      %sub3A_414 = arith.constant 1.000000e+00 : f32
      %sub3A_415 = vector.broadcast %sub3A_414 : f32 to vector<16xf32>
      %sub3A_416 = arith.subf %sub3A_415, %get3A_401 : vector<16xf32>
      %sub3A_417 = arith.constant 1.000000e+00 : f32
      %sub3A_418 = vector.broadcast %sub3A_417 : f32 to vector<16xf32>
      %sub3A_419 = arith.subf %sub3A_418, %get3A_407 : vector<16xf32>
      %sub3A_420 = arith.constant 1.000000e+00 : f32
      %sub3A_421 = vector.broadcast %sub3A_420 : f32 to vector<16xf32>
      %sub3A_422 = arith.subf %sub3A_421, %get3A_413 : vector<16xf32>
      %add3A_423 = vector.broadcast %multiple_of3A_395 : i32 to vector<16xi32>
      %add3A_424 = arith.addi %add3A_423, %iota3A : vector<16xi32>
      %gather3A_425 = arith.constant 3 : i32
      %gather3A_426 = arith.constant 0 : i32
      %gather3A_427 = arith.constant 0 : i32
      %gather3A_428 = tpu.memref_slice %arg8[%gather3A_425, %gather3A_426, %gather3A_427] : memref<4x2048x8xf32, #tpu.memory_space<vmem>> -> memref<1x2048x8xf32, #tpu.memory_space<vmem>>
      %gather3A_429 = tpu.memref_squeeze %gather3A_428 : memref<1x2048x8xf32, #tpu.memory_space<vmem>> -> memref<2048x8xf32, #tpu.memory_space<vmem>>
      %gather3A_430 = tpu.vector_load_idx %gather3A_429[%add3A_424, %add3A_6] : memref<2048x8xf32, #tpu.memory_space<vmem>>[vector<16xi32>, vector<16xi32>], vector<16xf32>,
      %gather3A_431 = arith.constant 3 : i32
      %gather3A_432 = arith.constant 0 : i32
      %gather3A_433 = arith.constant 0 : i32
      %gather3A_434 = tpu.memref_slice %arg8[%gather3A_431, %gather3A_432, %gather3A_433] : memref<4x2048x8xf32, #tpu.memory_space<vmem>> -> memref<1x2048x8xf32, #tpu.memory_space<vmem>>
      %gather3A_435 = tpu.memref_squeeze %gather3A_434 : memref<1x2048x8xf32, #tpu.memory_space<vmem>> -> memref<2048x8xf32, #tpu.memory_space<vmem>>
      %gather3A_436 = tpu.vector_load_idx %gather3A_435[%add3A_424, %add3A_12] : memref<2048x8xf32, #tpu.memory_space<vmem>>[vector<16xi32>, vector<16xi32>], vector<16xf32>,
      %gather3A_437 = arith.constant 3 : i32
      %gather3A_438 = arith.constant 0 : i32
      %gather3A_439 = arith.constant 0 : i32
      %gather3A_440 = tpu.memref_slice %arg8[%gather3A_437, %gather3A_438, %gather3A_439] : memref<4x2048x8xf32, #tpu.memory_space<vmem>> -> memref<1x2048x8xf32, #tpu.memory_space<vmem>>
      %gather3A_441 = tpu.memref_squeeze %gather3A_440 : memref<1x2048x8xf32, #tpu.memory_space<vmem>> -> memref<2048x8xf32, #tpu.memory_space<vmem>>
      %gather3A_442 = tpu.vector_load_idx %gather3A_441[%add3A_424, %add3A_18] : memref<2048x8xf32, #tpu.memory_space<vmem>>[vector<16xi32>, vector<16xi32>], vector<16xf32>,
      %gather3A_443 = arith.constant 3 : i32
      %gather3A_444 = arith.constant 0 : i32
      %gather3A_445 = arith.constant 0 : i32
      %gather3A_446 = tpu.memref_slice %arg8[%gather3A_443, %gather3A_444, %gather3A_445] : memref<4x2048x8xf32, #tpu.memory_space<vmem>> -> memref<1x2048x8xf32, #tpu.memory_space<vmem>>
      %gather3A_447 = tpu.memref_squeeze %gather3A_446 : memref<1x2048x8xf32, #tpu.memory_space<vmem>> -> memref<2048x8xf32, #tpu.memory_space<vmem>>
      %gather3A_448 = tpu.vector_load_idx %gather3A_447[%add3A_424, %add3A_24] : memref<2048x8xf32, #tpu.memory_space<vmem>>[vector<16xi32>, vector<16xi32>], vector<16xf32>,
      %gather3A_449 = arith.constant 3 : i32
      %gather3A_450 = arith.constant 0 : i32
      %gather3A_451 = arith.constant 0 : i32
      %gather3A_452 = tpu.memref_slice %arg8[%gather3A_449, %gather3A_450, %gather3A_451] : memref<4x2048x8xf32, #tpu.memory_space<vmem>> -> memref<1x2048x8xf32, #tpu.memory_space<vmem>>
      %gather3A_453 = tpu.memref_squeeze %gather3A_452 : memref<1x2048x8xf32, #tpu.memory_space<vmem>> -> memref<2048x8xf32, #tpu.memory_space<vmem>>
      %gather3A_454 = tpu.vector_load_idx %gather3A_453[%add3A_424, %add3A_30] : memref<2048x8xf32, #tpu.memory_space<vmem>>[vector<16xi32>, vector<16xi32>], vector<16xf32>,
      %gather3A_455 = arith.constant 3 : i32
      %gather3A_456 = arith.constant 0 : i32
      %gather3A_457 = arith.constant 0 : i32
      %gather3A_458 = tpu.memref_slice %arg8[%gather3A_455, %gather3A_456, %gather3A_457] : memref<4x2048x8xf32, #tpu.memory_space<vmem>> -> memref<1x2048x8xf32, #tpu.memory_space<vmem>>
      %gather3A_459 = tpu.memref_squeeze %gather3A_458 : memref<1x2048x8xf32, #tpu.memory_space<vmem>> -> memref<2048x8xf32, #tpu.memory_space<vmem>>
      %gather3A_460 = tpu.vector_load_idx %gather3A_459[%add3A_424, %add3A_36] : memref<2048x8xf32, #tpu.memory_space<vmem>>[vector<16xi32>, vector<16xi32>], vector<16xf32>,
      %gather3A_461 = arith.constant 3 : i32
      %gather3A_462 = arith.constant 0 : i32
      %gather3A_463 = arith.constant 0 : i32
      %gather3A_464 = tpu.memref_slice %arg8[%gather3A_461, %gather3A_462, %gather3A_463] : memref<4x2048x8xf32, #tpu.memory_space<vmem>> -> memref<1x2048x8xf32, #tpu.memory_space<vmem>>
      %gather3A_465 = tpu.memref_squeeze %gather3A_464 : memref<1x2048x8xf32, #tpu.memory_space<vmem>> -> memref<2048x8xf32, #tpu.memory_space<vmem>>
      %gather3A_466 = tpu.vector_load_idx %gather3A_465[%add3A_424, %add3A_42] : memref<2048x8xf32, #tpu.memory_space<vmem>>[vector<16xi32>, vector<16xi32>], vector<16xf32>,
      %gather3A_467 = arith.constant 3 : i32
      %gather3A_468 = arith.constant 0 : i32
      %gather3A_469 = arith.constant 0 : i32
      %gather3A_470 = tpu.memref_slice %arg8[%gather3A_467, %gather3A_468, %gather3A_469] : memref<4x2048x8xf32, #tpu.memory_space<vmem>> -> memref<1x2048x8xf32, #tpu.memory_space<vmem>>
      %gather3A_471 = tpu.memref_squeeze %gather3A_470 : memref<1x2048x8xf32, #tpu.memory_space<vmem>> -> memref<2048x8xf32, #tpu.memory_space<vmem>>
      %gather3A_472 = tpu.vector_load_idx %gather3A_471[%add3A_424, %add3A_48] : memref<2048x8xf32, #tpu.memory_space<vmem>>[vector<16xi32>, vector<16xi32>], vector<16xf32>,
      %mul3A_473 = arith.mulf %gather3A_430, %sub3A_416 : vector<16xf32>
      %mul3A_474 = arith.mulf %gather3A_436, %get3A_401 : vector<16xf32>
      %add3A_475 = arith.addf %mul3A_473, %mul3A_474 : vector<16xf32>
      %mul3A_476 = arith.mulf %gather3A_442, %sub3A_416 : vector<16xf32>
      %mul3A_477 = arith.mulf %gather3A_448, %get3A_401 : vector<16xf32>
      %add3A_478 = arith.addf %mul3A_476, %mul3A_477 : vector<16xf32>
      %mul3A_479 = arith.mulf %gather3A_454, %sub3A_416 : vector<16xf32>
      %mul3A_480 = arith.mulf %gather3A_460, %get3A_401 : vector<16xf32>
      %add3A_481 = arith.addf %mul3A_479, %mul3A_480 : vector<16xf32>
      %mul3A_482 = arith.mulf %gather3A_466, %sub3A_416 : vector<16xf32>
      %mul3A_483 = arith.mulf %gather3A_472, %get3A_401 : vector<16xf32>
      %add3A_484 = arith.addf %mul3A_482, %mul3A_483 : vector<16xf32>
      %mul3A_485 = arith.mulf %add3A_475, %sub3A_419 : vector<16xf32>
      %mul3A_486 = arith.mulf %add3A_478, %get3A_407 : vector<16xf32>
      %add3A_487 = arith.addf %mul3A_485, %mul3A_486 : vector<16xf32>
      %mul3A_488 = arith.mulf %add3A_487, %sub3A_422 : vector<16xf32>
      %mul3A_489 = arith.mulf %add3A_481, %sub3A_419 : vector<16xf32>
      %mul3A_490 = arith.mulf %add3A_484, %get3A_407 : vector<16xf32>
      %add3A_491 = arith.addf %mul3A_489, %mul3A_490 : vector<16xf32>
      %mul3A_492 = arith.mulf %add3A_491, %get3A_413 : vector<16xf32>
      %add3A_493 = arith.addf %mul3A_488, %mul3A_492 : vector<16xf32>
      %swap3A_494 = arith.constant 3 : i32
      %swap3A_495 = arith.index_cast %swap3A_494 : i32 to index
      %swap3A_496 = arith.index_cast %multiple_of3A_395 : i32 to index
      %swap3A_497 = tpu.vector_load %arg9[%swap3A_495, %swap3A_496] {strides = array<i32>} : memref<4x2048xf32, #tpu.memory_space<vmem>>, vector<16xf32>,
      tpu.vector_store %arg9[%swap3A_495, %swap3A_496], %add3A_493 {strides = array<i32>} : memref<4x2048xf32, #tpu.memory_space<vmem>>, vector<16xf32>,
      %scan3A_498 = arith.constant 2 : i32
      %scan3A_499 = arith.addi %scan3A_280, %scan3A_498 : i32
      %mul3A_500 = arith.constant 1 : i32
      %mul3A_501 = arith.muli %scan3A_499, %mul3A_500 : i32
      %add3A_502 = arith.constant 0 : i32
      %add3A_503 = arith.addi %add3A_502, %mul3A_501 : i32
      %mul3A_504 = arith.constant 16 : i32
      %mul3A_505 = arith.muli %add3A_503, %mul3A_504 : i32
      %multiple_of3A_506 = tpu.assume_multiple %mul3A_505, 16 : i32
      %add3A_507 = arith.constant 0 : i32
      %add3A_508 = arith.addi %add3A_507, %multiple_of3A_506 : i32
      %get3A_509 = arith.constant 3 : i32
      %get3A_510 = arith.index_cast %get3A_509 : i32 to index
      %get3A_511 = arith.index_cast %add3A_508 : i32 to index
      %get3A_512 = tpu.vector_load %arg6[%get3A_510, %get3A_511] {strides = array<i32>} : memref<4x6144xf32, #tpu.memory_space<vmem>>, vector<16xf32>,
      %add3A_513 = arith.constant 2048 : i32
      %add3A_514 = arith.addi %add3A_513, %multiple_of3A_506 : i32
      %get3A_515 = arith.constant 3 : i32
      %get3A_516 = arith.index_cast %get3A_515 : i32 to index
      %get3A_517 = arith.index_cast %add3A_514 : i32 to index
      %get3A_518 = tpu.vector_load %arg6[%get3A_516, %get3A_517] {strides = array<i32>} : memref<4x6144xf32, #tpu.memory_space<vmem>>, vector<16xf32>,
      %add3A_519 = arith.constant 4096 : i32
      %add3A_520 = arith.addi %add3A_519, %multiple_of3A_506 : i32
      %get3A_521 = arith.constant 3 : i32
      %get3A_522 = arith.index_cast %get3A_521 : i32 to index
      %get3A_523 = arith.index_cast %add3A_520 : i32 to index
      %get3A_524 = tpu.vector_load %arg6[%get3A_522, %get3A_523] {strides = array<i32>} : memref<4x6144xf32, #tpu.memory_space<vmem>>, vector<16xf32>,
      %sub3A_525 = arith.constant 1.000000e+00 : f32
      %sub3A_526 = vector.broadcast %sub3A_525 : f32 to vector<16xf32>
      %sub3A_527 = arith.subf %sub3A_526, %get3A_512 : vector<16xf32>
      %sub3A_528 = arith.constant 1.000000e+00 : f32
      %sub3A_529 = vector.broadcast %sub3A_528 : f32 to vector<16xf32>
      %sub3A_530 = arith.subf %sub3A_529, %get3A_518 : vector<16xf32>
      %sub3A_531 = arith.constant 1.000000e+00 : f32
      %sub3A_532 = vector.broadcast %sub3A_531 : f32 to vector<16xf32>
      %sub3A_533 = arith.subf %sub3A_532, %get3A_524 : vector<16xf32>
      %add3A_534 = vector.broadcast %multiple_of3A_506 : i32 to vector<16xi32>
      %add3A_535 = arith.addi %add3A_534, %iota3A : vector<16xi32>
      %gather3A_536 = arith.constant 3 : i32
      %gather3A_537 = arith.constant 0 : i32
      %gather3A_538 = arith.constant 0 : i32
      %gather3A_539 = tpu.memref_slice %arg8[%gather3A_536, %gather3A_537, %gather3A_538] : memref<4x2048x8xf32, #tpu.memory_space<vmem>> -> memref<1x2048x8xf32, #tpu.memory_space<vmem>>
      %gather3A_540 = tpu.memref_squeeze %gather3A_539 : memref<1x2048x8xf32, #tpu.memory_space<vmem>> -> memref<2048x8xf32, #tpu.memory_space<vmem>>
      %gather3A_541 = tpu.vector_load_idx %gather3A_540[%add3A_535, %add3A_6] : memref<2048x8xf32, #tpu.memory_space<vmem>>[vector<16xi32>, vector<16xi32>], vector<16xf32>,
      %gather3A_542 = arith.constant 3 : i32
      %gather3A_543 = arith.constant 0 : i32
      %gather3A_544 = arith.constant 0 : i32
      %gather3A_545 = tpu.memref_slice %arg8[%gather3A_542, %gather3A_543, %gather3A_544] : memref<4x2048x8xf32, #tpu.memory_space<vmem>> -> memref<1x2048x8xf32, #tpu.memory_space<vmem>>
      %gather3A_546 = tpu.memref_squeeze %gather3A_545 : memref<1x2048x8xf32, #tpu.memory_space<vmem>> -> memref<2048x8xf32, #tpu.memory_space<vmem>>
      %gather3A_547 = tpu.vector_load_idx %gather3A_546[%add3A_535, %add3A_12] : memref<2048x8xf32, #tpu.memory_space<vmem>>[vector<16xi32>, vector<16xi32>], vector<16xf32>,
      %gather3A_548 = arith.constant 3 : i32
      %gather3A_549 = arith.constant 0 : i32
      %gather3A_550 = arith.constant 0 : i32
      %gather3A_551 = tpu.memref_slice %arg8[%gather3A_548, %gather3A_549, %gather3A_550] : memref<4x2048x8xf32, #tpu.memory_space<vmem>> -> memref<1x2048x8xf32, #tpu.memory_space<vmem>>
      %gather3A_552 = tpu.memref_squeeze %gather3A_551 : memref<1x2048x8xf32, #tpu.memory_space<vmem>> -> memref<2048x8xf32, #tpu.memory_space<vmem>>
      %gather3A_553 = tpu.vector_load_idx %gather3A_552[%add3A_535, %add3A_18] : memref<2048x8xf32, #tpu.memory_space<vmem>>[vector<16xi32>, vector<16xi32>], vector<16xf32>,
      %gather3A_554 = arith.constant 3 : i32
      %gather3A_555 = arith.constant 0 : i32
      %gather3A_556 = arith.constant 0 : i32
      %gather3A_557 = tpu.memref_slice %arg8[%gather3A_554, %gather3A_555, %gather3A_556] : memref<4x2048x8xf32, #tpu.memory_space<vmem>> -> memref<1x2048x8xf32, #tpu.memory_space<vmem>>
      %gather3A_558 = tpu.memref_squeeze %gather3A_557 : memref<1x2048x8xf32, #tpu.memory_space<vmem>> -> memref<2048x8xf32, #tpu.memory_space<vmem>>
      %gather3A_559 = tpu.vector_load_idx %gather3A_558[%add3A_535, %add3A_24] : memref<2048x8xf32, #tpu.memory_space<vmem>>[vector<16xi32>, vector<16xi32>], vector<16xf32>,
      %gather3A_560 = arith.constant 3 : i32
      %gather3A_561 = arith.constant 0 : i32
      %gather3A_562 = arith.constant 0 : i32
      %gather3A_563 = tpu.memref_slice %arg8[%gather3A_560, %gather3A_561, %gather3A_562] : memref<4x2048x8xf32, #tpu.memory_space<vmem>> -> memref<1x2048x8xf32, #tpu.memory_space<vmem>>
      %gather3A_564 = tpu.memref_squeeze %gather3A_563 : memref<1x2048x8xf32, #tpu.memory_space<vmem>> -> memref<2048x8xf32, #tpu.memory_space<vmem>>
      %gather3A_565 = tpu.vector_load_idx %gather3A_564[%add3A_535, %add3A_30] : memref<2048x8xf32, #tpu.memory_space<vmem>>[vector<16xi32>, vector<16xi32>], vector<16xf32>,
      %gather3A_566 = arith.constant 3 : i32
      %gather3A_567 = arith.constant 0 : i32
      %gather3A_568 = arith.constant 0 : i32
      %gather3A_569 = tpu.memref_slice %arg8[%gather3A_566, %gather3A_567, %gather3A_568] : memref<4x2048x8xf32, #tpu.memory_space<vmem>> -> memref<1x2048x8xf32, #tpu.memory_space<vmem>>
      %gather3A_570 = tpu.memref_squeeze %gather3A_569 : memref<1x2048x8xf32, #tpu.memory_space<vmem>> -> memref<2048x8xf32, #tpu.memory_space<vmem>>
      %gather3A_571 = tpu.vector_load_idx %gather3A_570[%add3A_535, %add3A_36] : memref<2048x8xf32, #tpu.memory_space<vmem>>[vector<16xi32>, vector<16xi32>], vector<16xf32>,
      %gather3A_572 = arith.constant 3 : i32
      %gather3A_573 = arith.constant 0 : i32
      %gather3A_574 = arith.constant 0 : i32
      %gather3A_575 = tpu.memref_slice %arg8[%gather3A_572, %gather3A_573, %gather3A_574] : memref<4x2048x8xf32, #tpu.memory_space<vmem>> -> memref<1x2048x8xf32, #tpu.memory_space<vmem>>
      %gather3A_576 = tpu.memref_squeeze %gather3A_575 : memref<1x2048x8xf32, #tpu.memory_space<vmem>> -> memref<2048x8xf32, #tpu.memory_space<vmem>>
      %gather3A_577 = tpu.vector_load_idx %gather3A_576[%add3A_535, %add3A_42] : memref<2048x8xf32, #tpu.memory_space<vmem>>[vector<16xi32>, vector<16xi32>], vector<16xf32>,
      %gather3A_578 = arith.constant 3 : i32
      %gather3A_579 = arith.constant 0 : i32
      %gather3A_580 = arith.constant 0 : i32
      %gather3A_581 = tpu.memref_slice %arg8[%gather3A_578, %gather3A_579, %gather3A_580] : memref<4x2048x8xf32, #tpu.memory_space<vmem>> -> memref<1x2048x8xf32, #tpu.memory_space<vmem>>
      %gather3A_582 = tpu.memref_squeeze %gather3A_581 : memref<1x2048x8xf32, #tpu.memory_space<vmem>> -> memref<2048x8xf32, #tpu.memory_space<vmem>>
      %gather3A_583 = tpu.vector_load_idx %gather3A_582[%add3A_535, %add3A_48] : memref<2048x8xf32, #tpu.memory_space<vmem>>[vector<16xi32>, vector<16xi32>], vector<16xf32>,
      %mul3A_584 = arith.mulf %gather3A_541, %sub3A_527 : vector<16xf32>
      %mul3A_585 = arith.mulf %gather3A_547, %get3A_512 : vector<16xf32>
      %add3A_586 = arith.addf %mul3A_584, %mul3A_585 : vector<16xf32>
      %mul3A_587 = arith.mulf %gather3A_553, %sub3A_527 : vector<16xf32>
      %mul3A_588 = arith.mulf %gather3A_559, %get3A_512 : vector<16xf32>
      %add3A_589 = arith.addf %mul3A_587, %mul3A_588 : vector<16xf32>
      %mul3A_590 = arith.mulf %gather3A_565, %sub3A_527 : vector<16xf32>
      %mul3A_591 = arith.mulf %gather3A_571, %get3A_512 : vector<16xf32>
      %add3A_592 = arith.addf %mul3A_590, %mul3A_591 : vector<16xf32>
      %mul3A_593 = arith.mulf %gather3A_577, %sub3A_527 : vector<16xf32>
      %mul3A_594 = arith.mulf %gather3A_583, %get3A_512 : vector<16xf32>
      %add3A_595 = arith.addf %mul3A_593, %mul3A_594 : vector<16xf32>
      %mul3A_596 = arith.mulf %add3A_586, %sub3A_530 : vector<16xf32>
      %mul3A_597 = arith.mulf %add3A_589, %get3A_518 : vector<16xf32>
      %add3A_598 = arith.addf %mul3A_596, %mul3A_597 : vector<16xf32>
      %mul3A_599 = arith.mulf %add3A_598, %sub3A_533 : vector<16xf32>
      %mul3A_600 = arith.mulf %add3A_592, %sub3A_530 : vector<16xf32>
      %mul3A_601 = arith.mulf %add3A_595, %get3A_518 : vector<16xf32>
      %add3A_602 = arith.addf %mul3A_600, %mul3A_601 : vector<16xf32>
      %mul3A_603 = arith.mulf %add3A_602, %get3A_524 : vector<16xf32>
      %add3A_604 = arith.addf %mul3A_599, %mul3A_603 : vector<16xf32>
      %swap3A_605 = arith.constant 3 : i32
      %swap3A_606 = arith.index_cast %swap3A_605 : i32 to index
      %swap3A_607 = arith.index_cast %multiple_of3A_506 : i32 to index
      %swap3A_608 = tpu.vector_load %arg9[%swap3A_606, %swap3A_607] {strides = array<i32>} : memref<4x2048xf32, #tpu.memory_space<vmem>>, vector<16xf32>,
      tpu.vector_store %arg9[%swap3A_606, %swap3A_607], %add3A_604 {strides = array<i32>} : memref<4x2048xf32, #tpu.memory_space<vmem>>, vector<16xf32>,
      %scan3A_609 = arith.constant 3 : i32
      %scan3A_610 = arith.addi %scan3A_280, %scan3A_609 : i32
      %mul3A_611 = arith.constant 1 : i32
      %mul3A_612 = arith.muli %scan3A_610, %mul3A_611 : i32
      %add3A_613 = arith.constant 0 : i32
      %add3A_614 = arith.addi %add3A_613, %mul3A_612 : i32
      %mul3A_615 = arith.constant 16 : i32
      %mul3A_616 = arith.muli %add3A_614, %mul3A_615 : i32
      %multiple_of3A_617 = tpu.assume_multiple %mul3A_616, 16 : i32
      %add3A_618 = arith.constant 0 : i32
      %add3A_619 = arith.addi %add3A_618, %multiple_of3A_617 : i32
      %get3A_620 = arith.constant 3 : i32
      %get3A_621 = arith.index_cast %get3A_620 : i32 to index
      %get3A_622 = arith.index_cast %add3A_619 : i32 to index
      %get3A_623 = tpu.vector_load %arg6[%get3A_621, %get3A_622] {strides = array<i32>} : memref<4x6144xf32, #tpu.memory_space<vmem>>, vector<16xf32>,
      %add3A_624 = arith.constant 2048 : i32
      %add3A_625 = arith.addi %add3A_624, %multiple_of3A_617 : i32
      %get3A_626 = arith.constant 3 : i32
      %get3A_627 = arith.index_cast %get3A_626 : i32 to index
      %get3A_628 = arith.index_cast %add3A_625 : i32 to index
      %get3A_629 = tpu.vector_load %arg6[%get3A_627, %get3A_628] {strides = array<i32>} : memref<4x6144xf32, #tpu.memory_space<vmem>>, vector<16xf32>,
      %add3A_630 = arith.constant 4096 : i32
      %add3A_631 = arith.addi %add3A_630, %multiple_of3A_617 : i32
      %get3A_632 = arith.constant 3 : i32
      %get3A_633 = arith.index_cast %get3A_632 : i32 to index
      %get3A_634 = arith.index_cast %add3A_631 : i32 to index
      %get3A_635 = tpu.vector_load %arg6[%get3A_633, %get3A_634] {strides = array<i32>} : memref<4x6144xf32, #tpu.memory_space<vmem>>, vector<16xf32>,
      %sub3A_636 = arith.constant 1.000000e+00 : f32
      %sub3A_637 = vector.broadcast %sub3A_636 : f32 to vector<16xf32>
      %sub3A_638 = arith.subf %sub3A_637, %get3A_623 : vector<16xf32>
      %sub3A_639 = arith.constant 1.000000e+00 : f32
      %sub3A_640 = vector.broadcast %sub3A_639 : f32 to vector<16xf32>
      %sub3A_641 = arith.subf %sub3A_640, %get3A_629 : vector<16xf32>
      %sub3A_642 = arith.constant 1.000000e+00 : f32
      %sub3A_643 = vector.broadcast %sub3A_642 : f32 to vector<16xf32>
      %sub3A_644 = arith.subf %sub3A_643, %get3A_635 : vector<16xf32>
      %add3A_645 = vector.broadcast %multiple_of3A_617 : i32 to vector<16xi32>
      %add3A_646 = arith.addi %add3A_645, %iota3A : vector<16xi32>
      %gather3A_647 = arith.constant 3 : i32
      %gather3A_648 = arith.constant 0 : i32
      %gather3A_649 = arith.constant 0 : i32
      %gather3A_650 = tpu.memref_slice %arg8[%gather3A_647, %gather3A_648, %gather3A_649] : memref<4x2048x8xf32, #tpu.memory_space<vmem>> -> memref<1x2048x8xf32, #tpu.memory_space<vmem>>
      %gather3A_651 = tpu.memref_squeeze %gather3A_650 : memref<1x2048x8xf32, #tpu.memory_space<vmem>> -> memref<2048x8xf32, #tpu.memory_space<vmem>>
      %gather3A_652 = tpu.vector_load_idx %gather3A_651[%add3A_646, %add3A_6] : memref<2048x8xf32, #tpu.memory_space<vmem>>[vector<16xi32>, vector<16xi32>], vector<16xf32>,
      %gather3A_653 = arith.constant 3 : i32
      %gather3A_654 = arith.constant 0 : i32
      %gather3A_655 = arith.constant 0 : i32
      %gather3A_656 = tpu.memref_slice %arg8[%gather3A_653, %gather3A_654, %gather3A_655] : memref<4x2048x8xf32, #tpu.memory_space<vmem>> -> memref<1x2048x8xf32, #tpu.memory_space<vmem>>
      %gather3A_657 = tpu.memref_squeeze %gather3A_656 : memref<1x2048x8xf32, #tpu.memory_space<vmem>> -> memref<2048x8xf32, #tpu.memory_space<vmem>>
      %gather3A_658 = tpu.vector_load_idx %gather3A_657[%add3A_646, %add3A_12] : memref<2048x8xf32, #tpu.memory_space<vmem>>[vector<16xi32>, vector<16xi32>], vector<16xf32>,
      %gather3A_659 = arith.constant 3 : i32
      %gather3A_660 = arith.constant 0 : i32
      %gather3A_661 = arith.constant 0 : i32
      %gather3A_662 = tpu.memref_slice %arg8[%gather3A_659, %gather3A_660, %gather3A_661] : memref<4x2048x8xf32, #tpu.memory_space<vmem>> -> memref<1x2048x8xf32, #tpu.memory_space<vmem>>
      %gather3A_663 = tpu.memref_squeeze %gather3A_662 : memref<1x2048x8xf32, #tpu.memory_space<vmem>> -> memref<2048x8xf32, #tpu.memory_space<vmem>>
      %gather3A_664 = tpu.vector_load_idx %gather3A_663[%add3A_646, %add3A_18] : memref<2048x8xf32, #tpu.memory_space<vmem>>[vector<16xi32>, vector<16xi32>], vector<16xf32>,
      %gather3A_665 = arith.constant 3 : i32
      %gather3A_666 = arith.constant 0 : i32
      %gather3A_667 = arith.constant 0 : i32
      %gather3A_668 = tpu.memref_slice %arg8[%gather3A_665, %gather3A_666, %gather3A_667] : memref<4x2048x8xf32, #tpu.memory_space<vmem>> -> memref<1x2048x8xf32, #tpu.memory_space<vmem>>
      %gather3A_669 = tpu.memref_squeeze %gather3A_668 : memref<1x2048x8xf32, #tpu.memory_space<vmem>> -> memref<2048x8xf32, #tpu.memory_space<vmem>>
      %gather3A_670 = tpu.vector_load_idx %gather3A_669[%add3A_646, %add3A_24] : memref<2048x8xf32, #tpu.memory_space<vmem>>[vector<16xi32>, vector<16xi32>], vector<16xf32>,
      %gather3A_671 = arith.constant 3 : i32
      %gather3A_672 = arith.constant 0 : i32
      %gather3A_673 = arith.constant 0 : i32
      %gather3A_674 = tpu.memref_slice %arg8[%gather3A_671, %gather3A_672, %gather3A_673] : memref<4x2048x8xf32, #tpu.memory_space<vmem>> -> memref<1x2048x8xf32, #tpu.memory_space<vmem>>
      %gather3A_675 = tpu.memref_squeeze %gather3A_674 : memref<1x2048x8xf32, #tpu.memory_space<vmem>> -> memref<2048x8xf32, #tpu.memory_space<vmem>>
      %gather3A_676 = tpu.vector_load_idx %gather3A_675[%add3A_646, %add3A_30] : memref<2048x8xf32, #tpu.memory_space<vmem>>[vector<16xi32>, vector<16xi32>], vector<16xf32>,
      %gather3A_677 = arith.constant 3 : i32
      %gather3A_678 = arith.constant 0 : i32
      %gather3A_679 = arith.constant 0 : i32
      %gather3A_680 = tpu.memref_slice %arg8[%gather3A_677, %gather3A_678, %gather3A_679] : memref<4x2048x8xf32, #tpu.memory_space<vmem>> -> memref<1x2048x8xf32, #tpu.memory_space<vmem>>
      %gather3A_681 = tpu.memref_squeeze %gather3A_680 : memref<1x2048x8xf32, #tpu.memory_space<vmem>> -> memref<2048x8xf32, #tpu.memory_space<vmem>>
      %gather3A_682 = tpu.vector_load_idx %gather3A_681[%add3A_646, %add3A_36] : memref<2048x8xf32, #tpu.memory_space<vmem>>[vector<16xi32>, vector<16xi32>], vector<16xf32>,
      %gather3A_683 = arith.constant 3 : i32
      %gather3A_684 = arith.constant 0 : i32
      %gather3A_685 = arith.constant 0 : i32
      %gather3A_686 = tpu.memref_slice %arg8[%gather3A_683, %gather3A_684, %gather3A_685] : memref<4x2048x8xf32, #tpu.memory_space<vmem>> -> memref<1x2048x8xf32, #tpu.memory_space<vmem>>
      %gather3A_687 = tpu.memref_squeeze %gather3A_686 : memref<1x2048x8xf32, #tpu.memory_space<vmem>> -> memref<2048x8xf32, #tpu.memory_space<vmem>>
      %gather3A_688 = tpu.vector_load_idx %gather3A_687[%add3A_646, %add3A_42] : memref<2048x8xf32, #tpu.memory_space<vmem>>[vector<16xi32>, vector<16xi32>], vector<16xf32>,
      %gather3A_689 = arith.constant 3 : i32
      %gather3A_690 = arith.constant 0 : i32
      %gather3A_691 = arith.constant 0 : i32
      %gather3A_692 = tpu.memref_slice %arg8[%gather3A_689, %gather3A_690, %gather3A_691] : memref<4x2048x8xf32, #tpu.memory_space<vmem>> -> memref<1x2048x8xf32, #tpu.memory_space<vmem>>
      %gather3A_693 = tpu.memref_squeeze %gather3A_692 : memref<1x2048x8xf32, #tpu.memory_space<vmem>> -> memref<2048x8xf32, #tpu.memory_space<vmem>>
      %gather3A_694 = tpu.vector_load_idx %gather3A_693[%add3A_646, %add3A_48] : memref<2048x8xf32, #tpu.memory_space<vmem>>[vector<16xi32>, vector<16xi32>], vector<16xf32>,
      %mul3A_695 = arith.mulf %gather3A_652, %sub3A_638 : vector<16xf32>
      %mul3A_696 = arith.mulf %gather3A_658, %get3A_623 : vector<16xf32>
      %add3A_697 = arith.addf %mul3A_695, %mul3A_696 : vector<16xf32>
      %mul3A_698 = arith.mulf %gather3A_664, %sub3A_638 : vector<16xf32>
      %mul3A_699 = arith.mulf %gather3A_670, %get3A_623 : vector<16xf32>
      %add3A_700 = arith.addf %mul3A_698, %mul3A_699 : vector<16xf32>
      %mul3A_701 = arith.mulf %gather3A_676, %sub3A_638 : vector<16xf32>
      %mul3A_702 = arith.mulf %gather3A_682, %get3A_623 : vector<16xf32>
      %add3A_703 = arith.addf %mul3A_701, %mul3A_702 : vector<16xf32>
      %mul3A_704 = arith.mulf %gather3A_688, %sub3A_638 : vector<16xf32>
      %mul3A_705 = arith.mulf %gather3A_694, %get3A_623 : vector<16xf32>
      %add3A_706 = arith.addf %mul3A_704, %mul3A_705 : vector<16xf32>
      %mul3A_707 = arith.mulf %add3A_697, %sub3A_641 : vector<16xf32>
      %mul3A_708 = arith.mulf %add3A_700, %get3A_629 : vector<16xf32>
      %add3A_709 = arith.addf %mul3A_707, %mul3A_708 : vector<16xf32>
      %mul3A_710 = arith.mulf %add3A_709, %sub3A_644 : vector<16xf32>
      %mul3A_711 = arith.mulf %add3A_703, %sub3A_641 : vector<16xf32>
      %mul3A_712 = arith.mulf %add3A_706, %get3A_629 : vector<16xf32>
      %add3A_713 = arith.addf %mul3A_711, %mul3A_712 : vector<16xf32>
      %mul3A_714 = arith.mulf %add3A_713, %get3A_635 : vector<16xf32>
      %add3A_715 = arith.addf %mul3A_710, %mul3A_714 : vector<16xf32>
      %swap3A_716 = arith.constant 3 : i32
      %swap3A_717 = arith.index_cast %swap3A_716 : i32 to index
      %swap3A_718 = arith.index_cast %multiple_of3A_617 : i32 to index
      %swap3A_719 = tpu.vector_load %arg9[%swap3A_717, %swap3A_718] {strides = array<i32>} : memref<4x2048xf32, #tpu.memory_space<vmem>>, vector<16xf32>,
      tpu.vector_store %arg9[%swap3A_717, %swap3A_718], %add3A_715 {strides = array<i32>} : memref<4x2048xf32, #tpu.memory_space<vmem>>, vector<16xf32>,
    }
    %scan3A_209 = arith.constant 128 : i32
    %mul3A_210 = arith.constant 131072 : i32
    %mul3A_211 = arith.muli %add3A, %mul3A_210 : i32
    %add3A_212 = arith.constant 129024 : i32
    %add3A_213 = arith.addi %mul3A_211, %add3A_212 : i32
    %multiple_of3A_214 = tpu.assume_multiple %add3A_213, 2048 : i32
    %dma_start3A_215 = arith.constant 3 : i32
    %dma_start3A_216 = arith.constant 0 : i32
    %dma_start3A_217 = tpu.memref_slice %arg9[%dma_start3A_215, %dma_start3A_216] : memref<4x2048xf32, #tpu.memory_space<vmem>> -> memref<1x2048xf32, #tpu.memory_space<vmem>>
    %dma_start3A_218 = tpu.memref_squeeze %dma_start3A_217 : memref<1x2048xf32, #tpu.memory_space<vmem>> -> memref<2048xf32, #tpu.memory_space<vmem>>
    %dma_start3A_219 = tpu.memref_slice %arg5[%multiple_of3A_214] : memref<4194304xf32, #tpu.memory_space<hbm>> -> memref<2048xf32, #tpu.memory_space<hbm>>
    %dma_start3A_220 = tpu.memref_slice %arg5[%multiple_of3A_214] : memref<4194304xf32, #tpu.memory_space<hbm>> -> memref<2048xf32, #tpu.memory_space<hbm>>
    %dma_start3A_221 = arith.constant 0 : i32
    %dma_start3A_222 = tpu.memref_slice %arg9[%dma_start3A_215, %dma_start3A_221] : memref<4x2048xf32, #tpu.memory_space<vmem>> -> memref<1x2048xf32, #tpu.memory_space<vmem>>
    %dma_start3A_223 = tpu.memref_squeeze %dma_start3A_222 : memref<1x2048xf32, #tpu.memory_space<vmem>> -> memref<2048xf32, #tpu.memory_space<vmem>>
    tpu.enqueue_dma source(%dma_start3A_223 : memref<2048xf32, #tpu.memory_space<vmem>>) target(%dma_start3A_220 : memref<2048xf32, #tpu.memory_space<hbm>>) target_semaphore(%arg12 : memref<!tpu.dma_semaphore, #tpu.memory_space<semaphore_mem>>)
    %mul3A_224 = arith.constant 131072 : i32
    %mul3A_225 = arith.muli %add3A, %mul3A_224 : i32
    %add3A_226 = arith.constant 122880 : i32
    %add3A_227 = arith.addi %mul3A_225, %add3A_226 : i32
    %multiple_of3A_228 = tpu.assume_multiple %add3A_227, 2048 : i32
    %dma_wait3A_229 = arith.constant 0 : i32
    %dma_wait3A_230 = arith.constant 0 : i32
    %dma_wait3A_231 = tpu.memref_slice %arg9[%dma_wait3A_229, %dma_wait3A_230] : memref<4x2048xf32, #tpu.memory_space<vmem>> -> memref<1x2048xf32, #tpu.memory_space<vmem>>
    %dma_wait3A_232 = tpu.memref_squeeze %dma_wait3A_231 : memref<1x2048xf32, #tpu.memory_space<vmem>> -> memref<2048xf32, #tpu.memory_space<vmem>>
    %dma_wait3A_233 = tpu.memref_slice %arg5[%multiple_of3A_228] : memref<4194304xf32, #tpu.memory_space<hbm>> -> memref<2048xf32, #tpu.memory_space<hbm>>
    %dma_wait3A_234 = tpu.memref_slice %arg5[%multiple_of3A_228] : memref<4194304xf32, #tpu.memory_space<hbm>> -> memref<2048xf32, #tpu.memory_space<hbm>>
    %dma_wait3A_235 = arith.constant 0 : i32
    %dma_wait3A_236 = tpu.memref_slice %arg9[%dma_wait3A_229, %dma_wait3A_235] : memref<4x2048xf32, #tpu.memory_space<vmem>> -> memref<1x2048xf32, #tpu.memory_space<vmem>>
    %dma_wait3A_237 = tpu.memref_squeeze %dma_wait3A_236 : memref<1x2048xf32, #tpu.memory_space<vmem>> -> memref<2048xf32, #tpu.memory_space<vmem>>
    tpu.wait_dma2 semaphore(%arg12 : memref<!tpu.dma_semaphore, #tpu.memory_space<semaphore_mem>>) src(%dma_wait3A_237 : memref<2048xf32, #tpu.memory_space<vmem>>) dst(%dma_wait3A_234 : memref<2048xf32, #tpu.memory_space<hbm>>)
    %mul3A_238 = arith.constant 131072 : i32
    %mul3A_239 = arith.muli %add3A, %mul3A_238 : i32
    %add3A_240 = arith.constant 124928 : i32
    %add3A_241 = arith.addi %mul3A_239, %add3A_240 : i32
    %multiple_of3A_242 = tpu.assume_multiple %add3A_241, 2048 : i32
    %dma_wait3A_243 = arith.constant 1 : i32
    %dma_wait3A_244 = arith.constant 0 : i32
    %dma_wait3A_245 = tpu.memref_slice %arg9[%dma_wait3A_243, %dma_wait3A_244] : memref<4x2048xf32, #tpu.memory_space<vmem>> -> memref<1x2048xf32, #tpu.memory_space<vmem>>
    %dma_wait3A_246 = tpu.memref_squeeze %dma_wait3A_245 : memref<1x2048xf32, #tpu.memory_space<vmem>> -> memref<2048xf32, #tpu.memory_space<vmem>>
    %dma_wait3A_247 = tpu.memref_slice %arg5[%multiple_of3A_242] : memref<4194304xf32, #tpu.memory_space<hbm>> -> memref<2048xf32, #tpu.memory_space<hbm>>
    %dma_wait3A_248 = tpu.memref_slice %arg5[%multiple_of3A_242] : memref<4194304xf32, #tpu.memory_space<hbm>> -> memref<2048xf32, #tpu.memory_space<hbm>>
    %dma_wait3A_249 = arith.constant 0 : i32
    %dma_wait3A_250 = tpu.memref_slice %arg9[%dma_wait3A_243, %dma_wait3A_249] : memref<4x2048xf32, #tpu.memory_space<vmem>> -> memref<1x2048xf32, #tpu.memory_space<vmem>>
    %dma_wait3A_251 = tpu.memref_squeeze %dma_wait3A_250 : memref<1x2048xf32, #tpu.memory_space<vmem>> -> memref<2048xf32, #tpu.memory_space<vmem>>
    tpu.wait_dma2 semaphore(%arg12 : memref<!tpu.dma_semaphore, #tpu.memory_space<semaphore_mem>>) src(%dma_wait3A_251 : memref<2048xf32, #tpu.memory_space<vmem>>) dst(%dma_wait3A_248 : memref<2048xf32, #tpu.memory_space<hbm>>)
    %mul3A_252 = arith.constant 131072 : i32
    %mul3A_253 = arith.muli %add3A, %mul3A_252 : i32
    %add3A_254 = arith.constant 126976 : i32
    %add3A_255 = arith.addi %mul3A_253, %add3A_254 : i32
    %multiple_of3A_256 = tpu.assume_multiple %add3A_255, 2048 : i32
    %dma_wait3A_257 = arith.constant 2 : i32
    %dma_wait3A_258 = arith.constant 0 : i32
    %dma_wait3A_259 = tpu.memref_slice %arg9[%dma_wait3A_257, %dma_wait3A_258] : memref<4x2048xf32, #tpu.memory_space<vmem>> -> memref<1x2048xf32, #tpu.memory_space<vmem>>
    %dma_wait3A_260 = tpu.memref_squeeze %dma_wait3A_259 : memref<1x2048xf32, #tpu.memory_space<vmem>> -> memref<2048xf32, #tpu.memory_space<vmem>>
    %dma_wait3A_261 = tpu.memref_slice %arg5[%multiple_of3A_256] : memref<4194304xf32, #tpu.memory_space<hbm>> -> memref<2048xf32, #tpu.memory_space<hbm>>
    %dma_wait3A_262 = tpu.memref_slice %arg5[%multiple_of3A_256] : memref<4194304xf32, #tpu.memory_space<hbm>> -> memref<2048xf32, #tpu.memory_space<hbm>>
    %dma_wait3A_263 = arith.constant 0 : i32
    %dma_wait3A_264 = tpu.memref_slice %arg9[%dma_wait3A_257, %dma_wait3A_263] : memref<4x2048xf32, #tpu.memory_space<vmem>> -> memref<1x2048xf32, #tpu.memory_space<vmem>>
    %dma_wait3A_265 = tpu.memref_squeeze %dma_wait3A_264 : memref<1x2048xf32, #tpu.memory_space<vmem>> -> memref<2048xf32, #tpu.memory_space<vmem>>
    tpu.wait_dma2 semaphore(%arg12 : memref<!tpu.dma_semaphore, #tpu.memory_space<semaphore_mem>>) src(%dma_wait3A_265 : memref<2048xf32, #tpu.memory_space<vmem>>) dst(%dma_wait3A_262 : memref<2048xf32, #tpu.memory_space<hbm>>)
    %mul3A_266 = arith.constant 131072 : i32
    %mul3A_267 = arith.muli %add3A, %mul3A_266 : i32
    %add3A_268 = arith.constant 129024 : i32
    %add3A_269 = arith.addi %mul3A_267, %add3A_268 : i32
    %multiple_of3A_270 = tpu.assume_multiple %add3A_269, 2048 : i32
    %dma_wait3A_271 = arith.constant 3 : i32
    %dma_wait3A_272 = arith.constant 0 : i32
    %dma_wait3A_273 = tpu.memref_slice %arg9[%dma_wait3A_271, %dma_wait3A_272] : memref<4x2048xf32, #tpu.memory_space<vmem>> -> memref<1x2048xf32, #tpu.memory_space<vmem>>
    %dma_wait3A_274 = tpu.memref_squeeze %dma_wait3A_273 : memref<1x2048xf32, #tpu.memory_space<vmem>> -> memref<2048xf32, #tpu.memory_space<vmem>>
    %dma_wait3A_275 = tpu.memref_slice %arg5[%multiple_of3A_270] : memref<4194304xf32, #tpu.memory_space<hbm>> -> memref<2048xf32, #tpu.memory_space<hbm>>
    %dma_wait3A_276 = tpu.memref_slice %arg5[%multiple_of3A_270] : memref<4194304xf32, #tpu.memory_space<hbm>> -> memref<2048xf32, #tpu.memory_space<hbm>>
    %dma_wait3A_277 = arith.constant 0 : i32
    %dma_wait3A_278 = tpu.memref_slice %arg9[%dma_wait3A_271, %dma_wait3A_277] : memref<4x2048xf32, #tpu.memory_space<vmem>> -> memref<1x2048xf32, #tpu.memory_space<vmem>>
    %dma_wait3A_279 = tpu.memref_squeeze %dma_wait3A_278 : memref<1x2048xf32, #tpu.memory_space<vmem>> -> memref<2048xf32, #tpu.memory_space<vmem>>
    tpu.wait_dma2 semaphore(%arg12 : memref<!tpu.dma_semaphore, #tpu.memory_space<semaphore_mem>>) src(%dma_wait3A_279 : memref<2048xf32, #tpu.memory_space<vmem>>) dst(%dma_wait3A_276 : memref<2048xf32, #tpu.memory_space<hbm>>)
    return
  }
}

module attributes {stable_mosaic.version = 14 : i64} {
  func.func @body(%arg0: i32, %arg1: i32, %arg2: memref<1x1x3x128x128xf32, #tpu.memory_space<vmem>>, %arg3: memref<1x1x3x128x128xf32, #tpu.memory_space<vmem>>, %arg4: memref<1x1x3x128x128xf32, #tpu.memory_space<vmem>>, %arg5: memref<1x1x128x128xi32, #tpu.memory_space<vmem>>) attributes {dimension_semantics = [#tpu.dimension_semantics<arbitrary>, #tpu.dimension_semantics<arbitrary>], iteration_bounds = array<i64: 2, 128>, scalar_prefetch = 0 : i64, scratch_operands = 0 : i64, tpu.core_type = #tpu.core_type<tc>, window_params = [{transform_indices = @transform_0, window_bounds = array<i64: 1, 1, 3, 128, 128>}, {transform_indices = @transform_1, window_bounds = array<i64: 1, 1, 3, 128, 128>}, {transform_indices = @transform_2, window_bounds = array<i64: 1, 1, 3, 128, 128>}, {transform_indices = @transform_3, window_bounds = array<i64: 1, 1, 128, 128>}]} {
    %get3A = arith.constant 0 : index
    %get3A_0 = arith.constant 0 : index
    %get3A_1 = arith.constant 0 : index
    %get3A_2 = arith.constant 0 : index
    %get3A_3 = arith.constant 0 : index
    %get3A_4 = vector.load %arg2[%get3A, %get3A_0, %get3A_1, %get3A_2, %get3A_3] : memref<1x1x3x128x128xf32, #tpu.memory_space<vmem>>, vector<1x1x3x128x128xf32>
    %get3A_5 = vector.shape_cast %get3A_4 : vector<1x1x3x128x128xf32> to vector<3x128x128xf32>
    %get3A_6 = arith.constant 0 : index
    %get3A_7 = arith.constant 0 : index
    %get3A_8 = arith.constant 0 : index
    %get3A_9 = arith.constant 0 : index
    %get3A_10 = arith.constant 0 : index
    %get3A_11 = vector.load %arg3[%get3A_6, %get3A_7, %get3A_8, %get3A_9, %get3A_10] : memref<1x1x3x128x128xf32, #tpu.memory_space<vmem>>, vector<1x1x3x128x128xf32>
    %get3A_12 = vector.shape_cast %get3A_11 : vector<1x1x3x128x128xf32> to vector<3x128x128xf32>
    %add3A = arith.addf %get3A_5, %get3A_12 : vector<3x128x128xf32>
    %add3A_13 = arith.constant 1.000000e+00 : f32
    %add3A_14 = vector.broadcast %add3A_13 : f32 to vector<3x128x128xf32>
    %add3A_15 = arith.addf %add3A, %add3A_14 : vector<3x128x128xf32>
    %mul3A = arith.constant 5.000000e-01 : f32
    %mul3A_16 = vector.broadcast %mul3A : f32 to vector<3x128x128xf32>
    %mul3A_17 = arith.mulf %add3A_15, %mul3A_16 : vector<3x128x128xf32>
    %mul3A_18 = arith.constant 1.270000e+02 : f32
    %mul3A_19 = vector.broadcast %mul3A_18 : f32 to vector<3x128x128xf32>
    %mul3A_20 = arith.mulf %mul3A_17, %mul3A_19 : vector<3x128x128xf32>
    %jit3A = arith.constant 0.000000e+00 : f32
    %jit3A_21 = arith.constant 1.270000e+02 : f32
    %max3A = vector.broadcast %jit3A : f32 to vector<3x128x128xf32>
    %max3A_22 = arith.maximumf %max3A, %mul3A_20 : vector<3x128x128xf32>
    %min3A = vector.broadcast %jit3A_21 : f32 to vector<3x128x128xf32>
    %min3A_23 = arith.minimumf %min3A, %max3A_22 : vector<3x128x128xf32>
    %convert_element_type3A = arith.fptosi %min3A_23 : vector<3x128x128xf32> to vector<3x128x128xi32>
    %convert_element_type3A_24 = arith.sitofp %convert_element_type3A : vector<3x128x128xi32> to vector<3x128x128xf32>
    %sub3A = arith.subf %min3A_23, %convert_element_type3A_24 : vector<3x128x128xf32>
    %swap3A = arith.constant 0 : index
    %swap3A_25 = arith.constant 0 : index
    %swap3A_26 = arith.constant 0 : index
    %swap3A_27 = arith.constant 0 : index
    %swap3A_28 = arith.constant 0 : index
    %swap3A_29 = vector.load %arg4[%swap3A, %swap3A_25, %swap3A_26, %swap3A_27, %swap3A_28] : memref<1x1x3x128x128xf32, #tpu.memory_space<vmem>>, vector<1x1x3x128x128xf32>
    %swap3A_30 = vector.shape_cast %swap3A_29 : vector<1x1x3x128x128xf32> to vector<3x128x128xf32>
    %swap3A_31 = vector.shape_cast %sub3A : vector<3x128x128xf32> to vector<1x1x3x128x128xf32>
    tpu.vector_store %arg4[%swap3A, %swap3A_25, %swap3A_26, %swap3A_27, %swap3A_28], %swap3A_31 {strides = array<i32>} : memref<1x1x3x128x128xf32, #tpu.memory_space<vmem>>, vector<1x1x3x128x128xf32>,
    %slice3A = vector.extract_strided_slice %convert_element_type3A {offsets = [0, 0, 0], sizes = [1, 128, 128], strides = [1, 1, 1]} : vector<3x128x128xi32> to vector<1x128x128xi32>
    %squeeze3A = vector.shape_cast %slice3A : vector<1x128x128xi32> to vector<128x128xi32>
    %slice3A_32 = vector.extract_strided_slice %convert_element_type3A {offsets = [1, 0, 0], sizes = [1, 128, 128], strides = [1, 1, 1]} : vector<3x128x128xi32> to vector<1x128x128xi32>
    %squeeze3A_33 = vector.shape_cast %slice3A_32 : vector<1x128x128xi32> to vector<128x128xi32>
    %shift_left3A = arith.constant 7 : i32
    %shift_left3A_34 = vector.broadcast %shift_left3A : i32 to vector<128x128xi32>
    %shift_left3A_35 = arith.shli %squeeze3A_33, %shift_left3A_34 : vector<128x128xi32>
    %add3A_36 = arith.addi %squeeze3A, %shift_left3A_35 : vector<128x128xi32>
    %slice3A_37 = vector.extract_strided_slice %convert_element_type3A {offsets = [2, 0, 0], sizes = [1, 128, 128], strides = [1, 1, 1]} : vector<3x128x128xi32> to vector<1x128x128xi32>
    %squeeze3A_38 = vector.shape_cast %slice3A_37 : vector<1x128x128xi32> to vector<128x128xi32>
    %shift_left3A_39 = arith.constant 14 : i32
    %shift_left3A_40 = vector.broadcast %shift_left3A_39 : i32 to vector<128x128xi32>
    %shift_left3A_41 = arith.shli %squeeze3A_38, %shift_left3A_40 : vector<128x128xi32>
    %add3A_42 = arith.addi %add3A_36, %shift_left3A_41 : vector<128x128xi32>
    %mul3A_43 = arith.constant 2097152 : i32
    %mul3A_44 = arith.muli %arg0, %mul3A_43 : i32
    %add3A_45 = vector.broadcast %mul3A_44 : i32 to vector<128x128xi32>
    %add3A_46 = arith.addi %add3A_42, %add3A_45 : vector<128x128xi32>
    %swap3A_47 = arith.constant 0 : index
    %swap3A_48 = arith.constant 0 : index
    %swap3A_49 = arith.constant 0 : index
    %swap3A_50 = arith.constant 0 : index
    %swap3A_51 = vector.load %arg5[%swap3A_47, %swap3A_48, %swap3A_49, %swap3A_50] : memref<1x1x128x128xi32, #tpu.memory_space<vmem>>, vector<1x1x128x128xi32>
    %swap3A_52 = vector.shape_cast %swap3A_51 : vector<1x1x128x128xi32> to vector<128x128xi32>
    %swap3A_53 = vector.shape_cast %add3A_46 : vector<128x128xi32> to vector<1x1x128x128xi32>
    tpu.vector_store %arg5[%swap3A_47, %swap3A_48, %swap3A_49, %swap3A_50], %swap3A_53 {strides = array<i32>} : memref<1x1x128x128xi32, #tpu.memory_space<vmem>>, vector<1x1x128x128xi32>,
    return
  }
  func.func @transform_0(%arg0: i32, %arg1: i32) -> (i32, i32, i32, i32, i32) {
    %c0_i32 = arith.constant 0 : i32
    %c0_i32_0 = arith.constant 0 : i32
    %c0_i32_1 = arith.constant 0 : i32
    %c0_i32_2 = arith.constant 0 : i32
    return %arg0, %arg1, %c0_i32, %c0_i32_0, %c0_i32_1 : i32, i32, i32, i32, i32
  }
  func.func @transform_1(%arg0: i32, %arg1: i32) -> (i32, i32, i32, i32, i32) {
    %c0_i32 = arith.constant 0 : i32
    %c0_i32_0 = arith.constant 0 : i32
    %c0_i32_1 = arith.constant 0 : i32
    %c0_i32_2 = arith.constant 0 : i32
    return %arg0, %arg1, %c0_i32, %c0_i32_0, %c0_i32_1 : i32, i32, i32, i32, i32
  }
  func.func @transform_2(%arg0: i32, %arg1: i32) -> (i32, i32, i32, i32, i32) {
    %c0_i32 = arith.constant 0 : i32
    %c0_i32_0 = arith.constant 0 : i32
    %c0_i32_1 = arith.constant 0 : i32
    %c0_i32_2 = arith.constant 0 : i32
    return %arg0, %arg1, %c0_i32, %c0_i32_0, %c0_i32_1 : i32, i32, i32, i32, i32
  }
  func.func @transform_3(%arg0: i32, %arg1: i32) -> (i32, i32, i32, i32) {
    %c0_i32 = arith.constant 0 : i32
    %c0_i32_0 = arith.constant 0 : i32
    %c0_i32_1 = arith.constant 0 : i32
    return %arg0, %arg1, %c0_i32, %c0_i32_0 : i32, i32, i32, i32
  }
}

</mosaic_0001>

<sc_bundles>
// kernel: kernel.5.cloned.1.call-start
scs
__scs_entry_jumppad:
0x0: {  	(pc) =	sbr.rel $0x88, $3  }
0x1: {  	(tag) =	ssettag $0x0;
	lr =	simm.s32 $0x1  }
0x2: {  	[smem:$0x3F9E] =	sst lr;
	_ =	strace $0xD0000000  }
0x3: {  	_ = 	snop  }
0x4: {  	_ = 	snop  }
0x5: {  	_ = 	snop  }
0x6: {  	_ = 	snop  }
0x7: {  	_ = 	snop  }
__scs_overlays_trampoline_lowered:
0x8: {  	[smem:$0x3FAD] =	sst s0  }
0x9: {  	[smem:$0x3FAE] =	sst s1  }
0xa: {  	[smem:$0x3FAF] =	sst s2  }
0xb: {  	[smem:$0x3FB0] =	sst s3  }
0xc: {  	[smem:$0x3FB1] =	sst s4  }
0xd: {  	[smem:$0x3FB2] =	sst s5  }
0xe: {  	[smem:$0x3FB3] =	sst s6  }
0xf: {  	[smem:$0x3FB4] =	sst s7  }
0x10: {  	[smem:$0x3FB5] =	sst s8  }
0x11: {  	[smem:$0x3FB6] =	sst s9;
	s0 =	simm.s32 @!p0 $0x0  }
0x12: {  	s1 =	sld [smem:$0x3F9C];
	s0 =	simm.s32 @p0 $0x1  }
0x13: {  	[smem:$0x3FB7] =	sst s0;
	s0 =	simm.s32 @!p1 $0x0  }
0x14: {  	s2 =	sld [smem:$0x3F9B];
	s0 =	simm.s32 @p1 $0x1  }
0x15: {  	[smem:$0x3FB8] =	sst s0;
	s0 =	simm.s32 @!p2 $0x0  }
0x16: {  	s3 =	sld [smem:$0x3FDB];
	s0 =	simm.s32 @p2 $0x1  }
0x17: {  	s4 =	simm.s32 $0x1BF5;
	[smem:$0x3FBA] =	sst s0  }
0x18: {  	s0 =	sld [smem:$0x3F9D];
	_ =	swait.ge [sflag:s4], $0x0  }
0x19: {  	s7 =	sld [smem:$0x3F9E]  }
0x1a: {  	s8 =	sadd.s32 $0xFFFFE003, lr  }
0x1b: {  	s9 =	sadd.s32 $0xFFFFFEF7, lr;
	s5 =	simm.s32 $0xFFFFFFFF;
	p2 =	slt.u32 s8, $0xFFFFF086  }
0x1c: {  	p1 =	slt.u32 s9, $0xF7A;
	s5 =	simm.s32 @!p2 $0x0  }
0x1d: {  	s5 =	simm.s32 @p1 $0x1;
	p0 =	seq.s32 s7, s2  }
0x1e: {  	s7 =	smul.u32 @!p0 $0xF7A, s2;
	p2 =	seq.s32 @!p0 s5, $0x0  }
0x1f: {  	s9 =	smul.u32 $0xF7A, s1;
	s8 =	simm.s32 @!p0 $0x1BF5;
	p2 =	por !p2, p0  }
0x20: {  	[sflag:s8] =	ssyncset.s32 @!p0 $0xFFFFF086;
	s6 =	sadd.s32 @!p0 s3, s7;
	s7 =	simm.s32 @!p0 $0x108  }
0x21: {  	s3 =	sadd.s32 s3, s9;
	s6 =	sadd.s32 @!p0 $0x88, s6;
	s7 =	simm.s32 @p2 $0x1082  }
0x22: {  	[simem:s7], [sflag:s8] =	dma.local @!p0 [hbm:s6], $0xF7A  }
0x23: {  	s9 =	sor.u32 $0xD0000000, s2;
	s6 =	simm.s32 $0x108;
	_ =	swait.ge @!p0 [sflag:s8], $0x0  }
0x24: {  	s3 =	sadd.s32 $0x88, s3;
	s6 =	simm.s32 @!p1 $0x1082;
	[sflag:s4] =	ssyncset.s32 $0xFFFFF086  }
0x25: {  	[simem:s6], [sflag:s4] =	dma.local [hbm:s3], $0xF7A  }
0x26: {  	[smem:$0x3F9E] =	sst s1;
	(tag) =	ssettag s2;
	_ =	strace s9  }
0x27: {  	s1 =	sld [smem:$0x3FAE]  }
0x28: {  	s2 =	sld [smem:$0x3FAF]  }
0x29: {  	s4 =	sld [smem:$0x3FB1]  }
0x2a: {  	p0 =	seq.s32 s5, $0x0;
	s5 =	sld [smem:$0x3FB2]  }
0x2b: {  	s6 =	sld [smem:$0x3FB3]  }
0x2c: {  	s7 =	sld [smem:$0x3FB4]  }
0x2d: {  	s3 =	simm.s32 $0x108;
	s8 =	sld [smem:$0x3FB5]  }
0x2e: {  	s3 =	simm.s32 @!p0 $0x1082;
	s9 =	sld [smem:$0x3FB6]  }
0x2f: {  	lr =	sadd.s32 s0, s3;
	s0 =	sld [smem:$0x3FAD]  }
0x30: {  	s3 =	sld [smem:$0x3FB0]  }
0x31: {  	[smem:$0x3FB9] =	sst s10  }
0x32: {  	s10 =	sld [smem:$0x3FB7];
	_ =	sdelay $0x3  }
0x33: {  	p0 =	seq.s32 s10, $0x1;
	s10 =	sld [smem:$0x3FB9];
	_ =	sdelay $0x3  }
0x34: {  	[smem:$0x3FB9] =	sst s10  }
0x35: {  	s10 =	sld [smem:$0x3FB8];
	_ =	sdelay $0x3  }
0x36: {  	p1 =	seq.s32 s10, $0x1;
	s10 =	sld [smem:$0x3FB9];
	_ =	sdelay $0x3  }
0x37: {  	[smem:$0x3FB9] =	sst s10  }
0x38: {  	s10 =	sld [smem:$0x3FBA]  }
0x39: {  	_ = 	snop;
	(pc) =	sbr.ind lr, $3  }
0x3a: {  	_ = 	snop  }
0x3b: {  	_ = 	snop  }
0x3c: {  	p2 =	seq.s32 s10, $0x1;
	s10 =	sld [smem:$0x3FB9]  }
0x3d: {  	_ =	shalt  }
0x3e: {  	_ =	shalt  }
0x3f: {  	_ =	shalt  }
0x40: {  	_ =	shalt  }
0x41: {  	_ =	shalt  }
0x42: {  	_ =	shalt  }
0x43: {  	_ =	shalt  }
0x44: {  	_ =	shalt  }
0x45: {  	_ =	shalt  }
0x46: {  	_ =	shalt  }
0x47: {  	_ =	shalt  }
0x48: {  	_ =	shalt  }
0x49: {  	_ =	shalt  }
0x4a: {  	_ =	shalt  }
0x4b: {  	_ =	shalt  }
0x4c: {  	_ =	shalt  }
0x4d: {  	_ =	shalt  }
0x4e: {  	_ =	shalt  }
0x4f: {  	_ =	shalt  }
0x50: {  	_ =	shalt  }
0x51: {  	_ =	shalt  }
0x52: {  	_ =	shalt  }
0x53: {  	_ =	shalt  }
0x54: {  	_ =	shalt  }
0x55: {  	_ =	shalt  }
0x56: {  	_ =	shalt  }
0x57: {  	_ =	shalt  }
0x58: {  	_ =	shalt  }
0x59: {  	_ =	shalt  }
0x5a: {  	_ =	shalt  }
0x5b: {  	_ =	shalt  }
0x5c: {  	_ =	shalt  }
0x5d: {  	_ =	shalt  }
0x5e: {  	_ =	shalt  }
0x5f: {  	_ =	shalt  }
0x60: {  	_ =	shalt  }
0x61: {  	_ =	shalt  }
0x62: {  	_ =	shalt  }
0x63: {  	_ =	shalt  }
0x64: {  	_ =	shalt  }
0x65: {  	_ =	shalt  }
0x66: {  	_ =	shalt  }
0x67: {  	_ =	shalt  }
0x68: {  	_ =	shalt  }
0x69: {  	_ =	shalt  }
0x6a: {  	_ =	shalt  }
0x6b: {  	_ =	shalt  }
0x6c: {  	_ =	shalt  }
0x6d: {  	_ =	shalt  }
0x6e: {  	_ =	shalt  }
0x6f: {  	_ =	shalt  }
0x70: {  	_ =	shalt  }
0x71: {  	_ =	shalt  }
0x72: {  	_ =	shalt  }
0x73: {  	_ =	shalt  }
0x74: {  	_ =	shalt  }
0x75: {  	_ =	shalt  }
0x76: {  	_ =	shalt  }
0x77: {  	_ =	shalt  }
0x78: {  	_ =	shalt  }
0x79: {  	_ =	shalt  }
0x7a: {  	_ =	shalt  }
0x7b: {  	_ =	shalt  }
0x7c: {  	_ =	shalt  }
0x7d: {  	_ =	shalt  }
0x7e: {  	_ =	shalt  }
0x7f: {  	_ =	shalt  }
0x80: {  	_ =	shalt  }
0x81: {  	_ =	shalt  }
0x82: {  	_ =	shalt  }
0x83: {  	_ =	shalt  }
0x84: {  	_ =	shalt  }
0x85: {  	_ =	shalt  }
0x86: {  	_ =	shalt  }
0x87: {  	_ =	shalt  }
.Lfunc_end0:
.L_simem_size_0:
called_computation_lowered:
.L_overlay_start_0:
0x88: {  	s2 =	sld [smem:$0x3FD9]  }
0x89: {  	s3 =	sld [smem:$0x3FFE];
	_ =	sdelay $0x1  }
0x8a: {  	s1 =	srdreg.scid  }
0x8b: {  	s0 =	sand.u32 $0x1, s1  }
0x8c: {  	s17 =	sshll.u32 s0, $0xA;
	s2 =	sadd.s32 s3, s2  }
0x8d: {  	s2 =	sadd.s32 s2, s17  }
0x8e: {  	[smem:$0x3FC5] =	sst s2  }
0x8f: {  	_ = 	snop  }
0x90: {  	s2 =	sld [smem:$0x3FC9];
	(tm) =	ssettm $0x1  }
0x91: {  	s18 =	sld [smem:$0x3FFB];
	_ =	sdelay $0x3  }
0x92: {  	_ =	strace s18  }
0x93: {  	s3 =	sld [smem:$0x3FFC];
	_ =	sdelay $0x3  }
0x94: {  	_ =	strace s3  }
0x95: {  	s3 =	sld [smem:$0x3FFD];
	_ =	sdelay $0x3  }
0x96: {  	_ =	strace s3  }
0x97: {  	_ =	strace $0x8FFFFFFF  }
0x98: {  	s19 =	sld [smem:$0x3FDB];
	_ =	sdelay $0x1  }
0x99: {  	s4 =	simm.s32 $_scs_section_size  }
0x9a: {  	s5 =	simm.s32 $_size__tile_overlayer_lowered;
	s6 =	simm.s32 $_tile_overlayer_lowered  }
0x9b: {  	s22 =	simm.s32 $0x1BFF;
	s21 =	sshll.u32 s6, $0x1;
	s3 =	sadd.s32 s4, s19  }
0x9c: {  	s7 =	simm.s32 $0x0;
	s20 =	sshll.u32 s5, $0x1;
	s5 =	sadd.s32 s21, s3  }
0x9d: {  	[timem:s7], [sflag:s22] =	dma.local [hbm:s5], s20  }
0x9e: {  	_ =	swait.ge [sflag:s22], s20  }
0x9f: {  	s4 =	ssub.s32 $0x0, s20;
	[sflag:s22] =	ssyncset.done $0x0  }
0xa0: {  	[sflag:s22] =	ssyncadd.s32 s4;
	_ =	sdelay $0x1  }
0xa1: {  	s23 =	simm.s32 $0x1B8B  }
0xa2: {  	_ =	swait.ge [sflag:s23], $0x1  }
0xa3: {  	[sflag:s23] =	ssyncset.done $0x0  }
0xa4: {  	s25 =	simm.s32 $0x1B8E;
	s24 =	sld [smem:$0x3FFE];
	[sflag:s23] =	ssyncadd.s32 $0xFFFFFFFF  }
0xa5: {  	s26 =	simm.s32 $execute0_lowered;
	[smem:$0x3FD2] =	sst s25  }
0xa6: {  	s5 =	sshll.u32 s26, $0x1;
	_ =	strace $0x80000046;
	[dreg:$0x1] =	wrdreg $0xFFFFFFFF  }
0xa7: {  	s28 =	simm.s32 $_size_execute0_lowered;
	s3 =	sadd.s32 s3, s5;
	[dreg:$0x0] =	wrdreg $0x0  }
0xa8: {  	s5 =	sshll.u32 s28, $0x1;
	[dreg:$0x2] =	wrdreg s3  }
0xa9: {  	[dreg:$0x3] =	wrdreg s5  }
0xaa: {  	[dreg:$0x4] =	wrdreg $0xC0  }
0xab: {  	_ =	task [dreg:s7], $0x5FFFF  }
0xac: {  	[dreg:$0x1] =	wrdreg $0xFFFFFFFF  }
0xad: {  	[dreg:$0x0] =	wrdreg $0x60  }
0xae: {  	[dreg:$0x2] =	wrdreg s2  }
0xaf: {  	[dreg:$0x3] =	wrdreg s24  }
0xb0: {  	[dreg:$0x4] =	wrdreg $0x9  }
0xb1: {  	_ =	task.clear_ibuf [dreg:s7], $0x5FFFF;
	_ =	strace $0x90000046  }
0xb2: {  	s29 =	simm.s32 $0x9;
	_ =	strace $0x80000048  }
0xb3: {  	_ =	swait.ge [sflag:s29], $0x1  }
0xb4: {  	[sflag:s29] =	ssyncadd.s32 $0xFFFFFFFF  }
0xb5: {  	_ =	strace $0x90000048  }
0xb6: {  	_ =	sfence  }
0xb7: {  	s30 =	sld [smem:$0x0];
	_ =	sdelay $0x2  }
0xb8: {  	s31 =	sshll.u32 s1, $0xD;
	s1 =	sshrl.u32 s1, $0x2  }
0xb9: {  	s3 =	sand.u32 $0x4000, s31;
	s1 =	sadd.s32 s1, s30  }
0xba: {  	s0 =	sor.u32 s3, s0;
	s1 =	sshll.u32 s1, $0x11  }
0xbb: {  	s0 =	sor.u32 s1, s0  }
0xbc: {  	s0 =	sadd.s32 $0x8F2B, s0  }
0xbd: {  	[sflag:s0] =	ssyncadd.remote.s32 $0x1  }
0xbe: {  	_ =	sfence.sel $0xFFFF  }
0xbf: {  	[dreg:$0x0] =	wrdreg $0xFFFFFFFF;
	(pc) =	sbr.abs _section_cstart, $3  }
0xc0: {  	[dreg:$0x1] =	wrdreg $0xFFFFFFFF  }
0xc1: {  	_ =	task.clear_ibuf [dreg:s7], $0x2FFFF;
	_ =	strace $0x9FFFFFFF  }
0xc2: {  	(tm) =	ssettm $0x7FFFFFFF  }
0xc3: {  	_ =	shalt  }
tec
execute0_lowered:
.L_overlay_start_1:
0x0: {  	(tag) =	ssettag $0x1  }
0x1: {  	s1 =	rddreg [dreg:$0x0]  }
0x2: {  	s0 =	rddreg [dreg:$0x1]  }
0x3: {  	s3 =	simm.s32 $0x0;
	s4 =	srdreg.scid;
	s2 =	stileid.u32  }
0x4: {  	s9 =	simm.s32 $0x4000;
	s10 =	simm.s32 $0x1;
	s11 =	simm.s32 $0x2  }
0x5: {  	s12 =	simm.s32 $0x0;
	s4 =	sand.u32 $0x1, s4;
	s5 =	sshll.u32 s2, $0x1  }
0x6: {  	[smem:$0x7FF] =	sst s3;
	s6 =	ssub.s32 $0x2, s4;
	s5 =	sor.u32 s4, s5  }
0x7: {  	_ =	strace $0x80000047;
	s31 =	sshrl.u32 s6, $0x1;
	s7 =	sshll.u32 s5, $0xE  }
0x8: {  	v0 =	vlaneseq.u32;
	s4 =	sadd.s32 $0xC00, s0;
	s0 =	ssub.s32 s6, s31;
	s6 =	sadd.s32 s1, s7  }
0x9: {  	v1 =	vadd.s32 $0x1, v0;
	s5 =	sshll.u32 s5, $0x3;
	s7 =	sadd.s32 $0x800, s6;
	s8 =	smax.u32 s0, $0x1  }
.LBB2_1:
0xa: {  	[tilespmem:s3], [sflag:$0x1] =	stream.linear.gather [hbm4b:s6+s3], $0x4000, $0x38;
	[tilespmem:$0x18000] =	vst v63  }
0xb: {  	p0 =	por $0x0, $0x0;
	s13 =	simm.s32 $0x0  }
0xc: {  	[tilespmem:s9], [sflag:$0x1] =	stream.linear.gather [hbm4b:s7+s3], $0x4000, $0x38;
	[tilespmem:$0x18000] =	vst v63  }
.LBB2_2:
0xd: {  	s0 =	smov.u32 s13  }
0xe: {  	s13 =	sadd.s32 $0x1, s13;
	p1 =	seq.s32 s0, $0x7  }
0xf: {  	s14 =	sadd.s32 @!p1 s5, s13  }
0x10: {  	s15 =	sand.u32 @!p1 $0x7F, s14  }
0x11: {  	s16 =	sshll.u32 @!p1 s14, $0xE;
	p2 =	seq.s32 @!p1 s15, $0x7F  }
0x12: {  	s15 =	sand.u32 $0x1, s0;
	s17 =	sadd.s32 @!p1 $0x4000, s16;
	p2 =	por !p2, p1  }
0x13: {  	s14 =	sshll.u32 @!p1 s14, $0xB;
	s16 =	smov.u32 @p2 s17;
	s17 =	sshll.u32 @!p1 s15, $0xF  }
0x14: {  	s19 =	simm.s32 @!p1 $0x0;
	s14 =	sadd.s32 @!p1 s1, s14;
	s18 =	sxor.u32 @!p1 $0x8000, s17  }
0x15: {  	[tilespmem:s18], [sflag:$0x1] =	stream.linear.gather @!p1 [hbm4b:s14+s19], $0x4000, $0x38;
	[tilespmem:$0x18000] =	vst v63  }
0x16: {  	s14 =	sshrl.u32 @!p1 s16, $0x3  }
0x17: {  	s16 =	sxor.u32 @!p1 $0xC000, s17;
	s14 =	sadd.s32 @!p1 s1, s14  }
0x18: {  	[tilespmem:s16], [sflag:$0x1] =	stream.linear.gather @!p1 [hbm4b:s14+s19], $0x4000, $0x38;
	[tilespmem:$0x18000] =	vst v63  }
0x19: {  	s0 =	sadd.s32 s5, s0;
	_ =	swait.ge [sflag:s10], $0x4000  }
0x1a: {  	s20 =	simm.s32 $0x0;
	s0 =	sshll.u32 s0, $0xE;
	[sflag:s10] =	ssyncset.done $0x0  }
0x1b: {  	s15 =	sshll.u32 s15, $0xF;
	s17 =	sadd.s32 s4, s0;
	[sflag:s10] =	ssyncadd.s32 $0xFFFFC000  }
0x1c: {  	s18 =	simm.s32 $0x0;
	s14 =	simm.s32 $0x1;
	_ =	swait.ge [sflag:s10], $0x4000  }
0x1d: {  	s16 =	sor.u32 $0x4000, s15;
	s14 =	simm.s32 @!p0 $0x0;
	[sflag:s10] =	ssyncset.done $0x0  }
0x1e: {  	s19 =	simm.s32 $0x0;
	s14 =	sshll.u32 s14, $0xF;
	[sflag:s10] =	ssyncadd.s32 $0xFFFFC000  }
.LBB2_3:
0x1f: {  	p1 =	slt.u32 s20, $0x2  }
0x20: {  	s22 =	sshll.u32 s20, $0xE;
	s21 =	sshll.u32 s20, $0xB;
	s0 =	simm.s32 @!p1 $0x2  }
0x21: {  	s23 =	sshll.u32 s20, $0x4;
	s24 =	smov.u32 s18;
	_ =	swait.ge @!p1 [sflag:s0], $0x4000  }
0x22: {  	s25 =	smov.u32 s19;
	s31 =	sand.u32 $0x4000, s22;
	[sflag:s0] =	ssyncset.done @!p1 $0x0  }
0x23: {  	s26 =	simm.s32 $0x0;
	s22 =	sor.u32 $0x10000, s31;
	[sflag:s0] =	ssyncadd.s32 @!p1 $0xFFFFC000  }
.LBB2_4:
0x24: {  	s0 =	sadd.s32 s23, s26  }
0x25: {  	s29 =	sshll.u32 s0, $0x7  }
0x26: {  	s30 =	simm.s32 $0x0;
	v4 =	vor.u32 s29, v1  }
0x27: {  	v5 =	vor.u32 s30, v4  }
0x28: {  	s28 =	sshll.u32 s26, $0x7;
	p1 =	slt.s32 s25, $0x7E  }
0x29: {  	s31 =	smov.u32 s25;
	p2 =	slt.s32 s0, $0x7E;
	v3 =	vor.u32 s28, v0;
	s28 =	sshra.s32 s24, $0x2  }
0x2a: {  	s31 =	simm.s32 @!p1 $0x7E;
	s0 =	simm.s32 @!p2 $0x7E;
	s2 =	sadd.s32 s28, s14;
	v2 =	vor.u32 s30, v3  }
0x2b: {  	s31 =	sshll.u32 s31, $0x9;
	s0 =	sshll.u32 s0, $0x7;
	v7 =	vld [tilespmem:s2+$0x0];
	v8 =	vshll.u32 v2, $0x3  }
0x2c: {  	s31 =	sshrl.u32 s31, $0x2;
	s0 =	sadd.s32 $0x80, s0;
	v10 =	vor.u32 $0x1, v8;
	v9 =	vld.idx.msk [tilespmem:v5+s15+$0x0], $0xffff  }
0x2d: {  	v2 =	vmov s31;
	v6 =	vor.u32 s0, v1  }
0x2e: {  	v11 =	vor.u32 s30, v6;
	_ =	sdelay $0x1  }
0x2f: {  	[tilespmem:v8+s22+$0x0] =	vst.idx.msk $0xffff, v7  }
0x30: {  	[tilespmem:v10+s22+$0x0] =	vst.idx.msk $0xffff, v9  }
0x31: {  	v9 =	vor.u32 $0x2, v8;
	v7 =	vld.idx.msk [tilespmem:v2+s14+$0x80 ss:$0x1], $0xffff  }
0x32: {  	v12 =	vor.u32 $0x3, v8;
	v10 =	vld.idx.msk [tilespmem:v11+s15+$0x0], $0xffff;
	_ =	sdelay $0x3  }
0x33: {  	[tilespmem:v9+s22+$0x0] =	vst.idx.msk $0xffff, v7  }
0x34: {  	[tilespmem:v12+s22+$0x0] =	vst.idx.msk $0xffff, v10  }
0x35: {  	v9 =	vor.u32 $0x4, v8;
	v7 =	vld [tilespmem:s2+$0x4000]  }
0x36: {  	v10 =	vor.u32 $0x5, v8;
	v5 =	vld.idx.msk [tilespmem:v5+s16+$0x0], $0xffff;
	_ =	sdelay $0x3  }
0x37: {  	[tilespmem:v9+s22+$0x0] =	vst.idx.msk $0xffff, v7  }
0x38: {  	s30 =	simm.s32 $0x10;
	[tilespmem:v10+s22+$0x0] =	vst.idx.msk $0xffff, v5  }
0x39: {  	v9 =	vor.u32 $0x6, v8;
	v10 =	vadd.s32 s30, v1;
	v7 =	vld.idx.msk [tilespmem:v2+s14+$0x4080 ss:$0x1], $0xffff  }
0x3a: {  	v8 =	vor.u32 $0x7, v8;
	v11 =	vld.idx.msk [tilespmem:v11+s16+$0x0], $0xffff;
	vm0 =	vlt.s32 v10, $0x7F  }
0x3b: {  	v5 =	vmov s29;
	v10 =	vnsel vm0, $0x7F, v10  }
0x3c: {  	v63 =	vor.u32 v5, v10;
	_ =	sdelay $0x1  }
0x3d: {  	[tilespmem:v9+s22+$0x0] =	vst.idx.msk $0xffff, v7  }
0x3e: {  	v7 =	vor.u32 s30, v3;
	[tilespmem:v8+s22+$0x0] =	vst.idx.msk $0xffff, v11  }
0x3f: {  	v8 =	vshll.u32 v7, $0x3;
	v9 =	vld [tilespmem:s2+$0x10]  }
0x40: {  	v11 =	vor.u32 $0x1, v8;
	v13 =	vld.idx.msk [tilespmem:v63+s15+$0x0], $0xffff  }
0x41: {  	v7 =	vmov s0  }
0x42: {  	v14 =	vor.u32 v7, v10;
	_ =	sdelay $0x1  }
0x43: {  	[tilespmem:v8+s22+$0x0] =	vst.idx.msk $0xffff, v9  }
0x44: {  	[tilespmem:v11+s22+$0x0] =	vst.idx.msk $0xffff, v13  }
0x45: {  	v9 =	vor.u32 $0x2, v8;
	v10 =	vld.idx.msk [tilespmem:v2+s14+$0x90 ss:$0x1], $0xffff  }
0x46: {  	v11 =	vor.u32 $0x3, v8;
	v13 =	vld.idx.msk [tilespmem:v14+s15+$0x0], $0xffff;
	_ =	sdelay $0x3  }
0x47: {  	[tilespmem:v9+s22+$0x0] =	vst.idx.msk $0xffff, v10  }
0x48: {  	[tilespmem:v11+s22+$0x0] =	vst.idx.msk $0xffff, v13  }
0x49: {  	v9 =	vor.u32 $0x4, v8;
	v10 =	vld [tilespmem:s2+$0x4010]  }
0x4a: {  	v11 =	vor.u32 $0x5, v8;
	v12 =	vld.idx.msk [tilespmem:v63+s16+$0x0], $0xffff;
	_ =	sdelay $0x3  }
0x4b: {  	[tilespmem:v9+s22+$0x0] =	vst.idx.msk $0xffff, v10  }
0x4c: {  	[tilespmem:v11+s22+$0x0] =	vst.idx.msk $0xffff, v12  }
0x4d: {  	v9 =	vor.u32 $0x6, v8;
	v10 =	vld.idx.msk [tilespmem:v2+s14+$0x4090 ss:$0x1], $0xffff  }
0x4e: {  	v8 =	vor.u32 $0x7, v8;
	v11 =	vld.idx.msk [tilespmem:v14+s16+$0x0], $0xffff  }
0x4f: {  	s31 =	smov.u32 s14;
	s29 =	simm.s32 $0x20;
	s30 =	simm.s32 $0x2  }
.LBB2_5:
0x50: {  	s30 =	sadd.s32 $0x2, s30;
	v12 =	vor.u32 s29, v4;
	s31 =	sadd.s32 $0x20, s31  }
0x51: {  	p1 =	slt.u32 s30, $0x6  }
0x52: {  	[tilespmem:v9+s22+$0x0] =	vst.idx.msk $0xffff, v10  }
0x53: {  	s0 =	sadd.s32 s28, s31;
	[tilespmem:v8+s22+$0x0] =	vst.idx.msk $0xffff, v11  }
0x54: {  	v9 =	vor.u32 s29, v3;
	v8 =	vld [tilespmem:s0+$0x0]  }
0x55: {  	v9 =	vshll.u32 v9, $0x3;
	v10 =	vld.idx.msk [tilespmem:v12+s15+$0x0], $0xffff  }
0x56: {  	v11 =	vor.u32 $0x1, v9;
	_ =	sdelay $0x1  }
0x57: {  	v13 =	vor.u32 s29, v6;
	_ =	sdelay $0x1  }
0x58: {  	[tilespmem:v9+s22+$0x0] =	vst.idx.msk $0xffff, v8  }
0x59: {  	[tilespmem:v11+s22+$0x0] =	vst.idx.msk $0xffff, v10  }
0x5a: {  	v8 =	vld.idx.msk [tilespmem:v2+s31+$0x80 ss:$0x1], $0xffff  }
0x5b: {  	v11 =	vor.u32 $0x2, v9;
	v10 =	vld.idx.msk [tilespmem:v13+s15+$0x0], $0xffff  }
0x5c: {  	v14 =	vor.u32 $0x3, v9;
	_ =	sdelay $0x3  }
0x5d: {  	[tilespmem:v11+s22+$0x0] =	vst.idx.msk $0xffff, v8  }
0x5e: {  	[tilespmem:v14+s22+$0x0] =	vst.idx.msk $0xffff, v10  }
0x5f: {  	v10 =	vor.u32 $0x4, v9;
	v8 =	vld [tilespmem:s0+$0x4000]  }
0x60: {  	v11 =	vld.idx.msk [tilespmem:v12+s16+$0x0], $0xffff;
	v12 =	vor.u32 $0x5, v9;
	_ =	sdelay $0x3  }
0x61: {  	[tilespmem:v10+s22+$0x0] =	vst.idx.msk $0xffff, v8;
	_ =	sdelay $0x1  }
0x62: {  	[tilespmem:v12+s22+$0x0] =	vst.idx.msk $0xffff, v11  }
0x63: {  	s2 =	sadd.s32 $0x10, s29;
	v10 =	vor.u32 $0x6, v9;
	v8 =	vld.idx.msk [tilespmem:v2+s31+$0x4080 ss:$0x1], $0xffff  }
0x64: {  	v9 =	vor.u32 $0x7, v9;
	v12 =	vadd.s32 s2, v1;
	v11 =	vld.idx.msk [tilespmem:v13+s16+$0x0], $0xffff;
	v13 =	vor.u32 s2, v3  }
0x65: {  	vm0 =	vlt.s32 v12, $0x7F  }
0x66: {  	v12 =	vnsel vm0, $0x7F, v12  }
0x67: {  	v14 =	vor.u32 v5, v12;
	_ =	sdelay $0x1  }
0x68: {  	[tilespmem:v10+s22+$0x0] =	vst.idx.msk $0xffff, v8  }
0x69: {  	v8 =	vshll.u32 v13, $0x3;
	[tilespmem:v9+s22+$0x0] =	vst.idx.msk $0xffff, v11  }
0x6a: {  	v10 =	vor.u32 $0x1, v8;
	v9 =	vld [tilespmem:s0+$0x10]  }
0x6b: {  	v11 =	vld.idx.msk [tilespmem:v14+s15+$0x0], $0xffff;
	_ =	sdelay $0x2  }
0x6c: {  	v12 =	vor.u32 v7, v12  }
0x6d: {  	[tilespmem:v8+s22+$0x0] =	vst.idx.msk $0xffff, v9;
	_ =	sdelay $0x1  }
0x6e: {  	v9 =	vor.u32 $0x2, v8;
	[tilespmem:v10+s22+$0x0] =	vst.idx.msk $0xffff, v11  }
0x6f: {  	v11 =	vor.u32 $0x3, v8;
	v10 =	vld.idx.msk [tilespmem:v2+s31+$0x90 ss:$0x1], $0xffff  }
0x70: {  	v13 =	vld.idx.msk [tilespmem:v12+s15+$0x0], $0xffff;
	_ =	sdelay $0x4  }
0x71: {  	[tilespmem:v9+s22+$0x0] =	vst.idx.msk $0xffff, v10;
	v9 =	vor.u32 $0x4, v8  }
0x72: {  	v10 =	vor.u32 $0x5, v8;
	[tilespmem:v11+s22+$0x0] =	vst.idx.msk $0xffff, v13  }
0x73: {  	v11 =	vld [tilespmem:s0+$0x4010]  }
0x74: {  	v13 =	vld.idx.msk [tilespmem:v14+s16+$0x0], $0xffff;
	_ =	sdelay $0x3  }
0x75: {  	[tilespmem:v9+s22+$0x0] =	vst.idx.msk $0xffff, v11  }
0x76: {  	v9 =	vor.u32 $0x6, v8  }
.Ltmp0:
0x77: {  	v8 =	vor.u32 $0x7, v8;
	[tilespmem:v10+s22+$0x0] =	vst.idx.msk $0xffff, v13;
	(pc) =	sbr.rel @p1 .LBB2_5-.Ltmp0, $3  }
0x78: {  	v10 =	vld.idx.msk [tilespmem:v2+s31+$0x4090 ss:$0x1], $0xffff  }
0x79: {  	v11 =	vld.idx.msk [tilespmem:v12+s16+$0x0], $0xffff;
	_ =	sdelay $0x1  }
0x7a: {  	s29 =	sadd.s32 $0x20, s29  }
0x7b: {  	_ =	sdelay $0x1  }
0x7c: {  	v4 =	vor.u32 s29, v4;
	_ =	sdelay $0x1  }
0x7d: {  	s0 =	sadd.s32 $0x20, s31;
	[tilespmem:v9+s22+$0x0] =	vst.idx.msk $0xffff, v10  }
0x7e: {  	v51 =	vor.u32 s29, v3;
	s2 =	sadd.s32 s28, s0;
	[tilespmem:v8+s22+$0x0] =	vst.idx.msk $0xffff, v11  }
0x7f: {  	v8 =	vshll.u32 v51, $0x3;
	v9 =	vld [tilespmem:s2+$0x0]  }
0x80: {  	v52 =	vor.u32 $0x1, v8;
	v10 =	vld.idx.msk [tilespmem:v4+s15+$0x0], $0xffff;
	_ =	sdelay $0x1  }
0x81: {  	v6 =	vor.u32 s29, v6;
	_ =	sdelay $0x1  }
0x82: {  	[tilespmem:v8+s22+$0x0] =	vst.idx.msk $0xffff, v9  }
0x83: {  	[tilespmem:v52+s22+$0x0] =	vst.idx.msk $0xffff, v10  }
0x84: {  	v53 =	vor.u32 $0x2, v8;
	v9 =	vld.idx.msk [tilespmem:v2+s0+$0x80 ss:$0x1], $0xffff  }
0x85: {  	v12 =	vor.u32 $0x3, v8;
	v11 =	vld.idx.msk [tilespmem:v6+s15+$0x0], $0xffff;
	_ =	sdelay $0x3  }
0x86: {  	[tilespmem:v53+s22+$0x0] =	vst.idx.msk $0xffff, v9  }
0x87: {  	[tilespmem:v12+s22+$0x0] =	vst.idx.msk $0xffff, v11  }
0x88: {  	v54 =	vor.u32 $0x4, v8;
	v9 =	vld [tilespmem:s2+$0x4000]  }
0x89: {  	v55 =	vor.u32 $0x5, v8;
	v4 =	vld.idx.msk [tilespmem:v4+s16+$0x0], $0xffff;
	_ =	sdelay $0x3  }
0x8a: {  	[tilespmem:v54+s22+$0x0] =	vst.idx.msk $0xffff, v9  }
0x8b: {  	s31 =	sadd.s32 $0x10, s29;
	[tilespmem:v55+s22+$0x0] =	vst.idx.msk $0xffff, v4  }
0x8c: {  	v57 =	vadd.s32 s31, v1;
	v56 =	vor.u32 $0x6, v8;
	v4 =	vld.idx.msk [tilespmem:v2+s0+$0x4080 ss:$0x1], $0xffff  }
0x8d: {  	vm0 =	vlt.s32 v57, $0x7F;
	v8 =	vor.u32 $0x7, v8;
	v6 =	vld.idx.msk [tilespmem:v6+s16+$0x0], $0xffff  }
0x8e: {  	v10 =	vnsel vm0, $0x7F, v57  }
0x8f: {  	v5 =	vor.u32 v5, v10;
	_ =	sdelay $0x1  }
0x90: {  	[tilespmem:v56+s22+$0x0] =	vst.idx.msk $0xffff, v4  }
0x91: {  	v3 =	vor.u32 s31, v3;
	[tilespmem:v8+s22+$0x0] =	vst.idx.msk $0xffff, v6  }
0x92: {  	v3 =	vshll.u32 v3, $0x3;
	v4 =	vld [tilespmem:s2+$0x10]  }
0x93: {  	v58 =	vor.u32 $0x1, v3;
	v8 =	vld.idx.msk [tilespmem:v5+s15+$0x0], $0xffff;
	_ =	sdelay $0x1  }
0x94: {  	v7 =	vor.u32 v7, v10;
	_ =	sdelay $0x1  }
0x95: {  	[tilespmem:v3+s22+$0x0] =	vst.idx.msk $0xffff, v4  }
0x96: {  	[tilespmem:v58+s22+$0x0] =	vst.idx.msk $0xffff, v8  }
0x97: {  	v59 =	vor.u32 $0x2, v3;
	v6 =	vld.idx.msk [tilespmem:v2+s0+$0x90 ss:$0x1], $0xffff  }
0x98: {  	v60 =	vor.u32 $0x3, v3;
	v9 =	vld.idx.msk [tilespmem:v7+s15+$0x0], $0xffff;
	_ =	sdelay $0x3  }
0x99: {  	[tilespmem:v59+s22+$0x0] =	vst.idx.msk $0xffff, v6  }
0x9a: {  	[tilespmem:v60+s22+$0x0] =	vst.idx.msk $0xffff, v9  }
0x9b: {  	v61 =	vor.u32 $0x4, v3;
	v6 =	vld [tilespmem:s2+$0x4010]  }
0x9c: {  	v62 =	vor.u32 $0x5, v3;
	v5 =	vld.idx.msk [tilespmem:v5+s16+$0x0], $0xffff;
	_ =	sdelay $0x3  }
0x9d: {  	[tilespmem:v61+s22+$0x0] =	vst.idx.msk $0xffff, v6  }
0x9e: {  	[tilespmem:v62+s22+$0x0] =	vst.idx.msk $0xffff, v5  }
0x9f: {  	s26 =	sadd.s32 $0x1, s26;
	v63 =	vor.u32 $0x6, v3;
	v2 =	vld.idx.msk [tilespmem:v2+s0+$0x4090 ss:$0x1], $0xffff  }
0xa0: {  	p1 =	sne.s32 s26, $0x10;
	v3 =	vor.u32 $0x7, v3;
	v5 =	vld.idx.msk [tilespmem:v7+s16+$0x0], $0xffff  }
.Ltmp1:
0xa1: {  	_ = 	snop;
	(pc) =	sbr.rel @p1 .LBB2_4-.Ltmp1, $3  }
0xa2: {  	_ =	sdelay $0x1  }
0xa3: {  	[tilespmem:v63+s22+$0x0] =	vst.idx.msk $0xffff, v2  }
0xa4: {  	s25 =	sadd.s32 $0x1, s25;
	s24 =	sadd.s32 $0x200, s24;
	[tilespmem:v3+s22+$0x0] =	vst.idx.msk $0xffff, v5  }
0xa5: {  	s20 =	sadd.s32 $0x1, s20  }
0xa6: {  	p1 =	sne.s32 s20, $0x8  }
.Ltmp2:
0xa7: {  	_ = 	snop;
	(pc) =	sbr.rel @p1 .LBB2_3-.Ltmp2, $3  }
0xa8: {  	_ =	sdelay $0x1  }
0xa9: {  	s0 =	sadd.s32 s21, s17;
	s19 =	sadd.s32 $0x10, s19;
	s18 =	sadd.s32 $0x2000, s18  }
0xaa: {  	[hbm4b:s0+s3] =	stream.linear.scatter [tilespmem:s22], [sflag:$0x2], $0x4000, $0x38;
	[tilespmem:$0x18000] =	vst v63  }
0xab: {  	_ =	swait.ge [sflag:s11], $0x4000;
	p1 =	sne.s32 s13, $0x8  }
.Ltmp3:
0xac: {  	[sflag:s11] =	ssyncset.done $0x0;
	(pc) =	sbr.rel @p1 .LBB2_2-.Ltmp3, $4  }
0xad: {  	[sflag:s11] =	ssyncadd.s32 $0xFFFFC000  }
0xae: {  	_ =	swait.ge [sflag:s11], $0x4000  }
0xaf: {  	[sflag:s11] =	ssyncset.done $0x0  }
0xb0: {  	p0 =	por !p0, !p0;
	[sflag:s11] =	ssyncadd.s32 $0xFFFFC000  }
0xb1: {  	s12 =	sadd.s32 $0x1, s12  }
0xb2: {  	p0 =	sne.s32 s12, s8  }
.Ltmp4:
0xb3: {  	_ = 	snop;
	(pc) =	sbr.rel @p0 .LBB2_1-.Ltmp4, $1  }
0xb4: {  	_ =	sdelay $0x3  }
0xb5: {  	_ =	sfence.sel $0x180000  }
0xb6: {  	[bflag:$0x0] =	sbarrier.arrive $0xFFFF  }
0xb7: {  	_ =	strace $0x90000047  }
0xb8: {  	s0 =	stileid.u32;
	[bflag:$0x2] =	sbarrier.arrive $0xFFFF  }
0xb9: {  	p0 =	sne.s32 s0, $0x0;
	s0 =	rddreg [dreg:$0x2]  }
0xba: {  	s0 =	sadd.s32 @!p0 $0x100000, s0  }
0xbb: {  	[sflag:s0] =	ssyncadd.tile.s32 @!p0 $0x1;
	_ =	shalt  }
.Lfunc_end2:
_tile_overlayer_lowered:
.L_overlay_start_2:
0xbc: {  	(tag) =	ssettag $0x2  }
0xbd: {  	s0 =	rddreg [dreg:$0x0];
	s2 =	stileid.u32  }
0xbe: {  	s1 =	rddreg [dreg:$0x1];
	p0 =	sne.s32 s2, $0x0  }
0xbf: {  	s3 =	rddreg [dreg:$0x2];
	[bflag:$0x3] =	sbarrier.arrive $0xFFFF;
	s2 =	simm.s32 @!p0 $0x1C03  }
0xc0: {  	[timem:s3], [sflag:s2] =	dma.local @!p0 [hbm:s0], s1  }
0xc1: {  	s0 =	simm.s32 @!p0 $0x3  }
0xc2: {  	_ =	swait.ge @!p0 [sflag:s0], s1  }
0xc3: {  	s1 =	ssub.s32 @!p0 $0x0, s1;
	[sflag:s0] =	ssyncset.done @!p0 $0x0  }
0xc4: {  	[sflag:s0] =	ssyncadd.s32 @!p0 s1  }
0xc5: {  	[bflag:$0x3] =	sbarrier.arrive $0xFFFF  }
0xc6: {  	_ =	shalt  }

// kernel: kernel.8.cloned.1.call-start
scs
__scs_entry_jumppad:
0x0: {  	(pc) =	sbr.rel $0x88, $3  }
0x1: {  	(tag) =	ssettag $0x0;
	lr =	simm.s32 $0x1  }
0x2: {  	[smem:$0x3F9E] =	sst lr;
	_ =	strace $0xD0000000  }
0x3: {  	_ = 	snop  }
0x4: {  	_ = 	snop  }
0x5: {  	_ = 	snop  }
0x6: {  	_ = 	snop  }
0x7: {  	_ = 	snop  }
__scs_overlays_trampoline_lowered:
0x8: {  	[smem:$0x3FAD] =	sst s0  }
0x9: {  	[smem:$0x3FAE] =	sst s1  }
0xa: {  	[smem:$0x3FAF] =	sst s2  }
0xb: {  	[smem:$0x3FB0] =	sst s3  }
0xc: {  	[smem:$0x3FB1] =	sst s4  }
0xd: {  	[smem:$0x3FB2] =	sst s5  }
0xe: {  	[smem:$0x3FB3] =	sst s6  }
0xf: {  	[smem:$0x3FB4] =	sst s7  }
0x10: {  	[smem:$0x3FB5] =	sst s8  }
0x11: {  	[smem:$0x3FB6] =	sst s9;
	s0 =	simm.s32 @!p0 $0x0  }
0x12: {  	s1 =	sld [smem:$0x3F9C];
	s0 =	simm.s32 @p0 $0x1  }
0x13: {  	[smem:$0x3FB7] =	sst s0;
	s0 =	simm.s32 @!p1 $0x0  }
0x14: {  	s2 =	sld [smem:$0x3F9B];
	s0 =	simm.s32 @p1 $0x1  }
0x15: {  	[smem:$0x3FB8] =	sst s0;
	s0 =	simm.s32 @!p2 $0x0  }
0x16: {  	s3 =	sld [smem:$0x3FDB];
	s0 =	simm.s32 @p2 $0x1  }
0x17: {  	s4 =	simm.s32 $0x1BF5;
	[smem:$0x3FBA] =	sst s0  }
0x18: {  	s0 =	sld [smem:$0x3F9D];
	_ =	swait.ge [sflag:s4], $0x0  }
0x19: {  	s7 =	sld [smem:$0x3F9E]  }
0x1a: {  	s8 =	sadd.s32 $0xFFFFE003, lr  }
0x1b: {  	s9 =	sadd.s32 $0xFFFFFEF7, lr;
	s5 =	simm.s32 $0xFFFFFFFF;
	p2 =	slt.u32 s8, $0xFFFFF086  }
0x1c: {  	p1 =	slt.u32 s9, $0xF7A;
	s5 =	simm.s32 @!p2 $0x0  }
0x1d: {  	s5 =	simm.s32 @p1 $0x1;
	p0 =	seq.s32 s7, s2  }
0x1e: {  	s7 =	smul.u32 @!p0 $0xF7A, s2;
	p2 =	seq.s32 @!p0 s5, $0x0  }
0x1f: {  	s9 =	smul.u32 $0xF7A, s1;
	s8 =	simm.s32 @!p0 $0x1BF5;
	p2 =	por !p2, p0  }
0x20: {  	[sflag:s8] =	ssyncset.s32 @!p0 $0xFFFFF086;
	s6 =	sadd.s32 @!p0 s3, s7;
	s7 =	simm.s32 @!p0 $0x108  }
0x21: {  	s3 =	sadd.s32 s3, s9;
	s6 =	sadd.s32 @!p0 $0x88, s6;
	s7 =	simm.s32 @p2 $0x1082  }
0x22: {  	[simem:s7], [sflag:s8] =	dma.local @!p0 [hbm:s6], $0xF7A  }
0x23: {  	s9 =	sor.u32 $0xD0000000, s2;
	s6 =	simm.s32 $0x108;
	_ =	swait.ge @!p0 [sflag:s8], $0x0  }
0x24: {  	s3 =	sadd.s32 $0x88, s3;
	s6 =	simm.s32 @!p1 $0x1082;
	[sflag:s4] =	ssyncset.s32 $0xFFFFF086  }
0x25: {  	[simem:s6], [sflag:s4] =	dma.local [hbm:s3], $0xF7A  }
0x26: {  	[smem:$0x3F9E] =	sst s1;
	(tag) =	ssettag s2;
	_ =	strace s9  }
0x27: {  	s1 =	sld [smem:$0x3FAE]  }
0x28: {  	s2 =	sld [smem:$0x3FAF]  }
0x29: {  	s4 =	sld [smem:$0x3FB1]  }
0x2a: {  	p0 =	seq.s32 s5, $0x0;
	s5 =	sld [smem:$0x3FB2]  }
0x2b: {  	s6 =	sld [smem:$0x3FB3]  }
0x2c: {  	s7 =	sld [smem:$0x3FB4]  }
0x2d: {  	s3 =	simm.s32 $0x108;
	s8 =	sld [smem:$0x3FB5]  }
0x2e: {  	s3 =	simm.s32 @!p0 $0x1082;
	s9 =	sld [smem:$0x3FB6]  }
0x2f: {  	lr =	sadd.s32 s0, s3;
	s0 =	sld [smem:$0x3FAD]  }
0x30: {  	s3 =	sld [smem:$0x3FB0]  }
0x31: {  	[smem:$0x3FB9] =	sst s10  }
0x32: {  	s10 =	sld [smem:$0x3FB7];
	_ =	sdelay $0x3  }
0x33: {  	p0 =	seq.s32 s10, $0x1;
	s10 =	sld [smem:$0x3FB9];
	_ =	sdelay $0x3  }
0x34: {  	[smem:$0x3FB9] =	sst s10  }
0x35: {  	s10 =	sld [smem:$0x3FB8];
	_ =	sdelay $0x3  }
0x36: {  	p1 =	seq.s32 s10, $0x1;
	s10 =	sld [smem:$0x3FB9];
	_ =	sdelay $0x3  }
0x37: {  	[smem:$0x3FB9] =	sst s10  }
0x38: {  	s10 =	sld [smem:$0x3FBA]  }
0x39: {  	_ = 	snop;
	(pc) =	sbr.ind lr, $3  }
0x3a: {  	_ = 	snop  }
0x3b: {  	_ = 	snop  }
0x3c: {  	p2 =	seq.s32 s10, $0x1;
	s10 =	sld [smem:$0x3FB9]  }
0x3d: {  	_ =	shalt  }
0x3e: {  	_ =	shalt  }
0x3f: {  	_ =	shalt  }
0x40: {  	_ =	shalt  }
0x41: {  	_ =	shalt  }
0x42: {  	_ =	shalt  }
0x43: {  	_ =	shalt  }
0x44: {  	_ =	shalt  }
0x45: {  	_ =	shalt  }
0x46: {  	_ =	shalt  }
0x47: {  	_ =	shalt  }
0x48: {  	_ =	shalt  }
0x49: {  	_ =	shalt  }
0x4a: {  	_ =	shalt  }
0x4b: {  	_ =	shalt  }
0x4c: {  	_ =	shalt  }
0x4d: {  	_ =	shalt  }
0x4e: {  	_ =	shalt  }
0x4f: {  	_ =	shalt  }
0x50: {  	_ =	shalt  }
0x51: {  	_ =	shalt  }
0x52: {  	_ =	shalt  }
0x53: {  	_ =	shalt  }
0x54: {  	_ =	shalt  }
0x55: {  	_ =	shalt  }
0x56: {  	_ =	shalt  }
0x57: {  	_ =	shalt  }
0x58: {  	_ =	shalt  }
0x59: {  	_ =	shalt  }
0x5a: {  	_ =	shalt  }
0x5b: {  	_ =	shalt  }
0x5c: {  	_ =	shalt  }
0x5d: {  	_ =	shalt  }
0x5e: {  	_ =	shalt  }
0x5f: {  	_ =	shalt  }
0x60: {  	_ =	shalt  }
0x61: {  	_ =	shalt  }
0x62: {  	_ =	shalt  }
0x63: {  	_ =	shalt  }
0x64: {  	_ =	shalt  }
0x65: {  	_ =	shalt  }
0x66: {  	_ =	shalt  }
0x67: {  	_ =	shalt  }
0x68: {  	_ =	shalt  }
0x69: {  	_ =	shalt  }
0x6a: {  	_ =	shalt  }
0x6b: {  	_ =	shalt  }
0x6c: {  	_ =	shalt  }
0x6d: {  	_ =	shalt  }
0x6e: {  	_ =	shalt  }
0x6f: {  	_ =	shalt  }
0x70: {  	_ =	shalt  }
0x71: {  	_ =	shalt  }
0x72: {  	_ =	shalt  }
0x73: {  	_ =	shalt  }
0x74: {  	_ =	shalt  }
0x75: {  	_ =	shalt  }
0x76: {  	_ =	shalt  }
0x77: {  	_ =	shalt  }
0x78: {  	_ =	shalt  }
0x79: {  	_ =	shalt  }
0x7a: {  	_ =	shalt  }
0x7b: {  	_ =	shalt  }
0x7c: {  	_ =	shalt  }
0x7d: {  	_ =	shalt  }
0x7e: {  	_ =	shalt  }
0x7f: {  	_ =	shalt  }
0x80: {  	_ =	shalt  }
0x81: {  	_ =	shalt  }
0x82: {  	_ =	shalt  }
0x83: {  	_ =	shalt  }
0x84: {  	_ =	shalt  }
0x85: {  	_ =	shalt  }
0x86: {  	_ =	shalt  }
0x87: {  	_ =	shalt  }
.Lfunc_end0:
.L_simem_size_0:
called_computation.1_lowered:
.L_overlay_start_0:
0x88: {  	s2 =	sld [smem:$0x3FD9]  }
0x89: {  	s3 =	sld [smem:$0x3FFE];
	_ =	sdelay $0x1  }
0x8a: {  	s1 =	srdreg.scid  }
0x8b: {  	s0 =	sand.u32 $0x1, s1  }
0x8c: {  	s17 =	sshll.u32 s0, $0xA;
	s2 =	sadd.s32 s3, s2  }
0x8d: {  	s2 =	sadd.s32 s2, s17  }
0x8e: {  	[smem:$0x3FC5] =	sst s2  }
0x8f: {  	_ = 	snop  }
0x90: {  	s2 =	sld [smem:$0x3FD0];
	(tm) =	ssettm $0x1  }
0x91: {  	s18 =	sld [smem:$0x3FFB];
	_ =	sdelay $0x3  }
0x92: {  	_ =	strace s18  }
0x93: {  	s3 =	sld [smem:$0x3FFC];
	_ =	sdelay $0x3  }
0x94: {  	_ =	strace s3  }
0x95: {  	s3 =	sld [smem:$0x3FFD];
	_ =	sdelay $0x3  }
0x96: {  	_ =	strace s3  }
0x97: {  	_ =	strace $0x8FFFFFFF  }
0x98: {  	s19 =	sld [smem:$0x3FDB];
	_ =	sdelay $0x1  }
0x99: {  	s4 =	simm.s32 $_scs_section_size  }
0x9a: {  	s5 =	simm.s32 $_size__tile_overlayer_lowered;
	s6 =	simm.s32 $_tile_overlayer_lowered  }
0x9b: {  	s22 =	simm.s32 $0x1BFF;
	s21 =	sshll.u32 s6, $0x1;
	s3 =	sadd.s32 s4, s19  }
0x9c: {  	s7 =	simm.s32 $0x0;
	s20 =	sshll.u32 s5, $0x1;
	s5 =	sadd.s32 s21, s3  }
0x9d: {  	[timem:s7], [sflag:s22] =	dma.local [hbm:s5], s20  }
0x9e: {  	_ =	swait.ge [sflag:s22], s20  }
0x9f: {  	s4 =	ssub.s32 $0x0, s20;
	[sflag:s22] =	ssyncset.done $0x0  }
0xa0: {  	[sflag:s22] =	ssyncadd.s32 s4;
	_ =	sdelay $0x1  }
0xa1: {  	s23 =	simm.s32 $0x1B8B  }
0xa2: {  	_ =	swait.ge [sflag:s23], $0x1  }
0xa3: {  	[sflag:s23] =	ssyncset.done $0x0  }
0xa4: {  	s25 =	simm.s32 $0x1B8E;
	s24 =	sld [smem:$0x3FFE];
	[sflag:s23] =	ssyncadd.s32 $0xFFFFFFFF  }
0xa5: {  	s26 =	simm.s32 $execute0_lowered;
	[smem:$0x3FD2] =	sst s25  }
0xa6: {  	s5 =	sshll.u32 s26, $0x1;
	_ =	strace $0x80000049;
	[dreg:$0x1] =	wrdreg $0xFFFFFFFF  }
0xa7: {  	s28 =	simm.s32 $_size_execute0_lowered;
	s3 =	sadd.s32 s3, s5;
	[dreg:$0x0] =	wrdreg $0x0  }
0xa8: {  	s5 =	sshll.u32 s28, $0x1;
	[dreg:$0x2] =	wrdreg s3  }
0xa9: {  	[dreg:$0x3] =	wrdreg s5  }
0xaa: {  	[dreg:$0x4] =	wrdreg $0xC0  }
0xab: {  	_ =	task [dreg:s7], $0x5FFFF  }
0xac: {  	[dreg:$0x1] =	wrdreg $0xFFFFFFFF  }
0xad: {  	[dreg:$0x0] =	wrdreg $0x60  }
0xae: {  	[dreg:$0x2] =	wrdreg s24  }
0xaf: {  	[dreg:$0x3] =	wrdreg s2  }
0xb0: {  	[dreg:$0x4] =	wrdreg $0x9  }
0xb1: {  	_ =	task.clear_ibuf [dreg:s7], $0x5FFFF;
	_ =	strace $0x90000049  }
0xb2: {  	s29 =	simm.s32 $0x9;
	_ =	strace $0x8000004B  }
0xb3: {  	_ =	swait.ge [sflag:s29], $0x1  }
0xb4: {  	[sflag:s29] =	ssyncadd.s32 $0xFFFFFFFF  }
0xb5: {  	_ =	strace $0x9000004B  }
0xb6: {  	_ =	sfence  }
0xb7: {  	s30 =	sld [smem:$0x0];
	_ =	sdelay $0x2  }
0xb8: {  	s31 =	sshll.u32 s1, $0xD;
	s1 =	sshrl.u32 s1, $0x2  }
0xb9: {  	s3 =	sand.u32 $0x4000, s31;
	s1 =	sadd.s32 s1, s30  }
0xba: {  	s0 =	sor.u32 s3, s0;
	s1 =	sshll.u32 s1, $0x11  }
0xbb: {  	s0 =	sor.u32 s1, s0  }
0xbc: {  	s0 =	sadd.s32 $0x8F2B, s0  }
0xbd: {  	[sflag:s0] =	ssyncadd.remote.s32 $0x1  }
0xbe: {  	_ =	sfence.sel $0xFFFF  }
0xbf: {  	[dreg:$0x0] =	wrdreg $0xFFFFFFFF;
	(pc) =	sbr.abs _section_cstart, $3  }
0xc0: {  	[dreg:$0x1] =	wrdreg $0xFFFFFFFF  }
0xc1: {  	_ =	task.clear_ibuf [dreg:s7], $0x2FFFF;
	_ =	strace $0x9FFFFFFF  }
0xc2: {  	(tm) =	ssettm $0x7FFFFFFF  }
0xc3: {  	_ =	shalt  }
tec
execute0_lowered:
.L_overlay_start_1:
0x0: {  	(tag) =	ssettag $0x1  }
0x1: {  	s0 =	rddreg [dreg:$0x0]  }
0x2: {  	s2 =	rddreg [dreg:$0x1];
	s1 =	srdreg.scid  }
0x3: {  	s4 =	stileid.u32;
	s3 =	simm.s32 $0x0;
	s16 =	simm.s32 $0x800  }
0x4: {  	s18 =	simm.s32 $0x1;
	s19 =	simm.s32 $0x2;
	s20 =	simm.s32 $0x3  }
0x5: {  	s21 =	simm.s32 $0x10000;
	s23 =	simm.s32 $0x14000;
	s24 =	simm.s32 $0x19800  }
0x6: {  	s25 =	simm.s32 $0x0;
	s1 =	sand.u32 $0x1, s1;
	s4 =	sshll.u32 s4, $0x12  }
0x7: {  	[smem:$0x7FF] =	sst s3;
	s7 =	sadd.s32 $0x400C00, s0;
	s5 =	sshll.u32 s1, $0x11  }
0x8: {  	_ =	strace $0x8000004A;
	s1 =	ssub.s32 $0x2, s1;
	s4 =	sor.u32 s5, s4  }
0x9: {  	s5 =	sadd.s32 $0xC00, s0;
	s30 =	sshrl.u32 s1, $0x1;
	s6 =	sshrl.u32 s4, $0xE  }
0xa: {  	s31 =	sshrl.u32 s4, $0x3;
	s8 =	smul.u32 $0x1800, s6;
	s6 =	sadd.s32 $0x580C00, s0  }
0xb: {  	s0 =	ssub.s32 s1, s30;
	s1 =	sadd.s32 s31, s2;
	s9 =	sadd.s32 s6, s31  }
0xc: {  	v0 =	vlaneseq.u32;
	s12 =	sadd.s32 $0x3E00, s1;
	s13 =	sadd.s32 $0x3F00, s1;
	s8 =	sadd.s32 s7, s8  }
0xd: {  	v0 =	vmul.u32 $0x8, v0;
	s14 =	smax.u32 s0, $0x1;
	s10 =	sadd.s32 $0x800, s8;
	s11 =	sadd.s32 $0x1000, s8  }
.LBB2_1:
0xe: {  	s0 =	simm.s32 $0x6000  }
0xf: {  	[tilespmem:s0], [sflag:$0x1] =	stream.linear.gather [hbm4b:s9+s3], $0x800, $0x38;
	[tilespmem:$0x1A000] =	vst v63  }
0x10: {  	_ = 	snop  }
0x11: {  	[tilespmem:s3], [sflag:$0x1] =	stream.linear.gather [hbm4b:s8+s3], $0x800, $0x38;
	[tilespmem:$0x1A000] =	vst v63  }
.Ltmp0:
0x12: {  	_ = 	snop;
	(pc) =	sbr.rel .LBB2_2-.Ltmp0, $4  }
0x13: {  	_ = 	snop  }
0x14: {  	[tilespmem:s16], [sflag:$0x1] =	stream.linear.gather [hbm4b:s10+s3], $0x800, $0x38;
	[tilespmem:$0x1A000] =	vst v63  }
0x15: {  	s31 =	simm.s32 $0x1000;
	s26 =	simm.s32 $0x2;
	s0 =	simm.s32 $0x0  }
0x16: {  	[tilespmem:s31], [sflag:$0x1] =	stream.linear.gather [hbm4b:s11+s3], $0x800, $0x38;
	[tilespmem:$0x1A000] =	vst v63  }
.LBB2_6:
0x17: {  	p0 =	sne.s32 s28, $0x40  }
.Ltmp1:
0x18: {  	_ = 	snop;
	(pc) =	sbr.rel @!p0 .LBB2_7-.Ltmp1, $2  }
0x19: {  	_ =	sdelay $0x2  }
0x1a: {  	s26 =	sadd.s32 $0x1, s26;
	s0 =	smov.u32 s28  }
.LBB2_2:
0x1b: {  	_ =	swait.ge [sflag:s18], $0x800  }
0x1c: {  	[sflag:s18] =	ssyncset.done $0x0  }
0x1d: {  	[sflag:s18] =	ssyncadd.s32 $0xFFFFF800  }
0x1e: {  	_ =	swait.ge [sflag:s18], $0x800  }
0x1f: {  	[sflag:s18] =	ssyncset.done $0x0  }
0x20: {  	[sflag:s18] =	ssyncadd.s32 $0xFFFFF800  }
0x21: {  	_ =	swait.ge [sflag:s18], $0x800  }
0x22: {  	[sflag:s18] =	ssyncset.done $0x0  }
0x23: {  	s1 =	sand.u32 $0x3, s0;
	[sflag:s18] =	ssyncadd.s32 $0xFFFFF800  }
0x24: {  	s28 =	sadd.s32 $0x1, s0;
	p0 =	seq.s32 s0, $0x3F;
	_ =	swait.ge [sflag:s18], $0x800  }
0x25: {  	s15 =	sshll.u32 s1, $0xB;
	s1 =	sshll.u32 s1, $0xE;
	[sflag:s18] =	ssyncset.done $0x0  }
0x26: {  	s15 =	sor.u32 $0x6000, s15;
	s1 =	sadd.s32 $0x8000, s1;
	[sflag:s18] =	ssyncadd.s32 $0xFFFFF800  }
0x27: {  	[tilespmem:s1], [sflag:$0x2] =	stream.indirect.gather [hbm4b:s5+s16], $0x8, s15, s16, $0xb8;
	[tilespmem:$0x1A000] =	vst v63  }
0x28: {  	s17 =	sand.u32 @!p0 $0x3, s28;
	s1 =	sshll.u32 @!p0 s28, $0xB  }
0x29: {  	s31 =	simm.s32 @!p0 $0x0;
	s30 =	sshll.u32 @!p0 s17, $0xB;
	s15 =	sadd.s32 @!p0 s4, s1  }
0x2a: {  	s30 =	sor.u32 @!p0 $0x6000, s30;
	s29 =	sshrl.u32 @!p0 s15, $0xE;
	s15 =	sshrl.u32 @!p0 s15, $0x3  }
0x2b: {  	s1 =	sand.u32 @!p0 $0x3800, s1;
	s15 =	sadd.s32 @!p0 s6, s15;
	s29 =	smul.u32 @!p0 $0xC000, s29  }
0x2c: {  	[tilespmem:s30], [sflag:$0x1] =	stream.linear.gather @!p0 [hbm4b:s15+s31], $0x800, $0x38;
	[tilespmem:$0x1A000] =	vst v63  }
0x2d: {  	s15 =	smul.u32 @!p0 $0x6000, s17;
	s1 =	sor.u32 @!p0 s1, s29  }
0x2e: {  	s17 =	sshrl.u32 @!p0 s1, $0x3  }
0x2f: {  	s15 =	sshrl.u32 @!p0 s15, $0x2;
	s17 =	sadd.s32 @!p0 s7, s17  }
0x30: {  	[tilespmem:s15], [sflag:$0x1] =	stream.linear.gather @!p0 [hbm4b:s17+s31], $0x800, $0x38;
	[tilespmem:$0x1A000] =	vst v63  }
0x31: {  	s17 =	sadd.s32 @!p0 $0x4000, s1  }
0x32: {  	s1 =	sadd.s32 @!p0 $0x8000, s1;
	s17 =	sshrl.u32 @!p0 s17, $0x3  }
0x33: {  	s29 =	sadd.s32 @!p0 $0x800, s15;
	s1 =	sshrl.u32 @!p0 s1, $0x3;
	s17 =	sadd.s32 @!p0 s7, s17  }
0x34: {  	[tilespmem:s29], [sflag:$0x1] =	stream.linear.gather @!p0 [hbm4b:s17+s31], $0x800, $0x38;
	[tilespmem:$0x1A000] =	vst v63  }
0x35: {  	p1 =	slt.u32 @!p0 s0, $0x2;
	s15 =	sadd.s32 @!p0 $0x1000, s15;
	s1 =	sadd.s32 @!p0 s7, s1  }
0x36: {  	[tilespmem:s15], [sflag:$0x1] =	stream.linear.gather @!p0 [hbm4b:s1+s31], $0x800, $0x38;
	[tilespmem:$0x1A000] =	vst v63  }
0x37: {  	p0 =	por p0, !p1  }
.Ltmp2:
0x38: {  	_ = 	snop;
	(pc) =	sbr.rel @!p0 .LBB2_6-.Ltmp2, $1  }
0x39: {  	_ =	sdelay $0x3  }
0x3a: {  	s1 =	sand.u32 $0x3, s26  }
0x3b: {  	_ =	swait.ge [sflag:s19], $0x4000;
	p0 =	slt.u32 s0, $0x6;
	s30 =	sadd.s32 $0xFFFFFFFE, s0  }
0x3c: {  	s15 =	smul.u32 $0x6000, s1;
	[sflag:s19] =	ssyncset.done $0x0;
	s0 =	simm.s32 @!p0 $0x3  }
0x3d: {  	s1 =	sshll.u32 s1, $0xB;
	s22 =	sand.u32 $0x3, s30;
	[sflag:s19] =	ssyncadd.s32 $0xFFFFC000  }
0x3e: {  	s31 =	sor.u32 $0x18020, s1;
	s17 =	sshll.u32 s22, $0xE;
	s22 =	sshll.u32 s22, $0xB  }
0x3f: {  	s15 =	sshrl.u32 s15, $0x2;
	_ =	swait.ge @!p0 [sflag:s0], $0x800;
	s1 =	sadd.s32 $0x8000, s17  }
0x40: {  	s17 =	simm.s32 $0x0;
	s29 =	sadd.s32 $0x820, s15;
	[sflag:s0] =	ssyncset.done @!p0 $0x0  }
0x41: {  	s15 =	simm.s32 $0xFFFFFFFC;
	[sflag:s0] =	ssyncadd.s32 @!p0 $0xFFFFF800;
	s0 =	sor.u32 $0x18000, s22  }
.LBB2_4:
0x42: {  	v1 =	vmov s17  }
0x43: {  	v1 =	vshll.u32 v1, $0x3  }
0x44: {  	v1 =	vor.u32 v0, v1  }
0x45: {  	v2 =	vor.u32 $0x1, v1  }
0x46: {  	v3 =	vor.u32 $0x2, v1  }
0x47: {  	v4 =	vld [tilespmem:s29+$0xFFFFF7E0];
	v5 =	vor.u32 $0x3, v1  }
0x48: {  	v6 =	vld [tilespmem:s29+$0xFFFFFFE0];
	v7 =	vor.u32 $0x4, v1  }
0x49: {  	v9 =	vor.u32 $0x5, v1;
	v8 =	vld.idx.msk [tilespmem:v1+s1+$0x0], $0xffff  }
0x4a: {  	v10 =	vor.u32 $0x6, v1;
	v2 =	vld.idx.msk [tilespmem:v2+s1+$0x0], $0xffff  }
0x4b: {  	v1 =	vor.u32 $0x7, v1;
	v3 =	vld.idx.msk [tilespmem:v3+s1+$0x0], $0xffff  }
0x4c: {  	v5 =	vld.idx.msk [tilespmem:v5+s1+$0x0], $0xffff  }
0x4d: {  	v7 =	vld.idx.msk [tilespmem:v7+s1+$0x0], $0xffff  }
0x4e: {  	v9 =	vld.idx.msk [tilespmem:v9+s1+$0x0], $0xffff  }
0x4f: {  	v10 =	vld.idx.msk [tilespmem:v10+s1+$0x0], $0xffff  }
0x50: {  	v11 =	vsub.f32 $1.000000000e+00, v4;
	v1 =	vld.idx.msk [tilespmem:v1+s1+$0x0], $0xffff;
	_ =	sdelay $0x1  }
0x51: {  	v8 =	vmul.f32 v8, v11;
	v2 =	vmul.f32 v2, v4  }
0x52: {  	v3 =	vmul.f32 v3, v11;
	v5 =	vmul.f32 v5, v4  }
0x53: {  	v7 =	vmul.f32 v7, v11;
	v9 =	vmul.f32 v9, v4  }
0x54: {  	v12 =	vld [tilespmem:s29+$0x7E0];
	v13 =	vsub.f32 $1.000000000e+00, v6;
	v10 =	vmul.f32 v10, v11;
	v1 =	vmul.f32 v1, v4  }
0x55: {  	v2 =	vadd.f32 v2, v8;
	v3 =	vadd.f32 v5, v3  }
0x56: {  	v26 =	vadd.f32 v9, v7;
	v1 =	vadd.f32 v1, v10  }
0x57: {  	v2 =	vmul.f32 v2, v13;
	v3 =	vmul.f32 v3, v6  }
0x58: {  	v4 =	vmul.f32 v26, v13;
	v1 =	vmul.f32 v1, v6  }
0x59: {  	v27 =	vsub.f32 $1.000000000e+00, v12  }
0x5a: {  	v2 =	vadd.f32 v3, v2;
	v1 =	vadd.f32 v1, v4  }
0x5b: {  	s22 =	sadd.s32 $0x10, s17  }
0x5c: {  	v3 =	vmov s22;
	v2 =	vmul.f32 v2, v27;
	v1 =	vmul.f32 v1, v12  }
0x5d: {  	v3 =	vshll.u32 v3, $0x3  }
0x5e: {  	v1 =	vadd.f32 v1, v2;
	v2 =	vor.u32 v0, v3  }
0x5f: {  	v3 =	vor.u32 $0x1, v2  }
0x60: {  	v29 =	vor.u32 $0x3, v2;
	[tilespmem:s31+$0xFFFFFFE0] =	vst v1  }
0x61: {  	v31 =	vor.u32 $0x4, v2;
	v28 =	vld [tilespmem:s29+$0xFFFFF7F0]  }
0x62: {  	v33 =	vor.u32 $0x5, v2;
	v30 =	vld [tilespmem:s29+$0xFFFFFFF0]  }
0x63: {  	v34 =	vor.u32 $0x6, v2;
	v32 =	vld.idx.msk [tilespmem:v2+s1+$0x0], $0xffff  }
0x64: {  	v1 =	vor.u32 $0x2, v2;
	v3 =	vld.idx.msk [tilespmem:v3+s1+$0x0], $0xffff  }
0x65: {  	v2 =	vor.u32 $0x7, v2;
	v5 =	vld.idx.msk [tilespmem:v29+s1+$0x0], $0xffff  }
0x66: {  	v7 =	vld.idx.msk [tilespmem:v31+s1+$0x0], $0xffff  }
0x67: {  	v9 =	vld.idx.msk [tilespmem:v33+s1+$0x0], $0xffff  }
0x68: {  	v10 =	vld.idx.msk [tilespmem:v34+s1+$0x0], $0xffff  }
0x69: {  	v1 =	vld.idx.msk [tilespmem:v1+s1+$0x0], $0xffff  }
0x6a: {  	v35 =	vsub.f32 $1.000000000e+00, v28;
	v2 =	vld.idx.msk [tilespmem:v2+s1+$0x0], $0xffff;
	_ =	sdelay $0x1  }
0x6b: {  	v8 =	vmul.f32 v32, v35;
	v3 =	vmul.f32 v3, v28  }
0x6c: {  	v5 =	vmul.f32 v5, v28;
	v7 =	vmul.f32 v7, v35  }
0x6d: {  	v9 =	vmul.f32 v9, v28;
	v10 =	vmul.f32 v10, v35  }
0x6e: {  	v36 =	vld [tilespmem:s29+$0x7F0];
	v37 =	vsub.f32 $1.000000000e+00, v30;
	v1 =	vmul.f32 v1, v35;
	v2 =	vmul.f32 v2, v28  }
0x6f: {  	v3 =	vadd.f32 v3, v8;
	v38 =	vadd.f32 v9, v7  }
0x70: {  	v1 =	vadd.f32 v5, v1;
	v2 =	vadd.f32 v2, v10  }
0x71: {  	v3 =	vmul.f32 v3, v37;
	v4 =	vmul.f32 v38, v37  }
0x72: {  	v1 =	vmul.f32 v1, v30;
	v2 =	vmul.f32 v2, v30  }
0x73: {  	v39 =	vsub.f32 $1.000000000e+00, v36  }
0x74: {  	v1 =	vadd.f32 v1, v3;
	v2 =	vadd.f32 v2, v4  }
0x75: {  	s22 =	sadd.s32 $0x20, s17  }
0x76: {  	v3 =	vmov s22;
	v1 =	vmul.f32 v1, v39;
	v2 =	vmul.f32 v2, v36  }
0x77: {  	v3 =	vshll.u32 v3, $0x3  }
0x78: {  	v1 =	vadd.f32 v2, v1;
	v2 =	vor.u32 v0, v3  }
0x79: {  	v3 =	vor.u32 $0x1, v2  }
0x7a: {  	v41 =	vor.u32 $0x3, v2;
	[tilespmem:s31+$0xFFFFFFF0] =	vst v1  }
0x7b: {  	v43 =	vor.u32 $0x4, v2;
	v40 =	vld [tilespmem:s29+$0xFFFFF800]  }
0x7c: {  	v45 =	vor.u32 $0x5, v2;
	v42 =	vld [tilespmem:s29+$0x0]  }
0x7d: {  	v46 =	vor.u32 $0x6, v2;
	v44 =	vld.idx.msk [tilespmem:v2+s1+$0x0], $0xffff  }
0x7e: {  	v1 =	vor.u32 $0x2, v2;
	v3 =	vld.idx.msk [tilespmem:v3+s1+$0x0], $0xffff  }
0x7f: {  	v2 =	vor.u32 $0x7, v2;
	v5 =	vld.idx.msk [tilespmem:v41+s1+$0x0], $0xffff  }
0x80: {  	v7 =	vld.idx.msk [tilespmem:v43+s1+$0x0], $0xffff  }
0x81: {  	v9 =	vld.idx.msk [tilespmem:v45+s1+$0x0], $0xffff  }
0x82: {  	v10 =	vld.idx.msk [tilespmem:v46+s1+$0x0], $0xffff  }
0x83: {  	v1 =	vld.idx.msk [tilespmem:v1+s1+$0x0], $0xffff  }
0x84: {  	v47 =	vsub.f32 $1.000000000e+00, v40;
	v2 =	vld.idx.msk [tilespmem:v2+s1+$0x0], $0xffff;
	_ =	sdelay $0x1  }
0x85: {  	v8 =	vmul.f32 v44, v47;
	v3 =	vmul.f32 v3, v40  }
0x86: {  	v5 =	vmul.f32 v5, v40;
	v7 =	vmul.f32 v7, v47  }
0x87: {  	v9 =	vmul.f32 v9, v40;
	v10 =	vmul.f32 v10, v47  }
0x88: {  	v48 =	vld [tilespmem:s29+$0x800];
	v49 =	vsub.f32 $1.000000000e+00, v42;
	v1 =	vmul.f32 v1, v47;
	v2 =	vmul.f32 v2, v40  }
0x89: {  	v3 =	vadd.f32 v3, v8;
	v50 =	vadd.f32 v9, v7  }
0x8a: {  	v1 =	vadd.f32 v5, v1;
	v2 =	vadd.f32 v2, v10  }
0x8b: {  	v3 =	vmul.f32 v3, v49;
	v4 =	vmul.f32 v50, v49  }
0x8c: {  	v1 =	vmul.f32 v1, v42;
	v2 =	vmul.f32 v2, v42  }
0x8d: {  	v51 =	vsub.f32 $1.000000000e+00, v48  }
0x8e: {  	v1 =	vadd.f32 v1, v3;
	v2 =	vadd.f32 v2, v4  }
0x8f: {  	s22 =	sadd.s32 $0x30, s17  }
0x90: {  	v3 =	vmov s22;
	v1 =	vmul.f32 v1, v51;
	v2 =	vmul.f32 v2, v48  }
0x91: {  	v3 =	vshll.u32 v3, $0x3  }
0x92: {  	v1 =	vadd.f32 v2, v1;
	v2 =	vor.u32 v0, v3  }
0x93: {  	v3 =	vor.u32 $0x1, v2  }
0x94: {  	v53 =	vor.u32 $0x3, v2;
	[tilespmem:s31+$0x0] =	vst v1  }
0x95: {  	v55 =	vor.u32 $0x4, v2;
	v52 =	vld [tilespmem:s29+$0xFFFFF810]  }
0x96: {  	v57 =	vor.u32 $0x5, v2;
	v54 =	vld [tilespmem:s29+$0x10]  }
0x97: {  	v58 =	vor.u32 $0x6, v2;
	v56 =	vld.idx.msk [tilespmem:v2+s1+$0x0], $0xffff  }
0x98: {  	v1 =	vor.u32 $0x2, v2;
	v3 =	vld.idx.msk [tilespmem:v3+s1+$0x0], $0xffff  }
0x99: {  	v2 =	vor.u32 $0x7, v2;
	v5 =	vld.idx.msk [tilespmem:v53+s1+$0x0], $0xffff  }
0x9a: {  	v7 =	vld.idx.msk [tilespmem:v55+s1+$0x0], $0xffff  }
0x9b: {  	v9 =	vld.idx.msk [tilespmem:v57+s1+$0x0], $0xffff  }
0x9c: {  	v10 =	vld.idx.msk [tilespmem:v58+s1+$0x0], $0xffff  }
0x9d: {  	v1 =	vld.idx.msk [tilespmem:v1+s1+$0x0], $0xffff  }
0x9e: {  	v59 =	vsub.f32 $1.000000000e+00, v52;
	v2 =	vld.idx.msk [tilespmem:v2+s1+$0x0], $0xffff;
	_ =	sdelay $0x1  }
0x9f: {  	v8 =	vmul.f32 v56, v59;
	v3 =	vmul.f32 v3, v52  }
0xa0: {  	v5 =	vmul.f32 v5, v52;
	v7 =	vmul.f32 v7, v59  }
0xa1: {  	v9 =	vmul.f32 v9, v52;
	v10 =	vmul.f32 v10, v59  }
0xa2: {  	v60 =	vld [tilespmem:s29+$0x810];
	v61 =	vsub.f32 $1.000000000e+00, v54;
	v1 =	vmul.f32 v1, v59;
	v2 =	vmul.f32 v2, v52  }
0xa3: {  	v3 =	vadd.f32 v3, v8;
	v62 =	vadd.f32 v9, v7  }
0xa4: {  	v1 =	vadd.f32 v5, v1;
	v2 =	vadd.f32 v2, v10  }
0xa5: {  	v3 =	vmul.f32 v3, v61;
	v4 =	vmul.f32 v62, v61  }
0xa6: {  	v1 =	vmul.f32 v1, v54;
	v2 =	vmul.f32 v2, v54  }
0xa7: {  	v63 =	vsub.f32 $1.000000000e+00, v60  }
0xa8: {  	s15 =	sadd.s32 $0x4, s15;
	v1 =	vadd.f32 v1, v3;
	v2 =	vadd.f32 v2, v4  }
0xa9: {  	p0 =	slt.u32 s15, $0x7C  }
.Ltmp3:
0xaa: {  	v1 =	vmul.f32 v1, v63;
	v2 =	vmul.f32 v2, v60;
	(pc) =	sbr.rel @p0 .LBB2_4-.Ltmp3, $3  }
0xab: {  	_ = 	snop  }
0xac: {  	v1 =	vadd.f32 v2, v1;
	_ =	sdelay $0x1  }
0xad: {  	s17 =	sadd.s32 $0x40, s17;
	s29 =	sadd.s32 $0x40, s29;
	[tilespmem:s31+$0x10] =	vst v1;
	s31 =	sadd.s32 $0x40, s31  }
.Ltmp4:
0xae: {  	s1 =	sshll.u32 s30, $0xB;
	(pc) =	sbr.rel .LBB2_6-.Ltmp4, $4  }
0xaf: {  	s1 =	sadd.s32 s4, s1  }
0xb0: {  	s1 =	sshrl.u32 s1, $0x3  }
0xb1: {  	s1 =	sadd.s32 s2, s1  }
0xb2: {  	[hbm4b:s1+s3] =	stream.linear.scatter [tilespmem:s0], [sflag:$0x3], $0x800, $0x38;
	[tilespmem:$0x1A000] =	vst v63  }
.LBB2_7:
0xb3: {  	s0 =	simm.s32 $0x0;
	_ =	swait.ge [sflag:s19], $0x4000  }
0xb4: {  	v1 =	vmov s0;
	[sflag:s19] =	ssyncset.done $0x0  }
0xb5: {  	v1 =	vshll.u32 v1, $0x3;
	[sflag:s19] =	ssyncadd.s32 $0xFFFFC000  }
0xb6: {  	v1 =	vor.u32 v0, v1;
	_ =	swait.ge [sflag:s20], $0x800  }
0xb7: {  	v2 =	vor.u32 $0x2, v1;
	[sflag:s20] =	ssyncset.done $0x0  }
0xb8: {  	s26 =	simm.s32 $0x0;
	v3 =	vor.u32 $0x7, v1;
	[sflag:s20] =	ssyncadd.s32 $0xFFFFF800  }
0xb9: {  	v4 =	vor.u32 $0x5, v1;
	v9 =	vld [tilespmem:s26+$0x3000]  }
0xba: {  	v5 =	vor.u32 $0x6, v1;
	v11 =	vld [tilespmem:s26+$0x3800]  }
0xbb: {  	v7 =	vor.u32 $0x1, v1;
	v6 =	vld.idx.msk [tilespmem:v1+s21+$0x0], $0xffff  }
0xbc: {  	v8 =	vor.u32 $0x3, v1;
	v2 =	vld.idx.msk [tilespmem:v2+s21+$0x0], $0xffff  }
0xbd: {  	v1 =	vor.u32 $0x4, v1;
	v3 =	vld.idx.msk [tilespmem:v3+s21+$0x0], $0xffff  }
0xbe: {  	v4 =	vld.idx.msk [tilespmem:v4+s21+$0x0], $0xffff  }
0xbf: {  	v5 =	vld.idx.msk [tilespmem:v5+s21+$0x0], $0xffff  }
0xc0: {  	v7 =	vld.idx.msk [tilespmem:v7+s21+$0x0], $0xffff  }
0xc1: {  	v8 =	vld.idx.msk [tilespmem:v8+s21+$0x0], $0xffff  }
0xc2: {  	v10 =	vsub.f32 $1.000000000e+00, v9;
	v1 =	vld.idx.msk [tilespmem:v1+s21+$0x0], $0xffff;
	_ =	sdelay $0x1  }
0xc3: {  	v6 =	vmul.f32 v6, v10;
	v3 =	vmul.f32 v3, v9  }
0xc4: {  	v2 =	vmul.f32 v2, v10;
	v7 =	vmul.f32 v7, v9  }
0xc5: {  	v5 =	vmul.f32 v5, v10;
	v8 =	vmul.f32 v8, v9  }
0xc6: {  	v44 =	vsub.f32 $1.000000000e+00, v11;
	v4 =	vmul.f32 v4, v9;
	v1 =	vmul.f32 v1, v10  }
0xc7: {  	v43 =	vld [tilespmem:s26+$0x4000];
	v6 =	vadd.f32 v7, v6;
	v2 =	vadd.f32 v8, v2  }
0xc8: {  	v3 =	vadd.f32 v3, v5;
	v1 =	vadd.f32 v4, v1  }
0xc9: {  	v2 =	vmul.f32 v2, v11;
	v4 =	vmul.f32 v6, v44  }
0xca: {  	v3 =	vmul.f32 v3, v11;
	v1 =	vmul.f32 v1, v44  }
0xcb: {  	s22 =	simm.s32 $0x10;
	v2 =	vadd.f32 v2, v4  }
0xcc: {  	v4 =	vsub.f32 $1.000000000e+00, v43;
	v1 =	vadd.f32 v3, v1;
	v3 =	vmov s22  }
0xcd: {  	v3 =	vshll.u32 v3, $0x3  }
0xce: {  	v2 =	vmul.f32 v2, v4;
	v1 =	vmul.f32 v1, v43;
	v3 =	vor.u32 v0, v3  }
0xcf: {  	v4 =	vor.u32 $0x1, v3  }
0xd0: {  	v45 =	vor.u32 $0x3, v3;
	v1 =	vadd.f32 v1, v2  }
0xd1: {  	v5 =	vld [tilespmem:s26+$0x3810];
	v46 =	vor.u32 $0x7, v3  }
0xd2: {  	v48 =	vor.u32 $0x5, v3;
	[tilespmem:s26+$0x19000] =	vst v1;
	v1 =	vld [tilespmem:s26+$0x3010]  }
0xd3: {  	v49 =	vor.u32 $0x6, v3;
	v47 =	vld.idx.msk [tilespmem:v3+s21+$0x0], $0xffff  }
0xd4: {  	v2 =	vor.u32 $0x2, v3;
	v4 =	vld.idx.msk [tilespmem:v4+s21+$0x0], $0xffff  }
0xd5: {  	v3 =	vor.u32 $0x4, v3;
	v6 =	vld.idx.msk [tilespmem:v45+s21+$0x0], $0xffff  }
0xd6: {  	v7 =	vld.idx.msk [tilespmem:v46+s21+$0x0], $0xffff  }
0xd7: {  	v9 =	vld.idx.msk [tilespmem:v48+s21+$0x0], $0xffff  }
0xd8: {  	v10 =	vld.idx.msk [tilespmem:v49+s21+$0x0], $0xffff  }
0xd9: {  	v2 =	vld.idx.msk [tilespmem:v2+s21+$0x0], $0xffff  }
0xda: {  	v50 =	vsub.f32 $1.000000000e+00, v1;
	v3 =	vld.idx.msk [tilespmem:v3+s21+$0x0], $0xffff;
	_ =	sdelay $0x1  }
0xdb: {  	v8 =	vmul.f32 v47, v50;
	v4 =	vmul.f32 v4, v1  }
0xdc: {  	v6 =	vmul.f32 v6, v1;
	v9 =	vmul.f32 v9, v1  }
0xdd: {  	v1 =	vmul.f32 v7, v1;
	v2 =	vmul.f32 v2, v50  }
0xde: {  	v52 =	vsub.f32 $1.000000000e+00, v5;
	v51 =	vmul.f32 v10, v50;
	v3 =	vmul.f32 v3, v50  }
0xdf: {  	v53 =	vld [tilespmem:s26+$0x4010];
	v4 =	vadd.f32 v4, v8;
	v2 =	vadd.f32 v6, v2  }
0xe0: {  	v1 =	vadd.f32 v1, v51;
	v3 =	vadd.f32 v9, v3  }
0xe1: {  	v4 =	vmul.f32 v4, v52;
	v2 =	vmul.f32 v2, v5  }
0xe2: {  	v1 =	vmul.f32 v1, v5;
	v3 =	vmul.f32 v3, v52  }
0xe3: {  	s31 =	simm.s32 $0x20;
	v2 =	vadd.f32 v2, v4  }
0xe4: {  	v4 =	vsub.f32 $1.000000000e+00, v53;
	v1 =	vadd.f32 v1, v3;
	v3 =	vmov s31  }
0xe5: {  	v3 =	vshll.u32 v3, $0x3  }
0xe6: {  	v2 =	vmul.f32 v2, v4;
	v1 =	vmul.f32 v1, v53;
	v3 =	vor.u32 v0, v3  }
0xe7: {  	v4 =	vor.u32 $0x1, v3  }
0xe8: {  	v54 =	vor.u32 $0x3, v3;
	v1 =	vadd.f32 v1, v2  }
0xe9: {  	v5 =	vld [tilespmem:s26+$0x3820];
	v55 =	vor.u32 $0x5, v3  }
0xea: {  	v57 =	vor.u32 $0x6, v3;
	[tilespmem:s26+$0x19010] =	vst v1;
	v1 =	vld [tilespmem:s26+$0x3020]  }
0xeb: {  	v58 =	vor.u32 $0x2, v3;
	v56 =	vld.idx.msk [tilespmem:v3+s21+$0x0], $0xffff  }
0xec: {  	v2 =	vor.u32 $0x7, v3;
	v4 =	vld.idx.msk [tilespmem:v4+s21+$0x0], $0xffff  }
0xed: {  	v3 =	vor.u32 $0x4, v3;
	v6 =	vld.idx.msk [tilespmem:v54+s21+$0x0], $0xffff  }
0xee: {  	v7 =	vld.idx.msk [tilespmem:v55+s21+$0x0], $0xffff  }
0xef: {  	v9 =	vld.idx.msk [tilespmem:v57+s21+$0x0], $0xffff  }
0xf0: {  	v10 =	vld.idx.msk [tilespmem:v58+s21+$0x0], $0xffff  }
0xf1: {  	v2 =	vld.idx.msk [tilespmem:v2+s21+$0x0], $0xffff  }
0xf2: {  	v59 =	vsub.f32 $1.000000000e+00, v1;
	v3 =	vld.idx.msk [tilespmem:v3+s21+$0x0], $0xffff;
	_ =	sdelay $0x1  }
0xf3: {  	v8 =	vmul.f32 v56, v59;
	v4 =	vmul.f32 v4, v1  }
0xf4: {  	v6 =	vmul.f32 v6, v1;
	v60 =	vmul.f32 v10, v59  }
0xf5: {  	v61 =	vmul.f32 v9, v59;
	v2 =	vmul.f32 v2, v1  }
0xf6: {  	v62 =	vsub.f32 $1.000000000e+00, v5;
	v1 =	vmul.f32 v7, v1;
	v3 =	vmul.f32 v3, v59  }
0xf7: {  	v63 =	vld [tilespmem:s26+$0x4020];
	v4 =	vadd.f32 v4, v8;
	v6 =	vadd.f32 v6, v60  }
0xf8: {  	v2 =	vadd.f32 v2, v61;
	v1 =	vadd.f32 v1, v3  }
0xf9: {  	v3 =	vmul.f32 v4, v62;
	v4 =	vmul.f32 v6, v5  }
0xfa: {  	v2 =	vmul.f32 v2, v5;
	v1 =	vmul.f32 v1, v62  }
0xfb: {  	s28 =	simm.s32 $0x30;
	v3 =	vadd.f32 v4, v3  }
0xfc: {  	v4 =	vsub.f32 $1.000000000e+00, v63;
	v1 =	vadd.f32 v2, v1;
	v2 =	vmov s28  }
0xfd: {  	v5 =	vshll.u32 v2, $0x3  }
0xfe: {  	s29 =	simm.s32 $0x0;
	s30 =	simm.s32 $0x0;
	v2 =	vmul.f32 v3, v4;
	v3 =	vmul.f32 v1, v63;
	v1 =	vor.u32 v0, v5  }
.LBB2_8:
0xff: {  	s30 =	sadd.s32 $0x4, s30;
	v4 =	vor.u32 $0x1, v1;
	s28 =	sadd.s32 $0x40, s28;
	s29 =	sadd.s32 $0x100, s29  }
0x100: {  	p0 =	slt.u32 s30, $0x7C;
	v2 =	vadd.f32 v3, v2;
	v3 =	vor.u32 $0x2, v1  }
0x101: {  	v5 =	vor.u32 $0x4, v1  }
0x102: {  	v6 =	vor.u32 $0x5, v1;
	[tilespmem:s26+$0x19020] =	vst v2;
	v2 =	vld [tilespmem:s26+$0x3030]  }
0x103: {  	v8 =	vor.u32 $0x6, v1;
	v7 =	vld.idx.msk [tilespmem:v1+s21+$0x0], $0xffff  }
0x104: {  	v4 =	vld.idx.msk [tilespmem:v4+s21+$0x0], $0xffff  }
0x105: {  	v3 =	vld.idx.msk [tilespmem:v3+s21+$0x0], $0xffff  }
0x106: {  	v9 =	vor.u32 $0x3, v1;
	v1 =	vor.u32 $0x7, v1;
	v5 =	vld.idx.msk [tilespmem:v5+s21+$0x0], $0xffff  }
0x107: {  	v6 =	vld.idx.msk [tilespmem:v6+s21+$0x0], $0xffff  }
0x108: {  	v10 =	vsub.f32 $1.000000000e+00, v2;
	v8 =	vld.idx.msk [tilespmem:v8+s21+$0x0], $0xffff;
	_ =	sdelay $0x1  }
0x109: {  	v7 =	vmul.f32 v7, v10;
	v4 =	vmul.f32 v4, v2  }
0x10a: {  	v1 =	vld.idx.msk [tilespmem:v1+s21+$0x0], $0xffff  }
0x10b: {  	v4 =	vadd.f32 v4, v7;
	v5 =	vmul.f32 v5, v10;
	v9 =	vld.idx.msk [tilespmem:v9+s21+$0x0], $0xffff  }
0x10c: {  	v6 =	vmul.f32 v6, v2;
	v7 =	vld [tilespmem:s26+$0x3830]  }
0x10d: {  	v8 =	vmul.f32 v8, v10  }
0x10e: {  	v5 =	vadd.f32 v6, v5;
	_ =	sdelay $0x1  }
0x10f: {  	v3 =	vmul.f32 v3, v10;
	v1 =	vmul.f32 v1, v2  }
0x110: {  	v2 =	vmul.f32 v9, v2;
	v6 =	vld [tilespmem:s26+$0x4030];
	v10 =	vsub.f32 $1.000000000e+00, v7  }
0x111: {  	v1 =	vadd.f32 v1, v8  }
0x112: {  	v2 =	vadd.f32 v2, v3;
	v3 =	vmul.f32 v5, v10  }
0x113: {  	v4 =	vmul.f32 v4, v10;
	v1 =	vmul.f32 v1, v7  }
0x114: {  	v2 =	vmul.f32 v2, v7  }
0x115: {  	s0 =	sadd.s32 $0xFFFFFFD0, s28;
	v1 =	vadd.f32 v1, v3;
	v5 =	vsub.f32 $1.000000000e+00, v6  }
0x116: {  	v3 =	vmov s0;
	v2 =	vadd.f32 v2, v4  }
0x117: {  	v3 =	vshll.u32 v3, $0x3  }
0x118: {  	v3 =	vor.u32 v0, v3;
	v1 =	vmul.f32 v1, v6;
	v2 =	vmul.f32 v2, v5  }
0x119: {  	v4 =	vor.u32 $0x1, v3;
	v5 =	vor.u32 $0x2, v3;
	v6 =	vor.u32 $0x7, v3  }
0x11a: {  	v7 =	vor.u32 $0x3, v3;
	v8 =	vor.u32 $0x4, v3;
	v1 =	vadd.f32 v1, v2  }
0x11b: {  	v9 =	vor.u32 $0x6, v3;
	v2 =	vor.u32 $0x5, v3  }
0x11c: {  	[tilespmem:s26+$0x19030] =	vst v1  }
0x11d: {  	v1 =	vld.idx.msk [tilespmem:v3+s21+$0x0], $0xffff  }
0x11e: {  	s26 =	sshra.s32 s29, $0x2;
	v3 =	vld.idx.msk [tilespmem:v5+s21+$0x0], $0xffff  }
0x11f: {  	v5 =	vld.idx.msk [tilespmem:v6+s21+$0x0], $0xffff  }
0x120: {  	v6 =	vld [tilespmem:s26+$0x3000]  }
0x121: {  	v2 =	vld.idx.msk [tilespmem:v2+s21+$0x0], $0xffff  }
0x122: {  	v9 =	vld.idx.msk [tilespmem:v9+s21+$0x0], $0xffff  }
0x123: {  	v4 =	vld.idx.msk [tilespmem:v4+s21+$0x0], $0xffff  }
0x124: {  	v7 =	vld.idx.msk [tilespmem:v7+s21+$0x0], $0xffff  }
0x125: {  	v10 =	vsub.f32 $1.000000000e+00, v6;
	v8 =	vld.idx.msk [tilespmem:v8+s21+$0x0], $0xffff;
	v5 =	vmul.f32 v5, v6;
	_ =	sdelay $0x1  }
0x126: {  	v11 =	vld [tilespmem:s26+$0x3800];
	v1 =	vmul.f32 v1, v10  }
0x127: {  	v3 =	vmul.f32 v3, v10;
	v9 =	vmul.f32 v9, v10  }
0x128: {  	v4 =	vmul.f32 v4, v6  }
0x129: {  	v2 =	vmul.f32 v2, v6;
	v7 =	vmul.f32 v7, v6;
	v5 =	vadd.f32 v5, v9  }
0x12a: {  	v1 =	vadd.f32 v4, v1;
	v4 =	vmul.f32 v8, v10  }
0x12b: {  	v3 =	vadd.f32 v7, v3;
	v6 =	vld [tilespmem:s26+$0x4000];
	v8 =	vsub.f32 $1.000000000e+00, v11;
	v5 =	vmul.f32 v5, v11  }
0x12c: {  	v2 =	vadd.f32 v2, v4  }
0x12d: {  	v3 =	vmul.f32 v3, v11;
	v1 =	vmul.f32 v1, v8  }
0x12e: {  	v2 =	vmul.f32 v2, v8  }
0x12f: {  	s0 =	sadd.s32 $0xFFFFFFE0, s28;
	v1 =	vadd.f32 v3, v1  }
0x130: {  	v4 =	vmov s0;
	v2 =	vadd.f32 v5, v2;
	v3 =	vsub.f32 $1.000000000e+00, v6  }
0x131: {  	v4 =	vshll.u32 v4, $0x3  }
0x132: {  	v2 =	vmul.f32 v2, v6;
	v1 =	vmul.f32 v1, v3;
	v3 =	vor.u32 v0, v4  }
0x133: {  	v4 =	vor.u32 $0x1, v3  }
0x134: {  	v1 =	vadd.f32 v2, v1;
	v2 =	vor.u32 $0x2, v3  }
0x135: {  	v6 =	vor.u32 $0x3, v3;
	v5 =	vld [tilespmem:s26+$0x3810]  }
0x136: {  	v7 =	vor.u32 $0x7, v3;
	[tilespmem:s26+$0x19000] =	vst v1;
	v1 =	vld [tilespmem:s26+$0x3010]  }
0x137: {  	v9 =	vor.u32 $0x5, v3;
	v8 =	vld.idx.msk [tilespmem:v3+s21+$0x0], $0xffff  }
0x138: {  	v10 =	vor.u32 $0x6, v3;
	v4 =	vld.idx.msk [tilespmem:v4+s21+$0x0], $0xffff  }
0x139: {  	v3 =	vor.u32 $0x4, v3;
	v2 =	vld.idx.msk [tilespmem:v2+s21+$0x0], $0xffff  }
0x13a: {  	v6 =	vld.idx.msk [tilespmem:v6+s21+$0x0], $0xffff  }
0x13b: {  	v7 =	vld.idx.msk [tilespmem:v7+s21+$0x0], $0xffff  }
0x13c: {  	v11 =	vsub.f32 $1.000000000e+00, v1;
	v9 =	vld.idx.msk [tilespmem:v9+s21+$0x0], $0xffff  }
0x13d: {  	v10 =	vld.idx.msk [tilespmem:v10+s21+$0x0], $0xffff  }
0x13e: {  	v8 =	vmul.f32 v8, v11;
	v4 =	vmul.f32 v4, v1;
	v3 =	vld.idx.msk [tilespmem:v3+s21+$0x0], $0xffff;
	_ =	sdelay $0x1  }
0x13f: {  	v2 =	vmul.f32 v2, v11;
	v4 =	vadd.f32 v4, v8;
	v6 =	vmul.f32 v6, v1  }
0x140: {  	v8 =	vsub.f32 $1.000000000e+00, v5  }
0x141: {  	v2 =	vadd.f32 v6, v2;
	v6 =	vmul.f32 v9, v1;
	v1 =	vmul.f32 v7, v1  }
0x142: {  	v9 =	vmul.f32 v10, v11;
	v7 =	vld [tilespmem:s26+$0x4010]  }
0x143: {  	v4 =	vmul.f32 v4, v8;
	v2 =	vmul.f32 v2, v5  }
0x144: {  	v3 =	vmul.f32 v3, v11;
	v1 =	vadd.f32 v1, v9  }
0x145: {  	v2 =	vadd.f32 v2, v4  }
0x146: {  	v3 =	vadd.f32 v6, v3;
	v1 =	vmul.f32 v1, v5  }
0x147: {  	v4 =	vsub.f32 $1.000000000e+00, v7  }
0x148: {  	v3 =	vmul.f32 v3, v8  }
0x149: {  	s0 =	sadd.s32 $0xFFFFFFF0, s28;
	v2 =	vmul.f32 v2, v4  }
0x14a: {  	v1 =	vadd.f32 v1, v3;
	v3 =	vmov s0  }
0x14b: {  	v3 =	vshll.u32 v3, $0x3  }
0x14c: {  	v1 =	vmul.f32 v1, v7;
	v3 =	vor.u32 v0, v3  }
0x14d: {  	v4 =	vor.u32 $0x1, v3  }
0x14e: {  	v1 =	vadd.f32 v1, v2;
	v2 =	vor.u32 $0x7, v3  }
0x14f: {  	v6 =	vor.u32 $0x3, v3;
	v5 =	vld [tilespmem:s26+$0x3820]  }
0x150: {  	v7 =	vor.u32 $0x5, v3;
	[tilespmem:s26+$0x19010] =	vst v1;
	v1 =	vld [tilespmem:s26+$0x3020]  }
0x151: {  	v9 =	vor.u32 $0x6, v3;
	v8 =	vld.idx.msk [tilespmem:v3+s21+$0x0], $0xffff  }
0x152: {  	v10 =	vor.u32 $0x2, v3;
	v4 =	vld.idx.msk [tilespmem:v4+s21+$0x0], $0xffff  }
0x153: {  	v3 =	vor.u32 $0x4, v3;
	v2 =	vld.idx.msk [tilespmem:v2+s21+$0x0], $0xffff  }
0x154: {  	v6 =	vld.idx.msk [tilespmem:v6+s21+$0x0], $0xffff  }
0x155: {  	v7 =	vld.idx.msk [tilespmem:v7+s21+$0x0], $0xffff  }
0x156: {  	v11 =	vsub.f32 $1.000000000e+00, v1;
	v9 =	vld.idx.msk [tilespmem:v9+s21+$0x0], $0xffff  }
0x157: {  	v10 =	vld.idx.msk [tilespmem:v10+s21+$0x0], $0xffff  }
0x158: {  	v8 =	vmul.f32 v8, v11;
	v4 =	vmul.f32 v4, v1;
	v3 =	vld.idx.msk [tilespmem:v3+s21+$0x0], $0xffff  }
0x159: {  	v2 =	vmul.f32 v2, v1  }
0x15a: {  	v4 =	vadd.f32 v4, v8;
	v6 =	vmul.f32 v6, v1  }
0x15b: {  	v1 =	vmul.f32 v7, v1  }
0x15c: {  	v7 =	vsub.f32 $1.000000000e+00, v5;
	v8 =	vmul.f32 v9, v11  }
0x15d: {  	v9 =	vmul.f32 v10, v11  }
0x15e: {  	v4 =	vmul.f32 v4, v7;
	v3 =	vmul.f32 v3, v11;
	v2 =	vadd.f32 v2, v8  }
0x15f: {  	v6 =	vadd.f32 v6, v9;
	v8 =	vld [tilespmem:s26+$0x4020]  }
0x160: {  	v1 =	vadd.f32 v1, v3  }
0x161: {  	v3 =	vmul.f32 v6, v5  }
.Ltmp5:
0x162: {  	v2 =	vmul.f32 v2, v5;
	v1 =	vmul.f32 v1, v7;
	(pc) =	sbr.rel @p0 .LBB2_8-.Ltmp5, $4  }
0x163: {  	v3 =	vadd.f32 v3, v4  }
0x164: {  	v1 =	vadd.f32 v2, v1;
	v2 =	vmov s28;
	v4 =	vsub.f32 $1.000000000e+00, v8  }
0x165: {  	v5 =	vshll.u32 v2, $0x3  }
0x166: {  	v2 =	vmul.f32 v3, v4;
	v3 =	vmul.f32 v1, v8;
	v1 =	vor.u32 v0, v5  }
0x167: {  	v4 =	vor.u32 $0x1, v1  }
0x168: {  	v5 =	vor.u32 $0x4, v1;
	v2 =	vadd.f32 v3, v2  }
0x169: {  	v6 =	vor.u32 $0x5, v1  }
0x16a: {  	v8 =	vor.u32 $0x6, v1;
	[tilespmem:s26+$0x19020] =	vst v2;
	v2 =	vld [tilespmem:s26+$0x3030]  }
0x16b: {  	v9 =	vor.u32 $0x7, v1;
	v7 =	vld.idx.msk [tilespmem:v1+s21+$0x0], $0xffff  }
0x16c: {  	v3 =	vor.u32 $0x2, v1;
	v4 =	vld.idx.msk [tilespmem:v4+s21+$0x0], $0xffff  }
0x16d: {  	v1 =	vor.u32 $0x3, v1;
	v5 =	vld.idx.msk [tilespmem:v5+s21+$0x0], $0xffff  }
0x16e: {  	v6 =	vld.idx.msk [tilespmem:v6+s21+$0x0], $0xffff  }
0x16f: {  	v8 =	vld.idx.msk [tilespmem:v8+s21+$0x0], $0xffff  }
0x170: {  	v9 =	vld.idx.msk [tilespmem:v9+s21+$0x0], $0xffff  }
0x171: {  	v3 =	vld.idx.msk [tilespmem:v3+s21+$0x0], $0xffff  }
0x172: {  	v10 =	vsub.f32 $1.000000000e+00, v2;
	v1 =	vld.idx.msk [tilespmem:v1+s21+$0x0], $0xffff  }
0x173: {  	v11 =	vld [tilespmem:s26+$0x3830]  }
0x174: {  	v7 =	vmul.f32 v7, v10;
	v4 =	vmul.f32 v4, v2  }
0x175: {  	v5 =	vmul.f32 v5, v10;
	v6 =	vmul.f32 v6, v2  }
0x176: {  	v8 =	vmul.f32 v8, v10;
	v34 =	vmul.f32 v9, v2  }
0x177: {  	v35 =	vld [tilespmem:s26+$0x4030];
	v3 =	vmul.f32 v3, v10;
	v4 =	vadd.f32 v4, v7;
	v1 =	vmul.f32 v1, v2  }
0x178: {  	v2 =	vadd.f32 v6, v5;
	v5 =	vsub.f32 $1.000000000e+00, v11  }
0x179: {  	v36 =	vadd.f32 v34, v8;
	v1 =	vadd.f32 v1, v3  }
0x17a: {  	v2 =	vmul.f32 v2, v5;
	v3 =	vmul.f32 v4, v5  }
0x17b: {  	v4 =	vmul.f32 v36, v11;
	v1 =	vmul.f32 v1, v11  }
0x17c: {  	v5 =	vsub.f32 $1.000000000e+00, v35  }
0x17d: {  	v2 =	vadd.f32 v4, v2;
	v1 =	vadd.f32 v1, v3;
	_ =	sdelay $0x1  }
0x17e: {  	v2 =	vmul.f32 v2, v35;
	v1 =	vmul.f32 v1, v5;
	_ =	sdelay $0x1  }
0x17f: {  	v1 =	vadd.f32 v2, v1;
	_ =	sdelay $0x1  }
0x180: {  	s28 =	simm.s32 $0x0;
	s0 =	simm.s32 $0x0;
	s1 =	simm.s32 $0x19000;
	[tilespmem:s26+$0x19030] =	vst v1  }
0x181: {  	v1 =	vmov s0;
	[hbm4b:s12+s28] =	stream.linear.scatter [tilespmem:s1], [sflag:$0x3], $0x800, $0x38;
	[tilespmem:$0x1A000] =	vst v63  }
0x182: {  	v1 =	vshll.u32 v1, $0x3;
	_ =	swait.ge [sflag:s19], $0x4000  }
0x183: {  	v1 =	vor.u32 v0, v1;
	[sflag:s19] =	ssyncset.done $0x0  }
0x184: {  	v2 =	vor.u32 $0x2, v1;
	[sflag:s19] =	ssyncadd.s32 $0xFFFFC000  }
0x185: {  	v3 =	vor.u32 $0x7, v1;
	_ =	swait.ge [sflag:s20], $0x800  }
0x186: {  	[sflag:s20] =	ssyncset.done $0x0  }
0x187: {  	v4 =	vor.u32 $0x5, v1;
	[sflag:s20] =	ssyncadd.s32 $0xFFFFF800  }
0x188: {  	v5 =	vor.u32 $0x6, v1;
	v37 =	vld.idx.msk [tilespmem:v1+s23+$0x0], $0xffff  }
0x189: {  	v38 =	vor.u32 $0x1, v1;
	v2 =	vld.idx.msk [tilespmem:v2+s23+$0x0], $0xffff  }
0x18a: {  	s26 =	simm.s32 $0x0;
	v39 =	vor.u32 $0x3, v1;
	v3 =	vld.idx.msk [tilespmem:v3+s23+$0x0], $0xffff  }
0x18b: {  	v40 =	vld [tilespmem:s26+$0x4800]  }
0x18c: {  	v1 =	vor.u32 $0x4, v1;
	v4 =	vld.idx.msk [tilespmem:v4+s23+$0x0], $0xffff  }
0x18d: {  	v5 =	vld.idx.msk [tilespmem:v5+s23+$0x0], $0xffff  }
0x18e: {  	v7 =	vld.idx.msk [tilespmem:v38+s23+$0x0], $0xffff  }
0x18f: {  	v8 =	vld.idx.msk [tilespmem:v39+s23+$0x0], $0xffff  }
0x190: {  	v42 =	vld [tilespmem:s26+$0x5000]  }
0x191: {  	v1 =	vld.idx.msk [tilespmem:v1+s23+$0x0], $0xffff;
	_ =	sdelay $0x1  }
0x192: {  	v41 =	vsub.f32 $1.000000000e+00, v40;
	v3 =	vmul.f32 v3, v40;
	v7 =	vmul.f32 v7, v40  }
0x193: {  	v8 =	vmul.f32 v8, v40;
	v4 =	vmul.f32 v4, v40  }
0x194: {  	v6 =	vmul.f32 v37, v41;
	v2 =	vmul.f32 v2, v41  }
0x195: {  	v44 =	vsub.f32 $1.000000000e+00, v42;
	v5 =	vmul.f32 v5, v41;
	v1 =	vmul.f32 v1, v41  }
0x196: {  	v43 =	vld [tilespmem:s26+$0x5800];
	v6 =	vadd.f32 v7, v6;
	v2 =	vadd.f32 v8, v2  }
0x197: {  	v3 =	vadd.f32 v3, v5;
	v1 =	vadd.f32 v4, v1  }
0x198: {  	v2 =	vmul.f32 v2, v42;
	v4 =	vmul.f32 v6, v44  }
0x199: {  	v3 =	vmul.f32 v3, v42;
	v1 =	vmul.f32 v1, v44  }
0x19a: {  	s22 =	simm.s32 $0x10;
	v2 =	vadd.f32 v2, v4  }
0x19b: {  	v4 =	vsub.f32 $1.000000000e+00, v43;
	v1 =	vadd.f32 v3, v1;
	v3 =	vmov s22  }
0x19c: {  	v3 =	vshll.u32 v3, $0x3  }
0x19d: {  	v2 =	vmul.f32 v2, v4;
	v1 =	vmul.f32 v1, v43;
	v3 =	vor.u32 v0, v3  }
0x19e: {  	v4 =	vor.u32 $0x1, v3  }
0x19f: {  	v45 =	vor.u32 $0x3, v3;
	v1 =	vadd.f32 v1, v2  }
0x1a0: {  	v5 =	vld [tilespmem:s26+$0x5010];
	v46 =	vor.u32 $0x7, v3  }
0x1a1: {  	v48 =	vor.u32 $0x5, v3;
	[tilespmem:s26+$0x19800] =	vst v1;
	v1 =	vld [tilespmem:s26+$0x4810]  }
0x1a2: {  	v49 =	vor.u32 $0x6, v3;
	v47 =	vld.idx.msk [tilespmem:v3+s23+$0x0], $0xffff  }
0x1a3: {  	v2 =	vor.u32 $0x2, v3;
	v4 =	vld.idx.msk [tilespmem:v4+s23+$0x0], $0xffff  }
0x1a4: {  	v3 =	vor.u32 $0x4, v3;
	v6 =	vld.idx.msk [tilespmem:v45+s23+$0x0], $0xffff  }
0x1a5: {  	v7 =	vld.idx.msk [tilespmem:v46+s23+$0x0], $0xffff  }
0x1a6: {  	v9 =	vld.idx.msk [tilespmem:v48+s23+$0x0], $0xffff  }
0x1a7: {  	v10 =	vld.idx.msk [tilespmem:v49+s23+$0x0], $0xffff  }
0x1a8: {  	v2 =	vld.idx.msk [tilespmem:v2+s23+$0x0], $0xffff  }
0x1a9: {  	v50 =	vsub.f32 $1.000000000e+00, v1;
	v3 =	vld.idx.msk [tilespmem:v3+s23+$0x0], $0xffff;
	_ =	sdelay $0x1  }
0x1aa: {  	v8 =	vmul.f32 v47, v50;
	v4 =	vmul.f32 v4, v1  }
0x1ab: {  	v6 =	vmul.f32 v6, v1;
	v9 =	vmul.f32 v9, v1  }
0x1ac: {  	v1 =	vmul.f32 v7, v1;
	v2 =	vmul.f32 v2, v50  }
0x1ad: {  	v52 =	vsub.f32 $1.000000000e+00, v5;
	v51 =	vmul.f32 v10, v50;
	v3 =	vmul.f32 v3, v50  }
0x1ae: {  	v53 =	vld [tilespmem:s26+$0x5810];
	v4 =	vadd.f32 v4, v8;
	v2 =	vadd.f32 v6, v2  }
0x1af: {  	v1 =	vadd.f32 v1, v51;
	v3 =	vadd.f32 v9, v3  }
0x1b0: {  	v4 =	vmul.f32 v4, v52;
	v2 =	vmul.f32 v2, v5  }
0x1b1: {  	v1 =	vmul.f32 v1, v5;
	v3 =	vmul.f32 v3, v52  }
0x1b2: {  	s31 =	simm.s32 $0x20;
	v2 =	vadd.f32 v2, v4  }
0x1b3: {  	v4 =	vsub.f32 $1.000000000e+00, v53;
	v1 =	vadd.f32 v1, v3;
	v3 =	vmov s31  }
0x1b4: {  	v3 =	vshll.u32 v3, $0x3  }
0x1b5: {  	v2 =	vmul.f32 v2, v4;
	v1 =	vmul.f32 v1, v53;
	v3 =	vor.u32 v0, v3  }
0x1b6: {  	v4 =	vor.u32 $0x1, v3  }
0x1b7: {  	v54 =	vor.u32 $0x3, v3;
	v1 =	vadd.f32 v1, v2  }
0x1b8: {  	v5 =	vld [tilespmem:s26+$0x5020];
	v55 =	vor.u32 $0x5, v3  }
0x1b9: {  	v57 =	vor.u32 $0x6, v3;
	[tilespmem:s26+$0x19810] =	vst v1;
	v1 =	vld [tilespmem:s26+$0x4820]  }
0x1ba: {  	v58 =	vor.u32 $0x2, v3;
	v56 =	vld.idx.msk [tilespmem:v3+s23+$0x0], $0xffff  }
0x1bb: {  	v2 =	vor.u32 $0x7, v3;
	v4 =	vld.idx.msk [tilespmem:v4+s23+$0x0], $0xffff  }
0x1bc: {  	v3 =	vor.u32 $0x4, v3;
	v6 =	vld.idx.msk [tilespmem:v54+s23+$0x0], $0xffff  }
0x1bd: {  	v7 =	vld.idx.msk [tilespmem:v55+s23+$0x0], $0xffff  }
0x1be: {  	v9 =	vld.idx.msk [tilespmem:v57+s23+$0x0], $0xffff  }
0x1bf: {  	v10 =	vld.idx.msk [tilespmem:v58+s23+$0x0], $0xffff  }
0x1c0: {  	v2 =	vld.idx.msk [tilespmem:v2+s23+$0x0], $0xffff  }
0x1c1: {  	v59 =	vsub.f32 $1.000000000e+00, v1;
	v3 =	vld.idx.msk [tilespmem:v3+s23+$0x0], $0xffff;
	_ =	sdelay $0x1  }
0x1c2: {  	v8 =	vmul.f32 v56, v59;
	v4 =	vmul.f32 v4, v1  }
0x1c3: {  	v6 =	vmul.f32 v6, v1;
	v60 =	vmul.f32 v10, v59  }
0x1c4: {  	v61 =	vmul.f32 v9, v59;
	v2 =	vmul.f32 v2, v1  }
0x1c5: {  	v62 =	vsub.f32 $1.000000000e+00, v5;
	v1 =	vmul.f32 v7, v1;
	v3 =	vmul.f32 v3, v59  }
0x1c6: {  	v63 =	vld [tilespmem:s26+$0x5820];
	v4 =	vadd.f32 v4, v8;
	v6 =	vadd.f32 v6, v60  }
0x1c7: {  	v2 =	vadd.f32 v2, v61;
	v1 =	vadd.f32 v1, v3  }
0x1c8: {  	v3 =	vmul.f32 v4, v62;
	v4 =	vmul.f32 v6, v5  }
0x1c9: {  	v2 =	vmul.f32 v2, v5;
	v1 =	vmul.f32 v1, v62  }
0x1ca: {  	s29 =	simm.s32 $0x30;
	v3 =	vadd.f32 v4, v3  }
0x1cb: {  	v4 =	vsub.f32 $1.000000000e+00, v63;
	v1 =	vadd.f32 v2, v1;
	v2 =	vmov s29  }
0x1cc: {  	v5 =	vshll.u32 v2, $0x3  }
0x1cd: {  	s30 =	simm.s32 $0x0;
	v2 =	vmul.f32 v3, v4;
	v3 =	vmul.f32 v1, v63;
	v1 =	vor.u32 v0, v5  }
.LBB2_10:
0x1ce: {  	s30 =	sadd.s32 $0x4, s30;
	v4 =	vor.u32 $0x1, v1;
	s29 =	sadd.s32 $0x40, s29;
	s28 =	sadd.s32 $0x100, s28  }
0x1cf: {  	p0 =	slt.u32 s30, $0x7C;
	v2 =	vadd.f32 v3, v2;
	v3 =	vor.u32 $0x2, v1  }
0x1d0: {  	v5 =	vor.u32 $0x4, v1  }
0x1d1: {  	v6 =	vor.u32 $0x5, v1;
	[tilespmem:s26+$0x19820] =	vst v2;
	v2 =	vld [tilespmem:s26+$0x4830]  }
0x1d2: {  	v8 =	vor.u32 $0x6, v1;
	v7 =	vld.idx.msk [tilespmem:v1+s23+$0x0], $0xffff  }
0x1d3: {  	v4 =	vld.idx.msk [tilespmem:v4+s23+$0x0], $0xffff  }
0x1d4: {  	v3 =	vld.idx.msk [tilespmem:v3+s23+$0x0], $0xffff  }
0x1d5: {  	v9 =	vor.u32 $0x3, v1;
	v1 =	vor.u32 $0x7, v1;
	v5 =	vld.idx.msk [tilespmem:v5+s23+$0x0], $0xffff  }
0x1d6: {  	v6 =	vld.idx.msk [tilespmem:v6+s23+$0x0], $0xffff  }
0x1d7: {  	v10 =	vsub.f32 $1.000000000e+00, v2;
	v8 =	vld.idx.msk [tilespmem:v8+s23+$0x0], $0xffff;
	_ =	sdelay $0x1  }
0x1d8: {  	v7 =	vmul.f32 v7, v10;
	v4 =	vmul.f32 v4, v2  }
0x1d9: {  	v1 =	vld.idx.msk [tilespmem:v1+s23+$0x0], $0xffff  }
0x1da: {  	v4 =	vadd.f32 v4, v7;
	v5 =	vmul.f32 v5, v10;
	v9 =	vld.idx.msk [tilespmem:v9+s23+$0x0], $0xffff  }
0x1db: {  	v6 =	vmul.f32 v6, v2;
	v7 =	vld [tilespmem:s26+$0x5030]  }
0x1dc: {  	v8 =	vmul.f32 v8, v10  }
0x1dd: {  	v5 =	vadd.f32 v6, v5;
	_ =	sdelay $0x1  }
0x1de: {  	v3 =	vmul.f32 v3, v10;
	v1 =	vmul.f32 v1, v2  }
0x1df: {  	v2 =	vmul.f32 v9, v2;
	v6 =	vld [tilespmem:s26+$0x5830];
	v10 =	vsub.f32 $1.000000000e+00, v7  }
0x1e0: {  	v1 =	vadd.f32 v1, v8  }
0x1e1: {  	v2 =	vadd.f32 v2, v3;
	v3 =	vmul.f32 v5, v10  }
0x1e2: {  	v4 =	vmul.f32 v4, v10;
	v1 =	vmul.f32 v1, v7  }
0x1e3: {  	v2 =	vmul.f32 v2, v7  }
0x1e4: {  	s0 =	sadd.s32 $0xFFFFFFD0, s29;
	v1 =	vadd.f32 v1, v3;
	v5 =	vsub.f32 $1.000000000e+00, v6  }
0x1e5: {  	v3 =	vmov s0;
	v2 =	vadd.f32 v2, v4  }
0x1e6: {  	v3 =	vshll.u32 v3, $0x3  }
0x1e7: {  	v3 =	vor.u32 v0, v3;
	v1 =	vmul.f32 v1, v6;
	v2 =	vmul.f32 v2, v5  }
0x1e8: {  	v4 =	vor.u32 $0x1, v3;
	v5 =	vor.u32 $0x2, v3;
	v6 =	vor.u32 $0x7, v3  }
0x1e9: {  	v7 =	vor.u32 $0x3, v3;
	v8 =	vor.u32 $0x4, v3;
	v1 =	vadd.f32 v1, v2  }
0x1ea: {  	v9 =	vor.u32 $0x6, v3;
	v2 =	vor.u32 $0x5, v3  }
0x1eb: {  	[tilespmem:s26+$0x19830] =	vst v1  }
0x1ec: {  	v1 =	vld.idx.msk [tilespmem:v3+s23+$0x0], $0xffff  }
0x1ed: {  	s26 =	sshra.s32 s28, $0x2;
	v3 =	vld.idx.msk [tilespmem:v5+s23+$0x0], $0xffff  }
0x1ee: {  	v5 =	vld.idx.msk [tilespmem:v6+s23+$0x0], $0xffff  }
0x1ef: {  	v6 =	vld [tilespmem:s26+$0x4800]  }
0x1f0: {  	v2 =	vld.idx.msk [tilespmem:v2+s23+$0x0], $0xffff  }
0x1f1: {  	v9 =	vld.idx.msk [tilespmem:v9+s23+$0x0], $0xffff  }
0x1f2: {  	v4 =	vld.idx.msk [tilespmem:v4+s23+$0x0], $0xffff  }
0x1f3: {  	v7 =	vld.idx.msk [tilespmem:v7+s23+$0x0], $0xffff  }
0x1f4: {  	v10 =	vsub.f32 $1.000000000e+00, v6;
	v8 =	vld.idx.msk [tilespmem:v8+s23+$0x0], $0xffff;
	v5 =	vmul.f32 v5, v6;
	_ =	sdelay $0x1  }
0x1f5: {  	v11 =	vld [tilespmem:s26+$0x5000];
	v1 =	vmul.f32 v1, v10  }
0x1f6: {  	v3 =	vmul.f32 v3, v10;
	v9 =	vmul.f32 v9, v10  }
0x1f7: {  	v4 =	vmul.f32 v4, v6  }
0x1f8: {  	v2 =	vmul.f32 v2, v6;
	v7 =	vmul.f32 v7, v6;
	v5 =	vadd.f32 v5, v9  }
0x1f9: {  	v1 =	vadd.f32 v4, v1;
	v4 =	vmul.f32 v8, v10  }
0x1fa: {  	v3 =	vadd.f32 v7, v3;
	v6 =	vld [tilespmem:s26+$0x5800];
	v8 =	vsub.f32 $1.000000000e+00, v11;
	v5 =	vmul.f32 v5, v11  }
0x1fb: {  	v2 =	vadd.f32 v2, v4  }
0x1fc: {  	v3 =	vmul.f32 v3, v11;
	v1 =	vmul.f32 v1, v8  }
0x1fd: {  	v2 =	vmul.f32 v2, v8  }
0x1fe: {  	s0 =	sadd.s32 $0xFFFFFFE0, s29;
	v1 =	vadd.f32 v3, v1  }
0x1ff: {  	v4 =	vmov s0;
	v2 =	vadd.f32 v5, v2;
	v3 =	vsub.f32 $1.000000000e+00, v6  }
0x200: {  	v4 =	vshll.u32 v4, $0x3  }
0x201: {  	v2 =	vmul.f32 v2, v6;
	v1 =	vmul.f32 v1, v3;
	v3 =	vor.u32 v0, v4  }
0x202: {  	v4 =	vor.u32 $0x1, v3  }
0x203: {  	v1 =	vadd.f32 v2, v1;
	v2 =	vor.u32 $0x2, v3  }
0x204: {  	v6 =	vor.u32 $0x3, v3;
	v5 =	vld [tilespmem:s26+$0x5010]  }
0x205: {  	v7 =	vor.u32 $0x7, v3;
	[tilespmem:s26+$0x19800] =	vst v1;
	v1 =	vld [tilespmem:s26+$0x4810]  }
0x206: {  	v9 =	vor.u32 $0x5, v3;
	v8 =	vld.idx.msk [tilespmem:v3+s23+$0x0], $0xffff  }
0x207: {  	v10 =	vor.u32 $0x6, v3;
	v4 =	vld.idx.msk [tilespmem:v4+s23+$0x0], $0xffff  }
0x208: {  	v3 =	vor.u32 $0x4, v3;
	v2 =	vld.idx.msk [tilespmem:v2+s23+$0x0], $0xffff  }
0x209: {  	v6 =	vld.idx.msk [tilespmem:v6+s23+$0x0], $0xffff  }
0x20a: {  	v7 =	vld.idx.msk [tilespmem:v7+s23+$0x0], $0xffff  }
0x20b: {  	v11 =	vsub.f32 $1.000000000e+00, v1;
	v9 =	vld.idx.msk [tilespmem:v9+s23+$0x0], $0xffff  }
0x20c: {  	v10 =	vld.idx.msk [tilespmem:v10+s23+$0x0], $0xffff  }
0x20d: {  	v8 =	vmul.f32 v8, v11;
	v4 =	vmul.f32 v4, v1;
	v3 =	vld.idx.msk [tilespmem:v3+s23+$0x0], $0xffff;
	_ =	sdelay $0x1  }
0x20e: {  	v2 =	vmul.f32 v2, v11;
	v4 =	vadd.f32 v4, v8;
	v6 =	vmul.f32 v6, v1  }
0x20f: {  	v8 =	vsub.f32 $1.000000000e+00, v5  }
0x210: {  	v2 =	vadd.f32 v6, v2;
	v6 =	vmul.f32 v9, v1;
	v1 =	vmul.f32 v7, v1  }
0x211: {  	v9 =	vmul.f32 v10, v11;
	v7 =	vld [tilespmem:s26+$0x5810]  }
0x212: {  	v4 =	vmul.f32 v4, v8;
	v2 =	vmul.f32 v2, v5  }
0x213: {  	v3 =	vmul.f32 v3, v11;
	v1 =	vadd.f32 v1, v9  }
0x214: {  	v2 =	vadd.f32 v2, v4  }
0x215: {  	v3 =	vadd.f32 v6, v3;
	v1 =	vmul.f32 v1, v5  }
0x216: {  	v4 =	vsub.f32 $1.000000000e+00, v7  }
0x217: {  	v3 =	vmul.f32 v3, v8  }
0x218: {  	s0 =	sadd.s32 $0xFFFFFFF0, s29;
	v2 =	vmul.f32 v2, v4  }
0x219: {  	v1 =	vadd.f32 v1, v3;
	v3 =	vmov s0  }
0x21a: {  	v3 =	vshll.u32 v3, $0x3  }
0x21b: {  	v1 =	vmul.f32 v1, v7;
	v3 =	vor.u32 v0, v3  }
0x21c: {  	v4 =	vor.u32 $0x1, v3  }
0x21d: {  	v1 =	vadd.f32 v1, v2;
	v2 =	vor.u32 $0x7, v3  }
0x21e: {  	v6 =	vor.u32 $0x3, v3;
	v5 =	vld [tilespmem:s26+$0x5020]  }
0x21f: {  	v7 =	vor.u32 $0x5, v3;
	[tilespmem:s26+$0x19810] =	vst v1;
	v1 =	vld [tilespmem:s26+$0x4820]  }
0x220: {  	v9 =	vor.u32 $0x6, v3;
	v8 =	vld.idx.msk [tilespmem:v3+s23+$0x0], $0xffff  }
0x221: {  	v10 =	vor.u32 $0x2, v3;
	v4 =	vld.idx.msk [tilespmem:v4+s23+$0x0], $0xffff  }
0x222: {  	v3 =	vor.u32 $0x4, v3;
	v2 =	vld.idx.msk [tilespmem:v2+s23+$0x0], $0xffff  }
0x223: {  	v6 =	vld.idx.msk [tilespmem:v6+s23+$0x0], $0xffff  }
0x224: {  	v7 =	vld.idx.msk [tilespmem:v7+s23+$0x0], $0xffff  }
0x225: {  	v11 =	vsub.f32 $1.000000000e+00, v1;
	v9 =	vld.idx.msk [tilespmem:v9+s23+$0x0], $0xffff  }
0x226: {  	v10 =	vld.idx.msk [tilespmem:v10+s23+$0x0], $0xffff  }
0x227: {  	v8 =	vmul.f32 v8, v11;
	v4 =	vmul.f32 v4, v1;
	v3 =	vld.idx.msk [tilespmem:v3+s23+$0x0], $0xffff  }
0x228: {  	v2 =	vmul.f32 v2, v1  }
0x229: {  	v4 =	vadd.f32 v4, v8;
	v6 =	vmul.f32 v6, v1  }
0x22a: {  	v1 =	vmul.f32 v7, v1  }
0x22b: {  	v7 =	vsub.f32 $1.000000000e+00, v5;
	v8 =	vmul.f32 v9, v11  }
0x22c: {  	v9 =	vmul.f32 v10, v11  }
0x22d: {  	v4 =	vmul.f32 v4, v7;
	v3 =	vmul.f32 v3, v11;
	v2 =	vadd.f32 v2, v8  }
0x22e: {  	v6 =	vadd.f32 v6, v9;
	v8 =	vld [tilespmem:s26+$0x5820]  }
0x22f: {  	v1 =	vadd.f32 v1, v3  }
0x230: {  	v3 =	vmul.f32 v6, v5  }
.Ltmp6:
0x231: {  	v2 =	vmul.f32 v2, v5;
	v1 =	vmul.f32 v1, v7;
	(pc) =	sbr.rel @p0 .LBB2_10-.Ltmp6, $4  }
0x232: {  	v3 =	vadd.f32 v3, v4  }
0x233: {  	v1 =	vadd.f32 v2, v1;
	v2 =	vmov s29;
	v4 =	vsub.f32 $1.000000000e+00, v8  }
0x234: {  	v5 =	vshll.u32 v2, $0x3  }
0x235: {  	v2 =	vmul.f32 v3, v4;
	v3 =	vmul.f32 v1, v8;
	v1 =	vor.u32 v0, v5  }
0x236: {  	v4 =	vor.u32 $0x1, v1  }
0x237: {  	v5 =	vor.u32 $0x4, v1;
	v2 =	vadd.f32 v3, v2  }
0x238: {  	v6 =	vor.u32 $0x5, v1;
	v11 =	vld [tilespmem:s26+$0x5030]  }
0x239: {  	v8 =	vor.u32 $0x6, v1;
	[tilespmem:s26+$0x19820] =	vst v2;
	v2 =	vld [tilespmem:s26+$0x4830]  }
0x23a: {  	v9 =	vor.u32 $0x7, v1;
	v7 =	vld.idx.msk [tilespmem:v1+s23+$0x0], $0xffff  }
0x23b: {  	v3 =	vor.u32 $0x2, v1;
	v4 =	vld.idx.msk [tilespmem:v4+s23+$0x0], $0xffff  }
0x23c: {  	v1 =	vor.u32 $0x3, v1;
	v5 =	vld.idx.msk [tilespmem:v5+s23+$0x0], $0xffff  }
0x23d: {  	v6 =	vld.idx.msk [tilespmem:v6+s23+$0x0], $0xffff  }
0x23e: {  	v8 =	vld.idx.msk [tilespmem:v8+s23+$0x0], $0xffff  }
0x23f: {  	v9 =	vld.idx.msk [tilespmem:v9+s23+$0x0], $0xffff  }
0x240: {  	v3 =	vld.idx.msk [tilespmem:v3+s23+$0x0], $0xffff  }
0x241: {  	v10 =	vsub.f32 $1.000000000e+00, v2;
	v1 =	vld.idx.msk [tilespmem:v1+s23+$0x0], $0xffff;
	_ =	sdelay $0x1  }
0x242: {  	v7 =	vmul.f32 v7, v10;
	v4 =	vmul.f32 v4, v2  }
0x243: {  	v5 =	vmul.f32 v5, v10;
	v8 =	vmul.f32 v8, v10  }
0x244: {  	v6 =	vmul.f32 v6, v2;
	v58 =	vmul.f32 v9, v2  }
0x245: {  	v59 =	vld [tilespmem:s26+$0x5830];
	v60 =	vsub.f32 $1.000000000e+00, v11;
	v3 =	vmul.f32 v3, v10;
	v1 =	vmul.f32 v1, v2  }
0x246: {  	v61 =	vadd.f32 v58, v8;
	v2 =	vadd.f32 v6, v5  }
0x247: {  	v4 =	vadd.f32 v4, v7;
	v1 =	vadd.f32 v1, v3  }
0x248: {  	v62 =	vmul.f32 v61, v11;
	v2 =	vmul.f32 v2, v60  }
0x249: {  	v3 =	vmul.f32 v4, v60;
	v1 =	vmul.f32 v1, v11  }
0x24a: {  	v63 =	vsub.f32 $1.000000000e+00, v59  }
0x24b: {  	v2 =	vadd.f32 v62, v2;
	v1 =	vadd.f32 v1, v3;
	_ =	sdelay $0x1  }
0x24c: {  	v2 =	vmul.f32 v2, v59;
	v1 =	vmul.f32 v1, v63;
	_ =	sdelay $0x1  }
0x24d: {  	v1 =	vadd.f32 v2, v1;
	_ =	sdelay $0x1  }
0x24e: {  	[tilespmem:s26+$0x19830] =	vst v1  }
0x24f: {  	[hbm4b:s13+s3] =	stream.linear.scatter [tilespmem:s24], [sflag:$0x3], $0x800, $0x38;
	[tilespmem:$0x1A000] =	vst v63  }
0x250: {  	_ =	swait.ge [sflag:s20], $0x800  }
0x251: {  	[sflag:s20] =	ssyncset.done $0x0  }
0x252: {  	[sflag:s20] =	ssyncadd.s32 $0xFFFFF800  }
0x253: {  	_ =	swait.ge [sflag:s20], $0x800  }
0x254: {  	[sflag:s20] =	ssyncset.done $0x0  }
0x255: {  	s25 =	sadd.s32 $0x1, s25;
	[sflag:s20] =	ssyncadd.s32 $0xFFFFF800  }
0x256: {  	p0 =	sne.s32 s25, s14;
	_ =	swait.ge [sflag:s20], $0x800  }
.Ltmp7:
0x257: {  	[sflag:s20] =	ssyncset.done $0x0;
	(pc) =	sbr.rel @p0 .LBB2_1-.Ltmp7, $4  }
0x258: {  	[sflag:s20] =	ssyncadd.s32 $0xFFFFF800  }
0x259: {  	_ =	swait.ge [sflag:s20], $0x800  }
0x25a: {  	[sflag:s20] =	ssyncset.done $0x0  }
0x25b: {  	[sflag:s20] =	ssyncadd.s32 $0xFFFFF800  }
0x25c: {  	_ =	sfence.sel $0x180000  }
0x25d: {  	[bflag:$0x0] =	sbarrier.arrive $0xFFFF  }
0x25e: {  	_ =	strace $0x9000004A  }
0x25f: {  	s0 =	stileid.u32;
	[bflag:$0x2] =	sbarrier.arrive $0xFFFF  }
0x260: {  	p0 =	sne.s32 s0, $0x0;
	s0 =	rddreg [dreg:$0x2]  }
0x261: {  	s0 =	sadd.s32 @!p0 $0x100000, s0  }
0x262: {  	[sflag:s0] =	ssyncadd.tile.s32 @!p0 $0x1;
	_ =	shalt  }
.Lfunc_end2:
_tile_overlayer_lowered:
.L_overlay_start_2:
0x263: {  	(tag) =	ssettag $0x2  }
0x264: {  	s0 =	rddreg [dreg:$0x0];
	s2 =	stileid.u32  }
0x265: {  	s1 =	rddreg [dreg:$0x1];
	p0 =	sne.s32 s2, $0x0  }
0x266: {  	s3 =	rddreg [dreg:$0x2];
	[bflag:$0x3] =	sbarrier.arrive $0xFFFF;
	s2 =	simm.s32 @!p0 $0x1C04  }
0x267: {  	[timem:s3], [sflag:s2] =	dma.local @!p0 [hbm:s0], s1  }
0x268: {  	s0 =	simm.s32 @!p0 $0x4  }
0x269: {  	_ =	swait.ge @!p0 [sflag:s0], s1  }
0x26a: {  	s1 =	ssub.s32 @!p0 $0x0, s1;
	[sflag:s0] =	ssyncset.done @!p0 $0x0  }
0x26b: {  	[sflag:s0] =	ssyncadd.s32 @!p0 s1  }
0x26c: {  	[bflag:$0x3] =	sbarrier.arrive $0xFFFF  }
0x26d: {  	_ =	shalt  }

</sc_bundles>
